<compile_context>
chip_gen: v7x
topology: tpu7x:2x2x1
jax: 0.10.2.dev20260603
libtpu: 0.0.44.dev20260713+nightly
codegen_flags: <defaults>
</compile_context>

<pallas_src>
import functools

import jax
import jax.numpy as jnp
import numpy as np
from jax import lax
from jax.experimental import pallas as pl
from jax.experimental.pallas import tpu as pltpu
from jax.experimental.pallas import tpu_sc as plsc

SEQ = 200
DIM = 64
BATCH = 4096
NC, NS, LANES = 2, 16, 16
NW = NC * NS
B_PER_W = BATCH // NW
DT = DIM // 8
TJ = BATCH // 128
NRB = 3
OPITCH = 129


def _pos_encoding():
    half = DIM // 2
    positions = np.arange(SEQ).reshape(SEQ, 1)
    depths = np.arange(half).reshape(1, half) / half
    angle_rates = 1 / 10000 ** depths
    angle_rads = positions * angle_rates
    return np.concatenate([np.sin(angle_rads), np.cos(angle_rads)], axis=-1).astype(np.float32)


def _body(idx_hbm, table_hbm, pos_hbm, out_hbm,
          idx_all, r0, r1, r2, o0, o1, pos_v,
          si0, si1, si2, so0, so1):
    rows = (r0, r1, r2)
    obuf = (o0, o1)
    sin = (si0, si1, si2)
    sout = (so0, so1)
    wid = lax.axis_index("s") * NC + lax.axis_index("c")

    pltpu.sync_copy(pos_hbm, pos_v)
    pltpu.sync_copy(idx_hbm.at[:, pl.ds(wid * B_PER_W, B_PER_W)], idx_all)

    lane = lax.iota(jnp.int32, LANES)
    ti_v = [lax.shift_right_logical(i * LANES + lane, 3) for i in range(DIM // LANES)]
    dd_v = [lax.bitwise_and(i * LANES + lane, 7) for i in range(DIM // LANES)]

    def fire_gather(s, b):
        pltpu.async_copy(table_hbm.at[idx_all.at[s]], rows[b], sin[b])

    def wait_in(b):
        pltpu.make_async_copy(table_hbm.at[pl.ds(0, B_PER_W)], rows[b], sin[b]).wait()

    def fire_out(s, o):
        pltpu.async_copy(obuf[o].at[:, :, pl.ds(0, 128)], out_hbm.at[s, :, wid], sout[o])

    def wait_out(o):
        pltpu.make_async_copy(obuf[o].at[:, :, pl.ds(0, 128)], out_hbm.at[0, :, 0], sout[o]).wait()

    def compute(s, b, o):
        pv = [pos_v[s, pl.ds(i * LANES, LANES)] for i in range(DIM // LANES)]

        @plsc.parallel_loop(0, B_PER_W, 1, unroll=4)
        def row_body(r):
            bb = jnp.full((LANES,), r, jnp.int32)
            for i in range(DIM // LANES):
                plsc.store_scatter(
                    obuf[o], (ti_v[i], dd_v[i], bb),
                    rows[b][r, pl.ds(i * LANES, LANES)] + pv[i],
                )

    def step(s, b, o, gb, head=False, gather_ahead=True):
        wait_in(b)
        if not head:
            wait_out(o)
        compute(s, b, o)
        fire_out(s, o)
        if gather_ahead:
            fire_gather(s + 2, gb)

    fire_gather(0, 0)
    fire_gather(1, 1)

    step(0, 0, 0, 2, head=True)
    step(1, 1, 1, 0, head=True)

    def outer(t, carry):
        for j in range(6):
            s = 2 + t * 6 + j
            step(s, (2 + j) % NRB, j % 2, (1 + j) % NRB)
        return carry

    lax.fori_loop(0, (SEQ - 8) // 6, outer, 0)

    for s in range(SEQ - 6, SEQ):
        step(s, s % NRB, s % 2, (s + 2) % NRB, gather_ahead=(s + 2 < SEQ))

    wait_out(0)
    wait_out(1)


@functools.partial(jax.jit, static_argnums=())
def _run(idx_t, table, pos):
    kern = pl.kernel(
        _body,
        out_type=jax.ShapeDtypeStruct((SEQ, DT, TJ, 8, 128), jnp.float32),
        mesh=plsc.VectorSubcoreMesh(core_axis_name="c", subcore_axis_name="s"),
        scratch_types=[
            pltpu.VMEM((SEQ, B_PER_W), jnp.int32),
            pltpu.VMEM((B_PER_W, DIM), jnp.float32),
            pltpu.VMEM((B_PER_W, DIM), jnp.float32),
            pltpu.VMEM((B_PER_W, DIM), jnp.float32),
            pltpu.VMEM((DT, 8, OPITCH), jnp.float32),
            pltpu.VMEM((DT, 8, OPITCH), jnp.float32),
            pltpu.VMEM((SEQ, DIM), jnp.float32),
            pltpu.SemaphoreType.DMA,
            pltpu.SemaphoreType.DMA,
            pltpu.SemaphoreType.DMA,
            pltpu.SemaphoreType.DMA,
            pltpu.SemaphoreType.DMA,
        ],
        compiler_params=pltpu.CompilerParams(
            use_tc_tiling_on_sc=False, needs_layout_passes=False,
            disable_bounds_checks=True),
    )
    return kern(idx_t, table, pos)


def kernel(inputs, token_table):
    idx_t = inputs.astype(jnp.int32).T
    pos = jnp.asarray(_pos_encoding())
    out5 = _run(idx_t, token_table, pos)
    return out5.transpose(2, 4, 0, 1, 3).reshape(BATCH, SEQ, DIM)

# --- scband reference (transcript-rebuilt; emitter-appended) ---
"""Pipeline reference for scband-positional-embedding-48498770707035 (READ-ONLY COPY).

The authoritative reference and input builder live on the scoring server;
editing this copy changes nothing except your own understanding.
"""

import jax, jax.numpy as jnp
import numpy as np

SEQ_LEN = 200
VOCAB = 100000
EMBED_DIM = 64
BATCH = 4096


def _positional_encoding(sequence_length, embed_dim):
    depth_dim = embed_dim / 2
    positions = np.arange(sequence_length).reshape(int(sequence_length), 1)
    depths = np.arange(depth_dim).reshape(1, int(depth_dim)) / depth_dim
    angle_rates = 1 / 10000 ** depths
    angle_rads = positions * angle_rates
    pos_encoding = np.concatenate([np.sin(angle_rads), np.cos(angle_rads)], axis=-1)
    return jnp.asarray(pos_encoding, dtype=jnp.float32)


def setup_inputs(seed: int = 0) -> dict:
    key = jax.random.key(seed)
    k1, k2 = jax.random.split(key)
    inputs = jax.random.randint(k1, (BATCH, SEQ_LEN), 0, VOCAB, dtype=jnp.int64 if jax.config.jax_enable_x64 else jnp.int32)
    # Keras Embedding default init: uniform(-0.05, 0.05)
    token_table = jax.random.uniform(k2, (VOCAB, EMBED_DIM), minval=-0.05, maxval=0.05, dtype=jnp.float32)
    return {"inputs": inputs, "token_table": token_table}


def reference(inputs, token_table):
    pos_encoding = _positional_encoding(SEQ_LEN, EMBED_DIM)
    embedded_tokens = jnp.take(token_table, inputs, axis=0)
    embedded_tokens = embedded_tokens + pos_encoding[jnp.newaxis, :SEQ_LEN, :]
    return embedded_tokens

if __name__ == "__main__":
    import jax
    _d = setup_inputs()
    print(jax.jit(kernel)(*tuple(_d.values())))

</pallas_src>

<mosaic_0001>
#map = affine_map<(d0, d1) -> (0, 0)>
#map1 = affine_map<(d0, d1) -> (0, 0, 0, 0, 0)>
module attributes {stable_mosaic.version = 14 : i64} {
  func.func @_body(%arg0: i32, %arg1: i32, %arg2: memref<200x4096xi32, #tpu.memory_space<hbm>>, %arg3: memref<100000x64xf32, #tpu.memory_space<hbm>>, %arg4: memref<200x64xf32, #tpu.memory_space<hbm>>, %arg5: memref<200x8x32x8x128xf32, #tpu.memory_space<hbm>>, %arg6: memref<200x128xi32, #tpu.memory_space<vmem>>, %arg7: memref<128x64xf32, #tpu.memory_space<vmem>>, %arg8: memref<128x64xf32, #tpu.memory_space<vmem>>, %arg9: memref<128x64xf32, #tpu.memory_space<vmem>>, %arg10: memref<8x8x129xf32, #tpu.memory_space<vmem>>, %arg11: memref<8x8x129xf32, #tpu.memory_space<vmem>>, %arg12: memref<200x64xf32, #tpu.memory_space<vmem>>, %arg13: memref<!tpu.dma_semaphore, #tpu.memory_space<semaphore_mem>>, %arg14: memref<!tpu.dma_semaphore, #tpu.memory_space<semaphore_mem>>, %arg15: memref<!tpu.dma_semaphore, #tpu.memory_space<semaphore_mem>>, %arg16: memref<!tpu.dma_semaphore, #tpu.memory_space<semaphore_mem>>, %arg17: memref<!tpu.dma_semaphore, #tpu.memory_space<semaphore_mem>>) attributes {dimension_semantics = [#tpu.dimension_semantics<core_parallel>, #tpu.dimension_semantics<subcore_parallel>], iteration_bounds = array<i64: 2, 16>, scalar_prefetch = 0 : i64, scratch_operands = 12 : i64, tpu.core_type = #tpu.core_type<sc_vector_subcore>, window_params = [{transform_indices = #map}, {transform_indices = #map}, {transform_indices = #map}, {transform_indices = #map1}]} {
    %mul3A = arith.constant 2 : i32
    %mul3A_0 = arith.muli %arg1, %mul3A : i32
    %add3A = arith.addi %mul3A_0, %arg0 : i32
    "tpu.region"() ({
      %run_scoped3A = tpu.sem_alloc : memref<!tpu.dma_semaphore, #tpu.memory_space<semaphore_mem>>
      tpu.enqueue_dma source(%arg4 : memref<200x64xf32, #tpu.memory_space<hbm>>) target(%arg12 : memref<200x64xf32, #tpu.memory_space<vmem>>) target_semaphore(%run_scoped3A : memref<!tpu.dma_semaphore, #tpu.memory_space<semaphore_mem>>)
      tpu.wait_dma2 semaphore(%run_scoped3A : memref<!tpu.dma_semaphore, #tpu.memory_space<semaphore_mem>>) src(%arg4 : memref<200x64xf32, #tpu.memory_space<hbm>>) dst(%arg12 : memref<200x64xf32, #tpu.memory_space<vmem>>)
      tpu.yield
    }) : () -> ()
    %mul3A_1 = arith.constant 128 : i32
    %mul3A_2 = arith.muli %add3A, %mul3A_1 : i32
    "tpu.region"() ({
      %run_scoped3A = tpu.sem_alloc : memref<!tpu.dma_semaphore, #tpu.memory_space<semaphore_mem>>
      %dma_start3A_618 = arith.constant 0 : i32
      %dma_start3A_619 = tpu.memref_slice %arg2[%dma_start3A_618, %mul3A_2] : memref<200x4096xi32, #tpu.memory_space<hbm>> -> memref<200x128xi32, #tpu.memory_space<hbm>>
      %dma_start3A_620 = arith.constant 0 : i32
      %dma_start3A_621 = tpu.memref_slice %arg2[%dma_start3A_620, %mul3A_2] : memref<200x4096xi32, #tpu.memory_space<hbm>> -> memref<200x128xi32, #tpu.memory_space<hbm>>
      tpu.enqueue_dma source(%dma_start3A_621 : memref<200x128xi32, #tpu.memory_space<hbm>>) target(%arg6 : memref<200x128xi32, #tpu.memory_space<vmem>>) target_semaphore(%run_scoped3A : memref<!tpu.dma_semaphore, #tpu.memory_space<semaphore_mem>>)
      %dma_wait3A_622 = arith.constant 0 : i32
      %dma_wait3A_623 = tpu.memref_slice %arg2[%dma_wait3A_622, %mul3A_2] : memref<200x4096xi32, #tpu.memory_space<hbm>> -> memref<200x128xi32, #tpu.memory_space<hbm>>
      %dma_wait3A_624 = arith.constant 0 : i32
      %dma_wait3A_625 = tpu.memref_slice %arg2[%dma_wait3A_624, %mul3A_2] : memref<200x4096xi32, #tpu.memory_space<hbm>> -> memref<200x128xi32, #tpu.memory_space<hbm>>
      tpu.wait_dma2 semaphore(%run_scoped3A : memref<!tpu.dma_semaphore, #tpu.memory_space<semaphore_mem>>) src(%dma_wait3A_625 : memref<200x128xi32, #tpu.memory_space<hbm>>) dst(%arg6 : memref<200x128xi32, #tpu.memory_space<vmem>>)
      tpu.yield
    }) : () -> ()
    %iota3A = tpu.iota {dimensions = array<i32: 0>} : vector<16xi32>
    %add3A_3 = arith.constant 0 : i32
    %add3A_4 = vector.broadcast %add3A_3 : i32 to vector<16xi32>
    %add3A_5 = arith.addi %add3A_4, %iota3A : vector<16xi32>
    %shift_right_logical3A = arith.constant 3 : i32
    %shift_right_logical3A_6 = vector.broadcast %shift_right_logical3A : i32 to vector<16xi32>
    %shift_right_logical3A_7 = arith.shrui %add3A_5, %shift_right_logical3A_6 : vector<16xi32>
    %add3A_8 = arith.constant 16 : i32
    %add3A_9 = vector.broadcast %add3A_8 : i32 to vector<16xi32>
    %add3A_10 = arith.addi %add3A_9, %iota3A : vector<16xi32>
    %shift_right_logical3A_11 = arith.constant 3 : i32
    %shift_right_logical3A_12 = vector.broadcast %shift_right_logical3A_11 : i32 to vector<16xi32>
    %shift_right_logical3A_13 = arith.shrui %add3A_10, %shift_right_logical3A_12 : vector<16xi32>
    %add3A_14 = arith.constant 32 : i32
    %add3A_15 = vector.broadcast %add3A_14 : i32 to vector<16xi32>
    %add3A_16 = arith.addi %add3A_15, %iota3A : vector<16xi32>
    %shift_right_logical3A_17 = arith.constant 3 : i32
    %shift_right_logical3A_18 = vector.broadcast %shift_right_logical3A_17 : i32 to vector<16xi32>
    %shift_right_logical3A_19 = arith.shrui %add3A_16, %shift_right_logical3A_18 : vector<16xi32>
    %add3A_20 = arith.constant 48 : i32
    %add3A_21 = vector.broadcast %add3A_20 : i32 to vector<16xi32>
    %add3A_22 = arith.addi %add3A_21, %iota3A : vector<16xi32>
    %shift_right_logical3A_23 = arith.constant 3 : i32
    %shift_right_logical3A_24 = vector.broadcast %shift_right_logical3A_23 : i32 to vector<16xi32>
    %shift_right_logical3A_25 = arith.shrui %add3A_22, %shift_right_logical3A_24 : vector<16xi32>
    %add3A_26 = arith.constant 0 : i32
    %add3A_27 = vector.broadcast %add3A_26 : i32 to vector<16xi32>
    %add3A_28 = arith.addi %add3A_27, %iota3A : vector<16xi32>
    %and3A = arith.constant 7 : i32
    %and3A_29 = vector.broadcast %and3A : i32 to vector<16xi32>
    %and3A_30 = arith.andi %add3A_28, %and3A_29 : vector<16xi32>
    %add3A_31 = arith.constant 16 : i32
    %add3A_32 = vector.broadcast %add3A_31 : i32 to vector<16xi32>
    %add3A_33 = arith.addi %add3A_32, %iota3A : vector<16xi32>
    %and3A_34 = arith.constant 7 : i32
    %and3A_35 = vector.broadcast %and3A_34 : i32 to vector<16xi32>
    %and3A_36 = arith.andi %add3A_33, %and3A_35 : vector<16xi32>
    %add3A_37 = arith.constant 32 : i32
    %add3A_38 = vector.broadcast %add3A_37 : i32 to vector<16xi32>
    %add3A_39 = arith.addi %add3A_38, %iota3A : vector<16xi32>
    %and3A_40 = arith.constant 7 : i32
    %and3A_41 = vector.broadcast %and3A_40 : i32 to vector<16xi32>
    %and3A_42 = arith.andi %add3A_39, %and3A_41 : vector<16xi32>
    %add3A_43 = arith.constant 48 : i32
    %add3A_44 = vector.broadcast %add3A_43 : i32 to vector<16xi32>
    %add3A_45 = arith.addi %add3A_44, %iota3A : vector<16xi32>
    %and3A_46 = arith.constant 7 : i32
    %and3A_47 = vector.broadcast %and3A_46 : i32 to vector<16xi32>
    %and3A_48 = arith.andi %add3A_45, %and3A_47 : vector<16xi32>
    %dma_start3A = arith.constant 0 : i32
    %dma_start3A_49 = arith.constant 0 : i32
    %dma_start3A_50 = tpu.memref_slice %arg6[%dma_start3A, %dma_start3A_49] : memref<200x128xi32, #tpu.memory_space<vmem>> -> memref<1x128xi32, #tpu.memory_space<vmem>>
    %dma_start3A_51 = tpu.memref_squeeze %dma_start3A_50 : memref<1x128xi32, #tpu.memory_space<vmem>> -> memref<128xi32, #tpu.memory_space<vmem>>
    %dma_start3A_52 = arith.constant 0 : i32
    %dma_start3A_53 = arith.constant 0 : i32
    %dma_start3A_54 = tpu.memref_slice %arg3[%dma_start3A_52, %dma_start3A_53] : memref<100000x64xf32, #tpu.memory_space<hbm>> -> memref<100000x64xf32, #tpu.memory_space<hbm>>
    tpu.enqueue_indirect_dma source(%dma_start3A_54 : memref<100000x64xf32, #tpu.memory_space<hbm>>) target(%arg7 : memref<128x64xf32, #tpu.memory_space<vmem>>) offsets(%dma_start3A_51 : memref<128xi32, #tpu.memory_space<vmem>>) semaphore(%arg13 : memref<!tpu.dma_semaphore, #tpu.memory_space<semaphore_mem>>)
    %dma_start3A_55 = arith.constant 1 : i32
    %dma_start3A_56 = arith.constant 0 : i32
    %dma_start3A_57 = tpu.memref_slice %arg6[%dma_start3A_55, %dma_start3A_56] : memref<200x128xi32, #tpu.memory_space<vmem>> -> memref<1x128xi32, #tpu.memory_space<vmem>>
    %dma_start3A_58 = tpu.memref_squeeze %dma_start3A_57 : memref<1x128xi32, #tpu.memory_space<vmem>> -> memref<128xi32, #tpu.memory_space<vmem>>
    %dma_start3A_59 = arith.constant 0 : i32
    %dma_start3A_60 = arith.constant 0 : i32
    %dma_start3A_61 = tpu.memref_slice %arg3[%dma_start3A_59, %dma_start3A_60] : memref<100000x64xf32, #tpu.memory_space<hbm>> -> memref<100000x64xf32, #tpu.memory_space<hbm>>
    tpu.enqueue_indirect_dma source(%dma_start3A_61 : memref<100000x64xf32, #tpu.memory_space<hbm>>) target(%arg8 : memref<128x64xf32, #tpu.memory_space<vmem>>) offsets(%dma_start3A_58 : memref<128xi32, #tpu.memory_space<vmem>>) semaphore(%arg14 : memref<!tpu.dma_semaphore, #tpu.memory_space<semaphore_mem>>)
    %dma_wait3A = arith.constant 0 : i32
    %dma_wait3A_62 = arith.constant 0 : i32
    %dma_wait3A_63 = tpu.memref_slice %arg3[%dma_wait3A, %dma_wait3A_62] : memref<100000x64xf32, #tpu.memory_space<hbm>> -> memref<128x64xf32, #tpu.memory_space<hbm>>
    %dma_wait3A_64 = arith.constant 0 : i32
    %dma_wait3A_65 = arith.constant 0 : i32
    %dma_wait3A_66 = tpu.memref_slice %arg3[%dma_wait3A_64, %dma_wait3A_65] : memref<100000x64xf32, #tpu.memory_space<hbm>> -> memref<128x64xf32, #tpu.memory_space<hbm>>
    tpu.wait_dma2 semaphore(%arg13 : memref<!tpu.dma_semaphore, #tpu.memory_space<semaphore_mem>>) src(%dma_wait3A_66 : memref<128x64xf32, #tpu.memory_space<hbm>>) dst(%arg7 : memref<128x64xf32, #tpu.memory_space<vmem>>)
    %get3A = arith.constant 0 : i32
    %get3A_67 = arith.index_cast %get3A : i32 to index
    %get3A_68 = arith.constant 0 : index
    %get3A_69 = tpu.vector_load %arg12[%get3A_67, %get3A_68] {strides = array<i32>} : memref<200x64xf32, #tpu.memory_space<vmem>>, vector<16xf32>,
    %get3A_70 = arith.constant 0 : i32
    %get3A_71 = arith.index_cast %get3A_70 : i32 to index
    %get3A_72 = arith.constant 16 : index
    %get3A_73 = tpu.vector_load %arg12[%get3A_71, %get3A_72] {strides = array<i32>} : memref<200x64xf32, #tpu.memory_space<vmem>>, vector<16xf32>,
    %get3A_74 = arith.constant 0 : i32
    %get3A_75 = arith.index_cast %get3A_74 : i32 to index
    %get3A_76 = arith.constant 32 : index
    %get3A_77 = tpu.vector_load %arg12[%get3A_75, %get3A_76] {strides = array<i32>} : memref<200x64xf32, #tpu.memory_space<vmem>>, vector<16xf32>,
    %get3A_78 = arith.constant 0 : i32
    %get3A_79 = arith.index_cast %get3A_78 : i32 to index
    %get3A_80 = arith.constant 48 : index
    %get3A_81 = tpu.vector_load %arg12[%get3A_79, %get3A_80] {strides = array<i32>} : memref<200x64xf32, #tpu.memory_space<vmem>>, vector<16xf32>,
    %parallel_loop3A = arith.constant 0 : i32
    %parallel_loop3A_82 = arith.constant 128 : i32
    %parallel_loop3A_83 = arith.constant 1 : i32
    scf.for %parallel_loop3A_618 = %parallel_loop3A to %parallel_loop3A_82 step %parallel_loop3A_83  : i32 {
      %parallel_loop3A_619 = vector.broadcast %parallel_loop3A_618 : i32 to vector<16xi32>
      %parallel_loop3A_620 = arith.index_cast %parallel_loop3A_618 : i32 to index
      %parallel_loop3A_621 = arith.constant 0 : index
      %parallel_loop3A_622 = tpu.vector_load %arg7[%parallel_loop3A_620, %parallel_loop3A_621] {strides = array<i32>} : memref<128x64xf32, #tpu.memory_space<vmem>>, vector<16xf32>,
      %parallel_loop3A_623 = arith.addf %parallel_loop3A_622, %get3A_69 : vector<16xf32>
      tpu.vector_store_idx %arg10[%shift_right_logical3A_7, %and3A_30, %parallel_loop3A_619], %parallel_loop3A_623 : memref<8x8x129xf32, #tpu.memory_space<vmem>>[vector<16xi32>, vector<16xi32>, vector<16xi32>], vector<16xf32>,
      %parallel_loop3A_624 = arith.index_cast %parallel_loop3A_618 : i32 to index
      %parallel_loop3A_625 = arith.constant 16 : index
      %parallel_loop3A_626 = tpu.vector_load %arg7[%parallel_loop3A_624, %parallel_loop3A_625] {strides = array<i32>} : memref<128x64xf32, #tpu.memory_space<vmem>>, vector<16xf32>,
      %parallel_loop3A_627 = arith.addf %parallel_loop3A_626, %get3A_73 : vector<16xf32>
      tpu.vector_store_idx %arg10[%shift_right_logical3A_13, %and3A_36, %parallel_loop3A_619], %parallel_loop3A_627 : memref<8x8x129xf32, #tpu.memory_space<vmem>>[vector<16xi32>, vector<16xi32>, vector<16xi32>], vector<16xf32>,
      %parallel_loop3A_628 = arith.index_cast %parallel_loop3A_618 : i32 to index
      %parallel_loop3A_629 = arith.constant 32 : index
      %parallel_loop3A_630 = tpu.vector_load %arg7[%parallel_loop3A_628, %parallel_loop3A_629] {strides = array<i32>} : memref<128x64xf32, #tpu.memory_space<vmem>>, vector<16xf32>,
      %parallel_loop3A_631 = arith.addf %parallel_loop3A_630, %get3A_77 : vector<16xf32>
      tpu.vector_store_idx %arg10[%shift_right_logical3A_19, %and3A_42, %parallel_loop3A_619], %parallel_loop3A_631 : memref<8x8x129xf32, #tpu.memory_space<vmem>>[vector<16xi32>, vector<16xi32>, vector<16xi32>], vector<16xf32>,
      %parallel_loop3A_632 = arith.index_cast %parallel_loop3A_618 : i32 to index
      %parallel_loop3A_633 = arith.constant 48 : index
      %parallel_loop3A_634 = tpu.vector_load %arg7[%parallel_loop3A_632, %parallel_loop3A_633] {strides = array<i32>} : memref<128x64xf32, #tpu.memory_space<vmem>>, vector<16xf32>,
      %parallel_loop3A_635 = arith.addf %parallel_loop3A_634, %get3A_81 : vector<16xf32>
      tpu.vector_store_idx %arg10[%shift_right_logical3A_25, %and3A_48, %parallel_loop3A_619], %parallel_loop3A_635 : memref<8x8x129xf32, #tpu.memory_space<vmem>>[vector<16xi32>, vector<16xi32>, vector<16xi32>], vector<16xf32>,
    } {sc.loop_unroll_factor = 4 : i64, sc.parallel_access}
    %dma_start3A_84 = arith.constant 0 : i32
    %dma_start3A_85 = arith.constant 0 : i32
    %dma_start3A_86 = arith.constant 0 : i32
    %dma_start3A_87 = arith.constant 0 : i32
    %dma_start3A_88 = tpu.memref_slice %arg10[%dma_start3A_85, %dma_start3A_86, %dma_start3A_87] : memref<8x8x129xf32, #tpu.memory_space<vmem>> -> memref<8x8x128xf32, #tpu.memory_space<vmem>>
    %dma_start3A_89 = arith.constant 0 : i32
    %dma_start3A_90 = arith.constant 0 : i32
    %dma_start3A_91 = arith.constant 0 : i32
    %dma_start3A_92 = tpu.memref_slice %arg5[%dma_start3A_84, %dma_start3A_89, %add3A, %dma_start3A_90, %dma_start3A_91] : memref<200x8x32x8x128xf32, #tpu.memory_space<hbm>> -> memref<1x8x1x8x128xf32, #tpu.memory_space<hbm>>
    %dma_start3A_93 = tpu.memref_squeeze %dma_start3A_92 : memref<1x8x1x8x128xf32, #tpu.memory_space<hbm>> -> memref<8x8x128xf32, #tpu.memory_space<hbm>>
    %dma_start3A_94 = arith.constant 0 : i32
    %dma_start3A_95 = arith.constant 0 : i32
    %dma_start3A_96 = arith.constant 0 : i32
    %dma_start3A_97 = tpu.memref_slice %arg5[%dma_start3A_84, %dma_start3A_94, %add3A, %dma_start3A_95, %dma_start3A_96] : memref<200x8x32x8x128xf32, #tpu.memory_space<hbm>> -> memref<1x8x1x8x128xf32, #tpu.memory_space<hbm>>
    %dma_start3A_98 = tpu.memref_squeeze %dma_start3A_97 : memref<1x8x1x8x128xf32, #tpu.memory_space<hbm>> -> memref<8x8x128xf32, #tpu.memory_space<hbm>>
    %dma_start3A_99 = arith.constant 0 : i32
    %dma_start3A_100 = arith.constant 0 : i32
    %dma_start3A_101 = arith.constant 0 : i32
    %dma_start3A_102 = tpu.memref_slice %arg10[%dma_start3A_99, %dma_start3A_100, %dma_start3A_101] : memref<8x8x129xf32, #tpu.memory_space<vmem>> -> memref<8x8x128xf32, #tpu.memory_space<vmem>>
    tpu.enqueue_dma source(%dma_start3A_102 : memref<8x8x128xf32, #tpu.memory_space<vmem>>) target(%dma_start3A_98 : memref<8x8x128xf32, #tpu.memory_space<hbm>>) target_semaphore(%arg16 : memref<!tpu.dma_semaphore, #tpu.memory_space<semaphore_mem>>)
    %dma_start3A_103 = arith.constant 2 : i32
    %dma_start3A_104 = arith.constant 0 : i32
    %dma_start3A_105 = tpu.memref_slice %arg6[%dma_start3A_103, %dma_start3A_104] : memref<200x128xi32, #tpu.memory_space<vmem>> -> memref<1x128xi32, #tpu.memory_space<vmem>>
    %dma_start3A_106 = tpu.memref_squeeze %dma_start3A_105 : memref<1x128xi32, #tpu.memory_space<vmem>> -> memref<128xi32, #tpu.memory_space<vmem>>
    %dma_start3A_107 = arith.constant 0 : i32
    %dma_start3A_108 = arith.constant 0 : i32
    %dma_start3A_109 = tpu.memref_slice %arg3[%dma_start3A_107, %dma_start3A_108] : memref<100000x64xf32, #tpu.memory_space<hbm>> -> memref<100000x64xf32, #tpu.memory_space<hbm>>
    tpu.enqueue_indirect_dma source(%dma_start3A_109 : memref<100000x64xf32, #tpu.memory_space<hbm>>) target(%arg9 : memref<128x64xf32, #tpu.memory_space<vmem>>) offsets(%dma_start3A_106 : memref<128xi32, #tpu.memory_space<vmem>>) semaphore(%arg15 : memref<!tpu.dma_semaphore, #tpu.memory_space<semaphore_mem>>)
    %dma_wait3A_110 = arith.constant 0 : i32
    %dma_wait3A_111 = arith.constant 0 : i32
    %dma_wait3A_112 = tpu.memref_slice %arg3[%dma_wait3A_110, %dma_wait3A_111] : memref<100000x64xf32, #tpu.memory_space<hbm>> -> memref<128x64xf32, #tpu.memory_space<hbm>>
    %dma_wait3A_113 = arith.constant 0 : i32
    %dma_wait3A_114 = arith.constant 0 : i32
    %dma_wait3A_115 = tpu.memref_slice %arg3[%dma_wait3A_113, %dma_wait3A_114] : memref<100000x64xf32, #tpu.memory_space<hbm>> -> memref<128x64xf32, #tpu.memory_space<hbm>>
    tpu.wait_dma2 semaphore(%arg14 : memref<!tpu.dma_semaphore, #tpu.memory_space<semaphore_mem>>) src(%dma_wait3A_115 : memref<128x64xf32, #tpu.memory_space<hbm>>) dst(%arg8 : memref<128x64xf32, #tpu.memory_space<vmem>>)
    %get3A_116 = arith.constant 1 : i32
    %get3A_117 = arith.index_cast %get3A_116 : i32 to index
    %get3A_118 = arith.constant 0 : index
    %get3A_119 = tpu.vector_load %arg12[%get3A_117, %get3A_118] {strides = array<i32>} : memref<200x64xf32, #tpu.memory_space<vmem>>, vector<16xf32>,
    %get3A_120 = arith.constant 1 : i32
    %get3A_121 = arith.index_cast %get3A_120 : i32 to index
    %get3A_122 = arith.constant 16 : index
    %get3A_123 = tpu.vector_load %arg12[%get3A_121, %get3A_122] {strides = array<i32>} : memref<200x64xf32, #tpu.memory_space<vmem>>, vector<16xf32>,
    %get3A_124 = arith.constant 1 : i32
    %get3A_125 = arith.index_cast %get3A_124 : i32 to index
    %get3A_126 = arith.constant 32 : index
    %get3A_127 = tpu.vector_load %arg12[%get3A_125, %get3A_126] {strides = array<i32>} : memref<200x64xf32, #tpu.memory_space<vmem>>, vector<16xf32>,
    %get3A_128 = arith.constant 1 : i32
    %get3A_129 = arith.index_cast %get3A_128 : i32 to index
    %get3A_130 = arith.constant 48 : index
    %get3A_131 = tpu.vector_load %arg12[%get3A_129, %get3A_130] {strides = array<i32>} : memref<200x64xf32, #tpu.memory_space<vmem>>, vector<16xf32>,
    %parallel_loop3A_132 = arith.constant 0 : i32
    %parallel_loop3A_133 = arith.constant 128 : i32
    %parallel_loop3A_134 = arith.constant 1 : i32
    scf.for %parallel_loop3A_618 = %parallel_loop3A_132 to %parallel_loop3A_133 step %parallel_loop3A_134  : i32 {
      %parallel_loop3A_619 = vector.broadcast %parallel_loop3A_618 : i32 to vector<16xi32>
      %parallel_loop3A_620 = arith.index_cast %parallel_loop3A_618 : i32 to index
      %parallel_loop3A_621 = arith.constant 0 : index
      %parallel_loop3A_622 = tpu.vector_load %arg8[%parallel_loop3A_620, %parallel_loop3A_621] {strides = array<i32>} : memref<128x64xf32, #tpu.memory_space<vmem>>, vector<16xf32>,
      %parallel_loop3A_623 = arith.addf %parallel_loop3A_622, %get3A_119 : vector<16xf32>
      tpu.vector_store_idx %arg11[%shift_right_logical3A_7, %and3A_30, %parallel_loop3A_619], %parallel_loop3A_623 : memref<8x8x129xf32, #tpu.memory_space<vmem>>[vector<16xi32>, vector<16xi32>, vector<16xi32>], vector<16xf32>,
      %parallel_loop3A_624 = arith.index_cast %parallel_loop3A_618 : i32 to index
      %parallel_loop3A_625 = arith.constant 16 : index
      %parallel_loop3A_626 = tpu.vector_load %arg8[%parallel_loop3A_624, %parallel_loop3A_625] {strides = array<i32>} : memref<128x64xf32, #tpu.memory_space<vmem>>, vector<16xf32>,
      %parallel_loop3A_627 = arith.addf %parallel_loop3A_626, %get3A_123 : vector<16xf32>
      tpu.vector_store_idx %arg11[%shift_right_logical3A_13, %and3A_36, %parallel_loop3A_619], %parallel_loop3A_627 : memref<8x8x129xf32, #tpu.memory_space<vmem>>[vector<16xi32>, vector<16xi32>, vector<16xi32>], vector<16xf32>,
      %parallel_loop3A_628 = arith.index_cast %parallel_loop3A_618 : i32 to index
      %parallel_loop3A_629 = arith.constant 32 : index
      %parallel_loop3A_630 = tpu.vector_load %arg8[%parallel_loop3A_628, %parallel_loop3A_629] {strides = array<i32>} : memref<128x64xf32, #tpu.memory_space<vmem>>, vector<16xf32>,
      %parallel_loop3A_631 = arith.addf %parallel_loop3A_630, %get3A_127 : vector<16xf32>
      tpu.vector_store_idx %arg11[%shift_right_logical3A_19, %and3A_42, %parallel_loop3A_619], %parallel_loop3A_631 : memref<8x8x129xf32, #tpu.memory_space<vmem>>[vector<16xi32>, vector<16xi32>, vector<16xi32>], vector<16xf32>,
      %parallel_loop3A_632 = arith.index_cast %parallel_loop3A_618 : i32 to index
      %parallel_loop3A_633 = arith.constant 48 : index
      %parallel_loop3A_634 = tpu.vector_load %arg8[%parallel_loop3A_632, %parallel_loop3A_633] {strides = array<i32>} : memref<128x64xf32, #tpu.memory_space<vmem>>, vector<16xf32>,
      %parallel_loop3A_635 = arith.addf %parallel_loop3A_634, %get3A_131 : vector<16xf32>
      tpu.vector_store_idx %arg11[%shift_right_logical3A_25, %and3A_48, %parallel_loop3A_619], %parallel_loop3A_635 : memref<8x8x129xf32, #tpu.memory_space<vmem>>[vector<16xi32>, vector<16xi32>, vector<16xi32>], vector<16xf32>,
    } {sc.loop_unroll_factor = 4 : i64, sc.parallel_access}
    %dma_start3A_135 = arith.constant 1 : i32
    %dma_start3A_136 = arith.constant 0 : i32
    %dma_start3A_137 = arith.constant 0 : i32
    %dma_start3A_138 = arith.constant 0 : i32
    %dma_start3A_139 = tpu.memref_slice %arg11[%dma_start3A_136, %dma_start3A_137, %dma_start3A_138] : memref<8x8x129xf32, #tpu.memory_space<vmem>> -> memref<8x8x128xf32, #tpu.memory_space<vmem>>
    %dma_start3A_140 = arith.constant 0 : i32
    %dma_start3A_141 = arith.constant 0 : i32
    %dma_start3A_142 = arith.constant 0 : i32
    %dma_start3A_143 = tpu.memref_slice %arg5[%dma_start3A_135, %dma_start3A_140, %add3A, %dma_start3A_141, %dma_start3A_142] : memref<200x8x32x8x128xf32, #tpu.memory_space<hbm>> -> memref<1x8x1x8x128xf32, #tpu.memory_space<hbm>>
    %dma_start3A_144 = tpu.memref_squeeze %dma_start3A_143 : memref<1x8x1x8x128xf32, #tpu.memory_space<hbm>> -> memref<8x8x128xf32, #tpu.memory_space<hbm>>
    %dma_start3A_145 = arith.constant 0 : i32
    %dma_start3A_146 = arith.constant 0 : i32
    %dma_start3A_147 = arith.constant 0 : i32
    %dma_start3A_148 = tpu.memref_slice %arg5[%dma_start3A_135, %dma_start3A_145, %add3A, %dma_start3A_146, %dma_start3A_147] : memref<200x8x32x8x128xf32, #tpu.memory_space<hbm>> -> memref<1x8x1x8x128xf32, #tpu.memory_space<hbm>>
    %dma_start3A_149 = tpu.memref_squeeze %dma_start3A_148 : memref<1x8x1x8x128xf32, #tpu.memory_space<hbm>> -> memref<8x8x128xf32, #tpu.memory_space<hbm>>
    %dma_start3A_150 = arith.constant 0 : i32
    %dma_start3A_151 = arith.constant 0 : i32
    %dma_start3A_152 = arith.constant 0 : i32
    %dma_start3A_153 = tpu.memref_slice %arg11[%dma_start3A_150, %dma_start3A_151, %dma_start3A_152] : memref<8x8x129xf32, #tpu.memory_space<vmem>> -> memref<8x8x128xf32, #tpu.memory_space<vmem>>
    tpu.enqueue_dma source(%dma_start3A_153 : memref<8x8x128xf32, #tpu.memory_space<vmem>>) target(%dma_start3A_149 : memref<8x8x128xf32, #tpu.memory_space<hbm>>) target_semaphore(%arg17 : memref<!tpu.dma_semaphore, #tpu.memory_space<semaphore_mem>>)
    %dma_start3A_154 = arith.constant 3 : i32
    %dma_start3A_155 = arith.constant 0 : i32
    %dma_start3A_156 = tpu.memref_slice %arg6[%dma_start3A_154, %dma_start3A_155] : memref<200x128xi32, #tpu.memory_space<vmem>> -> memref<1x128xi32, #tpu.memory_space<vmem>>
    %dma_start3A_157 = tpu.memref_squeeze %dma_start3A_156 : memref<1x128xi32, #tpu.memory_space<vmem>> -> memref<128xi32, #tpu.memory_space<vmem>>
    %dma_start3A_158 = arith.constant 0 : i32
    %dma_start3A_159 = arith.constant 0 : i32
    %dma_start3A_160 = tpu.memref_slice %arg3[%dma_start3A_158, %dma_start3A_159] : memref<100000x64xf32, #tpu.memory_space<hbm>> -> memref<100000x64xf32, #tpu.memory_space<hbm>>
    tpu.enqueue_indirect_dma source(%dma_start3A_160 : memref<100000x64xf32, #tpu.memory_space<hbm>>) target(%arg7 : memref<128x64xf32, #tpu.memory_space<vmem>>) offsets(%dma_start3A_157 : memref<128xi32, #tpu.memory_space<vmem>>) semaphore(%arg13 : memref<!tpu.dma_semaphore, #tpu.memory_space<semaphore_mem>>)
    %scan3A = arith.constant 0 : i32
    %scan3A_161 = arith.constant 0 : i32
    %scan3A_162 = arith.constant 32 : i32
    %scan3A_163 = arith.addi %scan3A_161, %scan3A_162 : i32
    %scan3A_164 = arith.constant 1 : i32
    scf.for %scan3A_618 = %scan3A_161 to %scan3A_163 step %scan3A_164  : i32 {
      %mul3A_619 = arith.constant 6 : i32
      %mul3A_620 = arith.muli %scan3A_618, %mul3A_619 : i32
      %add3A_621 = arith.constant 2 : i32
      %add3A_622 = arith.addi %add3A_621, %mul3A_620 : i32
      %add3A_623 = arith.constant 0 : i32
      %add3A_624 = arith.addi %add3A_622, %add3A_623 : i32
      %dma_wait3A_625 = arith.constant 0 : i32
      %dma_wait3A_626 = arith.constant 0 : i32
      %dma_wait3A_627 = tpu.memref_slice %arg3[%dma_wait3A_625, %dma_wait3A_626] : memref<100000x64xf32, #tpu.memory_space<hbm>> -> memref<128x64xf32, #tpu.memory_space<hbm>>
      %dma_wait3A_628 = arith.constant 0 : i32
      %dma_wait3A_629 = arith.constant 0 : i32
      %dma_wait3A_630 = tpu.memref_slice %arg3[%dma_wait3A_628, %dma_wait3A_629] : memref<100000x64xf32, #tpu.memory_space<hbm>> -> memref<128x64xf32, #tpu.memory_space<hbm>>
      tpu.wait_dma2 semaphore(%arg15 : memref<!tpu.dma_semaphore, #tpu.memory_space<semaphore_mem>>) src(%dma_wait3A_630 : memref<128x64xf32, #tpu.memory_space<hbm>>) dst(%arg9 : memref<128x64xf32, #tpu.memory_space<vmem>>)
      %dma_wait3A_631 = arith.constant 0 : i32
      %dma_wait3A_632 = arith.constant 0 : i32
      %dma_wait3A_633 = arith.constant 0 : i32
      %dma_wait3A_634 = arith.constant 0 : i32
      %dma_wait3A_635 = arith.constant 0 : i32
      %dma_wait3A_636 = tpu.memref_slice %arg10[%dma_wait3A_633, %dma_wait3A_634, %dma_wait3A_635] : memref<8x8x129xf32, #tpu.memory_space<vmem>> -> memref<8x8x128xf32, #tpu.memory_space<vmem>>
      %dma_wait3A_637 = arith.constant 0 : i32
      %dma_wait3A_638 = arith.constant 0 : i32
      %dma_wait3A_639 = arith.constant 0 : i32
      %dma_wait3A_640 = tpu.memref_slice %arg5[%dma_wait3A_631, %dma_wait3A_637, %dma_wait3A_632, %dma_wait3A_638, %dma_wait3A_639] : memref<200x8x32x8x128xf32, #tpu.memory_space<hbm>> -> memref<1x8x1x8x128xf32, #tpu.memory_space<hbm>>
      %dma_wait3A_641 = tpu.memref_squeeze %dma_wait3A_640 : memref<1x8x1x8x128xf32, #tpu.memory_space<hbm>> -> memref<8x8x128xf32, #tpu.memory_space<hbm>>
      %dma_wait3A_642 = arith.constant 0 : i32
      %dma_wait3A_643 = arith.constant 0 : i32
      %dma_wait3A_644 = arith.constant 0 : i32
      %dma_wait3A_645 = tpu.memref_slice %arg5[%dma_wait3A_631, %dma_wait3A_642, %dma_wait3A_632, %dma_wait3A_643, %dma_wait3A_644] : memref<200x8x32x8x128xf32, #tpu.memory_space<hbm>> -> memref<1x8x1x8x128xf32, #tpu.memory_space<hbm>>
      %dma_wait3A_646 = tpu.memref_squeeze %dma_wait3A_645 : memref<1x8x1x8x128xf32, #tpu.memory_space<hbm>> -> memref<8x8x128xf32, #tpu.memory_space<hbm>>
      %dma_wait3A_647 = arith.constant 0 : i32
      %dma_wait3A_648 = arith.constant 0 : i32
      %dma_wait3A_649 = arith.constant 0 : i32
      %dma_wait3A_650 = tpu.memref_slice %arg10[%dma_wait3A_647, %dma_wait3A_648, %dma_wait3A_649] : memref<8x8x129xf32, #tpu.memory_space<vmem>> -> memref<8x8x128xf32, #tpu.memory_space<vmem>>
      tpu.wait_dma2 semaphore(%arg16 : memref<!tpu.dma_semaphore, #tpu.memory_space<semaphore_mem>>) src(%dma_wait3A_650 : memref<8x8x128xf32, #tpu.memory_space<vmem>>) dst(%dma_wait3A_646 : memref<8x8x128xf32, #tpu.memory_space<hbm>>)
      %get3A_651 = arith.index_cast %add3A_624 : i32 to index
      %get3A_652 = arith.constant 0 : index
      %get3A_653 = tpu.vector_load %arg12[%get3A_651, %get3A_652] {strides = array<i32>} : memref<200x64xf32, #tpu.memory_space<vmem>>, vector<16xf32>,
      %get3A_654 = arith.index_cast %add3A_624 : i32 to index
      %get3A_655 = arith.constant 16 : index
      %get3A_656 = tpu.vector_load %arg12[%get3A_654, %get3A_655] {strides = array<i32>} : memref<200x64xf32, #tpu.memory_space<vmem>>, vector<16xf32>,
      %get3A_657 = arith.index_cast %add3A_624 : i32 to index
      %get3A_658 = arith.constant 32 : index
      %get3A_659 = tpu.vector_load %arg12[%get3A_657, %get3A_658] {strides = array<i32>} : memref<200x64xf32, #tpu.memory_space<vmem>>, vector<16xf32>,
      %get3A_660 = arith.index_cast %add3A_624 : i32 to index
      %get3A_661 = arith.constant 48 : index
      %get3A_662 = tpu.vector_load %arg12[%get3A_660, %get3A_661] {strides = array<i32>} : memref<200x64xf32, #tpu.memory_space<vmem>>, vector<16xf32>,
      %parallel_loop3A_663 = arith.constant 0 : i32
      %parallel_loop3A_664 = arith.constant 128 : i32
      %parallel_loop3A_665 = arith.constant 1 : i32
      scf.for %parallel_loop3A_1057 = %parallel_loop3A_663 to %parallel_loop3A_664 step %parallel_loop3A_665  : i32 {
        %parallel_loop3A_1058 = vector.broadcast %parallel_loop3A_1057 : i32 to vector<16xi32>
        %parallel_loop3A_1059 = arith.index_cast %parallel_loop3A_1057 : i32 to index
        %parallel_loop3A_1060 = arith.constant 0 : index
        %parallel_loop3A_1061 = tpu.vector_load %arg9[%parallel_loop3A_1059, %parallel_loop3A_1060] {strides = array<i32>} : memref<128x64xf32, #tpu.memory_space<vmem>>, vector<16xf32>,
        %parallel_loop3A_1062 = arith.addf %parallel_loop3A_1061, %get3A_653 : vector<16xf32>
        tpu.vector_store_idx %arg10[%shift_right_logical3A_7, %and3A_30, %parallel_loop3A_1058], %parallel_loop3A_1062 : memref<8x8x129xf32, #tpu.memory_space<vmem>>[vector<16xi32>, vector<16xi32>, vector<16xi32>], vector<16xf32>,
        %parallel_loop3A_1063 = arith.index_cast %parallel_loop3A_1057 : i32 to index
        %parallel_loop3A_1064 = arith.constant 16 : index
        %parallel_loop3A_1065 = tpu.vector_load %arg9[%parallel_loop3A_1063, %parallel_loop3A_1064] {strides = array<i32>} : memref<128x64xf32, #tpu.memory_space<vmem>>, vector<16xf32>,
        %parallel_loop3A_1066 = arith.addf %parallel_loop3A_1065, %get3A_656 : vector<16xf32>
        tpu.vector_store_idx %arg10[%shift_right_logical3A_13, %and3A_36, %parallel_loop3A_1058], %parallel_loop3A_1066 : memref<8x8x129xf32, #tpu.memory_space<vmem>>[vector<16xi32>, vector<16xi32>, vector<16xi32>], vector<16xf32>,
        %parallel_loop3A_1067 = arith.index_cast %parallel_loop3A_1057 : i32 to index
        %parallel_loop3A_1068 = arith.constant 32 : index
        %parallel_loop3A_1069 = tpu.vector_load %arg9[%parallel_loop3A_1067, %parallel_loop3A_1068] {strides = array<i32>} : memref<128x64xf32, #tpu.memory_space<vmem>>, vector<16xf32>,
        %parallel_loop3A_1070 = arith.addf %parallel_loop3A_1069, %get3A_659 : vector<16xf32>
        tpu.vector_store_idx %arg10[%shift_right_logical3A_19, %and3A_42, %parallel_loop3A_1058], %parallel_loop3A_1070 : memref<8x8x129xf32, #tpu.memory_space<vmem>>[vector<16xi32>, vector<16xi32>, vector<16xi32>], vector<16xf32>,
        %parallel_loop3A_1071 = arith.index_cast %parallel_loop3A_1057 : i32 to index
        %parallel_loop3A_1072 = arith.constant 48 : index
        %parallel_loop3A_1073 = tpu.vector_load %arg9[%parallel_loop3A_1071, %parallel_loop3A_1072] {strides = array<i32>} : memref<128x64xf32, #tpu.memory_space<vmem>>, vector<16xf32>,
        %parallel_loop3A_1074 = arith.addf %parallel_loop3A_1073, %get3A_662 : vector<16xf32>
        tpu.vector_store_idx %arg10[%shift_right_logical3A_25, %and3A_48, %parallel_loop3A_1058], %parallel_loop3A_1074 : memref<8x8x129xf32, #tpu.memory_space<vmem>>[vector<16xi32>, vector<16xi32>, vector<16xi32>], vector<16xf32>,
      } {sc.loop_unroll_factor = 4 : i64, sc.parallel_access}
      %dma_start3A_666 = arith.constant 0 : i32
      %dma_start3A_667 = arith.constant 0 : i32
      %dma_start3A_668 = arith.constant 0 : i32
      %dma_start3A_669 = tpu.memref_slice %arg10[%dma_start3A_666, %dma_start3A_667, %dma_start3A_668] : memref<8x8x129xf32, #tpu.memory_space<vmem>> -> memref<8x8x128xf32, #tpu.memory_space<vmem>>
      %dma_start3A_670 = arith.constant 0 : i32
      %dma_start3A_671 = arith.constant 0 : i32
      %dma_start3A_672 = arith.constant 0 : i32
      %dma_start3A_673 = tpu.memref_slice %arg5[%add3A_624, %dma_start3A_670, %add3A, %dma_start3A_671, %dma_start3A_672] : memref<200x8x32x8x128xf32, #tpu.memory_space<hbm>> -> memref<1x8x1x8x128xf32, #tpu.memory_space<hbm>>
      %dma_start3A_674 = tpu.memref_squeeze %dma_start3A_673 : memref<1x8x1x8x128xf32, #tpu.memory_space<hbm>> -> memref<8x8x128xf32, #tpu.memory_space<hbm>>
      %dma_start3A_675 = arith.constant 0 : i32
      %dma_start3A_676 = arith.constant 0 : i32
      %dma_start3A_677 = arith.constant 0 : i32
      %dma_start3A_678 = tpu.memref_slice %arg5[%add3A_624, %dma_start3A_675, %add3A, %dma_start3A_676, %dma_start3A_677] : memref<200x8x32x8x128xf32, #tpu.memory_space<hbm>> -> memref<1x8x1x8x128xf32, #tpu.memory_space<hbm>>
      %dma_start3A_679 = tpu.memref_squeeze %dma_start3A_678 : memref<1x8x1x8x128xf32, #tpu.memory_space<hbm>> -> memref<8x8x128xf32, #tpu.memory_space<hbm>>
      %dma_start3A_680 = arith.constant 0 : i32
      %dma_start3A_681 = arith.constant 0 : i32
      %dma_start3A_682 = arith.constant 0 : i32
      %dma_start3A_683 = tpu.memref_slice %arg10[%dma_start3A_680, %dma_start3A_681, %dma_start3A_682] : memref<8x8x129xf32, #tpu.memory_space<vmem>> -> memref<8x8x128xf32, #tpu.memory_space<vmem>>
      tpu.enqueue_dma source(%dma_start3A_683 : memref<8x8x128xf32, #tpu.memory_space<vmem>>) target(%dma_start3A_679 : memref<8x8x128xf32, #tpu.memory_space<hbm>>) target_semaphore(%arg16 : memref<!tpu.dma_semaphore, #tpu.memory_space<semaphore_mem>>)
      %add3A_684 = arith.constant 2 : i32
      %add3A_685 = arith.addi %add3A_624, %add3A_684 : i32
      %dma_start3A_686 = arith.constant 0 : i32
      %dma_start3A_687 = tpu.memref_slice %arg6[%add3A_685, %dma_start3A_686] : memref<200x128xi32, #tpu.memory_space<vmem>> -> memref<1x128xi32, #tpu.memory_space<vmem>>
      %dma_start3A_688 = tpu.memref_squeeze %dma_start3A_687 : memref<1x128xi32, #tpu.memory_space<vmem>> -> memref<128xi32, #tpu.memory_space<vmem>>
      %dma_start3A_689 = arith.constant 0 : i32
      %dma_start3A_690 = arith.constant 0 : i32
      %dma_start3A_691 = tpu.memref_slice %arg3[%dma_start3A_689, %dma_start3A_690] : memref<100000x64xf32, #tpu.memory_space<hbm>> -> memref<100000x64xf32, #tpu.memory_space<hbm>>
      tpu.enqueue_indirect_dma source(%dma_start3A_691 : memref<100000x64xf32, #tpu.memory_space<hbm>>) target(%arg8 : memref<128x64xf32, #tpu.memory_space<vmem>>) offsets(%dma_start3A_688 : memref<128xi32, #tpu.memory_space<vmem>>) semaphore(%arg14 : memref<!tpu.dma_semaphore, #tpu.memory_space<semaphore_mem>>)
      %mul3A_692 = arith.constant 6 : i32
      %mul3A_693 = arith.muli %scan3A_618, %mul3A_692 : i32
      %add3A_694 = arith.constant 2 : i32
      %add3A_695 = arith.addi %add3A_694, %mul3A_693 : i32
      %add3A_696 = arith.constant 1 : i32
      %add3A_697 = arith.addi %add3A_695, %add3A_696 : i32
      %dma_wait3A_698 = arith.constant 0 : i32
      %dma_wait3A_699 = arith.constant 0 : i32
      %dma_wait3A_700 = tpu.memref_slice %arg3[%dma_wait3A_698, %dma_wait3A_699] : memref<100000x64xf32, #tpu.memory_space<hbm>> -> memref<128x64xf32, #tpu.memory_space<hbm>>
      %dma_wait3A_701 = arith.constant 0 : i32
      %dma_wait3A_702 = arith.constant 0 : i32
      %dma_wait3A_703 = tpu.memref_slice %arg3[%dma_wait3A_701, %dma_wait3A_702] : memref<100000x64xf32, #tpu.memory_space<hbm>> -> memref<128x64xf32, #tpu.memory_space<hbm>>
      tpu.wait_dma2 semaphore(%arg13 : memref<!tpu.dma_semaphore, #tpu.memory_space<semaphore_mem>>) src(%dma_wait3A_703 : memref<128x64xf32, #tpu.memory_space<hbm>>) dst(%arg7 : memref<128x64xf32, #tpu.memory_space<vmem>>)
      %dma_wait3A_704 = arith.constant 0 : i32
      %dma_wait3A_705 = arith.constant 0 : i32
      %dma_wait3A_706 = arith.constant 0 : i32
      %dma_wait3A_707 = arith.constant 0 : i32
      %dma_wait3A_708 = arith.constant 0 : i32
      %dma_wait3A_709 = tpu.memref_slice %arg11[%dma_wait3A_706, %dma_wait3A_707, %dma_wait3A_708] : memref<8x8x129xf32, #tpu.memory_space<vmem>> -> memref<8x8x128xf32, #tpu.memory_space<vmem>>
      %dma_wait3A_710 = arith.constant 0 : i32
      %dma_wait3A_711 = arith.constant 0 : i32
      %dma_wait3A_712 = arith.constant 0 : i32
      %dma_wait3A_713 = tpu.memref_slice %arg5[%dma_wait3A_704, %dma_wait3A_710, %dma_wait3A_705, %dma_wait3A_711, %dma_wait3A_712] : memref<200x8x32x8x128xf32, #tpu.memory_space<hbm>> -> memref<1x8x1x8x128xf32, #tpu.memory_space<hbm>>
      %dma_wait3A_714 = tpu.memref_squeeze %dma_wait3A_713 : memref<1x8x1x8x128xf32, #tpu.memory_space<hbm>> -> memref<8x8x128xf32, #tpu.memory_space<hbm>>
      %dma_wait3A_715 = arith.constant 0 : i32
      %dma_wait3A_716 = arith.constant 0 : i32
      %dma_wait3A_717 = arith.constant 0 : i32
      %dma_wait3A_718 = tpu.memref_slice %arg5[%dma_wait3A_704, %dma_wait3A_715, %dma_wait3A_705, %dma_wait3A_716, %dma_wait3A_717] : memref<200x8x32x8x128xf32, #tpu.memory_space<hbm>> -> memref<1x8x1x8x128xf32, #tpu.memory_space<hbm>>
      %dma_wait3A_719 = tpu.memref_squeeze %dma_wait3A_718 : memref<1x8x1x8x128xf32, #tpu.memory_space<hbm>> -> memref<8x8x128xf32, #tpu.memory_space<hbm>>
      %dma_wait3A_720 = arith.constant 0 : i32
      %dma_wait3A_721 = arith.constant 0 : i32
      %dma_wait3A_722 = arith.constant 0 : i32
      %dma_wait3A_723 = tpu.memref_slice %arg11[%dma_wait3A_720, %dma_wait3A_721, %dma_wait3A_722] : memref<8x8x129xf32, #tpu.memory_space<vmem>> -> memref<8x8x128xf32, #tpu.memory_space<vmem>>
      tpu.wait_dma2 semaphore(%arg17 : memref<!tpu.dma_semaphore, #tpu.memory_space<semaphore_mem>>) src(%dma_wait3A_723 : memref<8x8x128xf32, #tpu.memory_space<vmem>>) dst(%dma_wait3A_719 : memref<8x8x128xf32, #tpu.memory_space<hbm>>)
      %get3A_724 = arith.index_cast %add3A_697 : i32 to index
      %get3A_725 = arith.constant 0 : index
      %get3A_726 = tpu.vector_load %arg12[%get3A_724, %get3A_725] {strides = array<i32>} : memref<200x64xf32, #tpu.memory_space<vmem>>, vector<16xf32>,
      %get3A_727 = arith.index_cast %add3A_697 : i32 to index
      %get3A_728 = arith.constant 16 : index
      %get3A_729 = tpu.vector_load %arg12[%get3A_727, %get3A_728] {strides = array<i32>} : memref<200x64xf32, #tpu.memory_space<vmem>>, vector<16xf32>,
      %get3A_730 = arith.index_cast %add3A_697 : i32 to index
      %get3A_731 = arith.constant 32 : index
      %get3A_732 = tpu.vector_load %arg12[%get3A_730, %get3A_731] {strides = array<i32>} : memref<200x64xf32, #tpu.memory_space<vmem>>, vector<16xf32>,
      %get3A_733 = arith.index_cast %add3A_697 : i32 to index
      %get3A_734 = arith.constant 48 : index
      %get3A_735 = tpu.vector_load %arg12[%get3A_733, %get3A_734] {strides = array<i32>} : memref<200x64xf32, #tpu.memory_space<vmem>>, vector<16xf32>,
      %parallel_loop3A_736 = arith.constant 0 : i32
      %parallel_loop3A_737 = arith.constant 128 : i32
      %parallel_loop3A_738 = arith.constant 1 : i32
      scf.for %parallel_loop3A_1057 = %parallel_loop3A_736 to %parallel_loop3A_737 step %parallel_loop3A_738  : i32 {
        %parallel_loop3A_1058 = vector.broadcast %parallel_loop3A_1057 : i32 to vector<16xi32>
        %parallel_loop3A_1059 = arith.index_cast %parallel_loop3A_1057 : i32 to index
        %parallel_loop3A_1060 = arith.constant 0 : index
        %parallel_loop3A_1061 = tpu.vector_load %arg7[%parallel_loop3A_1059, %parallel_loop3A_1060] {strides = array<i32>} : memref<128x64xf32, #tpu.memory_space<vmem>>, vector<16xf32>,
        %parallel_loop3A_1062 = arith.addf %parallel_loop3A_1061, %get3A_726 : vector<16xf32>
        tpu.vector_store_idx %arg11[%shift_right_logical3A_7, %and3A_30, %parallel_loop3A_1058], %parallel_loop3A_1062 : memref<8x8x129xf32, #tpu.memory_space<vmem>>[vector<16xi32>, vector<16xi32>, vector<16xi32>], vector<16xf32>,
        %parallel_loop3A_1063 = arith.index_cast %parallel_loop3A_1057 : i32 to index
        %parallel_loop3A_1064 = arith.constant 16 : index
        %parallel_loop3A_1065 = tpu.vector_load %arg7[%parallel_loop3A_1063, %parallel_loop3A_1064] {strides = array<i32>} : memref<128x64xf32, #tpu.memory_space<vmem>>, vector<16xf32>,
        %parallel_loop3A_1066 = arith.addf %parallel_loop3A_1065, %get3A_729 : vector<16xf32>
        tpu.vector_store_idx %arg11[%shift_right_logical3A_13, %and3A_36, %parallel_loop3A_1058], %parallel_loop3A_1066 : memref<8x8x129xf32, #tpu.memory_space<vmem>>[vector<16xi32>, vector<16xi32>, vector<16xi32>], vector<16xf32>,
        %parallel_loop3A_1067 = arith.index_cast %parallel_loop3A_1057 : i32 to index
        %parallel_loop3A_1068 = arith.constant 32 : index
        %parallel_loop3A_1069 = tpu.vector_load %arg7[%parallel_loop3A_1067, %parallel_loop3A_1068] {strides = array<i32>} : memref<128x64xf32, #tpu.memory_space<vmem>>, vector<16xf32>,
        %parallel_loop3A_1070 = arith.addf %parallel_loop3A_1069, %get3A_732 : vector<16xf32>
        tpu.vector_store_idx %arg11[%shift_right_logical3A_19, %and3A_42, %parallel_loop3A_1058], %parallel_loop3A_1070 : memref<8x8x129xf32, #tpu.memory_space<vmem>>[vector<16xi32>, vector<16xi32>, vector<16xi32>], vector<16xf32>,
        %parallel_loop3A_1071 = arith.index_cast %parallel_loop3A_1057 : i32 to index
        %parallel_loop3A_1072 = arith.constant 48 : index
        %parallel_loop3A_1073 = tpu.vector_load %arg7[%parallel_loop3A_1071, %parallel_loop3A_1072] {strides = array<i32>} : memref<128x64xf32, #tpu.memory_space<vmem>>, vector<16xf32>,
        %parallel_loop3A_1074 = arith.addf %parallel_loop3A_1073, %get3A_735 : vector<16xf32>
        tpu.vector_store_idx %arg11[%shift_right_logical3A_25, %and3A_48, %parallel_loop3A_1058], %parallel_loop3A_1074 : memref<8x8x129xf32, #tpu.memory_space<vmem>>[vector<16xi32>, vector<16xi32>, vector<16xi32>], vector<16xf32>,
      } {sc.loop_unroll_factor = 4 : i64, sc.parallel_access}
      %dma_start3A_739 = arith.constant 0 : i32
      %dma_start3A_740 = arith.constant 0 : i32
      %dma_start3A_741 = arith.constant 0 : i32
      %dma_start3A_742 = tpu.memref_slice %arg11[%dma_start3A_739, %dma_start3A_740, %dma_start3A_741] : memref<8x8x129xf32, #tpu.memory_space<vmem>> -> memref<8x8x128xf32, #tpu.memory_space<vmem>>
      %dma_start3A_743 = arith.constant 0 : i32
      %dma_start3A_744 = arith.constant 0 : i32
      %dma_start3A_745 = arith.constant 0 : i32
      %dma_start3A_746 = tpu.memref_slice %arg5[%add3A_697, %dma_start3A_743, %add3A, %dma_start3A_744, %dma_start3A_745] : memref<200x8x32x8x128xf32, #tpu.memory_space<hbm>> -> memref<1x8x1x8x128xf32, #tpu.memory_space<hbm>>
      %dma_start3A_747 = tpu.memref_squeeze %dma_start3A_746 : memref<1x8x1x8x128xf32, #tpu.memory_space<hbm>> -> memref<8x8x128xf32, #tpu.memory_space<hbm>>
      %dma_start3A_748 = arith.constant 0 : i32
      %dma_start3A_749 = arith.constant 0 : i32
      %dma_start3A_750 = arith.constant 0 : i32
      %dma_start3A_751 = tpu.memref_slice %arg5[%add3A_697, %dma_start3A_748, %add3A, %dma_start3A_749, %dma_start3A_750] : memref<200x8x32x8x128xf32, #tpu.memory_space<hbm>> -> memref<1x8x1x8x128xf32, #tpu.memory_space<hbm>>
      %dma_start3A_752 = tpu.memref_squeeze %dma_start3A_751 : memref<1x8x1x8x128xf32, #tpu.memory_space<hbm>> -> memref<8x8x128xf32, #tpu.memory_space<hbm>>
      %dma_start3A_753 = arith.constant 0 : i32
      %dma_start3A_754 = arith.constant 0 : i32
      %dma_start3A_755 = arith.constant 0 : i32
      %dma_start3A_756 = tpu.memref_slice %arg11[%dma_start3A_753, %dma_start3A_754, %dma_start3A_755] : memref<8x8x129xf32, #tpu.memory_space<vmem>> -> memref<8x8x128xf32, #tpu.memory_space<vmem>>
      tpu.enqueue_dma source(%dma_start3A_756 : memref<8x8x128xf32, #tpu.memory_space<vmem>>) target(%dma_start3A_752 : memref<8x8x128xf32, #tpu.memory_space<hbm>>) target_semaphore(%arg17 : memref<!tpu.dma_semaphore, #tpu.memory_space<semaphore_mem>>)
      %add3A_757 = arith.constant 2 : i32
      %add3A_758 = arith.addi %add3A_697, %add3A_757 : i32
      %dma_start3A_759 = arith.constant 0 : i32
      %dma_start3A_760 = tpu.memref_slice %arg6[%add3A_758, %dma_start3A_759] : memref<200x128xi32, #tpu.memory_space<vmem>> -> memref<1x128xi32, #tpu.memory_space<vmem>>
      %dma_start3A_761 = tpu.memref_squeeze %dma_start3A_760 : memref<1x128xi32, #tpu.memory_space<vmem>> -> memref<128xi32, #tpu.memory_space<vmem>>
      %dma_start3A_762 = arith.constant 0 : i32
      %dma_start3A_763 = arith.constant 0 : i32
      %dma_start3A_764 = tpu.memref_slice %arg3[%dma_start3A_762, %dma_start3A_763] : memref<100000x64xf32, #tpu.memory_space<hbm>> -> memref<100000x64xf32, #tpu.memory_space<hbm>>
      tpu.enqueue_indirect_dma source(%dma_start3A_764 : memref<100000x64xf32, #tpu.memory_space<hbm>>) target(%arg9 : memref<128x64xf32, #tpu.memory_space<vmem>>) offsets(%dma_start3A_761 : memref<128xi32, #tpu.memory_space<vmem>>) semaphore(%arg15 : memref<!tpu.dma_semaphore, #tpu.memory_space<semaphore_mem>>)
      %mul3A_765 = arith.constant 6 : i32
      %mul3A_766 = arith.muli %scan3A_618, %mul3A_765 : i32
      %add3A_767 = arith.constant 2 : i32
      %add3A_768 = arith.addi %add3A_767, %mul3A_766 : i32
      %add3A_769 = arith.constant 2 : i32
      %add3A_770 = arith.addi %add3A_768, %add3A_769 : i32
      %dma_wait3A_771 = arith.constant 0 : i32
      %dma_wait3A_772 = arith.constant 0 : i32
      %dma_wait3A_773 = tpu.memref_slice %arg3[%dma_wait3A_771, %dma_wait3A_772] : memref<100000x64xf32, #tpu.memory_space<hbm>> -> memref<128x64xf32, #tpu.memory_space<hbm>>
      %dma_wait3A_774 = arith.constant 0 : i32
      %dma_wait3A_775 = arith.constant 0 : i32
      %dma_wait3A_776 = tpu.memref_slice %arg3[%dma_wait3A_774, %dma_wait3A_775] : memref<100000x64xf32, #tpu.memory_space<hbm>> -> memref<128x64xf32, #tpu.memory_space<hbm>>
      tpu.wait_dma2 semaphore(%arg14 : memref<!tpu.dma_semaphore, #tpu.memory_space<semaphore_mem>>) src(%dma_wait3A_776 : memref<128x64xf32, #tpu.memory_space<hbm>>) dst(%arg8 : memref<128x64xf32, #tpu.memory_space<vmem>>)
      %dma_wait3A_777 = arith.constant 0 : i32
      %dma_wait3A_778 = arith.constant 0 : i32
      %dma_wait3A_779 = arith.constant 0 : i32
      %dma_wait3A_780 = arith.constant 0 : i32
      %dma_wait3A_781 = arith.constant 0 : i32
      %dma_wait3A_782 = tpu.memref_slice %arg10[%dma_wait3A_779, %dma_wait3A_780, %dma_wait3A_781] : memref<8x8x129xf32, #tpu.memory_space<vmem>> -> memref<8x8x128xf32, #tpu.memory_space<vmem>>
      %dma_wait3A_783 = arith.constant 0 : i32
      %dma_wait3A_784 = arith.constant 0 : i32
      %dma_wait3A_785 = arith.constant 0 : i32
      %dma_wait3A_786 = tpu.memref_slice %arg5[%dma_wait3A_777, %dma_wait3A_783, %dma_wait3A_778, %dma_wait3A_784, %dma_wait3A_785] : memref<200x8x32x8x128xf32, #tpu.memory_space<hbm>> -> memref<1x8x1x8x128xf32, #tpu.memory_space<hbm>>
      %dma_wait3A_787 = tpu.memref_squeeze %dma_wait3A_786 : memref<1x8x1x8x128xf32, #tpu.memory_space<hbm>> -> memref<8x8x128xf32, #tpu.memory_space<hbm>>
      %dma_wait3A_788 = arith.constant 0 : i32
      %dma_wait3A_789 = arith.constant 0 : i32
      %dma_wait3A_790 = arith.constant 0 : i32
      %dma_wait3A_791 = tpu.memref_slice %arg5[%dma_wait3A_777, %dma_wait3A_788, %dma_wait3A_778, %dma_wait3A_789, %dma_wait3A_790] : memref<200x8x32x8x128xf32, #tpu.memory_space<hbm>> -> memref<1x8x1x8x128xf32, #tpu.memory_space<hbm>>
      %dma_wait3A_792 = tpu.memref_squeeze %dma_wait3A_791 : memref<1x8x1x8x128xf32, #tpu.memory_space<hbm>> -> memref<8x8x128xf32, #tpu.memory_space<hbm>>
      %dma_wait3A_793 = arith.constant 0 : i32
      %dma_wait3A_794 = arith.constant 0 : i32
      %dma_wait3A_795 = arith.constant 0 : i32
      %dma_wait3A_796 = tpu.memref_slice %arg10[%dma_wait3A_793, %dma_wait3A_794, %dma_wait3A_795] : memref<8x8x129xf32, #tpu.memory_space<vmem>> -> memref<8x8x128xf32, #tpu.memory_space<vmem>>
      tpu.wait_dma2 semaphore(%arg16 : memref<!tpu.dma_semaphore, #tpu.memory_space<semaphore_mem>>) src(%dma_wait3A_796 : memref<8x8x128xf32, #tpu.memory_space<vmem>>) dst(%dma_wait3A_792 : memref<8x8x128xf32, #tpu.memory_space<hbm>>)
      %get3A_797 = arith.index_cast %add3A_770 : i32 to index
      %get3A_798 = arith.constant 0 : index
      %get3A_799 = tpu.vector_load %arg12[%get3A_797, %get3A_798] {strides = array<i32>} : memref<200x64xf32, #tpu.memory_space<vmem>>, vector<16xf32>,
      %get3A_800 = arith.index_cast %add3A_770 : i32 to index
      %get3A_801 = arith.constant 16 : index
      %get3A_802 = tpu.vector_load %arg12[%get3A_800, %get3A_801] {strides = array<i32>} : memref<200x64xf32, #tpu.memory_space<vmem>>, vector<16xf32>,
      %get3A_803 = arith.index_cast %add3A_770 : i32 to index
      %get3A_804 = arith.constant 32 : index
      %get3A_805 = tpu.vector_load %arg12[%get3A_803, %get3A_804] {strides = array<i32>} : memref<200x64xf32, #tpu.memory_space<vmem>>, vector<16xf32>,
      %get3A_806 = arith.index_cast %add3A_770 : i32 to index
      %get3A_807 = arith.constant 48 : index
      %get3A_808 = tpu.vector_load %arg12[%get3A_806, %get3A_807] {strides = array<i32>} : memref<200x64xf32, #tpu.memory_space<vmem>>, vector<16xf32>,
      %parallel_loop3A_809 = arith.constant 0 : i32
      %parallel_loop3A_810 = arith.constant 128 : i32
      %parallel_loop3A_811 = arith.constant 1 : i32
      scf.for %parallel_loop3A_1057 = %parallel_loop3A_809 to %parallel_loop3A_810 step %parallel_loop3A_811  : i32 {
        %parallel_loop3A_1058 = vector.broadcast %parallel_loop3A_1057 : i32 to vector<16xi32>
        %parallel_loop3A_1059 = arith.index_cast %parallel_loop3A_1057 : i32 to index
        %parallel_loop3A_1060 = arith.constant 0 : index
        %parallel_loop3A_1061 = tpu.vector_load %arg8[%parallel_loop3A_1059, %parallel_loop3A_1060] {strides = array<i32>} : memref<128x64xf32, #tpu.memory_space<vmem>>, vector<16xf32>,
        %parallel_loop3A_1062 = arith.addf %parallel_loop3A_1061, %get3A_799 : vector<16xf32>
        tpu.vector_store_idx %arg10[%shift_right_logical3A_7, %and3A_30, %parallel_loop3A_1058], %parallel_loop3A_1062 : memref<8x8x129xf32, #tpu.memory_space<vmem>>[vector<16xi32>, vector<16xi32>, vector<16xi32>], vector<16xf32>,
        %parallel_loop3A_1063 = arith.index_cast %parallel_loop3A_1057 : i32 to index
        %parallel_loop3A_1064 = arith.constant 16 : index
        %parallel_loop3A_1065 = tpu.vector_load %arg8[%parallel_loop3A_1063, %parallel_loop3A_1064] {strides = array<i32>} : memref<128x64xf32, #tpu.memory_space<vmem>>, vector<16xf32>,
        %parallel_loop3A_1066 = arith.addf %parallel_loop3A_1065, %get3A_802 : vector<16xf32>
        tpu.vector_store_idx %arg10[%shift_right_logical3A_13, %and3A_36, %parallel_loop3A_1058], %parallel_loop3A_1066 : memref<8x8x129xf32, #tpu.memory_space<vmem>>[vector<16xi32>, vector<16xi32>, vector<16xi32>], vector<16xf32>,
        %parallel_loop3A_1067 = arith.index_cast %parallel_loop3A_1057 : i32 to index
        %parallel_loop3A_1068 = arith.constant 32 : index
        %parallel_loop3A_1069 = tpu.vector_load %arg8[%parallel_loop3A_1067, %parallel_loop3A_1068] {strides = array<i32>} : memref<128x64xf32, #tpu.memory_space<vmem>>, vector<16xf32>,
        %parallel_loop3A_1070 = arith.addf %parallel_loop3A_1069, %get3A_805 : vector<16xf32>
        tpu.vector_store_idx %arg10[%shift_right_logical3A_19, %and3A_42, %parallel_loop3A_1058], %parallel_loop3A_1070 : memref<8x8x129xf32, #tpu.memory_space<vmem>>[vector<16xi32>, vector<16xi32>, vector<16xi32>], vector<16xf32>,
        %parallel_loop3A_1071 = arith.index_cast %parallel_loop3A_1057 : i32 to index
        %parallel_loop3A_1072 = arith.constant 48 : index
        %parallel_loop3A_1073 = tpu.vector_load %arg8[%parallel_loop3A_1071, %parallel_loop3A_1072] {strides = array<i32>} : memref<128x64xf32, #tpu.memory_space<vmem>>, vector<16xf32>,
        %parallel_loop3A_1074 = arith.addf %parallel_loop3A_1073, %get3A_808 : vector<16xf32>
        tpu.vector_store_idx %arg10[%shift_right_logical3A_25, %and3A_48, %parallel_loop3A_1058], %parallel_loop3A_1074 : memref<8x8x129xf32, #tpu.memory_space<vmem>>[vector<16xi32>, vector<16xi32>, vector<16xi32>], vector<16xf32>,
      } {sc.loop_unroll_factor = 4 : i64, sc.parallel_access}
      %dma_start3A_812 = arith.constant 0 : i32
      %dma_start3A_813 = arith.constant 0 : i32
      %dma_start3A_814 = arith.constant 0 : i32
      %dma_start3A_815 = tpu.memref_slice %arg10[%dma_start3A_812, %dma_start3A_813, %dma_start3A_814] : memref<8x8x129xf32, #tpu.memory_space<vmem>> -> memref<8x8x128xf32, #tpu.memory_space<vmem>>
      %dma_start3A_816 = arith.constant 0 : i32
      %dma_start3A_817 = arith.constant 0 : i32
      %dma_start3A_818 = arith.constant 0 : i32
      %dma_start3A_819 = tpu.memref_slice %arg5[%add3A_770, %dma_start3A_816, %add3A, %dma_start3A_817, %dma_start3A_818] : memref<200x8x32x8x128xf32, #tpu.memory_space<hbm>> -> memref<1x8x1x8x128xf32, #tpu.memory_space<hbm>>
      %dma_start3A_820 = tpu.memref_squeeze %dma_start3A_819 : memref<1x8x1x8x128xf32, #tpu.memory_space<hbm>> -> memref<8x8x128xf32, #tpu.memory_space<hbm>>
      %dma_start3A_821 = arith.constant 0 : i32
      %dma_start3A_822 = arith.constant 0 : i32
      %dma_start3A_823 = arith.constant 0 : i32
      %dma_start3A_824 = tpu.memref_slice %arg5[%add3A_770, %dma_start3A_821, %add3A, %dma_start3A_822, %dma_start3A_823] : memref<200x8x32x8x128xf32, #tpu.memory_space<hbm>> -> memref<1x8x1x8x128xf32, #tpu.memory_space<hbm>>
      %dma_start3A_825 = tpu.memref_squeeze %dma_start3A_824 : memref<1x8x1x8x128xf32, #tpu.memory_space<hbm>> -> memref<8x8x128xf32, #tpu.memory_space<hbm>>
      %dma_start3A_826 = arith.constant 0 : i32
      %dma_start3A_827 = arith.constant 0 : i32
      %dma_start3A_828 = arith.constant 0 : i32
      %dma_start3A_829 = tpu.memref_slice %arg10[%dma_start3A_826, %dma_start3A_827, %dma_start3A_828] : memref<8x8x129xf32, #tpu.memory_space<vmem>> -> memref<8x8x128xf32, #tpu.memory_space<vmem>>
      tpu.enqueue_dma source(%dma_start3A_829 : memref<8x8x128xf32, #tpu.memory_space<vmem>>) target(%dma_start3A_825 : memref<8x8x128xf32, #tpu.memory_space<hbm>>) target_semaphore(%arg16 : memref<!tpu.dma_semaphore, #tpu.memory_space<semaphore_mem>>)
      %add3A_830 = arith.constant 2 : i32
      %add3A_831 = arith.addi %add3A_770, %add3A_830 : i32
      %dma_start3A_832 = arith.constant 0 : i32
      %dma_start3A_833 = tpu.memref_slice %arg6[%add3A_831, %dma_start3A_832] : memref<200x128xi32, #tpu.memory_space<vmem>> -> memref<1x128xi32, #tpu.memory_space<vmem>>
      %dma_start3A_834 = tpu.memref_squeeze %dma_start3A_833 : memref<1x128xi32, #tpu.memory_space<vmem>> -> memref<128xi32, #tpu.memory_space<vmem>>
      %dma_start3A_835 = arith.constant 0 : i32
      %dma_start3A_836 = arith.constant 0 : i32
      %dma_start3A_837 = tpu.memref_slice %arg3[%dma_start3A_835, %dma_start3A_836] : memref<100000x64xf32, #tpu.memory_space<hbm>> -> memref<100000x64xf32, #tpu.memory_space<hbm>>
      tpu.enqueue_indirect_dma source(%dma_start3A_837 : memref<100000x64xf32, #tpu.memory_space<hbm>>) target(%arg7 : memref<128x64xf32, #tpu.memory_space<vmem>>) offsets(%dma_start3A_834 : memref<128xi32, #tpu.memory_space<vmem>>) semaphore(%arg13 : memref<!tpu.dma_semaphore, #tpu.memory_space<semaphore_mem>>)
      %mul3A_838 = arith.constant 6 : i32
      %mul3A_839 = arith.muli %scan3A_618, %mul3A_838 : i32
      %add3A_840 = arith.constant 2 : i32
      %add3A_841 = arith.addi %add3A_840, %mul3A_839 : i32
      %add3A_842 = arith.constant 3 : i32
      %add3A_843 = arith.addi %add3A_841, %add3A_842 : i32
      %dma_wait3A_844 = arith.constant 0 : i32
      %dma_wait3A_845 = arith.constant 0 : i32
      %dma_wait3A_846 = tpu.memref_slice %arg3[%dma_wait3A_844, %dma_wait3A_845] : memref<100000x64xf32, #tpu.memory_space<hbm>> -> memref<128x64xf32, #tpu.memory_space<hbm>>
      %dma_wait3A_847 = arith.constant 0 : i32
      %dma_wait3A_848 = arith.constant 0 : i32
      %dma_wait3A_849 = tpu.memref_slice %arg3[%dma_wait3A_847, %dma_wait3A_848] : memref<100000x64xf32, #tpu.memory_space<hbm>> -> memref<128x64xf32, #tpu.memory_space<hbm>>
      tpu.wait_dma2 semaphore(%arg15 : memref<!tpu.dma_semaphore, #tpu.memory_space<semaphore_mem>>) src(%dma_wait3A_849 : memref<128x64xf32, #tpu.memory_space<hbm>>) dst(%arg9 : memref<128x64xf32, #tpu.memory_space<vmem>>)
      %dma_wait3A_850 = arith.constant 0 : i32
      %dma_wait3A_851 = arith.constant 0 : i32
      %dma_wait3A_852 = arith.constant 0 : i32
      %dma_wait3A_853 = arith.constant 0 : i32
      %dma_wait3A_854 = arith.constant 0 : i32
      %dma_wait3A_855 = tpu.memref_slice %arg11[%dma_wait3A_852, %dma_wait3A_853, %dma_wait3A_854] : memref<8x8x129xf32, #tpu.memory_space<vmem>> -> memref<8x8x128xf32, #tpu.memory_space<vmem>>
      %dma_wait3A_856 = arith.constant 0 : i32
      %dma_wait3A_857 = arith.constant 0 : i32
      %dma_wait3A_858 = arith.constant 0 : i32
      %dma_wait3A_859 = tpu.memref_slice %arg5[%dma_wait3A_850, %dma_wait3A_856, %dma_wait3A_851, %dma_wait3A_857, %dma_wait3A_858] : memref<200x8x32x8x128xf32, #tpu.memory_space<hbm>> -> memref<1x8x1x8x128xf32, #tpu.memory_space<hbm>>
      %dma_wait3A_860 = tpu.memref_squeeze %dma_wait3A_859 : memref<1x8x1x8x128xf32, #tpu.memory_space<hbm>> -> memref<8x8x128xf32, #tpu.memory_space<hbm>>
      %dma_wait3A_861 = arith.constant 0 : i32
      %dma_wait3A_862 = arith.constant 0 : i32
      %dma_wait3A_863 = arith.constant 0 : i32
      %dma_wait3A_864 = tpu.memref_slice %arg5[%dma_wait3A_850, %dma_wait3A_861, %dma_wait3A_851, %dma_wait3A_862, %dma_wait3A_863] : memref<200x8x32x8x128xf32, #tpu.memory_space<hbm>> -> memref<1x8x1x8x128xf32, #tpu.memory_space<hbm>>
      %dma_wait3A_865 = tpu.memref_squeeze %dma_wait3A_864 : memref<1x8x1x8x128xf32, #tpu.memory_space<hbm>> -> memref<8x8x128xf32, #tpu.memory_space<hbm>>
      %dma_wait3A_866 = arith.constant 0 : i32
      %dma_wait3A_867 = arith.constant 0 : i32
      %dma_wait3A_868 = arith.constant 0 : i32
      %dma_wait3A_869 = tpu.memref_slice %arg11[%dma_wait3A_866, %dma_wait3A_867, %dma_wait3A_868] : memref<8x8x129xf32, #tpu.memory_space<vmem>> -> memref<8x8x128xf32, #tpu.memory_space<vmem>>
      tpu.wait_dma2 semaphore(%arg17 : memref<!tpu.dma_semaphore, #tpu.memory_space<semaphore_mem>>) src(%dma_wait3A_869 : memref<8x8x128xf32, #tpu.memory_space<vmem>>) dst(%dma_wait3A_865 : memref<8x8x128xf32, #tpu.memory_space<hbm>>)
      %get3A_870 = arith.index_cast %add3A_843 : i32 to index
      %get3A_871 = arith.constant 0 : index
      %get3A_872 = tpu.vector_load %arg12[%get3A_870, %get3A_871] {strides = array<i32>} : memref<200x64xf32, #tpu.memory_space<vmem>>, vector<16xf32>,
      %get3A_873 = arith.index_cast %add3A_843 : i32 to index
      %get3A_874 = arith.constant 16 : index
      %get3A_875 = tpu.vector_load %arg12[%get3A_873, %get3A_874] {strides = array<i32>} : memref<200x64xf32, #tpu.memory_space<vmem>>, vector<16xf32>,
      %get3A_876 = arith.index_cast %add3A_843 : i32 to index
      %get3A_877 = arith.constant 32 : index
      %get3A_878 = tpu.vector_load %arg12[%get3A_876, %get3A_877] {strides = array<i32>} : memref<200x64xf32, #tpu.memory_space<vmem>>, vector<16xf32>,
      %get3A_879 = arith.index_cast %add3A_843 : i32 to index
      %get3A_880 = arith.constant 48 : index
      %get3A_881 = tpu.vector_load %arg12[%get3A_879, %get3A_880] {strides = array<i32>} : memref<200x64xf32, #tpu.memory_space<vmem>>, vector<16xf32>,
      %parallel_loop3A_882 = arith.constant 0 : i32
      %parallel_loop3A_883 = arith.constant 128 : i32
      %parallel_loop3A_884 = arith.constant 1 : i32
      scf.for %parallel_loop3A_1057 = %parallel_loop3A_882 to %parallel_loop3A_883 step %parallel_loop3A_884  : i32 {
        %parallel_loop3A_1058 = vector.broadcast %parallel_loop3A_1057 : i32 to vector<16xi32>
        %parallel_loop3A_1059 = arith.index_cast %parallel_loop3A_1057 : i32 to index
        %parallel_loop3A_1060 = arith.constant 0 : index
        %parallel_loop3A_1061 = tpu.vector_load %arg9[%parallel_loop3A_1059, %parallel_loop3A_1060] {strides = array<i32>} : memref<128x64xf32, #tpu.memory_space<vmem>>, vector<16xf32>,
        %parallel_loop3A_1062 = arith.addf %parallel_loop3A_1061, %get3A_872 : vector<16xf32>
        tpu.vector_store_idx %arg11[%shift_right_logical3A_7, %and3A_30, %parallel_loop3A_1058], %parallel_loop3A_1062 : memref<8x8x129xf32, #tpu.memory_space<vmem>>[vector<16xi32>, vector<16xi32>, vector<16xi32>], vector<16xf32>,
        %parallel_loop3A_1063 = arith.index_cast %parallel_loop3A_1057 : i32 to index
        %parallel_loop3A_1064 = arith.constant 16 : index
        %parallel_loop3A_1065 = tpu.vector_load %arg9[%parallel_loop3A_1063, %parallel_loop3A_1064] {strides = array<i32>} : memref<128x64xf32, #tpu.memory_space<vmem>>, vector<16xf32>,
        %parallel_loop3A_1066 = arith.addf %parallel_loop3A_1065, %get3A_875 : vector<16xf32>
        tpu.vector_store_idx %arg11[%shift_right_logical3A_13, %and3A_36, %parallel_loop3A_1058], %parallel_loop3A_1066 : memref<8x8x129xf32, #tpu.memory_space<vmem>>[vector<16xi32>, vector<16xi32>, vector<16xi32>], vector<16xf32>,
        %parallel_loop3A_1067 = arith.index_cast %parallel_loop3A_1057 : i32 to index
        %parallel_loop3A_1068 = arith.constant 32 : index
        %parallel_loop3A_1069 = tpu.vector_load %arg9[%parallel_loop3A_1067, %parallel_loop3A_1068] {strides = array<i32>} : memref<128x64xf32, #tpu.memory_space<vmem>>, vector<16xf32>,
        %parallel_loop3A_1070 = arith.addf %parallel_loop3A_1069, %get3A_878 : vector<16xf32>
        tpu.vector_store_idx %arg11[%shift_right_logical3A_19, %and3A_42, %parallel_loop3A_1058], %parallel_loop3A_1070 : memref<8x8x129xf32, #tpu.memory_space<vmem>>[vector<16xi32>, vector<16xi32>, vector<16xi32>], vector<16xf32>,
        %parallel_loop3A_1071 = arith.index_cast %parallel_loop3A_1057 : i32 to index
        %parallel_loop3A_1072 = arith.constant 48 : index
        %parallel_loop3A_1073 = tpu.vector_load %arg9[%parallel_loop3A_1071, %parallel_loop3A_1072] {strides = array<i32>} : memref<128x64xf32, #tpu.memory_space<vmem>>, vector<16xf32>,
        %parallel_loop3A_1074 = arith.addf %parallel_loop3A_1073, %get3A_881 : vector<16xf32>
        tpu.vector_store_idx %arg11[%shift_right_logical3A_25, %and3A_48, %parallel_loop3A_1058], %parallel_loop3A_1074 : memref<8x8x129xf32, #tpu.memory_space<vmem>>[vector<16xi32>, vector<16xi32>, vector<16xi32>], vector<16xf32>,
      } {sc.loop_unroll_factor = 4 : i64, sc.parallel_access}
      %dma_start3A_885 = arith.constant 0 : i32
      %dma_start3A_886 = arith.constant 0 : i32
      %dma_start3A_887 = arith.constant 0 : i32
      %dma_start3A_888 = tpu.memref_slice %arg11[%dma_start3A_885, %dma_start3A_886, %dma_start3A_887] : memref<8x8x129xf32, #tpu.memory_space<vmem>> -> memref<8x8x128xf32, #tpu.memory_space<vmem>>
      %dma_start3A_889 = arith.constant 0 : i32
      %dma_start3A_890 = arith.constant 0 : i32
      %dma_start3A_891 = arith.constant 0 : i32
      %dma_start3A_892 = tpu.memref_slice %arg5[%add3A_843, %dma_start3A_889, %add3A, %dma_start3A_890, %dma_start3A_891] : memref<200x8x32x8x128xf32, #tpu.memory_space<hbm>> -> memref<1x8x1x8x128xf32, #tpu.memory_space<hbm>>
      %dma_start3A_893 = tpu.memref_squeeze %dma_start3A_892 : memref<1x8x1x8x128xf32, #tpu.memory_space<hbm>> -> memref<8x8x128xf32, #tpu.memory_space<hbm>>
      %dma_start3A_894 = arith.constant 0 : i32
      %dma_start3A_895 = arith.constant 0 : i32
      %dma_start3A_896 = arith.constant 0 : i32
      %dma_start3A_897 = tpu.memref_slice %arg5[%add3A_843, %dma_start3A_894, %add3A, %dma_start3A_895, %dma_start3A_896] : memref<200x8x32x8x128xf32, #tpu.memory_space<hbm>> -> memref<1x8x1x8x128xf32, #tpu.memory_space<hbm>>
      %dma_start3A_898 = tpu.memref_squeeze %dma_start3A_897 : memref<1x8x1x8x128xf32, #tpu.memory_space<hbm>> -> memref<8x8x128xf32, #tpu.memory_space<hbm>>
      %dma_start3A_899 = arith.constant 0 : i32
      %dma_start3A_900 = arith.constant 0 : i32
      %dma_start3A_901 = arith.constant 0 : i32
      %dma_start3A_902 = tpu.memref_slice %arg11[%dma_start3A_899, %dma_start3A_900, %dma_start3A_901] : memref<8x8x129xf32, #tpu.memory_space<vmem>> -> memref<8x8x128xf32, #tpu.memory_space<vmem>>
      tpu.enqueue_dma source(%dma_start3A_902 : memref<8x8x128xf32, #tpu.memory_space<vmem>>) target(%dma_start3A_898 : memref<8x8x128xf32, #tpu.memory_space<hbm>>) target_semaphore(%arg17 : memref<!tpu.dma_semaphore, #tpu.memory_space<semaphore_mem>>)
      %add3A_903 = arith.constant 2 : i32
      %add3A_904 = arith.addi %add3A_843, %add3A_903 : i32
      %dma_start3A_905 = arith.constant 0 : i32
      %dma_start3A_906 = tpu.memref_slice %arg6[%add3A_904, %dma_start3A_905] : memref<200x128xi32, #tpu.memory_space<vmem>> -> memref<1x128xi32, #tpu.memory_space<vmem>>
      %dma_start3A_907 = tpu.memref_squeeze %dma_start3A_906 : memref<1x128xi32, #tpu.memory_space<vmem>> -> memref<128xi32, #tpu.memory_space<vmem>>
      %dma_start3A_908 = arith.constant 0 : i32
      %dma_start3A_909 = arith.constant 0 : i32
      %dma_start3A_910 = tpu.memref_slice %arg3[%dma_start3A_908, %dma_start3A_909] : memref<100000x64xf32, #tpu.memory_space<hbm>> -> memref<100000x64xf32, #tpu.memory_space<hbm>>
      tpu.enqueue_indirect_dma source(%dma_start3A_910 : memref<100000x64xf32, #tpu.memory_space<hbm>>) target(%arg8 : memref<128x64xf32, #tpu.memory_space<vmem>>) offsets(%dma_start3A_907 : memref<128xi32, #tpu.memory_space<vmem>>) semaphore(%arg14 : memref<!tpu.dma_semaphore, #tpu.memory_space<semaphore_mem>>)
      %mul3A_911 = arith.constant 6 : i32
      %mul3A_912 = arith.muli %scan3A_618, %mul3A_911 : i32
      %add3A_913 = arith.constant 2 : i32
      %add3A_914 = arith.addi %add3A_913, %mul3A_912 : i32
      %add3A_915 = arith.constant 4 : i32
      %add3A_916 = arith.addi %add3A_914, %add3A_915 : i32
      %dma_wait3A_917 = arith.constant 0 : i32
      %dma_wait3A_918 = arith.constant 0 : i32
      %dma_wait3A_919 = tpu.memref_slice %arg3[%dma_wait3A_917, %dma_wait3A_918] : memref<100000x64xf32, #tpu.memory_space<hbm>> -> memref<128x64xf32, #tpu.memory_space<hbm>>
      %dma_wait3A_920 = arith.constant 0 : i32
      %dma_wait3A_921 = arith.constant 0 : i32
      %dma_wait3A_922 = tpu.memref_slice %arg3[%dma_wait3A_920, %dma_wait3A_921] : memref<100000x64xf32, #tpu.memory_space<hbm>> -> memref<128x64xf32, #tpu.memory_space<hbm>>
      tpu.wait_dma2 semaphore(%arg13 : memref<!tpu.dma_semaphore, #tpu.memory_space<semaphore_mem>>) src(%dma_wait3A_922 : memref<128x64xf32, #tpu.memory_space<hbm>>) dst(%arg7 : memref<128x64xf32, #tpu.memory_space<vmem>>)
      %dma_wait3A_923 = arith.constant 0 : i32
      %dma_wait3A_924 = arith.constant 0 : i32
      %dma_wait3A_925 = arith.constant 0 : i32
      %dma_wait3A_926 = arith.constant 0 : i32
      %dma_wait3A_927 = arith.constant 0 : i32
      %dma_wait3A_928 = tpu.memref_slice %arg10[%dma_wait3A_925, %dma_wait3A_926, %dma_wait3A_927] : memref<8x8x129xf32, #tpu.memory_space<vmem>> -> memref<8x8x128xf32, #tpu.memory_space<vmem>>
      %dma_wait3A_929 = arith.constant 0 : i32
      %dma_wait3A_930 = arith.constant 0 : i32
      %dma_wait3A_931 = arith.constant 0 : i32
      %dma_wait3A_932 = tpu.memref_slice %arg5[%dma_wait3A_923, %dma_wait3A_929, %dma_wait3A_924, %dma_wait3A_930, %dma_wait3A_931] : memref<200x8x32x8x128xf32, #tpu.memory_space<hbm>> -> memref<1x8x1x8x128xf32, #tpu.memory_space<hbm>>
      %dma_wait3A_933 = tpu.memref_squeeze %dma_wait3A_932 : memref<1x8x1x8x128xf32, #tpu.memory_space<hbm>> -> memref<8x8x128xf32, #tpu.memory_space<hbm>>
      %dma_wait3A_934 = arith.constant 0 : i32
      %dma_wait3A_935 = arith.constant 0 : i32
      %dma_wait3A_936 = arith.constant 0 : i32
      %dma_wait3A_937 = tpu.memref_slice %arg5[%dma_wait3A_923, %dma_wait3A_934, %dma_wait3A_924, %dma_wait3A_935, %dma_wait3A_936] : memref<200x8x32x8x128xf32, #tpu.memory_space<hbm>> -> memref<1x8x1x8x128xf32, #tpu.memory_space<hbm>>
      %dma_wait3A_938 = tpu.memref_squeeze %dma_wait3A_937 : memref<1x8x1x8x128xf32, #tpu.memory_space<hbm>> -> memref<8x8x128xf32, #tpu.memory_space<hbm>>
      %dma_wait3A_939 = arith.constant 0 : i32
      %dma_wait3A_940 = arith.constant 0 : i32
      %dma_wait3A_941 = arith.constant 0 : i32
      %dma_wait3A_942 = tpu.memref_slice %arg10[%dma_wait3A_939, %dma_wait3A_940, %dma_wait3A_941] : memref<8x8x129xf32, #tpu.memory_space<vmem>> -> memref<8x8x128xf32, #tpu.memory_space<vmem>>
      tpu.wait_dma2 semaphore(%arg16 : memref<!tpu.dma_semaphore, #tpu.memory_space<semaphore_mem>>) src(%dma_wait3A_942 : memref<8x8x128xf32, #tpu.memory_space<vmem>>) dst(%dma_wait3A_938 : memref<8x8x128xf32, #tpu.memory_space<hbm>>)
      %get3A_943 = arith.index_cast %add3A_916 : i32 to index
      %get3A_944 = arith.constant 0 : index
      %get3A_945 = tpu.vector_load %arg12[%get3A_943, %get3A_944] {strides = array<i32>} : memref<200x64xf32, #tpu.memory_space<vmem>>, vector<16xf32>,
      %get3A_946 = arith.index_cast %add3A_916 : i32 to index
      %get3A_947 = arith.constant 16 : index
      %get3A_948 = tpu.vector_load %arg12[%get3A_946, %get3A_947] {strides = array<i32>} : memref<200x64xf32, #tpu.memory_space<vmem>>, vector<16xf32>,
      %get3A_949 = arith.index_cast %add3A_916 : i32 to index
      %get3A_950 = arith.constant 32 : index
      %get3A_951 = tpu.vector_load %arg12[%get3A_949, %get3A_950] {strides = array<i32>} : memref<200x64xf32, #tpu.memory_space<vmem>>, vector<16xf32>,
      %get3A_952 = arith.index_cast %add3A_916 : i32 to index
      %get3A_953 = arith.constant 48 : index
      %get3A_954 = tpu.vector_load %arg12[%get3A_952, %get3A_953] {strides = array<i32>} : memref<200x64xf32, #tpu.memory_space<vmem>>, vector<16xf32>,
      %parallel_loop3A_955 = arith.constant 0 : i32
      %parallel_loop3A_956 = arith.constant 128 : i32
      %parallel_loop3A_957 = arith.constant 1 : i32
      scf.for %parallel_loop3A_1057 = %parallel_loop3A_955 to %parallel_loop3A_956 step %parallel_loop3A_957  : i32 {
        %parallel_loop3A_1058 = vector.broadcast %parallel_loop3A_1057 : i32 to vector<16xi32>
        %parallel_loop3A_1059 = arith.index_cast %parallel_loop3A_1057 : i32 to index
        %parallel_loop3A_1060 = arith.constant 0 : index
        %parallel_loop3A_1061 = tpu.vector_load %arg7[%parallel_loop3A_1059, %parallel_loop3A_1060] {strides = array<i32>} : memref<128x64xf32, #tpu.memory_space<vmem>>, vector<16xf32>,
        %parallel_loop3A_1062 = arith.addf %parallel_loop3A_1061, %get3A_945 : vector<16xf32>
        tpu.vector_store_idx %arg10[%shift_right_logical3A_7, %and3A_30, %parallel_loop3A_1058], %parallel_loop3A_1062 : memref<8x8x129xf32, #tpu.memory_space<vmem>>[vector<16xi32>, vector<16xi32>, vector<16xi32>], vector<16xf32>,
        %parallel_loop3A_1063 = arith.index_cast %parallel_loop3A_1057 : i32 to index
        %parallel_loop3A_1064 = arith.constant 16 : index
        %parallel_loop3A_1065 = tpu.vector_load %arg7[%parallel_loop3A_1063, %parallel_loop3A_1064] {strides = array<i32>} : memref<128x64xf32, #tpu.memory_space<vmem>>, vector<16xf32>,
        %parallel_loop3A_1066 = arith.addf %parallel_loop3A_1065, %get3A_948 : vector<16xf32>
        tpu.vector_store_idx %arg10[%shift_right_logical3A_13, %and3A_36, %parallel_loop3A_1058], %parallel_loop3A_1066 : memref<8x8x129xf32, #tpu.memory_space<vmem>>[vector<16xi32>, vector<16xi32>, vector<16xi32>], vector<16xf32>,
        %parallel_loop3A_1067 = arith.index_cast %parallel_loop3A_1057 : i32 to index
        %parallel_loop3A_1068 = arith.constant 32 : index
        %parallel_loop3A_1069 = tpu.vector_load %arg7[%parallel_loop3A_1067, %parallel_loop3A_1068] {strides = array<i32>} : memref<128x64xf32, #tpu.memory_space<vmem>>, vector<16xf32>,
        %parallel_loop3A_1070 = arith.addf %parallel_loop3A_1069, %get3A_951 : vector<16xf32>
        tpu.vector_store_idx %arg10[%shift_right_logical3A_19, %and3A_42, %parallel_loop3A_1058], %parallel_loop3A_1070 : memref<8x8x129xf32, #tpu.memory_space<vmem>>[vector<16xi32>, vector<16xi32>, vector<16xi32>], vector<16xf32>,
        %parallel_loop3A_1071 = arith.index_cast %parallel_loop3A_1057 : i32 to index
        %parallel_loop3A_1072 = arith.constant 48 : index
        %parallel_loop3A_1073 = tpu.vector_load %arg7[%parallel_loop3A_1071, %parallel_loop3A_1072] {strides = array<i32>} : memref<128x64xf32, #tpu.memory_space<vmem>>, vector<16xf32>,
        %parallel_loop3A_1074 = arith.addf %parallel_loop3A_1073, %get3A_954 : vector<16xf32>
        tpu.vector_store_idx %arg10[%shift_right_logical3A_25, %and3A_48, %parallel_loop3A_1058], %parallel_loop3A_1074 : memref<8x8x129xf32, #tpu.memory_space<vmem>>[vector<16xi32>, vector<16xi32>, vector<16xi32>], vector<16xf32>,
      } {sc.loop_unroll_factor = 4 : i64, sc.parallel_access}
      %dma_start3A_958 = arith.constant 0 : i32
      %dma_start3A_959 = arith.constant 0 : i32
      %dma_start3A_960 = arith.constant 0 : i32
      %dma_start3A_961 = tpu.memref_slice %arg10[%dma_start3A_958, %dma_start3A_959, %dma_start3A_960] : memref<8x8x129xf32, #tpu.memory_space<vmem>> -> memref<8x8x128xf32, #tpu.memory_space<vmem>>
      %dma_start3A_962 = arith.constant 0 : i32
      %dma_start3A_963 = arith.constant 0 : i32
      %dma_start3A_964 = arith.constant 0 : i32
      %dma_start3A_965 = tpu.memref_slice %arg5[%add3A_916, %dma_start3A_962, %add3A, %dma_start3A_963, %dma_start3A_964] : memref<200x8x32x8x128xf32, #tpu.memory_space<hbm>> -> memref<1x8x1x8x128xf32, #tpu.memory_space<hbm>>
      %dma_start3A_966 = tpu.memref_squeeze %dma_start3A_965 : memref<1x8x1x8x128xf32, #tpu.memory_space<hbm>> -> memref<8x8x128xf32, #tpu.memory_space<hbm>>
      %dma_start3A_967 = arith.constant 0 : i32
      %dma_start3A_968 = arith.constant 0 : i32
      %dma_start3A_969 = arith.constant 0 : i32
      %dma_start3A_970 = tpu.memref_slice %arg5[%add3A_916, %dma_start3A_967, %add3A, %dma_start3A_968, %dma_start3A_969] : memref<200x8x32x8x128xf32, #tpu.memory_space<hbm>> -> memref<1x8x1x8x128xf32, #tpu.memory_space<hbm>>
      %dma_start3A_971 = tpu.memref_squeeze %dma_start3A_970 : memref<1x8x1x8x128xf32, #tpu.memory_space<hbm>> -> memref<8x8x128xf32, #tpu.memory_space<hbm>>
      %dma_start3A_972 = arith.constant 0 : i32
      %dma_start3A_973 = arith.constant 0 : i32
      %dma_start3A_974 = arith.constant 0 : i32
      %dma_start3A_975 = tpu.memref_slice %arg10[%dma_start3A_972, %dma_start3A_973, %dma_start3A_974] : memref<8x8x129xf32, #tpu.memory_space<vmem>> -> memref<8x8x128xf32, #tpu.memory_space<vmem>>
      tpu.enqueue_dma source(%dma_start3A_975 : memref<8x8x128xf32, #tpu.memory_space<vmem>>) target(%dma_start3A_971 : memref<8x8x128xf32, #tpu.memory_space<hbm>>) target_semaphore(%arg16 : memref<!tpu.dma_semaphore, #tpu.memory_space<semaphore_mem>>)
      %add3A_976 = arith.constant 2 : i32
      %add3A_977 = arith.addi %add3A_916, %add3A_976 : i32
      %dma_start3A_978 = arith.constant 0 : i32
      %dma_start3A_979 = tpu.memref_slice %arg6[%add3A_977, %dma_start3A_978] : memref<200x128xi32, #tpu.memory_space<vmem>> -> memref<1x128xi32, #tpu.memory_space<vmem>>
      %dma_start3A_980 = tpu.memref_squeeze %dma_start3A_979 : memref<1x128xi32, #tpu.memory_space<vmem>> -> memref<128xi32, #tpu.memory_space<vmem>>
      %dma_start3A_981 = arith.constant 0 : i32
      %dma_start3A_982 = arith.constant 0 : i32
      %dma_start3A_983 = tpu.memref_slice %arg3[%dma_start3A_981, %dma_start3A_982] : memref<100000x64xf32, #tpu.memory_space<hbm>> -> memref<100000x64xf32, #tpu.memory_space<hbm>>
      tpu.enqueue_indirect_dma source(%dma_start3A_983 : memref<100000x64xf32, #tpu.memory_space<hbm>>) target(%arg9 : memref<128x64xf32, #tpu.memory_space<vmem>>) offsets(%dma_start3A_980 : memref<128xi32, #tpu.memory_space<vmem>>) semaphore(%arg15 : memref<!tpu.dma_semaphore, #tpu.memory_space<semaphore_mem>>)
      %mul3A_984 = arith.constant 6 : i32
      %mul3A_985 = arith.muli %scan3A_618, %mul3A_984 : i32
      %add3A_986 = arith.constant 2 : i32
      %add3A_987 = arith.addi %add3A_986, %mul3A_985 : i32
      %add3A_988 = arith.constant 5 : i32
      %add3A_989 = arith.addi %add3A_987, %add3A_988 : i32
      %dma_wait3A_990 = arith.constant 0 : i32
      %dma_wait3A_991 = arith.constant 0 : i32
      %dma_wait3A_992 = tpu.memref_slice %arg3[%dma_wait3A_990, %dma_wait3A_991] : memref<100000x64xf32, #tpu.memory_space<hbm>> -> memref<128x64xf32, #tpu.memory_space<hbm>>
      %dma_wait3A_993 = arith.constant 0 : i32
      %dma_wait3A_994 = arith.constant 0 : i32
      %dma_wait3A_995 = tpu.memref_slice %arg3[%dma_wait3A_993, %dma_wait3A_994] : memref<100000x64xf32, #tpu.memory_space<hbm>> -> memref<128x64xf32, #tpu.memory_space<hbm>>
      tpu.wait_dma2 semaphore(%arg14 : memref<!tpu.dma_semaphore, #tpu.memory_space<semaphore_mem>>) src(%dma_wait3A_995 : memref<128x64xf32, #tpu.memory_space<hbm>>) dst(%arg8 : memref<128x64xf32, #tpu.memory_space<vmem>>)
      %dma_wait3A_996 = arith.constant 0 : i32
      %dma_wait3A_997 = arith.constant 0 : i32
      %dma_wait3A_998 = arith.constant 0 : i32
      %dma_wait3A_999 = arith.constant 0 : i32
      %dma_wait3A_1000 = arith.constant 0 : i32
      %dma_wait3A_1001 = tpu.memref_slice %arg11[%dma_wait3A_998, %dma_wait3A_999, %dma_wait3A_1000] : memref<8x8x129xf32, #tpu.memory_space<vmem>> -> memref<8x8x128xf32, #tpu.memory_space<vmem>>
      %dma_wait3A_1002 = arith.constant 0 : i32
      %dma_wait3A_1003 = arith.constant 0 : i32
      %dma_wait3A_1004 = arith.constant 0 : i32
      %dma_wait3A_1005 = tpu.memref_slice %arg5[%dma_wait3A_996, %dma_wait3A_1002, %dma_wait3A_997, %dma_wait3A_1003, %dma_wait3A_1004] : memref<200x8x32x8x128xf32, #tpu.memory_space<hbm>> -> memref<1x8x1x8x128xf32, #tpu.memory_space<hbm>>
      %dma_wait3A_1006 = tpu.memref_squeeze %dma_wait3A_1005 : memref<1x8x1x8x128xf32, #tpu.memory_space<hbm>> -> memref<8x8x128xf32, #tpu.memory_space<hbm>>
      %dma_wait3A_1007 = arith.constant 0 : i32
      %dma_wait3A_1008 = arith.constant 0 : i32
      %dma_wait3A_1009 = arith.constant 0 : i32
      %dma_wait3A_1010 = tpu.memref_slice %arg5[%dma_wait3A_996, %dma_wait3A_1007, %dma_wait3A_997, %dma_wait3A_1008, %dma_wait3A_1009] : memref<200x8x32x8x128xf32, #tpu.memory_space<hbm>> -> memref<1x8x1x8x128xf32, #tpu.memory_space<hbm>>
      %dma_wait3A_1011 = tpu.memref_squeeze %dma_wait3A_1010 : memref<1x8x1x8x128xf32, #tpu.memory_space<hbm>> -> memref<8x8x128xf32, #tpu.memory_space<hbm>>
      %dma_wait3A_1012 = arith.constant 0 : i32
      %dma_wait3A_1013 = arith.constant 0 : i32
      %dma_wait3A_1014 = arith.constant 0 : i32
      %dma_wait3A_1015 = tpu.memref_slice %arg11[%dma_wait3A_1012, %dma_wait3A_1013, %dma_wait3A_1014] : memref<8x8x129xf32, #tpu.memory_space<vmem>> -> memref<8x8x128xf32, #tpu.memory_space<vmem>>
      tpu.wait_dma2 semaphore(%arg17 : memref<!tpu.dma_semaphore, #tpu.memory_space<semaphore_mem>>) src(%dma_wait3A_1015 : memref<8x8x128xf32, #tpu.memory_space<vmem>>) dst(%dma_wait3A_1011 : memref<8x8x128xf32, #tpu.memory_space<hbm>>)
      %get3A_1016 = arith.index_cast %add3A_989 : i32 to index
      %get3A_1017 = arith.constant 0 : index
      %get3A_1018 = tpu.vector_load %arg12[%get3A_1016, %get3A_1017] {strides = array<i32>} : memref<200x64xf32, #tpu.memory_space<vmem>>, vector<16xf32>,
      %get3A_1019 = arith.index_cast %add3A_989 : i32 to index
      %get3A_1020 = arith.constant 16 : index
      %get3A_1021 = tpu.vector_load %arg12[%get3A_1019, %get3A_1020] {strides = array<i32>} : memref<200x64xf32, #tpu.memory_space<vmem>>, vector<16xf32>,
      %get3A_1022 = arith.index_cast %add3A_989 : i32 to index
      %get3A_1023 = arith.constant 32 : index
      %get3A_1024 = tpu.vector_load %arg12[%get3A_1022, %get3A_1023] {strides = array<i32>} : memref<200x64xf32, #tpu.memory_space<vmem>>, vector<16xf32>,
      %get3A_1025 = arith.index_cast %add3A_989 : i32 to index
      %get3A_1026 = arith.constant 48 : index
      %get3A_1027 = tpu.vector_load %arg12[%get3A_1025, %get3A_1026] {strides = array<i32>} : memref<200x64xf32, #tpu.memory_space<vmem>>, vector<16xf32>,
      %parallel_loop3A_1028 = arith.constant 0 : i32
      %parallel_loop3A_1029 = arith.constant 128 : i32
      %parallel_loop3A_1030 = arith.constant 1 : i32
      scf.for %parallel_loop3A_1057 = %parallel_loop3A_1028 to %parallel_loop3A_1029 step %parallel_loop3A_1030  : i32 {
        %parallel_loop3A_1058 = vector.broadcast %parallel_loop3A_1057 : i32 to vector<16xi32>
        %parallel_loop3A_1059 = arith.index_cast %parallel_loop3A_1057 : i32 to index
        %parallel_loop3A_1060 = arith.constant 0 : index
        %parallel_loop3A_1061 = tpu.vector_load %arg8[%parallel_loop3A_1059, %parallel_loop3A_1060] {strides = array<i32>} : memref<128x64xf32, #tpu.memory_space<vmem>>, vector<16xf32>,
        %parallel_loop3A_1062 = arith.addf %parallel_loop3A_1061, %get3A_1018 : vector<16xf32>
        tpu.vector_store_idx %arg11[%shift_right_logical3A_7, %and3A_30, %parallel_loop3A_1058], %parallel_loop3A_1062 : memref<8x8x129xf32, #tpu.memory_space<vmem>>[vector<16xi32>, vector<16xi32>, vector<16xi32>], vector<16xf32>,
        %parallel_loop3A_1063 = arith.index_cast %parallel_loop3A_1057 : i32 to index
        %parallel_loop3A_1064 = arith.constant 16 : index
        %parallel_loop3A_1065 = tpu.vector_load %arg8[%parallel_loop3A_1063, %parallel_loop3A_1064] {strides = array<i32>} : memref<128x64xf32, #tpu.memory_space<vmem>>, vector<16xf32>,
        %parallel_loop3A_1066 = arith.addf %parallel_loop3A_1065, %get3A_1021 : vector<16xf32>
        tpu.vector_store_idx %arg11[%shift_right_logical3A_13, %and3A_36, %parallel_loop3A_1058], %parallel_loop3A_1066 : memref<8x8x129xf32, #tpu.memory_space<vmem>>[vector<16xi32>, vector<16xi32>, vector<16xi32>], vector<16xf32>,
        %parallel_loop3A_1067 = arith.index_cast %parallel_loop3A_1057 : i32 to index
        %parallel_loop3A_1068 = arith.constant 32 : index
        %parallel_loop3A_1069 = tpu.vector_load %arg8[%parallel_loop3A_1067, %parallel_loop3A_1068] {strides = array<i32>} : memref<128x64xf32, #tpu.memory_space<vmem>>, vector<16xf32>,
        %parallel_loop3A_1070 = arith.addf %parallel_loop3A_1069, %get3A_1024 : vector<16xf32>
        tpu.vector_store_idx %arg11[%shift_right_logical3A_19, %and3A_42, %parallel_loop3A_1058], %parallel_loop3A_1070 : memref<8x8x129xf32, #tpu.memory_space<vmem>>[vector<16xi32>, vector<16xi32>, vector<16xi32>], vector<16xf32>,
        %parallel_loop3A_1071 = arith.index_cast %parallel_loop3A_1057 : i32 to index
        %parallel_loop3A_1072 = arith.constant 48 : index
        %parallel_loop3A_1073 = tpu.vector_load %arg8[%parallel_loop3A_1071, %parallel_loop3A_1072] {strides = array<i32>} : memref<128x64xf32, #tpu.memory_space<vmem>>, vector<16xf32>,
        %parallel_loop3A_1074 = arith.addf %parallel_loop3A_1073, %get3A_1027 : vector<16xf32>
        tpu.vector_store_idx %arg11[%shift_right_logical3A_25, %and3A_48, %parallel_loop3A_1058], %parallel_loop3A_1074 : memref<8x8x129xf32, #tpu.memory_space<vmem>>[vector<16xi32>, vector<16xi32>, vector<16xi32>], vector<16xf32>,
      } {sc.loop_unroll_factor = 4 : i64, sc.parallel_access}
      %dma_start3A_1031 = arith.constant 0 : i32
      %dma_start3A_1032 = arith.constant 0 : i32
      %dma_start3A_1033 = arith.constant 0 : i32
      %dma_start3A_1034 = tpu.memref_slice %arg11[%dma_start3A_1031, %dma_start3A_1032, %dma_start3A_1033] : memref<8x8x129xf32, #tpu.memory_space<vmem>> -> memref<8x8x128xf32, #tpu.memory_space<vmem>>
      %dma_start3A_1035 = arith.constant 0 : i32
      %dma_start3A_1036 = arith.constant 0 : i32
      %dma_start3A_1037 = arith.constant 0 : i32
      %dma_start3A_1038 = tpu.memref_slice %arg5[%add3A_989, %dma_start3A_1035, %add3A, %dma_start3A_1036, %dma_start3A_1037] : memref<200x8x32x8x128xf32, #tpu.memory_space<hbm>> -> memref<1x8x1x8x128xf32, #tpu.memory_space<hbm>>
      %dma_start3A_1039 = tpu.memref_squeeze %dma_start3A_1038 : memref<1x8x1x8x128xf32, #tpu.memory_space<hbm>> -> memref<8x8x128xf32, #tpu.memory_space<hbm>>
      %dma_start3A_1040 = arith.constant 0 : i32
      %dma_start3A_1041 = arith.constant 0 : i32
      %dma_start3A_1042 = arith.constant 0 : i32
      %dma_start3A_1043 = tpu.memref_slice %arg5[%add3A_989, %dma_start3A_1040, %add3A, %dma_start3A_1041, %dma_start3A_1042] : memref<200x8x32x8x128xf32, #tpu.memory_space<hbm>> -> memref<1x8x1x8x128xf32, #tpu.memory_space<hbm>>
      %dma_start3A_1044 = tpu.memref_squeeze %dma_start3A_1043 : memref<1x8x1x8x128xf32, #tpu.memory_space<hbm>> -> memref<8x8x128xf32, #tpu.memory_space<hbm>>
      %dma_start3A_1045 = arith.constant 0 : i32
      %dma_start3A_1046 = arith.constant 0 : i32
      %dma_start3A_1047 = arith.constant 0 : i32
      %dma_start3A_1048 = tpu.memref_slice %arg11[%dma_start3A_1045, %dma_start3A_1046, %dma_start3A_1047] : memref<8x8x129xf32, #tpu.memory_space<vmem>> -> memref<8x8x128xf32, #tpu.memory_space<vmem>>
      tpu.enqueue_dma source(%dma_start3A_1048 : memref<8x8x128xf32, #tpu.memory_space<vmem>>) target(%dma_start3A_1044 : memref<8x8x128xf32, #tpu.memory_space<hbm>>) target_semaphore(%arg17 : memref<!tpu.dma_semaphore, #tpu.memory_space<semaphore_mem>>)
      %add3A_1049 = arith.constant 2 : i32
      %add3A_1050 = arith.addi %add3A_989, %add3A_1049 : i32
      %dma_start3A_1051 = arith.constant 0 : i32
      %dma_start3A_1052 = tpu.memref_slice %arg6[%add3A_1050, %dma_start3A_1051] : memref<200x128xi32, #tpu.memory_space<vmem>> -> memref<1x128xi32, #tpu.memory_space<vmem>>
      %dma_start3A_1053 = tpu.memref_squeeze %dma_start3A_1052 : memref<1x128xi32, #tpu.memory_space<vmem>> -> memref<128xi32, #tpu.memory_space<vmem>>
      %dma_start3A_1054 = arith.constant 0 : i32
      %dma_start3A_1055 = arith.constant 0 : i32
      %dma_start3A_1056 = tpu.memref_slice %arg3[%dma_start3A_1054, %dma_start3A_1055] : memref<100000x64xf32, #tpu.memory_space<hbm>> -> memref<100000x64xf32, #tpu.memory_space<hbm>>
      tpu.enqueue_indirect_dma source(%dma_start3A_1056 : memref<100000x64xf32, #tpu.memory_space<hbm>>) target(%arg7 : memref<128x64xf32, #tpu.memory_space<vmem>>) offsets(%dma_start3A_1053 : memref<128xi32, #tpu.memory_space<vmem>>) semaphore(%arg13 : memref<!tpu.dma_semaphore, #tpu.memory_space<semaphore_mem>>)
    }
    %scan3A_165 = arith.constant 32 : i32
    %dma_wait3A_166 = arith.constant 0 : i32
    %dma_wait3A_167 = arith.constant 0 : i32
    %dma_wait3A_168 = tpu.memref_slice %arg3[%dma_wait3A_166, %dma_wait3A_167] : memref<100000x64xf32, #tpu.memory_space<hbm>> -> memref<128x64xf32, #tpu.memory_space<hbm>>
    %dma_wait3A_169 = arith.constant 0 : i32
    %dma_wait3A_170 = arith.constant 0 : i32
    %dma_wait3A_171 = tpu.memref_slice %arg3[%dma_wait3A_169, %dma_wait3A_170] : memref<100000x64xf32, #tpu.memory_space<hbm>> -> memref<128x64xf32, #tpu.memory_space<hbm>>
    tpu.wait_dma2 semaphore(%arg15 : memref<!tpu.dma_semaphore, #tpu.memory_space<semaphore_mem>>) src(%dma_wait3A_171 : memref<128x64xf32, #tpu.memory_space<hbm>>) dst(%arg9 : memref<128x64xf32, #tpu.memory_space<vmem>>)
    %dma_wait3A_172 = arith.constant 0 : i32
    %dma_wait3A_173 = arith.constant 0 : i32
    %dma_wait3A_174 = arith.constant 0 : i32
    %dma_wait3A_175 = arith.constant 0 : i32
    %dma_wait3A_176 = arith.constant 0 : i32
    %dma_wait3A_177 = tpu.memref_slice %arg10[%dma_wait3A_174, %dma_wait3A_175, %dma_wait3A_176] : memref<8x8x129xf32, #tpu.memory_space<vmem>> -> memref<8x8x128xf32, #tpu.memory_space<vmem>>
    %dma_wait3A_178 = arith.constant 0 : i32
    %dma_wait3A_179 = arith.constant 0 : i32
    %dma_wait3A_180 = arith.constant 0 : i32
    %dma_wait3A_181 = tpu.memref_slice %arg5[%dma_wait3A_172, %dma_wait3A_178, %dma_wait3A_173, %dma_wait3A_179, %dma_wait3A_180] : memref<200x8x32x8x128xf32, #tpu.memory_space<hbm>> -> memref<1x8x1x8x128xf32, #tpu.memory_space<hbm>>
    %dma_wait3A_182 = tpu.memref_squeeze %dma_wait3A_181 : memref<1x8x1x8x128xf32, #tpu.memory_space<hbm>> -> memref<8x8x128xf32, #tpu.memory_space<hbm>>
    %dma_wait3A_183 = arith.constant 0 : i32
    %dma_wait3A_184 = arith.constant 0 : i32
    %dma_wait3A_185 = arith.constant 0 : i32
    %dma_wait3A_186 = tpu.memref_slice %arg5[%dma_wait3A_172, %dma_wait3A_183, %dma_wait3A_173, %dma_wait3A_184, %dma_wait3A_185] : memref<200x8x32x8x128xf32, #tpu.memory_space<hbm>> -> memref<1x8x1x8x128xf32, #tpu.memory_space<hbm>>
    %dma_wait3A_187 = tpu.memref_squeeze %dma_wait3A_186 : memref<1x8x1x8x128xf32, #tpu.memory_space<hbm>> -> memref<8x8x128xf32, #tpu.memory_space<hbm>>
    %dma_wait3A_188 = arith.constant 0 : i32
    %dma_wait3A_189 = arith.constant 0 : i32
    %dma_wait3A_190 = arith.constant 0 : i32
    %dma_wait3A_191 = tpu.memref_slice %arg10[%dma_wait3A_188, %dma_wait3A_189, %dma_wait3A_190] : memref<8x8x129xf32, #tpu.memory_space<vmem>> -> memref<8x8x128xf32, #tpu.memory_space<vmem>>
    tpu.wait_dma2 semaphore(%arg16 : memref<!tpu.dma_semaphore, #tpu.memory_space<semaphore_mem>>) src(%dma_wait3A_191 : memref<8x8x128xf32, #tpu.memory_space<vmem>>) dst(%dma_wait3A_187 : memref<8x8x128xf32, #tpu.memory_space<hbm>>)
    %get3A_192 = arith.constant 194 : i32
    %get3A_193 = arith.index_cast %get3A_192 : i32 to index
    %get3A_194 = arith.constant 0 : index
    %get3A_195 = tpu.vector_load %arg12[%get3A_193, %get3A_194] {strides = array<i32>} : memref<200x64xf32, #tpu.memory_space<vmem>>, vector<16xf32>,
    %get3A_196 = arith.constant 194 : i32
    %get3A_197 = arith.index_cast %get3A_196 : i32 to index
    %get3A_198 = arith.constant 16 : index
    %get3A_199 = tpu.vector_load %arg12[%get3A_197, %get3A_198] {strides = array<i32>} : memref<200x64xf32, #tpu.memory_space<vmem>>, vector<16xf32>,
    %get3A_200 = arith.constant 194 : i32
    %get3A_201 = arith.index_cast %get3A_200 : i32 to index
    %get3A_202 = arith.constant 32 : index
    %get3A_203 = tpu.vector_load %arg12[%get3A_201, %get3A_202] {strides = array<i32>} : memref<200x64xf32, #tpu.memory_space<vmem>>, vector<16xf32>,
    %get3A_204 = arith.constant 194 : i32
    %get3A_205 = arith.index_cast %get3A_204 : i32 to index
    %get3A_206 = arith.constant 48 : index
    %get3A_207 = tpu.vector_load %arg12[%get3A_205, %get3A_206] {strides = array<i32>} : memref<200x64xf32, #tpu.memory_space<vmem>>, vector<16xf32>,
    %parallel_loop3A_208 = arith.constant 0 : i32
    %parallel_loop3A_209 = arith.constant 128 : i32
    %parallel_loop3A_210 = arith.constant 1 : i32
    scf.for %parallel_loop3A_618 = %parallel_loop3A_208 to %parallel_loop3A_209 step %parallel_loop3A_210  : i32 {
      %parallel_loop3A_619 = vector.broadcast %parallel_loop3A_618 : i32 to vector<16xi32>
      %parallel_loop3A_620 = arith.index_cast %parallel_loop3A_618 : i32 to index
      %parallel_loop3A_621 = arith.constant 0 : index
      %parallel_loop3A_622 = tpu.vector_load %arg9[%parallel_loop3A_620, %parallel_loop3A_621] {strides = array<i32>} : memref<128x64xf32, #tpu.memory_space<vmem>>, vector<16xf32>,
      %parallel_loop3A_623 = arith.addf %parallel_loop3A_622, %get3A_195 : vector<16xf32>
      tpu.vector_store_idx %arg10[%shift_right_logical3A_7, %and3A_30, %parallel_loop3A_619], %parallel_loop3A_623 : memref<8x8x129xf32, #tpu.memory_space<vmem>>[vector<16xi32>, vector<16xi32>, vector<16xi32>], vector<16xf32>,
      %parallel_loop3A_624 = arith.index_cast %parallel_loop3A_618 : i32 to index
      %parallel_loop3A_625 = arith.constant 16 : index
      %parallel_loop3A_626 = tpu.vector_load %arg9[%parallel_loop3A_624, %parallel_loop3A_625] {strides = array<i32>} : memref<128x64xf32, #tpu.memory_space<vmem>>, vector<16xf32>,
      %parallel_loop3A_627 = arith.addf %parallel_loop3A_626, %get3A_199 : vector<16xf32>
      tpu.vector_store_idx %arg10[%shift_right_logical3A_13, %and3A_36, %parallel_loop3A_619], %parallel_loop3A_627 : memref<8x8x129xf32, #tpu.memory_space<vmem>>[vector<16xi32>, vector<16xi32>, vector<16xi32>], vector<16xf32>,
      %parallel_loop3A_628 = arith.index_cast %parallel_loop3A_618 : i32 to index
      %parallel_loop3A_629 = arith.constant 32 : index
      %parallel_loop3A_630 = tpu.vector_load %arg9[%parallel_loop3A_628, %parallel_loop3A_629] {strides = array<i32>} : memref<128x64xf32, #tpu.memory_space<vmem>>, vector<16xf32>,
      %parallel_loop3A_631 = arith.addf %parallel_loop3A_630, %get3A_203 : vector<16xf32>
      tpu.vector_store_idx %arg10[%shift_right_logical3A_19, %and3A_42, %parallel_loop3A_619], %parallel_loop3A_631 : memref<8x8x129xf32, #tpu.memory_space<vmem>>[vector<16xi32>, vector<16xi32>, vector<16xi32>], vector<16xf32>,
      %parallel_loop3A_632 = arith.index_cast %parallel_loop3A_618 : i32 to index
      %parallel_loop3A_633 = arith.constant 48 : index
      %parallel_loop3A_634 = tpu.vector_load %arg9[%parallel_loop3A_632, %parallel_loop3A_633] {strides = array<i32>} : memref<128x64xf32, #tpu.memory_space<vmem>>, vector<16xf32>,
      %parallel_loop3A_635 = arith.addf %parallel_loop3A_634, %get3A_207 : vector<16xf32>
      tpu.vector_store_idx %arg10[%shift_right_logical3A_25, %and3A_48, %parallel_loop3A_619], %parallel_loop3A_635 : memref<8x8x129xf32, #tpu.memory_space<vmem>>[vector<16xi32>, vector<16xi32>, vector<16xi32>], vector<16xf32>,
    } {sc.loop_unroll_factor = 4 : i64, sc.parallel_access}
    %dma_start3A_211 = arith.constant 194 : i32
    %dma_start3A_212 = arith.constant 0 : i32
    %dma_start3A_213 = arith.constant 0 : i32
    %dma_start3A_214 = arith.constant 0 : i32
    %dma_start3A_215 = tpu.memref_slice %arg10[%dma_start3A_212, %dma_start3A_213, %dma_start3A_214] : memref<8x8x129xf32, #tpu.memory_space<vmem>> -> memref<8x8x128xf32, #tpu.memory_space<vmem>>
    %dma_start3A_216 = arith.constant 0 : i32
    %dma_start3A_217 = arith.constant 0 : i32
    %dma_start3A_218 = arith.constant 0 : i32
    %dma_start3A_219 = tpu.memref_slice %arg5[%dma_start3A_211, %dma_start3A_216, %add3A, %dma_start3A_217, %dma_start3A_218] : memref<200x8x32x8x128xf32, #tpu.memory_space<hbm>> -> memref<1x8x1x8x128xf32, #tpu.memory_space<hbm>>
    %dma_start3A_220 = tpu.memref_squeeze %dma_start3A_219 : memref<1x8x1x8x128xf32, #tpu.memory_space<hbm>> -> memref<8x8x128xf32, #tpu.memory_space<hbm>>
    %dma_start3A_221 = arith.constant 0 : i32
    %dma_start3A_222 = arith.constant 0 : i32
    %dma_start3A_223 = arith.constant 0 : i32
    %dma_start3A_224 = tpu.memref_slice %arg5[%dma_start3A_211, %dma_start3A_221, %add3A, %dma_start3A_222, %dma_start3A_223] : memref<200x8x32x8x128xf32, #tpu.memory_space<hbm>> -> memref<1x8x1x8x128xf32, #tpu.memory_space<hbm>>
    %dma_start3A_225 = tpu.memref_squeeze %dma_start3A_224 : memref<1x8x1x8x128xf32, #tpu.memory_space<hbm>> -> memref<8x8x128xf32, #tpu.memory_space<hbm>>
    %dma_start3A_226 = arith.constant 0 : i32
    %dma_start3A_227 = arith.constant 0 : i32
    %dma_start3A_228 = arith.constant 0 : i32
    %dma_start3A_229 = tpu.memref_slice %arg10[%dma_start3A_226, %dma_start3A_227, %dma_start3A_228] : memref<8x8x129xf32, #tpu.memory_space<vmem>> -> memref<8x8x128xf32, #tpu.memory_space<vmem>>
    tpu.enqueue_dma source(%dma_start3A_229 : memref<8x8x128xf32, #tpu.memory_space<vmem>>) target(%dma_start3A_225 : memref<8x8x128xf32, #tpu.memory_space<hbm>>) target_semaphore(%arg16 : memref<!tpu.dma_semaphore, #tpu.memory_space<semaphore_mem>>)
    %dma_start3A_230 = arith.constant 196 : i32
    %dma_start3A_231 = arith.constant 0 : i32
    %dma_start3A_232 = tpu.memref_slice %arg6[%dma_start3A_230, %dma_start3A_231] : memref<200x128xi32, #tpu.memory_space<vmem>> -> memref<1x128xi32, #tpu.memory_space<vmem>>
    %dma_start3A_233 = tpu.memref_squeeze %dma_start3A_232 : memref<1x128xi32, #tpu.memory_space<vmem>> -> memref<128xi32, #tpu.memory_space<vmem>>
    %dma_start3A_234 = arith.constant 0 : i32
    %dma_start3A_235 = arith.constant 0 : i32
    %dma_start3A_236 = tpu.memref_slice %arg3[%dma_start3A_234, %dma_start3A_235] : memref<100000x64xf32, #tpu.memory_space<hbm>> -> memref<100000x64xf32, #tpu.memory_space<hbm>>
    tpu.enqueue_indirect_dma source(%dma_start3A_236 : memref<100000x64xf32, #tpu.memory_space<hbm>>) target(%arg8 : memref<128x64xf32, #tpu.memory_space<vmem>>) offsets(%dma_start3A_233 : memref<128xi32, #tpu.memory_space<vmem>>) semaphore(%arg14 : memref<!tpu.dma_semaphore, #tpu.memory_space<semaphore_mem>>)
    %dma_wait3A_237 = arith.constant 0 : i32
    %dma_wait3A_238 = arith.constant 0 : i32
    %dma_wait3A_239 = tpu.memref_slice %arg3[%dma_wait3A_237, %dma_wait3A_238] : memref<100000x64xf32, #tpu.memory_space<hbm>> -> memref<128x64xf32, #tpu.memory_space<hbm>>
    %dma_wait3A_240 = arith.constant 0 : i32
    %dma_wait3A_241 = arith.constant 0 : i32
    %dma_wait3A_242 = tpu.memref_slice %arg3[%dma_wait3A_240, %dma_wait3A_241] : memref<100000x64xf32, #tpu.memory_space<hbm>> -> memref<128x64xf32, #tpu.memory_space<hbm>>
    tpu.wait_dma2 semaphore(%arg13 : memref<!tpu.dma_semaphore, #tpu.memory_space<semaphore_mem>>) src(%dma_wait3A_242 : memref<128x64xf32, #tpu.memory_space<hbm>>) dst(%arg7 : memref<128x64xf32, #tpu.memory_space<vmem>>)
    %dma_wait3A_243 = arith.constant 0 : i32
    %dma_wait3A_244 = arith.constant 0 : i32
    %dma_wait3A_245 = arith.constant 0 : i32
    %dma_wait3A_246 = arith.constant 0 : i32
    %dma_wait3A_247 = arith.constant 0 : i32
    %dma_wait3A_248 = tpu.memref_slice %arg11[%dma_wait3A_245, %dma_wait3A_246, %dma_wait3A_247] : memref<8x8x129xf32, #tpu.memory_space<vmem>> -> memref<8x8x128xf32, #tpu.memory_space<vmem>>
    %dma_wait3A_249 = arith.constant 0 : i32
    %dma_wait3A_250 = arith.constant 0 : i32
    %dma_wait3A_251 = arith.constant 0 : i32
    %dma_wait3A_252 = tpu.memref_slice %arg5[%dma_wait3A_243, %dma_wait3A_249, %dma_wait3A_244, %dma_wait3A_250, %dma_wait3A_251] : memref<200x8x32x8x128xf32, #tpu.memory_space<hbm>> -> memref<1x8x1x8x128xf32, #tpu.memory_space<hbm>>
    %dma_wait3A_253 = tpu.memref_squeeze %dma_wait3A_252 : memref<1x8x1x8x128xf32, #tpu.memory_space<hbm>> -> memref<8x8x128xf32, #tpu.memory_space<hbm>>
    %dma_wait3A_254 = arith.constant 0 : i32
    %dma_wait3A_255 = arith.constant 0 : i32
    %dma_wait3A_256 = arith.constant 0 : i32
    %dma_wait3A_257 = tpu.memref_slice %arg5[%dma_wait3A_243, %dma_wait3A_254, %dma_wait3A_244, %dma_wait3A_255, %dma_wait3A_256] : memref<200x8x32x8x128xf32, #tpu.memory_space<hbm>> -> memref<1x8x1x8x128xf32, #tpu.memory_space<hbm>>
    %dma_wait3A_258 = tpu.memref_squeeze %dma_wait3A_257 : memref<1x8x1x8x128xf32, #tpu.memory_space<hbm>> -> memref<8x8x128xf32, #tpu.memory_space<hbm>>
    %dma_wait3A_259 = arith.constant 0 : i32
    %dma_wait3A_260 = arith.constant 0 : i32
    %dma_wait3A_261 = arith.constant 0 : i32
    %dma_wait3A_262 = tpu.memref_slice %arg11[%dma_wait3A_259, %dma_wait3A_260, %dma_wait3A_261] : memref<8x8x129xf32, #tpu.memory_space<vmem>> -> memref<8x8x128xf32, #tpu.memory_space<vmem>>
    tpu.wait_dma2 semaphore(%arg17 : memref<!tpu.dma_semaphore, #tpu.memory_space<semaphore_mem>>) src(%dma_wait3A_262 : memref<8x8x128xf32, #tpu.memory_space<vmem>>) dst(%dma_wait3A_258 : memref<8x8x128xf32, #tpu.memory_space<hbm>>)
    %get3A_263 = arith.constant 195 : i32
    %get3A_264 = arith.index_cast %get3A_263 : i32 to index
    %get3A_265 = arith.constant 0 : index
    %get3A_266 = tpu.vector_load %arg12[%get3A_264, %get3A_265] {strides = array<i32>} : memref<200x64xf32, #tpu.memory_space<vmem>>, vector<16xf32>,
    %get3A_267 = arith.constant 195 : i32
    %get3A_268 = arith.index_cast %get3A_267 : i32 to index
    %get3A_269 = arith.constant 16 : index
    %get3A_270 = tpu.vector_load %arg12[%get3A_268, %get3A_269] {strides = array<i32>} : memref<200x64xf32, #tpu.memory_space<vmem>>, vector<16xf32>,
    %get3A_271 = arith.constant 195 : i32
    %get3A_272 = arith.index_cast %get3A_271 : i32 to index
    %get3A_273 = arith.constant 32 : index
    %get3A_274 = tpu.vector_load %arg12[%get3A_272, %get3A_273] {strides = array<i32>} : memref<200x64xf32, #tpu.memory_space<vmem>>, vector<16xf32>,
    %get3A_275 = arith.constant 195 : i32
    %get3A_276 = arith.index_cast %get3A_275 : i32 to index
    %get3A_277 = arith.constant 48 : index
    %get3A_278 = tpu.vector_load %arg12[%get3A_276, %get3A_277] {strides = array<i32>} : memref<200x64xf32, #tpu.memory_space<vmem>>, vector<16xf32>,
    %parallel_loop3A_279 = arith.constant 0 : i32
    %parallel_loop3A_280 = arith.constant 128 : i32
    %parallel_loop3A_281 = arith.constant 1 : i32
    scf.for %parallel_loop3A_618 = %parallel_loop3A_279 to %parallel_loop3A_280 step %parallel_loop3A_281  : i32 {
      %parallel_loop3A_619 = vector.broadcast %parallel_loop3A_618 : i32 to vector<16xi32>
      %parallel_loop3A_620 = arith.index_cast %parallel_loop3A_618 : i32 to index
      %parallel_loop3A_621 = arith.constant 0 : index
      %parallel_loop3A_622 = tpu.vector_load %arg7[%parallel_loop3A_620, %parallel_loop3A_621] {strides = array<i32>} : memref<128x64xf32, #tpu.memory_space<vmem>>, vector<16xf32>,
      %parallel_loop3A_623 = arith.addf %parallel_loop3A_622, %get3A_266 : vector<16xf32>
      tpu.vector_store_idx %arg11[%shift_right_logical3A_7, %and3A_30, %parallel_loop3A_619], %parallel_loop3A_623 : memref<8x8x129xf32, #tpu.memory_space<vmem>>[vector<16xi32>, vector<16xi32>, vector<16xi32>], vector<16xf32>,
      %parallel_loop3A_624 = arith.index_cast %parallel_loop3A_618 : i32 to index
      %parallel_loop3A_625 = arith.constant 16 : index
      %parallel_loop3A_626 = tpu.vector_load %arg7[%parallel_loop3A_624, %parallel_loop3A_625] {strides = array<i32>} : memref<128x64xf32, #tpu.memory_space<vmem>>, vector<16xf32>,
      %parallel_loop3A_627 = arith.addf %parallel_loop3A_626, %get3A_270 : vector<16xf32>
      tpu.vector_store_idx %arg11[%shift_right_logical3A_13, %and3A_36, %parallel_loop3A_619], %parallel_loop3A_627 : memref<8x8x129xf32, #tpu.memory_space<vmem>>[vector<16xi32>, vector<16xi32>, vector<16xi32>], vector<16xf32>,
      %parallel_loop3A_628 = arith.index_cast %parallel_loop3A_618 : i32 to index
      %parallel_loop3A_629 = arith.constant 32 : index
      %parallel_loop3A_630 = tpu.vector_load %arg7[%parallel_loop3A_628, %parallel_loop3A_629] {strides = array<i32>} : memref<128x64xf32, #tpu.memory_space<vmem>>, vector<16xf32>,
      %parallel_loop3A_631 = arith.addf %parallel_loop3A_630, %get3A_274 : vector<16xf32>
      tpu.vector_store_idx %arg11[%shift_right_logical3A_19, %and3A_42, %parallel_loop3A_619], %parallel_loop3A_631 : memref<8x8x129xf32, #tpu.memory_space<vmem>>[vector<16xi32>, vector<16xi32>, vector<16xi32>], vector<16xf32>,
      %parallel_loop3A_632 = arith.index_cast %parallel_loop3A_618 : i32 to index
      %parallel_loop3A_633 = arith.constant 48 : index
      %parallel_loop3A_634 = tpu.vector_load %arg7[%parallel_loop3A_632, %parallel_loop3A_633] {strides = array<i32>} : memref<128x64xf32, #tpu.memory_space<vmem>>, vector<16xf32>,
      %parallel_loop3A_635 = arith.addf %parallel_loop3A_634, %get3A_278 : vector<16xf32>
      tpu.vector_store_idx %arg11[%shift_right_logical3A_25, %and3A_48, %parallel_loop3A_619], %parallel_loop3A_635 : memref<8x8x129xf32, #tpu.memory_space<vmem>>[vector<16xi32>, vector<16xi32>, vector<16xi32>], vector<16xf32>,
    } {sc.loop_unroll_factor = 4 : i64, sc.parallel_access}
    %dma_start3A_282 = arith.constant 195 : i32
    %dma_start3A_283 = arith.constant 0 : i32
    %dma_start3A_284 = arith.constant 0 : i32
    %dma_start3A_285 = arith.constant 0 : i32
    %dma_start3A_286 = tpu.memref_slice %arg11[%dma_start3A_283, %dma_start3A_284, %dma_start3A_285] : memref<8x8x129xf32, #tpu.memory_space<vmem>> -> memref<8x8x128xf32, #tpu.memory_space<vmem>>
    %dma_start3A_287 = arith.constant 0 : i32
    %dma_start3A_288 = arith.constant 0 : i32
    %dma_start3A_289 = arith.constant 0 : i32
    %dma_start3A_290 = tpu.memref_slice %arg5[%dma_start3A_282, %dma_start3A_287, %add3A, %dma_start3A_288, %dma_start3A_289] : memref<200x8x32x8x128xf32, #tpu.memory_space<hbm>> -> memref<1x8x1x8x128xf32, #tpu.memory_space<hbm>>
    %dma_start3A_291 = tpu.memref_squeeze %dma_start3A_290 : memref<1x8x1x8x128xf32, #tpu.memory_space<hbm>> -> memref<8x8x128xf32, #tpu.memory_space<hbm>>
    %dma_start3A_292 = arith.constant 0 : i32
    %dma_start3A_293 = arith.constant 0 : i32
    %dma_start3A_294 = arith.constant 0 : i32
    %dma_start3A_295 = tpu.memref_slice %arg5[%dma_start3A_282, %dma_start3A_292, %add3A, %dma_start3A_293, %dma_start3A_294] : memref<200x8x32x8x128xf32, #tpu.memory_space<hbm>> -> memref<1x8x1x8x128xf32, #tpu.memory_space<hbm>>
    %dma_start3A_296 = tpu.memref_squeeze %dma_start3A_295 : memref<1x8x1x8x128xf32, #tpu.memory_space<hbm>> -> memref<8x8x128xf32, #tpu.memory_space<hbm>>
    %dma_start3A_297 = arith.constant 0 : i32
    %dma_start3A_298 = arith.constant 0 : i32
    %dma_start3A_299 = arith.constant 0 : i32
    %dma_start3A_300 = tpu.memref_slice %arg11[%dma_start3A_297, %dma_start3A_298, %dma_start3A_299] : memref<8x8x129xf32, #tpu.memory_space<vmem>> -> memref<8x8x128xf32, #tpu.memory_space<vmem>>
    tpu.enqueue_dma source(%dma_start3A_300 : memref<8x8x128xf32, #tpu.memory_space<vmem>>) target(%dma_start3A_296 : memref<8x8x128xf32, #tpu.memory_space<hbm>>) target_semaphore(%arg17 : memref<!tpu.dma_semaphore, #tpu.memory_space<semaphore_mem>>)
    %dma_start3A_301 = arith.constant 197 : i32
    %dma_start3A_302 = arith.constant 0 : i32
    %dma_start3A_303 = tpu.memref_slice %arg6[%dma_start3A_301, %dma_start3A_302] : memref<200x128xi32, #tpu.memory_space<vmem>> -> memref<1x128xi32, #tpu.memory_space<vmem>>
    %dma_start3A_304 = tpu.memref_squeeze %dma_start3A_303 : memref<1x128xi32, #tpu.memory_space<vmem>> -> memref<128xi32, #tpu.memory_space<vmem>>
    %dma_start3A_305 = arith.constant 0 : i32
    %dma_start3A_306 = arith.constant 0 : i32
    %dma_start3A_307 = tpu.memref_slice %arg3[%dma_start3A_305, %dma_start3A_306] : memref<100000x64xf32, #tpu.memory_space<hbm>> -> memref<100000x64xf32, #tpu.memory_space<hbm>>
    tpu.enqueue_indirect_dma source(%dma_start3A_307 : memref<100000x64xf32, #tpu.memory_space<hbm>>) target(%arg9 : memref<128x64xf32, #tpu.memory_space<vmem>>) offsets(%dma_start3A_304 : memref<128xi32, #tpu.memory_space<vmem>>) semaphore(%arg15 : memref<!tpu.dma_semaphore, #tpu.memory_space<semaphore_mem>>)
    %dma_wait3A_308 = arith.constant 0 : i32
    %dma_wait3A_309 = arith.constant 0 : i32
    %dma_wait3A_310 = tpu.memref_slice %arg3[%dma_wait3A_308, %dma_wait3A_309] : memref<100000x64xf32, #tpu.memory_space<hbm>> -> memref<128x64xf32, #tpu.memory_space<hbm>>
    %dma_wait3A_311 = arith.constant 0 : i32
    %dma_wait3A_312 = arith.constant 0 : i32
    %dma_wait3A_313 = tpu.memref_slice %arg3[%dma_wait3A_311, %dma_wait3A_312] : memref<100000x64xf32, #tpu.memory_space<hbm>> -> memref<128x64xf32, #tpu.memory_space<hbm>>
    tpu.wait_dma2 semaphore(%arg14 : memref<!tpu.dma_semaphore, #tpu.memory_space<semaphore_mem>>) src(%dma_wait3A_313 : memref<128x64xf32, #tpu.memory_space<hbm>>) dst(%arg8 : memref<128x64xf32, #tpu.memory_space<vmem>>)
    %dma_wait3A_314 = arith.constant 0 : i32
    %dma_wait3A_315 = arith.constant 0 : i32
    %dma_wait3A_316 = arith.constant 0 : i32
    %dma_wait3A_317 = arith.constant 0 : i32
    %dma_wait3A_318 = arith.constant 0 : i32
    %dma_wait3A_319 = tpu.memref_slice %arg10[%dma_wait3A_316, %dma_wait3A_317, %dma_wait3A_318] : memref<8x8x129xf32, #tpu.memory_space<vmem>> -> memref<8x8x128xf32, #tpu.memory_space<vmem>>
    %dma_wait3A_320 = arith.constant 0 : i32
    %dma_wait3A_321 = arith.constant 0 : i32
    %dma_wait3A_322 = arith.constant 0 : i32
    %dma_wait3A_323 = tpu.memref_slice %arg5[%dma_wait3A_314, %dma_wait3A_320, %dma_wait3A_315, %dma_wait3A_321, %dma_wait3A_322] : memref<200x8x32x8x128xf32, #tpu.memory_space<hbm>> -> memref<1x8x1x8x128xf32, #tpu.memory_space<hbm>>
    %dma_wait3A_324 = tpu.memref_squeeze %dma_wait3A_323 : memref<1x8x1x8x128xf32, #tpu.memory_space<hbm>> -> memref<8x8x128xf32, #tpu.memory_space<hbm>>
    %dma_wait3A_325 = arith.constant 0 : i32
    %dma_wait3A_326 = arith.constant 0 : i32
    %dma_wait3A_327 = arith.constant 0 : i32
    %dma_wait3A_328 = tpu.memref_slice %arg5[%dma_wait3A_314, %dma_wait3A_325, %dma_wait3A_315, %dma_wait3A_326, %dma_wait3A_327] : memref<200x8x32x8x128xf32, #tpu.memory_space<hbm>> -> memref<1x8x1x8x128xf32, #tpu.memory_space<hbm>>
    %dma_wait3A_329 = tpu.memref_squeeze %dma_wait3A_328 : memref<1x8x1x8x128xf32, #tpu.memory_space<hbm>> -> memref<8x8x128xf32, #tpu.memory_space<hbm>>
    %dma_wait3A_330 = arith.constant 0 : i32
    %dma_wait3A_331 = arith.constant 0 : i32
    %dma_wait3A_332 = arith.constant 0 : i32
    %dma_wait3A_333 = tpu.memref_slice %arg10[%dma_wait3A_330, %dma_wait3A_331, %dma_wait3A_332] : memref<8x8x129xf32, #tpu.memory_space<vmem>> -> memref<8x8x128xf32, #tpu.memory_space<vmem>>
    tpu.wait_dma2 semaphore(%arg16 : memref<!tpu.dma_semaphore, #tpu.memory_space<semaphore_mem>>) src(%dma_wait3A_333 : memref<8x8x128xf32, #tpu.memory_space<vmem>>) dst(%dma_wait3A_329 : memref<8x8x128xf32, #tpu.memory_space<hbm>>)
    %get3A_334 = arith.constant 196 : i32
    %get3A_335 = arith.index_cast %get3A_334 : i32 to index
    %get3A_336 = arith.constant 0 : index
    %get3A_337 = tpu.vector_load %arg12[%get3A_335, %get3A_336] {strides = array<i32>} : memref<200x64xf32, #tpu.memory_space<vmem>>, vector<16xf32>,
    %get3A_338 = arith.constant 196 : i32
    %get3A_339 = arith.index_cast %get3A_338 : i32 to index
    %get3A_340 = arith.constant 16 : index
    %get3A_341 = tpu.vector_load %arg12[%get3A_339, %get3A_340] {strides = array<i32>} : memref<200x64xf32, #tpu.memory_space<vmem>>, vector<16xf32>,
    %get3A_342 = arith.constant 196 : i32
    %get3A_343 = arith.index_cast %get3A_342 : i32 to index
    %get3A_344 = arith.constant 32 : index
    %get3A_345 = tpu.vector_load %arg12[%get3A_343, %get3A_344] {strides = array<i32>} : memref<200x64xf32, #tpu.memory_space<vmem>>, vector<16xf32>,
    %get3A_346 = arith.constant 196 : i32
    %get3A_347 = arith.index_cast %get3A_346 : i32 to index
    %get3A_348 = arith.constant 48 : index
    %get3A_349 = tpu.vector_load %arg12[%get3A_347, %get3A_348] {strides = array<i32>} : memref<200x64xf32, #tpu.memory_space<vmem>>, vector<16xf32>,
    %parallel_loop3A_350 = arith.constant 0 : i32
    %parallel_loop3A_351 = arith.constant 128 : i32
    %parallel_loop3A_352 = arith.constant 1 : i32
    scf.for %parallel_loop3A_618 = %parallel_loop3A_350 to %parallel_loop3A_351 step %parallel_loop3A_352  : i32 {
      %parallel_loop3A_619 = vector.broadcast %parallel_loop3A_618 : i32 to vector<16xi32>
      %parallel_loop3A_620 = arith.index_cast %parallel_loop3A_618 : i32 to index
      %parallel_loop3A_621 = arith.constant 0 : index
      %parallel_loop3A_622 = tpu.vector_load %arg8[%parallel_loop3A_620, %parallel_loop3A_621] {strides = array<i32>} : memref<128x64xf32, #tpu.memory_space<vmem>>, vector<16xf32>,
      %parallel_loop3A_623 = arith.addf %parallel_loop3A_622, %get3A_337 : vector<16xf32>
      tpu.vector_store_idx %arg10[%shift_right_logical3A_7, %and3A_30, %parallel_loop3A_619], %parallel_loop3A_623 : memref<8x8x129xf32, #tpu.memory_space<vmem>>[vector<16xi32>, vector<16xi32>, vector<16xi32>], vector<16xf32>,
      %parallel_loop3A_624 = arith.index_cast %parallel_loop3A_618 : i32 to index
      %parallel_loop3A_625 = arith.constant 16 : index
      %parallel_loop3A_626 = tpu.vector_load %arg8[%parallel_loop3A_624, %parallel_loop3A_625] {strides = array<i32>} : memref<128x64xf32, #tpu.memory_space<vmem>>, vector<16xf32>,
      %parallel_loop3A_627 = arith.addf %parallel_loop3A_626, %get3A_341 : vector<16xf32>
      tpu.vector_store_idx %arg10[%shift_right_logical3A_13, %and3A_36, %parallel_loop3A_619], %parallel_loop3A_627 : memref<8x8x129xf32, #tpu.memory_space<vmem>>[vector<16xi32>, vector<16xi32>, vector<16xi32>], vector<16xf32>,
      %parallel_loop3A_628 = arith.index_cast %parallel_loop3A_618 : i32 to index
      %parallel_loop3A_629 = arith.constant 32 : index
      %parallel_loop3A_630 = tpu.vector_load %arg8[%parallel_loop3A_628, %parallel_loop3A_629] {strides = array<i32>} : memref<128x64xf32, #tpu.memory_space<vmem>>, vector<16xf32>,
      %parallel_loop3A_631 = arith.addf %parallel_loop3A_630, %get3A_345 : vector<16xf32>
      tpu.vector_store_idx %arg10[%shift_right_logical3A_19, %and3A_42, %parallel_loop3A_619], %parallel_loop3A_631 : memref<8x8x129xf32, #tpu.memory_space<vmem>>[vector<16xi32>, vector<16xi32>, vector<16xi32>], vector<16xf32>,
      %parallel_loop3A_632 = arith.index_cast %parallel_loop3A_618 : i32 to index
      %parallel_loop3A_633 = arith.constant 48 : index
      %parallel_loop3A_634 = tpu.vector_load %arg8[%parallel_loop3A_632, %parallel_loop3A_633] {strides = array<i32>} : memref<128x64xf32, #tpu.memory_space<vmem>>, vector<16xf32>,
      %parallel_loop3A_635 = arith.addf %parallel_loop3A_634, %get3A_349 : vector<16xf32>
      tpu.vector_store_idx %arg10[%shift_right_logical3A_25, %and3A_48, %parallel_loop3A_619], %parallel_loop3A_635 : memref<8x8x129xf32, #tpu.memory_space<vmem>>[vector<16xi32>, vector<16xi32>, vector<16xi32>], vector<16xf32>,
    } {sc.loop_unroll_factor = 4 : i64, sc.parallel_access}
    %dma_start3A_353 = arith.constant 196 : i32
    %dma_start3A_354 = arith.constant 0 : i32
    %dma_start3A_355 = arith.constant 0 : i32
    %dma_start3A_356 = arith.constant 0 : i32
    %dma_start3A_357 = tpu.memref_slice %arg10[%dma_start3A_354, %dma_start3A_355, %dma_start3A_356] : memref<8x8x129xf32, #tpu.memory_space<vmem>> -> memref<8x8x128xf32, #tpu.memory_space<vmem>>
    %dma_start3A_358 = arith.constant 0 : i32
    %dma_start3A_359 = arith.constant 0 : i32
    %dma_start3A_360 = arith.constant 0 : i32
    %dma_start3A_361 = tpu.memref_slice %arg5[%dma_start3A_353, %dma_start3A_358, %add3A, %dma_start3A_359, %dma_start3A_360] : memref<200x8x32x8x128xf32, #tpu.memory_space<hbm>> -> memref<1x8x1x8x128xf32, #tpu.memory_space<hbm>>
    %dma_start3A_362 = tpu.memref_squeeze %dma_start3A_361 : memref<1x8x1x8x128xf32, #tpu.memory_space<hbm>> -> memref<8x8x128xf32, #tpu.memory_space<hbm>>
    %dma_start3A_363 = arith.constant 0 : i32
    %dma_start3A_364 = arith.constant 0 : i32
    %dma_start3A_365 = arith.constant 0 : i32
    %dma_start3A_366 = tpu.memref_slice %arg5[%dma_start3A_353, %dma_start3A_363, %add3A, %dma_start3A_364, %dma_start3A_365] : memref<200x8x32x8x128xf32, #tpu.memory_space<hbm>> -> memref<1x8x1x8x128xf32, #tpu.memory_space<hbm>>
    %dma_start3A_367 = tpu.memref_squeeze %dma_start3A_366 : memref<1x8x1x8x128xf32, #tpu.memory_space<hbm>> -> memref<8x8x128xf32, #tpu.memory_space<hbm>>
    %dma_start3A_368 = arith.constant 0 : i32
    %dma_start3A_369 = arith.constant 0 : i32
    %dma_start3A_370 = arith.constant 0 : i32
    %dma_start3A_371 = tpu.memref_slice %arg10[%dma_start3A_368, %dma_start3A_369, %dma_start3A_370] : memref<8x8x129xf32, #tpu.memory_space<vmem>> -> memref<8x8x128xf32, #tpu.memory_space<vmem>>
    tpu.enqueue_dma source(%dma_start3A_371 : memref<8x8x128xf32, #tpu.memory_space<vmem>>) target(%dma_start3A_367 : memref<8x8x128xf32, #tpu.memory_space<hbm>>) target_semaphore(%arg16 : memref<!tpu.dma_semaphore, #tpu.memory_space<semaphore_mem>>)
    %dma_start3A_372 = arith.constant 198 : i32
    %dma_start3A_373 = arith.constant 0 : i32
    %dma_start3A_374 = tpu.memref_slice %arg6[%dma_start3A_372, %dma_start3A_373] : memref<200x128xi32, #tpu.memory_space<vmem>> -> memref<1x128xi32, #tpu.memory_space<vmem>>
    %dma_start3A_375 = tpu.memref_squeeze %dma_start3A_374 : memref<1x128xi32, #tpu.memory_space<vmem>> -> memref<128xi32, #tpu.memory_space<vmem>>
    %dma_start3A_376 = arith.constant 0 : i32
    %dma_start3A_377 = arith.constant 0 : i32
    %dma_start3A_378 = tpu.memref_slice %arg3[%dma_start3A_376, %dma_start3A_377] : memref<100000x64xf32, #tpu.memory_space<hbm>> -> memref<100000x64xf32, #tpu.memory_space<hbm>>
    tpu.enqueue_indirect_dma source(%dma_start3A_378 : memref<100000x64xf32, #tpu.memory_space<hbm>>) target(%arg7 : memref<128x64xf32, #tpu.memory_space<vmem>>) offsets(%dma_start3A_375 : memref<128xi32, #tpu.memory_space<vmem>>) semaphore(%arg13 : memref<!tpu.dma_semaphore, #tpu.memory_space<semaphore_mem>>)
    %dma_wait3A_379 = arith.constant 0 : i32
    %dma_wait3A_380 = arith.constant 0 : i32
    %dma_wait3A_381 = tpu.memref_slice %arg3[%dma_wait3A_379, %dma_wait3A_380] : memref<100000x64xf32, #tpu.memory_space<hbm>> -> memref<128x64xf32, #tpu.memory_space<hbm>>
    %dma_wait3A_382 = arith.constant 0 : i32
    %dma_wait3A_383 = arith.constant 0 : i32
    %dma_wait3A_384 = tpu.memref_slice %arg3[%dma_wait3A_382, %dma_wait3A_383] : memref<100000x64xf32, #tpu.memory_space<hbm>> -> memref<128x64xf32, #tpu.memory_space<hbm>>
    tpu.wait_dma2 semaphore(%arg15 : memref<!tpu.dma_semaphore, #tpu.memory_space<semaphore_mem>>) src(%dma_wait3A_384 : memref<128x64xf32, #tpu.memory_space<hbm>>) dst(%arg9 : memref<128x64xf32, #tpu.memory_space<vmem>>)
    %dma_wait3A_385 = arith.constant 0 : i32
    %dma_wait3A_386 = arith.constant 0 : i32
    %dma_wait3A_387 = arith.constant 0 : i32
    %dma_wait3A_388 = arith.constant 0 : i32
    %dma_wait3A_389 = arith.constant 0 : i32
    %dma_wait3A_390 = tpu.memref_slice %arg11[%dma_wait3A_387, %dma_wait3A_388, %dma_wait3A_389] : memref<8x8x129xf32, #tpu.memory_space<vmem>> -> memref<8x8x128xf32, #tpu.memory_space<vmem>>
    %dma_wait3A_391 = arith.constant 0 : i32
    %dma_wait3A_392 = arith.constant 0 : i32
    %dma_wait3A_393 = arith.constant 0 : i32
    %dma_wait3A_394 = tpu.memref_slice %arg5[%dma_wait3A_385, %dma_wait3A_391, %dma_wait3A_386, %dma_wait3A_392, %dma_wait3A_393] : memref<200x8x32x8x128xf32, #tpu.memory_space<hbm>> -> memref<1x8x1x8x128xf32, #tpu.memory_space<hbm>>
    %dma_wait3A_395 = tpu.memref_squeeze %dma_wait3A_394 : memref<1x8x1x8x128xf32, #tpu.memory_space<hbm>> -> memref<8x8x128xf32, #tpu.memory_space<hbm>>
    %dma_wait3A_396 = arith.constant 0 : i32
    %dma_wait3A_397 = arith.constant 0 : i32
    %dma_wait3A_398 = arith.constant 0 : i32
    %dma_wait3A_399 = tpu.memref_slice %arg5[%dma_wait3A_385, %dma_wait3A_396, %dma_wait3A_386, %dma_wait3A_397, %dma_wait3A_398] : memref<200x8x32x8x128xf32, #tpu.memory_space<hbm>> -> memref<1x8x1x8x128xf32, #tpu.memory_space<hbm>>
    %dma_wait3A_400 = tpu.memref_squeeze %dma_wait3A_399 : memref<1x8x1x8x128xf32, #tpu.memory_space<hbm>> -> memref<8x8x128xf32, #tpu.memory_space<hbm>>
    %dma_wait3A_401 = arith.constant 0 : i32
    %dma_wait3A_402 = arith.constant 0 : i32
    %dma_wait3A_403 = arith.constant 0 : i32
    %dma_wait3A_404 = tpu.memref_slice %arg11[%dma_wait3A_401, %dma_wait3A_402, %dma_wait3A_403] : memref<8x8x129xf32, #tpu.memory_space<vmem>> -> memref<8x8x128xf32, #tpu.memory_space<vmem>>
    tpu.wait_dma2 semaphore(%arg17 : memref<!tpu.dma_semaphore, #tpu.memory_space<semaphore_mem>>) src(%dma_wait3A_404 : memref<8x8x128xf32, #tpu.memory_space<vmem>>) dst(%dma_wait3A_400 : memref<8x8x128xf32, #tpu.memory_space<hbm>>)
    %get3A_405 = arith.constant 197 : i32
    %get3A_406 = arith.index_cast %get3A_405 : i32 to index
    %get3A_407 = arith.constant 0 : index
    %get3A_408 = tpu.vector_load %arg12[%get3A_406, %get3A_407] {strides = array<i32>} : memref<200x64xf32, #tpu.memory_space<vmem>>, vector<16xf32>,
    %get3A_409 = arith.constant 197 : i32
    %get3A_410 = arith.index_cast %get3A_409 : i32 to index
    %get3A_411 = arith.constant 16 : index
    %get3A_412 = tpu.vector_load %arg12[%get3A_410, %get3A_411] {strides = array<i32>} : memref<200x64xf32, #tpu.memory_space<vmem>>, vector<16xf32>,
    %get3A_413 = arith.constant 197 : i32
    %get3A_414 = arith.index_cast %get3A_413 : i32 to index
    %get3A_415 = arith.constant 32 : index
    %get3A_416 = tpu.vector_load %arg12[%get3A_414, %get3A_415] {strides = array<i32>} : memref<200x64xf32, #tpu.memory_space<vmem>>, vector<16xf32>,
    %get3A_417 = arith.constant 197 : i32
    %get3A_418 = arith.index_cast %get3A_417 : i32 to index
    %get3A_419 = arith.constant 48 : index
    %get3A_420 = tpu.vector_load %arg12[%get3A_418, %get3A_419] {strides = array<i32>} : memref<200x64xf32, #tpu.memory_space<vmem>>, vector<16xf32>,
    %parallel_loop3A_421 = arith.constant 0 : i32
    %parallel_loop3A_422 = arith.constant 128 : i32
    %parallel_loop3A_423 = arith.constant 1 : i32
    scf.for %parallel_loop3A_618 = %parallel_loop3A_421 to %parallel_loop3A_422 step %parallel_loop3A_423  : i32 {
      %parallel_loop3A_619 = vector.broadcast %parallel_loop3A_618 : i32 to vector<16xi32>
      %parallel_loop3A_620 = arith.index_cast %parallel_loop3A_618 : i32 to index
      %parallel_loop3A_621 = arith.constant 0 : index
      %parallel_loop3A_622 = tpu.vector_load %arg9[%parallel_loop3A_620, %parallel_loop3A_621] {strides = array<i32>} : memref<128x64xf32, #tpu.memory_space<vmem>>, vector<16xf32>,
      %parallel_loop3A_623 = arith.addf %parallel_loop3A_622, %get3A_408 : vector<16xf32>
      tpu.vector_store_idx %arg11[%shift_right_logical3A_7, %and3A_30, %parallel_loop3A_619], %parallel_loop3A_623 : memref<8x8x129xf32, #tpu.memory_space<vmem>>[vector<16xi32>, vector<16xi32>, vector<16xi32>], vector<16xf32>,
      %parallel_loop3A_624 = arith.index_cast %parallel_loop3A_618 : i32 to index
      %parallel_loop3A_625 = arith.constant 16 : index
      %parallel_loop3A_626 = tpu.vector_load %arg9[%parallel_loop3A_624, %parallel_loop3A_625] {strides = array<i32>} : memref<128x64xf32, #tpu.memory_space<vmem>>, vector<16xf32>,
      %parallel_loop3A_627 = arith.addf %parallel_loop3A_626, %get3A_412 : vector<16xf32>
      tpu.vector_store_idx %arg11[%shift_right_logical3A_13, %and3A_36, %parallel_loop3A_619], %parallel_loop3A_627 : memref<8x8x129xf32, #tpu.memory_space<vmem>>[vector<16xi32>, vector<16xi32>, vector<16xi32>], vector<16xf32>,
      %parallel_loop3A_628 = arith.index_cast %parallel_loop3A_618 : i32 to index
      %parallel_loop3A_629 = arith.constant 32 : index
      %parallel_loop3A_630 = tpu.vector_load %arg9[%parallel_loop3A_628, %parallel_loop3A_629] {strides = array<i32>} : memref<128x64xf32, #tpu.memory_space<vmem>>, vector<16xf32>,
      %parallel_loop3A_631 = arith.addf %parallel_loop3A_630, %get3A_416 : vector<16xf32>
      tpu.vector_store_idx %arg11[%shift_right_logical3A_19, %and3A_42, %parallel_loop3A_619], %parallel_loop3A_631 : memref<8x8x129xf32, #tpu.memory_space<vmem>>[vector<16xi32>, vector<16xi32>, vector<16xi32>], vector<16xf32>,
      %parallel_loop3A_632 = arith.index_cast %parallel_loop3A_618 : i32 to index
      %parallel_loop3A_633 = arith.constant 48 : index
      %parallel_loop3A_634 = tpu.vector_load %arg9[%parallel_loop3A_632, %parallel_loop3A_633] {strides = array<i32>} : memref<128x64xf32, #tpu.memory_space<vmem>>, vector<16xf32>,
      %parallel_loop3A_635 = arith.addf %parallel_loop3A_634, %get3A_420 : vector<16xf32>
      tpu.vector_store_idx %arg11[%shift_right_logical3A_25, %and3A_48, %parallel_loop3A_619], %parallel_loop3A_635 : memref<8x8x129xf32, #tpu.memory_space<vmem>>[vector<16xi32>, vector<16xi32>, vector<16xi32>], vector<16xf32>,
    } {sc.loop_unroll_factor = 4 : i64, sc.parallel_access}
    %dma_start3A_424 = arith.constant 197 : i32
    %dma_start3A_425 = arith.constant 0 : i32
    %dma_start3A_426 = arith.constant 0 : i32
    %dma_start3A_427 = arith.constant 0 : i32
    %dma_start3A_428 = tpu.memref_slice %arg11[%dma_start3A_425, %dma_start3A_426, %dma_start3A_427] : memref<8x8x129xf32, #tpu.memory_space<vmem>> -> memref<8x8x128xf32, #tpu.memory_space<vmem>>
    %dma_start3A_429 = arith.constant 0 : i32
    %dma_start3A_430 = arith.constant 0 : i32
    %dma_start3A_431 = arith.constant 0 : i32
    %dma_start3A_432 = tpu.memref_slice %arg5[%dma_start3A_424, %dma_start3A_429, %add3A, %dma_start3A_430, %dma_start3A_431] : memref<200x8x32x8x128xf32, #tpu.memory_space<hbm>> -> memref<1x8x1x8x128xf32, #tpu.memory_space<hbm>>
    %dma_start3A_433 = tpu.memref_squeeze %dma_start3A_432 : memref<1x8x1x8x128xf32, #tpu.memory_space<hbm>> -> memref<8x8x128xf32, #tpu.memory_space<hbm>>
    %dma_start3A_434 = arith.constant 0 : i32
    %dma_start3A_435 = arith.constant 0 : i32
    %dma_start3A_436 = arith.constant 0 : i32
    %dma_start3A_437 = tpu.memref_slice %arg5[%dma_start3A_424, %dma_start3A_434, %add3A, %dma_start3A_435, %dma_start3A_436] : memref<200x8x32x8x128xf32, #tpu.memory_space<hbm>> -> memref<1x8x1x8x128xf32, #tpu.memory_space<hbm>>
    %dma_start3A_438 = tpu.memref_squeeze %dma_start3A_437 : memref<1x8x1x8x128xf32, #tpu.memory_space<hbm>> -> memref<8x8x128xf32, #tpu.memory_space<hbm>>
    %dma_start3A_439 = arith.constant 0 : i32
    %dma_start3A_440 = arith.constant 0 : i32
    %dma_start3A_441 = arith.constant 0 : i32
    %dma_start3A_442 = tpu.memref_slice %arg11[%dma_start3A_439, %dma_start3A_440, %dma_start3A_441] : memref<8x8x129xf32, #tpu.memory_space<vmem>> -> memref<8x8x128xf32, #tpu.memory_space<vmem>>
    tpu.enqueue_dma source(%dma_start3A_442 : memref<8x8x128xf32, #tpu.memory_space<vmem>>) target(%dma_start3A_438 : memref<8x8x128xf32, #tpu.memory_space<hbm>>) target_semaphore(%arg17 : memref<!tpu.dma_semaphore, #tpu.memory_space<semaphore_mem>>)
    %dma_start3A_443 = arith.constant 199 : i32
    %dma_start3A_444 = arith.constant 0 : i32
    %dma_start3A_445 = tpu.memref_slice %arg6[%dma_start3A_443, %dma_start3A_444] : memref<200x128xi32, #tpu.memory_space<vmem>> -> memref<1x128xi32, #tpu.memory_space<vmem>>
    %dma_start3A_446 = tpu.memref_squeeze %dma_start3A_445 : memref<1x128xi32, #tpu.memory_space<vmem>> -> memref<128xi32, #tpu.memory_space<vmem>>
    %dma_start3A_447 = arith.constant 0 : i32
    %dma_start3A_448 = arith.constant 0 : i32
    %dma_start3A_449 = tpu.memref_slice %arg3[%dma_start3A_447, %dma_start3A_448] : memref<100000x64xf32, #tpu.memory_space<hbm>> -> memref<100000x64xf32, #tpu.memory_space<hbm>>
    tpu.enqueue_indirect_dma source(%dma_start3A_449 : memref<100000x64xf32, #tpu.memory_space<hbm>>) target(%arg8 : memref<128x64xf32, #tpu.memory_space<vmem>>) offsets(%dma_start3A_446 : memref<128xi32, #tpu.memory_space<vmem>>) semaphore(%arg14 : memref<!tpu.dma_semaphore, #tpu.memory_space<semaphore_mem>>)
    %dma_wait3A_450 = arith.constant 0 : i32
    %dma_wait3A_451 = arith.constant 0 : i32
    %dma_wait3A_452 = tpu.memref_slice %arg3[%dma_wait3A_450, %dma_wait3A_451] : memref<100000x64xf32, #tpu.memory_space<hbm>> -> memref<128x64xf32, #tpu.memory_space<hbm>>
    %dma_wait3A_453 = arith.constant 0 : i32
    %dma_wait3A_454 = arith.constant 0 : i32
    %dma_wait3A_455 = tpu.memref_slice %arg3[%dma_wait3A_453, %dma_wait3A_454] : memref<100000x64xf32, #tpu.memory_space<hbm>> -> memref<128x64xf32, #tpu.memory_space<hbm>>
    tpu.wait_dma2 semaphore(%arg13 : memref<!tpu.dma_semaphore, #tpu.memory_space<semaphore_mem>>) src(%dma_wait3A_455 : memref<128x64xf32, #tpu.memory_space<hbm>>) dst(%arg7 : memref<128x64xf32, #tpu.memory_space<vmem>>)
    %dma_wait3A_456 = arith.constant 0 : i32
    %dma_wait3A_457 = arith.constant 0 : i32
    %dma_wait3A_458 = arith.constant 0 : i32
    %dma_wait3A_459 = arith.constant 0 : i32
    %dma_wait3A_460 = arith.constant 0 : i32
    %dma_wait3A_461 = tpu.memref_slice %arg10[%dma_wait3A_458, %dma_wait3A_459, %dma_wait3A_460] : memref<8x8x129xf32, #tpu.memory_space<vmem>> -> memref<8x8x128xf32, #tpu.memory_space<vmem>>
    %dma_wait3A_462 = arith.constant 0 : i32
    %dma_wait3A_463 = arith.constant 0 : i32
    %dma_wait3A_464 = arith.constant 0 : i32
    %dma_wait3A_465 = tpu.memref_slice %arg5[%dma_wait3A_456, %dma_wait3A_462, %dma_wait3A_457, %dma_wait3A_463, %dma_wait3A_464] : memref<200x8x32x8x128xf32, #tpu.memory_space<hbm>> -> memref<1x8x1x8x128xf32, #tpu.memory_space<hbm>>
    %dma_wait3A_466 = tpu.memref_squeeze %dma_wait3A_465 : memref<1x8x1x8x128xf32, #tpu.memory_space<hbm>> -> memref<8x8x128xf32, #tpu.memory_space<hbm>>
    %dma_wait3A_467 = arith.constant 0 : i32
    %dma_wait3A_468 = arith.constant 0 : i32
    %dma_wait3A_469 = arith.constant 0 : i32
    %dma_wait3A_470 = tpu.memref_slice %arg5[%dma_wait3A_456, %dma_wait3A_467, %dma_wait3A_457, %dma_wait3A_468, %dma_wait3A_469] : memref<200x8x32x8x128xf32, #tpu.memory_space<hbm>> -> memref<1x8x1x8x128xf32, #tpu.memory_space<hbm>>
    %dma_wait3A_471 = tpu.memref_squeeze %dma_wait3A_470 : memref<1x8x1x8x128xf32, #tpu.memory_space<hbm>> -> memref<8x8x128xf32, #tpu.memory_space<hbm>>
    %dma_wait3A_472 = arith.constant 0 : i32
    %dma_wait3A_473 = arith.constant 0 : i32
    %dma_wait3A_474 = arith.constant 0 : i32
    %dma_wait3A_475 = tpu.memref_slice %arg10[%dma_wait3A_472, %dma_wait3A_473, %dma_wait3A_474] : memref<8x8x129xf32, #tpu.memory_space<vmem>> -> memref<8x8x128xf32, #tpu.memory_space<vmem>>
    tpu.wait_dma2 semaphore(%arg16 : memref<!tpu.dma_semaphore, #tpu.memory_space<semaphore_mem>>) src(%dma_wait3A_475 : memref<8x8x128xf32, #tpu.memory_space<vmem>>) dst(%dma_wait3A_471 : memref<8x8x128xf32, #tpu.memory_space<hbm>>)
    %get3A_476 = arith.constant 198 : i32
    %get3A_477 = arith.index_cast %get3A_476 : i32 to index
    %get3A_478 = arith.constant 0 : index
    %get3A_479 = tpu.vector_load %arg12[%get3A_477, %get3A_478] {strides = array<i32>} : memref<200x64xf32, #tpu.memory_space<vmem>>, vector<16xf32>,
    %get3A_480 = arith.constant 198 : i32
    %get3A_481 = arith.index_cast %get3A_480 : i32 to index
    %get3A_482 = arith.constant 16 : index
    %get3A_483 = tpu.vector_load %arg12[%get3A_481, %get3A_482] {strides = array<i32>} : memref<200x64xf32, #tpu.memory_space<vmem>>, vector<16xf32>,
    %get3A_484 = arith.constant 198 : i32
    %get3A_485 = arith.index_cast %get3A_484 : i32 to index
    %get3A_486 = arith.constant 32 : index
    %get3A_487 = tpu.vector_load %arg12[%get3A_485, %get3A_486] {strides = array<i32>} : memref<200x64xf32, #tpu.memory_space<vmem>>, vector<16xf32>,
    %get3A_488 = arith.constant 198 : i32
    %get3A_489 = arith.index_cast %get3A_488 : i32 to index
    %get3A_490 = arith.constant 48 : index
    %get3A_491 = tpu.vector_load %arg12[%get3A_489, %get3A_490] {strides = array<i32>} : memref<200x64xf32, #tpu.memory_space<vmem>>, vector<16xf32>,
    %parallel_loop3A_492 = arith.constant 0 : i32
    %parallel_loop3A_493 = arith.constant 128 : i32
    %parallel_loop3A_494 = arith.constant 1 : i32
    scf.for %parallel_loop3A_618 = %parallel_loop3A_492 to %parallel_loop3A_493 step %parallel_loop3A_494  : i32 {
      %parallel_loop3A_619 = vector.broadcast %parallel_loop3A_618 : i32 to vector<16xi32>
      %parallel_loop3A_620 = arith.index_cast %parallel_loop3A_618 : i32 to index
      %parallel_loop3A_621 = arith.constant 0 : index
      %parallel_loop3A_622 = tpu.vector_load %arg7[%parallel_loop3A_620, %parallel_loop3A_621] {strides = array<i32>} : memref<128x64xf32, #tpu.memory_space<vmem>>, vector<16xf32>,
      %parallel_loop3A_623 = arith.addf %parallel_loop3A_622, %get3A_479 : vector<16xf32>
      tpu.vector_store_idx %arg10[%shift_right_logical3A_7, %and3A_30, %parallel_loop3A_619], %parallel_loop3A_623 : memref<8x8x129xf32, #tpu.memory_space<vmem>>[vector<16xi32>, vector<16xi32>, vector<16xi32>], vector<16xf32>,
      %parallel_loop3A_624 = arith.index_cast %parallel_loop3A_618 : i32 to index
      %parallel_loop3A_625 = arith.constant 16 : index
      %parallel_loop3A_626 = tpu.vector_load %arg7[%parallel_loop3A_624, %parallel_loop3A_625] {strides = array<i32>} : memref<128x64xf32, #tpu.memory_space<vmem>>, vector<16xf32>,
      %parallel_loop3A_627 = arith.addf %parallel_loop3A_626, %get3A_483 : vector<16xf32>
      tpu.vector_store_idx %arg10[%shift_right_logical3A_13, %and3A_36, %parallel_loop3A_619], %parallel_loop3A_627 : memref<8x8x129xf32, #tpu.memory_space<vmem>>[vector<16xi32>, vector<16xi32>, vector<16xi32>], vector<16xf32>,
      %parallel_loop3A_628 = arith.index_cast %parallel_loop3A_618 : i32 to index
      %parallel_loop3A_629 = arith.constant 32 : index
      %parallel_loop3A_630 = tpu.vector_load %arg7[%parallel_loop3A_628, %parallel_loop3A_629] {strides = array<i32>} : memref<128x64xf32, #tpu.memory_space<vmem>>, vector<16xf32>,
      %parallel_loop3A_631 = arith.addf %parallel_loop3A_630, %get3A_487 : vector<16xf32>
      tpu.vector_store_idx %arg10[%shift_right_logical3A_19, %and3A_42, %parallel_loop3A_619], %parallel_loop3A_631 : memref<8x8x129xf32, #tpu.memory_space<vmem>>[vector<16xi32>, vector<16xi32>, vector<16xi32>], vector<16xf32>,
      %parallel_loop3A_632 = arith.index_cast %parallel_loop3A_618 : i32 to index
      %parallel_loop3A_633 = arith.constant 48 : index
      %parallel_loop3A_634 = tpu.vector_load %arg7[%parallel_loop3A_632, %parallel_loop3A_633] {strides = array<i32>} : memref<128x64xf32, #tpu.memory_space<vmem>>, vector<16xf32>,
      %parallel_loop3A_635 = arith.addf %parallel_loop3A_634, %get3A_491 : vector<16xf32>
      tpu.vector_store_idx %arg10[%shift_right_logical3A_25, %and3A_48, %parallel_loop3A_619], %parallel_loop3A_635 : memref<8x8x129xf32, #tpu.memory_space<vmem>>[vector<16xi32>, vector<16xi32>, vector<16xi32>], vector<16xf32>,
    } {sc.loop_unroll_factor = 4 : i64, sc.parallel_access}
    %dma_start3A_495 = arith.constant 198 : i32
    %dma_start3A_496 = arith.constant 0 : i32
    %dma_start3A_497 = arith.constant 0 : i32
    %dma_start3A_498 = arith.constant 0 : i32
    %dma_start3A_499 = tpu.memref_slice %arg10[%dma_start3A_496, %dma_start3A_497, %dma_start3A_498] : memref<8x8x129xf32, #tpu.memory_space<vmem>> -> memref<8x8x128xf32, #tpu.memory_space<vmem>>
    %dma_start3A_500 = arith.constant 0 : i32
    %dma_start3A_501 = arith.constant 0 : i32
    %dma_start3A_502 = arith.constant 0 : i32
    %dma_start3A_503 = tpu.memref_slice %arg5[%dma_start3A_495, %dma_start3A_500, %add3A, %dma_start3A_501, %dma_start3A_502] : memref<200x8x32x8x128xf32, #tpu.memory_space<hbm>> -> memref<1x8x1x8x128xf32, #tpu.memory_space<hbm>>
    %dma_start3A_504 = tpu.memref_squeeze %dma_start3A_503 : memref<1x8x1x8x128xf32, #tpu.memory_space<hbm>> -> memref<8x8x128xf32, #tpu.memory_space<hbm>>
    %dma_start3A_505 = arith.constant 0 : i32
    %dma_start3A_506 = arith.constant 0 : i32
    %dma_start3A_507 = arith.constant 0 : i32
    %dma_start3A_508 = tpu.memref_slice %arg5[%dma_start3A_495, %dma_start3A_505, %add3A, %dma_start3A_506, %dma_start3A_507] : memref<200x8x32x8x128xf32, #tpu.memory_space<hbm>> -> memref<1x8x1x8x128xf32, #tpu.memory_space<hbm>>
    %dma_start3A_509 = tpu.memref_squeeze %dma_start3A_508 : memref<1x8x1x8x128xf32, #tpu.memory_space<hbm>> -> memref<8x8x128xf32, #tpu.memory_space<hbm>>
    %dma_start3A_510 = arith.constant 0 : i32
    %dma_start3A_511 = arith.constant 0 : i32
    %dma_start3A_512 = arith.constant 0 : i32
    %dma_start3A_513 = tpu.memref_slice %arg10[%dma_start3A_510, %dma_start3A_511, %dma_start3A_512] : memref<8x8x129xf32, #tpu.memory_space<vmem>> -> memref<8x8x128xf32, #tpu.memory_space<vmem>>
    tpu.enqueue_dma source(%dma_start3A_513 : memref<8x8x128xf32, #tpu.memory_space<vmem>>) target(%dma_start3A_509 : memref<8x8x128xf32, #tpu.memory_space<hbm>>) target_semaphore(%arg16 : memref<!tpu.dma_semaphore, #tpu.memory_space<semaphore_mem>>)
    %dma_wait3A_514 = arith.constant 0 : i32
    %dma_wait3A_515 = arith.constant 0 : i32
    %dma_wait3A_516 = tpu.memref_slice %arg3[%dma_wait3A_514, %dma_wait3A_515] : memref<100000x64xf32, #tpu.memory_space<hbm>> -> memref<128x64xf32, #tpu.memory_space<hbm>>
    %dma_wait3A_517 = arith.constant 0 : i32
    %dma_wait3A_518 = arith.constant 0 : i32
    %dma_wait3A_519 = tpu.memref_slice %arg3[%dma_wait3A_517, %dma_wait3A_518] : memref<100000x64xf32, #tpu.memory_space<hbm>> -> memref<128x64xf32, #tpu.memory_space<hbm>>
    tpu.wait_dma2 semaphore(%arg14 : memref<!tpu.dma_semaphore, #tpu.memory_space<semaphore_mem>>) src(%dma_wait3A_519 : memref<128x64xf32, #tpu.memory_space<hbm>>) dst(%arg8 : memref<128x64xf32, #tpu.memory_space<vmem>>)
    %dma_wait3A_520 = arith.constant 0 : i32
    %dma_wait3A_521 = arith.constant 0 : i32
    %dma_wait3A_522 = arith.constant 0 : i32
    %dma_wait3A_523 = arith.constant 0 : i32
    %dma_wait3A_524 = arith.constant 0 : i32
    %dma_wait3A_525 = tpu.memref_slice %arg11[%dma_wait3A_522, %dma_wait3A_523, %dma_wait3A_524] : memref<8x8x129xf32, #tpu.memory_space<vmem>> -> memref<8x8x128xf32, #tpu.memory_space<vmem>>
    %dma_wait3A_526 = arith.constant 0 : i32
    %dma_wait3A_527 = arith.constant 0 : i32
    %dma_wait3A_528 = arith.constant 0 : i32
    %dma_wait3A_529 = tpu.memref_slice %arg5[%dma_wait3A_520, %dma_wait3A_526, %dma_wait3A_521, %dma_wait3A_527, %dma_wait3A_528] : memref<200x8x32x8x128xf32, #tpu.memory_space<hbm>> -> memref<1x8x1x8x128xf32, #tpu.memory_space<hbm>>
    %dma_wait3A_530 = tpu.memref_squeeze %dma_wait3A_529 : memref<1x8x1x8x128xf32, #tpu.memory_space<hbm>> -> memref<8x8x128xf32, #tpu.memory_space<hbm>>
    %dma_wait3A_531 = arith.constant 0 : i32
    %dma_wait3A_532 = arith.constant 0 : i32
    %dma_wait3A_533 = arith.constant 0 : i32
    %dma_wait3A_534 = tpu.memref_slice %arg5[%dma_wait3A_520, %dma_wait3A_531, %dma_wait3A_521, %dma_wait3A_532, %dma_wait3A_533] : memref<200x8x32x8x128xf32, #tpu.memory_space<hbm>> -> memref<1x8x1x8x128xf32, #tpu.memory_space<hbm>>
    %dma_wait3A_535 = tpu.memref_squeeze %dma_wait3A_534 : memref<1x8x1x8x128xf32, #tpu.memory_space<hbm>> -> memref<8x8x128xf32, #tpu.memory_space<hbm>>
    %dma_wait3A_536 = arith.constant 0 : i32
    %dma_wait3A_537 = arith.constant 0 : i32
    %dma_wait3A_538 = arith.constant 0 : i32
    %dma_wait3A_539 = tpu.memref_slice %arg11[%dma_wait3A_536, %dma_wait3A_537, %dma_wait3A_538] : memref<8x8x129xf32, #tpu.memory_space<vmem>> -> memref<8x8x128xf32, #tpu.memory_space<vmem>>
    tpu.wait_dma2 semaphore(%arg17 : memref<!tpu.dma_semaphore, #tpu.memory_space<semaphore_mem>>) src(%dma_wait3A_539 : memref<8x8x128xf32, #tpu.memory_space<vmem>>) dst(%dma_wait3A_535 : memref<8x8x128xf32, #tpu.memory_space<hbm>>)
    %get3A_540 = arith.constant 199 : i32
    %get3A_541 = arith.index_cast %get3A_540 : i32 to index
    %get3A_542 = arith.constant 0 : index
    %get3A_543 = tpu.vector_load %arg12[%get3A_541, %get3A_542] {strides = array<i32>} : memref<200x64xf32, #tpu.memory_space<vmem>>, vector<16xf32>,
    %get3A_544 = arith.constant 199 : i32
    %get3A_545 = arith.index_cast %get3A_544 : i32 to index
    %get3A_546 = arith.constant 16 : index
    %get3A_547 = tpu.vector_load %arg12[%get3A_545, %get3A_546] {strides = array<i32>} : memref<200x64xf32, #tpu.memory_space<vmem>>, vector<16xf32>,
    %get3A_548 = arith.constant 199 : i32
    %get3A_549 = arith.index_cast %get3A_548 : i32 to index
    %get3A_550 = arith.constant 32 : index
    %get3A_551 = tpu.vector_load %arg12[%get3A_549, %get3A_550] {strides = array<i32>} : memref<200x64xf32, #tpu.memory_space<vmem>>, vector<16xf32>,
    %get3A_552 = arith.constant 199 : i32
    %get3A_553 = arith.index_cast %get3A_552 : i32 to index
    %get3A_554 = arith.constant 48 : index
    %get3A_555 = tpu.vector_load %arg12[%get3A_553, %get3A_554] {strides = array<i32>} : memref<200x64xf32, #tpu.memory_space<vmem>>, vector<16xf32>,
    %parallel_loop3A_556 = arith.constant 0 : i32
    %parallel_loop3A_557 = arith.constant 128 : i32
    %parallel_loop3A_558 = arith.constant 1 : i32
    scf.for %parallel_loop3A_618 = %parallel_loop3A_556 to %parallel_loop3A_557 step %parallel_loop3A_558  : i32 {
      %parallel_loop3A_619 = vector.broadcast %parallel_loop3A_618 : i32 to vector<16xi32>
      %parallel_loop3A_620 = arith.index_cast %parallel_loop3A_618 : i32 to index
      %parallel_loop3A_621 = arith.constant 0 : index
      %parallel_loop3A_622 = tpu.vector_load %arg8[%parallel_loop3A_620, %parallel_loop3A_621] {strides = array<i32>} : memref<128x64xf32, #tpu.memory_space<vmem>>, vector<16xf32>,
      %parallel_loop3A_623 = arith.addf %parallel_loop3A_622, %get3A_543 : vector<16xf32>
      tpu.vector_store_idx %arg11[%shift_right_logical3A_7, %and3A_30, %parallel_loop3A_619], %parallel_loop3A_623 : memref<8x8x129xf32, #tpu.memory_space<vmem>>[vector<16xi32>, vector<16xi32>, vector<16xi32>], vector<16xf32>,
      %parallel_loop3A_624 = arith.index_cast %parallel_loop3A_618 : i32 to index
      %parallel_loop3A_625 = arith.constant 16 : index
      %parallel_loop3A_626 = tpu.vector_load %arg8[%parallel_loop3A_624, %parallel_loop3A_625] {strides = array<i32>} : memref<128x64xf32, #tpu.memory_space<vmem>>, vector<16xf32>,
      %parallel_loop3A_627 = arith.addf %parallel_loop3A_626, %get3A_547 : vector<16xf32>
      tpu.vector_store_idx %arg11[%shift_right_logical3A_13, %and3A_36, %parallel_loop3A_619], %parallel_loop3A_627 : memref<8x8x129xf32, #tpu.memory_space<vmem>>[vector<16xi32>, vector<16xi32>, vector<16xi32>], vector<16xf32>,
      %parallel_loop3A_628 = arith.index_cast %parallel_loop3A_618 : i32 to index
      %parallel_loop3A_629 = arith.constant 32 : index
      %parallel_loop3A_630 = tpu.vector_load %arg8[%parallel_loop3A_628, %parallel_loop3A_629] {strides = array<i32>} : memref<128x64xf32, #tpu.memory_space<vmem>>, vector<16xf32>,
      %parallel_loop3A_631 = arith.addf %parallel_loop3A_630, %get3A_551 : vector<16xf32>
      tpu.vector_store_idx %arg11[%shift_right_logical3A_19, %and3A_42, %parallel_loop3A_619], %parallel_loop3A_631 : memref<8x8x129xf32, #tpu.memory_space<vmem>>[vector<16xi32>, vector<16xi32>, vector<16xi32>], vector<16xf32>,
      %parallel_loop3A_632 = arith.index_cast %parallel_loop3A_618 : i32 to index
      %parallel_loop3A_633 = arith.constant 48 : index
      %parallel_loop3A_634 = tpu.vector_load %arg8[%parallel_loop3A_632, %parallel_loop3A_633] {strides = array<i32>} : memref<128x64xf32, #tpu.memory_space<vmem>>, vector<16xf32>,
      %parallel_loop3A_635 = arith.addf %parallel_loop3A_634, %get3A_555 : vector<16xf32>
      tpu.vector_store_idx %arg11[%shift_right_logical3A_25, %and3A_48, %parallel_loop3A_619], %parallel_loop3A_635 : memref<8x8x129xf32, #tpu.memory_space<vmem>>[vector<16xi32>, vector<16xi32>, vector<16xi32>], vector<16xf32>,
    } {sc.loop_unroll_factor = 4 : i64, sc.parallel_access}
    %dma_start3A_559 = arith.constant 199 : i32
    %dma_start3A_560 = arith.constant 0 : i32
    %dma_start3A_561 = arith.constant 0 : i32
    %dma_start3A_562 = arith.constant 0 : i32
    %dma_start3A_563 = tpu.memref_slice %arg11[%dma_start3A_560, %dma_start3A_561, %dma_start3A_562] : memref<8x8x129xf32, #tpu.memory_space<vmem>> -> memref<8x8x128xf32, #tpu.memory_space<vmem>>
    %dma_start3A_564 = arith.constant 0 : i32
    %dma_start3A_565 = arith.constant 0 : i32
    %dma_start3A_566 = arith.constant 0 : i32
    %dma_start3A_567 = tpu.memref_slice %arg5[%dma_start3A_559, %dma_start3A_564, %add3A, %dma_start3A_565, %dma_start3A_566] : memref<200x8x32x8x128xf32, #tpu.memory_space<hbm>> -> memref<1x8x1x8x128xf32, #tpu.memory_space<hbm>>
    %dma_start3A_568 = tpu.memref_squeeze %dma_start3A_567 : memref<1x8x1x8x128xf32, #tpu.memory_space<hbm>> -> memref<8x8x128xf32, #tpu.memory_space<hbm>>
    %dma_start3A_569 = arith.constant 0 : i32
    %dma_start3A_570 = arith.constant 0 : i32
    %dma_start3A_571 = arith.constant 0 : i32
    %dma_start3A_572 = tpu.memref_slice %arg5[%dma_start3A_559, %dma_start3A_569, %add3A, %dma_start3A_570, %dma_start3A_571] : memref<200x8x32x8x128xf32, #tpu.memory_space<hbm>> -> memref<1x8x1x8x128xf32, #tpu.memory_space<hbm>>
    %dma_start3A_573 = tpu.memref_squeeze %dma_start3A_572 : memref<1x8x1x8x128xf32, #tpu.memory_space<hbm>> -> memref<8x8x128xf32, #tpu.memory_space<hbm>>
    %dma_start3A_574 = arith.constant 0 : i32
    %dma_start3A_575 = arith.constant 0 : i32
    %dma_start3A_576 = arith.constant 0 : i32
    %dma_start3A_577 = tpu.memref_slice %arg11[%dma_start3A_574, %dma_start3A_575, %dma_start3A_576] : memref<8x8x129xf32, #tpu.memory_space<vmem>> -> memref<8x8x128xf32, #tpu.memory_space<vmem>>
    tpu.enqueue_dma source(%dma_start3A_577 : memref<8x8x128xf32, #tpu.memory_space<vmem>>) target(%dma_start3A_573 : memref<8x8x128xf32, #tpu.memory_space<hbm>>) target_semaphore(%arg17 : memref<!tpu.dma_semaphore, #tpu.memory_space<semaphore_mem>>)
    %dma_wait3A_578 = arith.constant 0 : i32
    %dma_wait3A_579 = arith.constant 0 : i32
    %dma_wait3A_580 = arith.constant 0 : i32
    %dma_wait3A_581 = arith.constant 0 : i32
    %dma_wait3A_582 = arith.constant 0 : i32
    %dma_wait3A_583 = tpu.memref_slice %arg10[%dma_wait3A_580, %dma_wait3A_581, %dma_wait3A_582] : memref<8x8x129xf32, #tpu.memory_space<vmem>> -> memref<8x8x128xf32, #tpu.memory_space<vmem>>
    %dma_wait3A_584 = arith.constant 0 : i32
    %dma_wait3A_585 = arith.constant 0 : i32
    %dma_wait3A_586 = arith.constant 0 : i32
    %dma_wait3A_587 = tpu.memref_slice %arg5[%dma_wait3A_578, %dma_wait3A_584, %dma_wait3A_579, %dma_wait3A_585, %dma_wait3A_586] : memref<200x8x32x8x128xf32, #tpu.memory_space<hbm>> -> memref<1x8x1x8x128xf32, #tpu.memory_space<hbm>>
    %dma_wait3A_588 = tpu.memref_squeeze %dma_wait3A_587 : memref<1x8x1x8x128xf32, #tpu.memory_space<hbm>> -> memref<8x8x128xf32, #tpu.memory_space<hbm>>
    %dma_wait3A_589 = arith.constant 0 : i32
    %dma_wait3A_590 = arith.constant 0 : i32
    %dma_wait3A_591 = arith.constant 0 : i32
    %dma_wait3A_592 = tpu.memref_slice %arg5[%dma_wait3A_578, %dma_wait3A_589, %dma_wait3A_579, %dma_wait3A_590, %dma_wait3A_591] : memref<200x8x32x8x128xf32, #tpu.memory_space<hbm>> -> memref<1x8x1x8x128xf32, #tpu.memory_space<hbm>>
    %dma_wait3A_593 = tpu.memref_squeeze %dma_wait3A_592 : memref<1x8x1x8x128xf32, #tpu.memory_space<hbm>> -> memref<8x8x128xf32, #tpu.memory_space<hbm>>
    %dma_wait3A_594 = arith.constant 0 : i32
    %dma_wait3A_595 = arith.constant 0 : i32
    %dma_wait3A_596 = arith.constant 0 : i32
    %dma_wait3A_597 = tpu.memref_slice %arg10[%dma_wait3A_594, %dma_wait3A_595, %dma_wait3A_596] : memref<8x8x129xf32, #tpu.memory_space<vmem>> -> memref<8x8x128xf32, #tpu.memory_space<vmem>>
    tpu.wait_dma2 semaphore(%arg16 : memref<!tpu.dma_semaphore, #tpu.memory_space<semaphore_mem>>) src(%dma_wait3A_597 : memref<8x8x128xf32, #tpu.memory_space<vmem>>) dst(%dma_wait3A_593 : memref<8x8x128xf32, #tpu.memory_space<hbm>>)
    %dma_wait3A_598 = arith.constant 0 : i32
    %dma_wait3A_599 = arith.constant 0 : i32
    %dma_wait3A_600 = arith.constant 0 : i32
    %dma_wait3A_601 = arith.constant 0 : i32
    %dma_wait3A_602 = arith.constant 0 : i32
    %dma_wait3A_603 = tpu.memref_slice %arg11[%dma_wait3A_600, %dma_wait3A_601, %dma_wait3A_602] : memref<8x8x129xf32, #tpu.memory_space<vmem>> -> memref<8x8x128xf32, #tpu.memory_space<vmem>>
    %dma_wait3A_604 = arith.constant 0 : i32
    %dma_wait3A_605 = arith.constant 0 : i32
    %dma_wait3A_606 = arith.constant 0 : i32
    %dma_wait3A_607 = tpu.memref_slice %arg5[%dma_wait3A_598, %dma_wait3A_604, %dma_wait3A_599, %dma_wait3A_605, %dma_wait3A_606] : memref<200x8x32x8x128xf32, #tpu.memory_space<hbm>> -> memref<1x8x1x8x128xf32, #tpu.memory_space<hbm>>
    %dma_wait3A_608 = tpu.memref_squeeze %dma_wait3A_607 : memref<1x8x1x8x128xf32, #tpu.memory_space<hbm>> -> memref<8x8x128xf32, #tpu.memory_space<hbm>>
    %dma_wait3A_609 = arith.constant 0 : i32
    %dma_wait3A_610 = arith.constant 0 : i32
    %dma_wait3A_611 = arith.constant 0 : i32
    %dma_wait3A_612 = tpu.memref_slice %arg5[%dma_wait3A_598, %dma_wait3A_609, %dma_wait3A_599, %dma_wait3A_610, %dma_wait3A_611] : memref<200x8x32x8x128xf32, #tpu.memory_space<hbm>> -> memref<1x8x1x8x128xf32, #tpu.memory_space<hbm>>
    %dma_wait3A_613 = tpu.memref_squeeze %dma_wait3A_612 : memref<1x8x1x8x128xf32, #tpu.memory_space<hbm>> -> memref<8x8x128xf32, #tpu.memory_space<hbm>>
    %dma_wait3A_614 = arith.constant 0 : i32
    %dma_wait3A_615 = arith.constant 0 : i32
    %dma_wait3A_616 = arith.constant 0 : i32
    %dma_wait3A_617 = tpu.memref_slice %arg11[%dma_wait3A_614, %dma_wait3A_615, %dma_wait3A_616] : memref<8x8x129xf32, #tpu.memory_space<vmem>> -> memref<8x8x128xf32, #tpu.memory_space<vmem>>
    tpu.wait_dma2 semaphore(%arg17 : memref<!tpu.dma_semaphore, #tpu.memory_space<semaphore_mem>>) src(%dma_wait3A_617 : memref<8x8x128xf32, #tpu.memory_space<vmem>>) dst(%dma_wait3A_613 : memref<8x8x128xf32, #tpu.memory_space<hbm>>)
    return
  }
}

</mosaic_0001>

<sc_bundles>
// kernel: _run.3.cloned.1.call-start
scs
__scs_entry_jumppad:
0x0: {  	(pc) =	sbr.rel $0x88, $3  }
0x1: {  	(tag) =	ssettag $0x0;
	lr =	simm.s32 $0x1  }
0x2: {  	[smem:$0x3F9E] =	sst lr;
	_ =	strace $0xD0000000  }
0x3: {  	_ = 	snop  }
0x4: {  	_ = 	snop  }
0x5: {  	_ = 	snop  }
0x6: {  	_ = 	snop  }
0x7: {  	_ = 	snop  }
__scs_overlays_trampoline_lowered:
0x8: {  	[smem:$0x3FAD] =	sst s0  }
0x9: {  	[smem:$0x3FAE] =	sst s1  }
0xa: {  	[smem:$0x3FAF] =	sst s2  }
0xb: {  	[smem:$0x3FB0] =	sst s3  }
0xc: {  	[smem:$0x3FB1] =	sst s4  }
0xd: {  	[smem:$0x3FB2] =	sst s5  }
0xe: {  	[smem:$0x3FB3] =	sst s6  }
0xf: {  	[smem:$0x3FB4] =	sst s7  }
0x10: {  	[smem:$0x3FB5] =	sst s8  }
0x11: {  	[smem:$0x3FB6] =	sst s9;
	s0 =	simm.s32 @!p0 $0x0  }
0x12: {  	s1 =	sld [smem:$0x3F9C];
	s0 =	simm.s32 @p0 $0x1  }
0x13: {  	[smem:$0x3FB7] =	sst s0;
	s0 =	simm.s32 @!p1 $0x0  }
0x14: {  	s2 =	sld [smem:$0x3F9B];
	s0 =	simm.s32 @p1 $0x1  }
0x15: {  	[smem:$0x3FB8] =	sst s0;
	s0 =	simm.s32 @!p2 $0x0  }
0x16: {  	s3 =	sld [smem:$0x3FDB];
	s0 =	simm.s32 @p2 $0x1  }
0x17: {  	s4 =	simm.s32 $0x1BF5;
	[smem:$0x3FBA] =	sst s0  }
0x18: {  	s0 =	sld [smem:$0x3F9D];
	_ =	swait.ge [sflag:s4], $0x0  }
0x19: {  	s7 =	sld [smem:$0x3F9E]  }
0x1a: {  	s8 =	sadd.s32 $0xFFFFE003, lr  }
0x1b: {  	s9 =	sadd.s32 $0xFFFFFEF7, lr;
	s5 =	simm.s32 $0xFFFFFFFF;
	p2 =	slt.u32 s8, $0xFFFFF086  }
0x1c: {  	p1 =	slt.u32 s9, $0xF7A;
	s5 =	simm.s32 @!p2 $0x0  }
0x1d: {  	s5 =	simm.s32 @p1 $0x1;
	p0 =	seq.s32 s7, s2  }
0x1e: {  	s7 =	smul.u32 @!p0 $0xF7A, s2;
	p2 =	seq.s32 @!p0 s5, $0x0  }
0x1f: {  	s9 =	smul.u32 $0xF7A, s1;
	s8 =	simm.s32 @!p0 $0x1BF5;
	p2 =	por !p2, p0  }
0x20: {  	[sflag:s8] =	ssyncset.s32 @!p0 $0xFFFFF086;
	s6 =	sadd.s32 @!p0 s3, s7;
	s7 =	simm.s32 @!p0 $0x108  }
0x21: {  	s3 =	sadd.s32 s3, s9;
	s6 =	sadd.s32 @!p0 $0x88, s6;
	s7 =	simm.s32 @p2 $0x1082  }
0x22: {  	[simem:s7], [sflag:s8] =	dma.local @!p0 [hbm:s6], $0xF7A  }
0x23: {  	s9 =	sor.u32 $0xD0000000, s2;
	s6 =	simm.s32 $0x108;
	_ =	swait.ge @!p0 [sflag:s8], $0x0  }
0x24: {  	s3 =	sadd.s32 $0x88, s3;
	s6 =	simm.s32 @!p1 $0x1082;
	[sflag:s4] =	ssyncset.s32 $0xFFFFF086  }
0x25: {  	[simem:s6], [sflag:s4] =	dma.local [hbm:s3], $0xF7A  }
0x26: {  	[smem:$0x3F9E] =	sst s1;
	(tag) =	ssettag s2;
	_ =	strace s9  }
0x27: {  	s1 =	sld [smem:$0x3FAE]  }
0x28: {  	s2 =	sld [smem:$0x3FAF]  }
0x29: {  	s4 =	sld [smem:$0x3FB1]  }
0x2a: {  	p0 =	seq.s32 s5, $0x0;
	s5 =	sld [smem:$0x3FB2]  }
0x2b: {  	s6 =	sld [smem:$0x3FB3]  }
0x2c: {  	s7 =	sld [smem:$0x3FB4]  }
0x2d: {  	s3 =	simm.s32 $0x108;
	s8 =	sld [smem:$0x3FB5]  }
0x2e: {  	s3 =	simm.s32 @!p0 $0x1082;
	s9 =	sld [smem:$0x3FB6]  }
0x2f: {  	lr =	sadd.s32 s0, s3;
	s0 =	sld [smem:$0x3FAD]  }
0x30: {  	s3 =	sld [smem:$0x3FB0]  }
0x31: {  	[smem:$0x3FB9] =	sst s10  }
0x32: {  	s10 =	sld [smem:$0x3FB7];
	_ =	sdelay $0x3  }
0x33: {  	p0 =	seq.s32 s10, $0x1;
	s10 =	sld [smem:$0x3FB9];
	_ =	sdelay $0x3  }
0x34: {  	[smem:$0x3FB9] =	sst s10  }
0x35: {  	s10 =	sld [smem:$0x3FB8];
	_ =	sdelay $0x3  }
0x36: {  	p1 =	seq.s32 s10, $0x1;
	s10 =	sld [smem:$0x3FB9];
	_ =	sdelay $0x3  }
0x37: {  	[smem:$0x3FB9] =	sst s10  }
0x38: {  	s10 =	sld [smem:$0x3FBA]  }
0x39: {  	_ = 	snop;
	(pc) =	sbr.ind lr, $3  }
0x3a: {  	_ = 	snop  }
0x3b: {  	_ = 	snop  }
0x3c: {  	p2 =	seq.s32 s10, $0x1;
	s10 =	sld [smem:$0x3FB9]  }
0x3d: {  	_ =	shalt  }
0x3e: {  	_ =	shalt  }
0x3f: {  	_ =	shalt  }
0x40: {  	_ =	shalt  }
0x41: {  	_ =	shalt  }
0x42: {  	_ =	shalt  }
0x43: {  	_ =	shalt  }
0x44: {  	_ =	shalt  }
0x45: {  	_ =	shalt  }
0x46: {  	_ =	shalt  }
0x47: {  	_ =	shalt  }
0x48: {  	_ =	shalt  }
0x49: {  	_ =	shalt  }
0x4a: {  	_ =	shalt  }
0x4b: {  	_ =	shalt  }
0x4c: {  	_ =	shalt  }
0x4d: {  	_ =	shalt  }
0x4e: {  	_ =	shalt  }
0x4f: {  	_ =	shalt  }
0x50: {  	_ =	shalt  }
0x51: {  	_ =	shalt  }
0x52: {  	_ =	shalt  }
0x53: {  	_ =	shalt  }
0x54: {  	_ =	shalt  }
0x55: {  	_ =	shalt  }
0x56: {  	_ =	shalt  }
0x57: {  	_ =	shalt  }
0x58: {  	_ =	shalt  }
0x59: {  	_ =	shalt  }
0x5a: {  	_ =	shalt  }
0x5b: {  	_ =	shalt  }
0x5c: {  	_ =	shalt  }
0x5d: {  	_ =	shalt  }
0x5e: {  	_ =	shalt  }
0x5f: {  	_ =	shalt  }
0x60: {  	_ =	shalt  }
0x61: {  	_ =	shalt  }
0x62: {  	_ =	shalt  }
0x63: {  	_ =	shalt  }
0x64: {  	_ =	shalt  }
0x65: {  	_ =	shalt  }
0x66: {  	_ =	shalt  }
0x67: {  	_ =	shalt  }
0x68: {  	_ =	shalt  }
0x69: {  	_ =	shalt  }
0x6a: {  	_ =	shalt  }
0x6b: {  	_ =	shalt  }
0x6c: {  	_ =	shalt  }
0x6d: {  	_ =	shalt  }
0x6e: {  	_ =	shalt  }
0x6f: {  	_ =	shalt  }
0x70: {  	_ =	shalt  }
0x71: {  	_ =	shalt  }
0x72: {  	_ =	shalt  }
0x73: {  	_ =	shalt  }
0x74: {  	_ =	shalt  }
0x75: {  	_ =	shalt  }
0x76: {  	_ =	shalt  }
0x77: {  	_ =	shalt  }
0x78: {  	_ =	shalt  }
0x79: {  	_ =	shalt  }
0x7a: {  	_ =	shalt  }
0x7b: {  	_ =	shalt  }
0x7c: {  	_ =	shalt  }
0x7d: {  	_ =	shalt  }
0x7e: {  	_ =	shalt  }
0x7f: {  	_ =	shalt  }
0x80: {  	_ =	shalt  }
0x81: {  	_ =	shalt  }
0x82: {  	_ =	shalt  }
0x83: {  	_ =	shalt  }
0x84: {  	_ =	shalt  }
0x85: {  	_ =	shalt  }
0x86: {  	_ =	shalt  }
0x87: {  	_ =	shalt  }
.Lfunc_end0:
.L_simem_size_0:
called_computation_lowered:
.L_overlay_start_0:
0x88: {  	s2 =	sld [smem:$0x3FD9]  }
0x89: {  	s3 =	sld [smem:$0x3FFE];
	_ =	sdelay $0x1  }
0x8a: {  	s1 =	srdreg.scid  }
0x8b: {  	s0 =	sand.u32 $0x1, s1  }
0x8c: {  	s17 =	sshll.u32 s0, $0xA;
	s2 =	sadd.s32 s3, s2  }
0x8d: {  	s2 =	sadd.s32 s2, s17  }
0x8e: {  	[smem:$0x3FC5] =	sst s2  }
0x8f: {  	_ = 	snop  }
0x90: {  	s2 =	sld [smem:$0x3FD0];
	(tm) =	ssettm $0x1  }
0x91: {  	s18 =	sld [smem:$0x3FFB];
	_ =	sdelay $0x3  }
0x92: {  	_ =	strace s18  }
0x93: {  	s3 =	sld [smem:$0x3FFC];
	_ =	sdelay $0x3  }
0x94: {  	_ =	strace s3  }
0x95: {  	s3 =	sld [smem:$0x3FFD];
	_ =	sdelay $0x3  }
0x96: {  	_ =	strace s3  }
0x97: {  	_ =	strace $0x8FFFFFFF  }
0x98: {  	s19 =	sld [smem:$0x3FDB];
	_ =	sdelay $0x1  }
0x99: {  	s4 =	simm.s32 $_scs_section_size  }
0x9a: {  	s5 =	simm.s32 $_size__tile_overlayer_lowered;
	s6 =	simm.s32 $_tile_overlayer_lowered  }
0x9b: {  	s22 =	simm.s32 $0x1BFF;
	s21 =	sshll.u32 s6, $0x1;
	s3 =	sadd.s32 s4, s19  }
0x9c: {  	s7 =	simm.s32 $0x0;
	s20 =	sshll.u32 s5, $0x1;
	s5 =	sadd.s32 s21, s3  }
0x9d: {  	[timem:s7], [sflag:s22] =	dma.local [hbm:s5], s20  }
0x9e: {  	_ =	swait.ge [sflag:s22], s20  }
0x9f: {  	s4 =	ssub.s32 $0x0, s20;
	[sflag:s22] =	ssyncset.done $0x0  }
0xa0: {  	[sflag:s22] =	ssyncadd.s32 s4;
	_ =	sdelay $0x1  }
0xa1: {  	s23 =	simm.s32 $0x1B8B  }
0xa2: {  	_ =	swait.ge [sflag:s23], $0x1  }
0xa3: {  	[sflag:s23] =	ssyncset.done $0x0  }
0xa4: {  	s25 =	simm.s32 $0x1B8E;
	s24 =	sld [smem:$0x3FFE];
	[sflag:s23] =	ssyncadd.s32 $0xFFFFFFFF  }
0xa5: {  	s26 =	simm.s32 $execute0_lowered;
	[smem:$0x3FD2] =	sst s25  }
0xa6: {  	s5 =	sshll.u32 s26, $0x1;
	_ =	strace $0x80000046;
	[dreg:$0x1] =	wrdreg $0xFFFFFFFF  }
0xa7: {  	s28 =	simm.s32 $_size_execute0_lowered;
	s3 =	sadd.s32 s3, s5;
	[dreg:$0x0] =	wrdreg $0x0  }
0xa8: {  	s5 =	sshll.u32 s28, $0x1;
	[dreg:$0x2] =	wrdreg s3  }
0xa9: {  	[dreg:$0x3] =	wrdreg s5  }
0xaa: {  	[dreg:$0x4] =	wrdreg $0xC0  }
0xab: {  	_ =	task [dreg:s7], $0x5FFFF  }
0xac: {  	[dreg:$0x1] =	wrdreg $0xFFFFFFFF  }
0xad: {  	[dreg:$0x0] =	wrdreg $0x60  }
0xae: {  	[dreg:$0x2] =	wrdreg s24  }
0xaf: {  	[dreg:$0x3] =	wrdreg s2  }
0xb0: {  	[dreg:$0x4] =	wrdreg $0x9  }
0xb1: {  	_ =	task.clear_ibuf [dreg:s7], $0x5FFFF;
	_ =	strace $0x90000046  }
0xb2: {  	s29 =	simm.s32 $0x9;
	_ =	strace $0x80000048  }
0xb3: {  	_ =	swait.ge [sflag:s29], $0x1  }
0xb4: {  	[sflag:s29] =	ssyncadd.s32 $0xFFFFFFFF  }
0xb5: {  	_ =	strace $0x90000048  }
0xb6: {  	_ =	sfence  }
0xb7: {  	s30 =	sld [smem:$0x0];
	_ =	sdelay $0x2  }
0xb8: {  	s31 =	sshll.u32 s1, $0xD;
	s1 =	sshrl.u32 s1, $0x2  }
0xb9: {  	s3 =	sand.u32 $0x4000, s31;
	s1 =	sadd.s32 s1, s30  }
0xba: {  	s0 =	sor.u32 s3, s0;
	s1 =	sshll.u32 s1, $0x11  }
0xbb: {  	s0 =	sor.u32 s1, s0  }
0xbc: {  	s0 =	sadd.s32 $0x8F2B, s0  }
0xbd: {  	[sflag:s0] =	ssyncadd.remote.s32 $0x1  }
0xbe: {  	_ =	sfence.sel $0xFFFF  }
0xbf: {  	[dreg:$0x0] =	wrdreg $0xFFFFFFFF;
	(pc) =	sbr.abs _section_cstart, $3  }
0xc0: {  	[dreg:$0x1] =	wrdreg $0xFFFFFFFF  }
0xc1: {  	_ =	task.clear_ibuf [dreg:s7], $0x2FFFF;
	_ =	strace $0x9FFFFFFF  }
0xc2: {  	(tm) =	ssettm $0x7FFFFFFF  }
0xc3: {  	_ =	shalt  }
tec
execute0_lowered:
.L_overlay_start_1:
0x0: {  	(tag) =	ssettag $0x1  }
0x1: {  	s0 =	rddreg [dreg:$0x0]  }
0x2: {  	s2 =	rddreg [dreg:$0x1];
	s1 =	srdreg.scid  }
0x3: {  	s4 =	stileid.u32;
	s3 =	simm.s32 $0x0;
	s19 =	simm.s32 $0x80  }
0x4: {  	s21 =	simm.s32 $0x6400;
	s22 =	simm.s32 $0x8400;
	s28 =	simm.s32 $0x2  }
0x5: {  	s29 =	simm.s32 $0xE600;
	s31 =	simm.s32 $0x3;
	s20 =	simm.s32 $0x0  }
0x6: {  	s1 =	sand.u32 $0x1, s1;
	s4 =	sshll.u32 s4, $0x1;
	[smem:$0x7FF] =	sst s3  }
0x7: {  	s5 =	sor.u32 s1, s4;
	_ =	strace $0x80000047;
	s1 =	ssub.s32 $0x2, s1  }
0x8: {  	s4 =	sshll.u32 s5, $0x4;
	s23 =	sshrl.u32 s1, $0x1;
	s7 =	sshll.u32 s5, $0x7  }
0x9: {  	s6 =	sadd.s32 s4, s0;
	s4 =	sadd.s32 $0x19C00, s0;
	s0 =	sadd.s32 $0x400, s0  }
0xa: {  	s8 =	sshll.u32 s5, $0xA;
	s7 =	sadd.s32 s2, s7;
	[dreg:$0x3] =	wrdreg s0  }
0xb: {  	s0 =	ssub.s32 s1, s23;
	s24 =	sadd.s32 $0xC00, s6;
	s25 =	sadd.s32 $0x8000, s7  }
0xc: {  	s26 =	sadd.s32 $0x610000, s7;
	s30 =	sadd.s32 $0x618000, s7;
	s12 =	sadd.s32 $0x620000, s7  }
0xd: {  	s13 =	sadd.s32 $0x628000, s7;
	s14 =	sadd.s32 $0x630000, s7;
	[dreg:$0x4] =	wrdreg s24  }
0xe: {  	v0 =	vlaneseq.u32;
	s15 =	sadd.s32 $0x638000, s7;
	s23 =	simm.s32 $0x1;
	[dreg:$0x5] =	wrdreg s25  }
0xf: {  	v0 =	vmul.u32 $0x88, v0;
	s1 =	simm.s32 $0x5;
	s6 =	simm.s32 $0x0;
	[dreg:$0x6] =	wrdreg s26  }
0x10: {  	[dreg:$0x7] =	wrdreg s30;
	s0 =	smax.u32 s0, $0x1;
	s24 =	simm.s32 $0xC400  }
0x11: {  	v1 =	vadd.s32 $0x880, v0;
	v2 =	vadd.s32 $0x1100, v0;
	v3 =	vadd.s32 $0x1980, v0;
	s26 =	simm.s32 $0xA400;
	[dreg:$0x8] =	wrdreg s0;
	s0 =	simm.s32 $0x4  }
.LBB2_1:
0x12: {  	[dreg:$0x9] =	wrdreg s6  }
0x13: {  	s5 =	rddreg [dreg:$0x3];
	s18 =	simm.s32 $0x10800;
	s25 =	simm.s32 $0x6  }
0x14: {  	[tilespmem:s18], [sflag:$0x6] =	stream.linear.gather [hbm4b:s5+s3], $0x3200, $0x38;
	[tilespmem:$0x13A00] =	vst v63  }
0x15: {  	_ =	swait.ge [sflag:s25], $0x3200  }
0x16: {  	[sflag:s25] =	ssyncset.done $0x0  }
0x17: {  	s9 =	simm.s32 $0x1000;
	s30 =	rddreg [dreg:$0x4];
	[sflag:s25] =	ssyncadd.s32 $0xFFFFCE00  }
0x18: {  	[tilespmem:s3], [sflag:$0x6] =	stream.strided.gather [hbm4b:s30+s19], $0x6400, s9, s19, $0x38;
	[tilespmem:$0x13A00] =	vst v63  }
0x19: {  	_ =	swait.ge [sflag:s25], $0x6400  }
0x1a: {  	[sflag:s25] =	ssyncset.done $0x0  }
0x1b: {  	[sflag:s25] =	ssyncadd.s32 $0xFFFF9C00  }
0x1c: {  	[tilespmem:s21], [sflag:$0x1] =	stream.indirect.gather [hbm4b:s4+s19], $0x40, s3, s19, $0xb8;
	[tilespmem:$0x13A00] =	vst v63  }
0x1d: {  	_ = 	snop  }
0x1e: {  	[tilespmem:s22], [sflag:$0x2] =	stream.indirect.gather [hbm4b:s4+s19], $0x40, s19, s19, $0xb8;
	[tilespmem:$0x13A00] =	vst v63  }
0x1f: {  	_ =	swait.ge [sflag:s23], $0x2000  }
0x20: {  	[sflag:s23] =	ssyncset.done $0x0  }
0x21: {  	[sflag:s23] =	ssyncadd.s32 $0xFFFFE000  }
0x22: {  	s10 =	simm.s32 $0x6480;
	s11 =	simm.s32 $0x3;
	v9 =	vld [tilespmem:$0x10800]  }
0x23: {  	v4 =	vmov s11;
	v7 =	vld [tilespmem:s10+$0x40]  }
0x24: {  	v13 =	vand.u32 $0x7F, v4  }
0x25: {  	v8 =	vadd.s32 v0, v13;
	v6 =	vld [tilespmem:$0x10810]  }
0x26: {  	s16 =	simm.s32 $0x1;
	s17 =	simm.s32 $0x2;
	v4 =	vmov s3;
	v10 =	vld [tilespmem:s10+$0xFFFFFF80]  }
0x27: {  	v14 =	vmov s17;
	v12 =	vand.u32 $0x7C, v4;
	v4 =	vmov s16;
	v11 =	vld [tilespmem:s10+$0xFFFFFFC0]  }
0x28: {  	v15 =	vadd.s32 v0, v12;
	v19 =	vand.u32 $0x7D, v4;
	v16 =	vld [tilespmem:s10+$0x0];
	v7 =	vadd.f32 v7, v9  }
0x29: {  	v20 =	vand.u32 $0x7E, v14;
	v17 =	vadd.s32 v0, v19;
	v5 =	vld [tilespmem:$0x10820]  }
0x2a: {  	v14 =	vadd.s32 v0, v20;
	v4 =	vld [tilespmem:$0x10830];
	[tilespmem:v8+s24+$0x0] =	vst.idx.msk $0xffff, v7  }
0x2b: {  	v7 =	vadd.f32 v10, v9;
	v8 =	vld [tilespmem:s10+$0x50]  }
0x2c: {  	v10 =	vadd.f32 v11, v9  }
0x2d: {  	v11 =	vadd.s32 v1, v13;
	[tilespmem:v15+s24+$0x0] =	vst.idx.msk $0xffff, v7;
	v7 =	vadd.f32 v16, v9  }
0x2e: {  	[tilespmem:v17+s24+$0x0] =	vst.idx.msk $0xffff, v10;
	v15 =	vld [tilespmem:s10+$0xFFFFFF90]  }
0x2f: {  	v10 =	vld [tilespmem:s10+$0xFFFFFFD0];
	[tilespmem:v14+s24+$0x0] =	vst.idx.msk $0xffff, v7  }
0x30: {  	v14 =	vld [tilespmem:s10+$0x10];
	v7 =	vadd.f32 v8, v6  }
0x31: {  	s5 =	simm.s32 $0x6580;
	s16 =	simm.s32 $0x7;
	v16 =	vadd.s32 v1, v19  }
0x32: {  	s18 =	simm.s32 $0x4;
	v26 =	vadd.s32 v2, v13;
	v18 =	vld [tilespmem:s5+$0x40];
	v17 =	vadd.s32 v1, v20;
	[tilespmem:v11+s24+$0x0] =	vst.idx.msk $0xffff, v7;
	v7 =	vmov s16  }
0x33: {  	v21 =	vadd.s32 v1, v12;
	v8 =	vmov s18;
	v7 =	vand.u32 $0x7F, v7;
	v22 =	vld [tilespmem:s10+$0x60]  }
0x34: {  	s25 =	simm.s32 $0x5;
	v23 =	vld [tilespmem:s5+$0xFFFFFF80];
	v8 =	vand.u32 $0x7C, v8;
	v10 =	vadd.f32 v10, v6;
	v24 =	vadd.s32 v0, v7  }
0x35: {  	s30 =	simm.s32 $0x6;
	v25 =	vld [tilespmem:s5+$0xFFFFFFC0];
	v15 =	vadd.f32 v15, v6;
	v11 =	vadd.f32 v14, v6;
	v14 =	vmov s25  }
0x36: {  	v27 =	vadd.s32 v0, v8;
	[tilespmem:v16+s24+$0x0] =	vst.idx.msk $0xffff, v10;
	v16 =	vmov s30;
	v10 =	vand.u32 $0x7D, v14;
	v14 =	vld [tilespmem:s5+$0x0]  }
0x37: {  	[tilespmem:v17+s24+$0x0] =	vst.idx.msk $0xffff, v11;
	v17 =	vadd.s32 v0, v10;
	v11 =	vand.u32 $0x7E, v16;
	v16 =	vadd.f32 v18, v9;
	v18 =	vld [tilespmem:s10+$0xFFFFFFE0]  }
0x38: {  	[tilespmem:v21+s24+$0x0] =	vst.idx.msk $0xffff, v15;
	v15 =	vadd.s32 v0, v11;
	v21 =	vld [tilespmem:s10+$0x20];
	v22 =	vadd.f32 v22, v5  }
0x39: {  	v23 =	vadd.f32 v23, v9;
	[tilespmem:v24+s24+$0x0] =	vst.idx.msk $0xffff, v16;
	v16 =	vld [tilespmem:s10+$0xFFFFFFA0];
	v24 =	vadd.s32 v2, v19  }
0x3a: {  	v29 =	vadd.s32 v2, v20;
	v25 =	vadd.f32 v25, v9;
	v28 =	vld [tilespmem:s5+$0x50];
	[tilespmem:v26+s24+$0x0] =	vst.idx.msk $0xffff, v22  }
0x3b: {  	[tilespmem:v27+s24+$0x0] =	vst.idx.msk $0xffff, v23;
	v23 =	vadd.s32 v2, v12;
	v14 =	vadd.f32 v14, v9;
	v26 =	vld [tilespmem:s10+$0x70]  }
0x3c: {  	v27 =	vld [tilespmem:s5+$0xFFFFFF90];
	[tilespmem:v17+s24+$0x0] =	vst.idx.msk $0xffff, v25;
	v25 =	vadd.s32 v1, v7;
	v18 =	vadd.f32 v18, v5  }
0x3d: {  	v31 =	vadd.s32 v3, v13;
	v30 =	vld [tilespmem:s5+$0xFFFFFFD0];
	[tilespmem:v15+s24+$0x0] =	vst.idx.msk $0xffff, v14;
	v14 =	vadd.f32 v21, v5  }
0x3e: {  	v22 =	vadd.s32 v1, v8;
	v17 =	vld [tilespmem:s5+$0x10];
	v13 =	vadd.f32 v16, v5;
	[tilespmem:v24+s24+$0x0] =	vst.idx.msk $0xffff, v18  }
0x3f: {  	s16 =	simm.s32 $0x8;
	v21 =	vadd.s32 v1, v10;
	[tilespmem:v29+s24+$0x0] =	vst.idx.msk $0xffff, v14;
	v18 =	vadd.f32 v28, v6;
	v16 =	vld [tilespmem:s10+$0xFFFFFFF0]  }
0x40: {  	v24 =	vmov s16;
	v14 =	vadd.s32 v1, v11;
	v15 =	vld [tilespmem:s10+$0x30];
	[tilespmem:v23+s24+$0x0] =	vst.idx.msk $0xffff, v13;
	v63 =	vadd.f32 v26, v4  }
0x41: {  	s6 =	simm.s32 $0x6680;
	s17 =	simm.s32 $0xB;
	v19 =	vadd.s32 v3, v19;
	v13 =	vand.u32 $0x7C, v24;
	v24 =	vadd.f32 v27, v6;
	[tilespmem:v25+s24+$0x0] =	vst.idx.msk $0xffff, v18;
	v18 =	vld [tilespmem:s10+$0xFFFFFFB0]  }
0x42: {  	s9 =	simm.s32 $0xC;
	v20 =	vadd.s32 v3, v20;
	v26 =	vmov s17;
	v23 =	vld [tilespmem:s6+$0x40];
	v25 =	vadd.f32 v30, v6;
	[tilespmem:v31+s24+$0x0] =	vst.idx.msk $0xffff, v63  }
.LBB2_2:
0x43: {  	p0 =	slt.u32 s9, $0x7C;
	s17 =	sadd.s32 $0x1, s16;
	v26 =	vand.u32 $0x7F, v26;
	[tilespmem:v22+s24+$0x0] =	vst.idx.msk $0xffff, v24;
	v17 =	vadd.f32 v17, v6;
	v22 =	vld [tilespmem:s5+$0x60];
	v24 =	vadd.s32 v3, v12  }
0x44: {  	v30 =	vmovc v11;
	v27 =	vld [tilespmem:s6+$0xFFFFFF80];
	v28 =	vmov s17;
	s17 =	sadd.s32 $0x2, s16;
	v29 =	vadd.s32 v0, v26;
	[tilespmem:v21+s24+$0x0] =	vst.idx.msk $0xffff, v25;
	v16 =	vadd.f32 v16, v4;
	s16 =	smov.u32 s9  }
0x45: {  	v12 =	vmovc v8;
	v21 =	vld [tilespmem:s6+$0xFFFFFFC0];
	v11 =	vmov s17;
	[tilespmem:v14+s24+$0x0] =	vst.idx.msk $0xffff, v17;
	v14 =	vadd.s32 v2, v7;
	v15 =	vadd.f32 v15, v4  }
0x46: {  	v17 =	vadd.s32 v0, v13;
	v28 =	vand.u32 $0x7D, v28;
	v25 =	vld [tilespmem:s6+$0x0];
	v31 =	vadd.f32 v18, v4;
	[tilespmem:v19+s24+$0x0] =	vst.idx.msk $0xffff, v16  }
0x47: {  	v16 =	vadd.s32 v0, v28;
	v11 =	vand.u32 $0x7E, v11;
	v18 =	vadd.f32 v23, v9;
	v19 =	vld [tilespmem:s5+$0xFFFFFFE0];
	[tilespmem:v20+s24+$0x0] =	vst.idx.msk $0xffff, v15  }
0x48: {  	v8 =	vmov v13;
	v15 =	vadd.s32 v0, v11;
	v20 =	vld [tilespmem:s5+$0x20];
	v22 =	vadd.f32 v22, v5;
	[tilespmem:v24+s24+$0x0] =	vst.idx.msk $0xffff, v31  }
0x49: {  	v23 =	vadd.s32 v2, v10;
	v13 =	vadd.f32 v27, v9;
	[tilespmem:v29+s24+$0x0] =	vst.idx.msk $0xffff, v18;
	v18 =	vld [tilespmem:s5+$0xFFFFFFA0]  }
0x4a: {  	v27 =	vadd.s32 v2, v30;
	v21 =	vadd.f32 v21, v9;
	v24 =	vld [tilespmem:s6+$0x50];
	[tilespmem:v14+s24+$0x0] =	vst.idx.msk $0xffff, v22  }
0x4b: {  	[tilespmem:v17+s24+$0x0] =	vst.idx.msk $0xffff, v13;
	v13 =	vadd.f32 v25, v9;
	v25 =	vadd.s32 v2, v12;
	v29 =	vld [tilespmem:s5+$0x70]  }
0x4c: {  	v32 =	vadd.s32 v1, v26;
	v31 =	vld [tilespmem:s6+$0xFFFFFF90];
	[tilespmem:v16+s24+$0x0] =	vst.idx.msk $0xffff, v21;
	v14 =	vadd.f32 v19, v5  }
0x4d: {  	v34 =	vadd.s32 v3, v7;
	v7 =	vmov v26;
	v33 =	vld [tilespmem:s6+$0xFFFFFFD0];
	[tilespmem:v15+s24+$0x0] =	vst.idx.msk $0xffff, v13;
	v13 =	vadd.f32 v20, v5  }
.Ltmp0:
0x4e: {  	v22 =	vadd.s32 v1, v8;
	v17 =	vld [tilespmem:s6+$0x10];
	v15 =	vadd.f32 v18, v5;
	[tilespmem:v23+s24+$0x0] =	vst.idx.msk $0xffff, v14;
	(pc) =	sbr.rel @p0 .LBB2_2-.Ltmp0, $4  }
0x4f: {  	v21 =	vadd.s32 v1, v28;
	v18 =	vadd.f32 v24, v6;
	v16 =	vld [tilespmem:s5+$0xFFFFFFF0];
	[tilespmem:v27+s24+$0x0] =	vst.idx.msk $0xffff, v13  }
0x50: {  	v14 =	vadd.s32 v1, v11;
	v13 =	vmov s9;
	[tilespmem:v25+s24+$0x0] =	vst.idx.msk $0xffff, v15;
	v15 =	vld [tilespmem:s5+$0x30];
	v27 =	vadd.f32 v29, v4  }
0x51: {  	s17 =	sadd.s32 $0x3, s9;
	v19 =	vadd.s32 v3, v10;
	v13 =	vand.u32 $0x7C, v13;
	v24 =	vadd.f32 v31, v6;
	[tilespmem:v32+s24+$0x0] =	vst.idx.msk $0xffff, v18;
	v18 =	vld [tilespmem:s5+$0xFFFFFFB0];
	s5 =	smov.u32 s6;
	s6 =	sadd.s32 $0x100, s6  }
0x52: {  	v26 =	vmov s17;
	v10 =	vmovc v28;
	v20 =	vadd.s32 v3, v30;
	s9 =	sadd.s32 $0x4, s9;
	v23 =	vld [tilespmem:s6+$0x40];
	v25 =	vadd.f32 v33, v6;
	[tilespmem:v34+s24+$0x0] =	vst.idx.msk $0xffff, v27  }
0x53: {  	s9 =	sadd.s32 $0x1, s16  }
0x54: {  	v26 =	vand.u32 $0x7F, v26;
	s11 =	sadd.s32 $0x2, s16;
	v28 =	vld [tilespmem:s6+$0xFFFFFFC0];
	v27 =	vmov s9  }
0x55: {  	v31 =	vld [tilespmem:s6+$0x0];
	v29 =	vadd.s32 v0, v26;
	v30 =	vmov s11;
	v27 =	vand.u32 $0x7D, v27  }
0x56: {  	v32 =	vld [tilespmem:s6+$0xFFFFFF80];
	v30 =	vand.u32 $0x7E, v30;
	v33 =	vadd.s32 v0, v27  }
0x57: {  	v34 =	vadd.s32 v0, v30  }
0x58: {  	[tilespmem:v22+s24+$0x0] =	vst.idx.msk $0xffff, v24;
	v44 =	vadd.s32 v0, v13;
	v23 =	vadd.f32 v23, v9  }
0x59: {  	[tilespmem:v21+s24+$0x0] =	vst.idx.msk $0xffff, v25;
	v45 =	vadd.f32 v28, v9  }
0x5a: {  	v46 =	vadd.f32 v31, v9;
	[tilespmem:v29+s24+$0x0] =	vst.idx.msk $0xffff, v23  }
0x5b: {  	v47 =	vadd.f32 v32, v9;
	v48 =	vld [tilespmem:s6+$0x50];
	[tilespmem:v33+s24+$0x0] =	vst.idx.msk $0xffff, v45  }
0x5c: {  	v17 =	vadd.f32 v17, v6;
	v12 =	vadd.s32 v3, v12;
	[tilespmem:v34+s24+$0x0] =	vst.idx.msk $0xffff, v46;
	v21 =	vld [tilespmem:s6+$0xFFFFFFD0]  }
0x5d: {  	v16 =	vadd.f32 v16, v4;
	v49 =	vadd.s32 v1, v26;
	[tilespmem:v44+s24+$0x0] =	vst.idx.msk $0xffff, v47;
	v50 =	vld [tilespmem:s6+$0x10]  }
0x5e: {  	[tilespmem:v14+s24+$0x0] =	vst.idx.msk $0xffff, v17;
	v51 =	vadd.f32 v15, v4;
	v53 =	vadd.s32 v1, v27;
	v52 =	vld [tilespmem:s6+$0xFFFFFF90]  }
0x5f: {  	v54 =	vld [tilespmem:s5+$0x60];
	v18 =	vadd.f32 v18, v4;
	[tilespmem:v19+s24+$0x0] =	vst.idx.msk $0xffff, v16;
	v55 =	vadd.s32 v1, v30  }
0x60: {  	v57 =	vadd.s32 v1, v13;
	v60 =	vld [tilespmem:s5+$0x20];
	[tilespmem:v20+s24+$0x0] =	vst.idx.msk $0xffff, v51;
	v58 =	vadd.f32 v48, v6  }
0x61: {  	v59 =	vadd.s32 v2, v7;
	v56 =	vld [tilespmem:s5+$0xFFFFFFE0];
	[tilespmem:v12+s24+$0x0] =	vst.idx.msk $0xffff, v18;
	v61 =	vadd.f32 v21, v6  }
0x62: {  	v62 =	vld [tilespmem:s5+$0xFFFFFFA0];
	v29 =	vadd.s32 v2, v11;
	[tilespmem:v49+s24+$0x0] =	vst.idx.msk $0xffff, v58;
	v28 =	vadd.f32 v50, v6  }
0x63: {  	v63 =	vadd.s32 v2, v10;
	v31 =	vadd.f32 v52, v6;
	v32 =	vld [tilespmem:s6+$0x60];
	[tilespmem:v53+s24+$0x0] =	vst.idx.msk $0xffff, v61  }
0x64: {  	v33 =	vadd.f32 v54, v5;
	v34 =	vadd.s32 v2, v8;
	[tilespmem:v55+s24+$0x0] =	vst.idx.msk $0xffff, v28;
	v35 =	vld [tilespmem:s6+$0xFFFFFFE0]  }
0x65: {  	v37 =	vadd.s32 v2, v26;
	v39 =	vadd.f32 v60, v5;
	[tilespmem:v57+s24+$0x0] =	vst.idx.msk $0xffff, v31;
	v38 =	vld [tilespmem:s6+$0x20]  }
0x66: {  	v41 =	vadd.s32 v2, v27;
	v36 =	vadd.f32 v56, v5;
	[tilespmem:v59+s24+$0x0] =	vst.idx.msk $0xffff, v33;
	v40 =	vld [tilespmem:s6+$0xFFFFFFA0]  }
0x67: {  	v43 =	vadd.s32 v2, v30;
	v18 =	vadd.f32 v62, v5;
	v42 =	vld [tilespmem:s5+$0x70];
	[tilespmem:v29+s24+$0x0] =	vst.idx.msk $0xffff, v39  }
0x68: {  	v45 =	vadd.s32 v2, v13;
	[tilespmem:v63+s24+$0x0] =	vst.idx.msk $0xffff, v36;
	v47 =	vld [tilespmem:s5+$0x30];
	v44 =	vadd.f32 v32, v5  }
0x69: {  	v46 =	vadd.s32 v3, v7;
	[tilespmem:v34+s24+$0x0] =	vst.idx.msk $0xffff, v18;
	v21 =	vld [tilespmem:s5+$0xFFFFFFF0];
	v9 =	vadd.f32 v35, v5  }
0x6a: {  	v18 =	vld [tilespmem:s5+$0xFFFFFFB0];
	v50 =	vadd.s32 v3, v11;
	[tilespmem:v37+s24+$0x0] =	vst.idx.msk $0xffff, v44;
	v49 =	vadd.f32 v38, v5  }
0x6b: {  	v48 =	vadd.s32 v3, v10;
	v5 =	vadd.f32 v40, v5;
	v12 =	vld [tilespmem:s6+$0x70];
	[tilespmem:v41+s24+$0x0] =	vst.idx.msk $0xffff, v9  }
0x6c: {  	v52 =	vadd.s32 v3, v8;
	v51 =	vadd.f32 v42, v4;
	[tilespmem:v43+s24+$0x0] =	vst.idx.msk $0xffff, v49;
	v53 =	vld [tilespmem:s6+$0xFFFFFFF0]  }
0x6d: {  	v55 =	vadd.s32 v3, v26;
	v56 =	vadd.f32 v47, v4;
	[tilespmem:v45+s24+$0x0] =	vst.idx.msk $0xffff, v5;
	v5 =	vld [tilespmem:s6+$0x30]  }
0x6e: {  	v58 =	vadd.s32 v3, v27;
	[tilespmem:v46+s24+$0x0] =	vst.idx.msk $0xffff, v51;
	v54 =	vadd.f32 v21, v4;
	v57 =	vld [tilespmem:s6+$0xFFFFFFB0]  }
0x6f: {  	v60 =	vadd.s32 v3, v30;
	v59 =	vadd.f32 v18, v4;
	[tilespmem:v50+s24+$0x0] =	vst.idx.msk $0xffff, v56  }
0x70: {  	v62 =	vadd.s32 v3, v13;
	[tilespmem:v48+s24+$0x0] =	vst.idx.msk $0xffff, v54;
	v61 =	vadd.f32 v12, v4  }
0x71: {  	[tilespmem:v52+s24+$0x0] =	vst.idx.msk $0xffff, v59;
	v63 =	vadd.f32 v53, v4  }
0x72: {  	[tilespmem:v55+s24+$0x0] =	vst.idx.msk $0xffff, v61;
	v5 =	vadd.f32 v5, v4  }
0x73: {  	v4 =	vadd.f32 v57, v4;
	[tilespmem:v58+s24+$0x0] =	vst.idx.msk $0xffff, v63  }
0x74: {  	[tilespmem:v60+s24+$0x0] =	vst.idx.msk $0xffff, v5  }
0x75: {  	s16 =	simm.s32 $0xC400;
	[tilespmem:v62+s24+$0x0] =	vst.idx.msk $0xffff, v4  }
0x76: {  	[hbm4b:s7+s3] =	stream.linear.scatter [tilespmem:s16], [sflag:$0x4], $0x80, $0x38;
	[tilespmem:$0x13A00] =	vst v63  }
0x77: {  	s17 =	simm.s32 $0xC488;
	s18 =	sadd.s32 $0x10, s7  }
0x78: {  	[hbm4b:s18+s3] =	stream.linear.scatter [tilespmem:s17], [sflag:$0x4], $0x80, $0x38;
	[tilespmem:$0x13A00] =	vst v63  }
0x79: {  	s25 =	simm.s32 $0xC510;
	s30 =	sadd.s32 $0x20, s7;
	s10 =	sadd.s32 $0x30, s7  }
0x7a: {  	[hbm4b:s30+s3] =	stream.linear.scatter [tilespmem:s25], [sflag:$0x4], $0x80, $0x38;
	[tilespmem:$0x13A00] =	vst v63  }
0x7b: {  	s9 =	simm.s32 $0xC598;
	s11 =	simm.s32 $0xC620;
	s5 =	simm.s32 $0x440  }
0x7c: {  	[hbm4b:s10+s3] =	stream.linear.scatter [tilespmem:s9], [sflag:$0x4], $0x80, $0x38;
	[tilespmem:$0x13A00] =	vst v63  }
0x7d: {  	s6 =	sadd.s32 $0x1000, s7;
	s16 =	sadd.s32 $0x40, s7;
	s17 =	simm.s32 $0xC6A8  }
0x7e: {  	[hbm4b:s16+s3] =	stream.linear.scatter [tilespmem:s11], [sflag:$0x4], $0x80, $0x38;
	[tilespmem:$0x13A00] =	vst v63  }
0x7f: {  	s18 =	sadd.s32 $0x50, s7;
	s25 =	simm.s32 $0xC730;
	s30 =	sadd.s32 $0x60, s7  }
0x80: {  	[hbm4b:s18+s3] =	stream.linear.scatter [tilespmem:s17], [sflag:$0x4], $0x80, $0x38;
	[tilespmem:$0x13A00] =	vst v63  }
0x81: {  	s9 =	simm.s32 $0x2200;
	s16 =	simm.s32 $0xC7B8;
	s17 =	sadd.s32 $0x70, s7  }
0x82: {  	[hbm4b:s30+s3] =	stream.linear.scatter [tilespmem:s25], [sflag:$0x4], $0x80, $0x38;
	[tilespmem:$0x13A00] =	vst v63  }
.LBB2_4:
0x83: {  	[hbm4b:s17+s3] =	stream.linear.scatter [tilespmem:s16], [sflag:$0x4], $0x80, $0x38;
	[tilespmem:$0x13A00] =	vst v63  }
0x84: {  	s16 =	smov.u32 s5;
	s5 =	smov.u32 s9  }
0x85: {  	s18 =	sadd.s32 $0x1100, s9;
	s5 =	sshra.s32 s5, $0x2;
	s17 =	sadd.s32 $0xC400, s16  }
0x86: {  	[hbm4b:s6+s3] =	stream.linear.scatter [tilespmem:s17], [sflag:$0x4], $0x80, $0x38;
	[tilespmem:$0x13A00] =	vst v63  }
0x87: {  	p0 =	sne.s32 s9, $0x7700;
	s9 =	sadd.s32 $0xC488, s16;
	s17 =	sadd.s32 $0x10, s6  }
0x88: {  	[hbm4b:s17+s3] =	stream.linear.scatter [tilespmem:s9], [sflag:$0x4], $0x80, $0x38;
	[tilespmem:$0x13A00] =	vst v63  }
0x89: {  	s9 =	sadd.s32 $0xC510, s16;
	s17 =	sadd.s32 $0x20, s6  }
0x8a: {  	[hbm4b:s17+s3] =	stream.linear.scatter [tilespmem:s9], [sflag:$0x4], $0x80, $0x38;
	[tilespmem:$0x13A00] =	vst v63  }
0x8b: {  	s9 =	sadd.s32 $0xC598, s16;
	s17 =	sadd.s32 $0x30, s6  }
0x8c: {  	[hbm4b:s17+s3] =	stream.linear.scatter [tilespmem:s9], [sflag:$0x4], $0x80, $0x38;
	[tilespmem:$0x13A00] =	vst v63  }
0x8d: {  	s9 =	sadd.s32 $0xC620, s16;
	s17 =	sadd.s32 $0x40, s6  }
0x8e: {  	[hbm4b:s17+s3] =	stream.linear.scatter [tilespmem:s9], [sflag:$0x4], $0x80, $0x38;
	[tilespmem:$0x13A00] =	vst v63  }
.Ltmp1:
0x8f: {  	s9 =	sadd.s32 $0xC6A8, s16;
	s17 =	sadd.s32 $0x50, s6;
	(pc) =	sbr.rel @p0 .LBB2_4-.Ltmp1, $4  }
0x90: {  	[hbm4b:s17+s3] =	stream.linear.scatter [tilespmem:s9], [sflag:$0x4], $0x80, $0x38;
	[tilespmem:$0x13A00] =	vst v63  }
0x91: {  	s9 =	sadd.s32 $0xC730, s16;
	s17 =	sadd.s32 $0x60, s6;
	s16 =	sadd.s32 $0xC7B8, s16  }
0x92: {  	[hbm4b:s17+s3] =	stream.linear.scatter [tilespmem:s9], [sflag:$0x4], $0x80, $0x38;
	[tilespmem:$0x13A00] =	vst v63  }
0x93: {  	s17 =	sadd.s32 $0x70, s6;
	s6 =	sadd.s32 $0x1000, s6;
	s9 =	smov.u32 s18  }
0x94: {  	[hbm4b:s17+s3] =	stream.linear.scatter [tilespmem:s16], [sflag:$0x4], $0x80, $0x38;
	[tilespmem:$0x13A00] =	vst v63  }
0x95: {  	s9 =	sadd.s32 $0xC400, s5  }
0x96: {  	[hbm4b:s6+s3] =	stream.linear.scatter [tilespmem:s9], [sflag:$0x4], $0x80, $0x38;
	[tilespmem:$0x13A00] =	vst v63  }
0x97: {  	s17 =	sadd.s32 $0xC488, s5;
	s18 =	sadd.s32 $0x10, s6  }
0x98: {  	[hbm4b:s18+s3] =	stream.linear.scatter [tilespmem:s17], [sflag:$0x4], $0x80, $0x38;
	[tilespmem:$0x13A00] =	vst v63  }
0x99: {  	s25 =	sadd.s32 $0xC510, s5;
	s30 =	sadd.s32 $0x20, s6  }
0x9a: {  	[hbm4b:s30+s3] =	stream.linear.scatter [tilespmem:s25], [sflag:$0x4], $0x80, $0x38;
	[tilespmem:$0x13A00] =	vst v63  }
0x9b: {  	s10 =	sadd.s32 $0xC598, s5;
	s11 =	sadd.s32 $0x30, s6  }
0x9c: {  	[hbm4b:s11+s3] =	stream.linear.scatter [tilespmem:s10], [sflag:$0x4], $0x80, $0x38;
	[tilespmem:$0x13A00] =	vst v63  }
0x9d: {  	s17 =	sadd.s32 $0xC620, s5;
	s18 =	sadd.s32 $0x40, s6  }
0x9e: {  	[hbm4b:s18+s3] =	stream.linear.scatter [tilespmem:s17], [sflag:$0x4], $0x80, $0x38;
	[tilespmem:$0x13A00] =	vst v63  }
0x9f: {  	s25 =	sadd.s32 $0xC6A8, s5;
	s30 =	sadd.s32 $0x50, s6  }
0xa0: {  	[hbm4b:s30+s3] =	stream.linear.scatter [tilespmem:s25], [sflag:$0x4], $0x80, $0x38;
	[tilespmem:$0x13A00] =	vst v63  }
0xa1: {  	s10 =	sadd.s32 $0xC730, s5;
	s11 =	sadd.s32 $0x60, s6  }
0xa2: {  	[hbm4b:s11+s3] =	stream.linear.scatter [tilespmem:s10], [sflag:$0x4], $0x80, $0x38;
	[tilespmem:$0x13A00] =	vst v63  }
0xa3: {  	s17 =	sadd.s32 $0xC7B8, s5;
	s18 =	sadd.s32 $0x70, s6  }
0xa4: {  	[hbm4b:s18+s3] =	stream.linear.scatter [tilespmem:s17], [sflag:$0x4], $0x80, $0x38;
	[tilespmem:$0x13A00] =	vst v63  }
0xa5: {  	s25 =	simm.s32 $0x100  }
0xa6: {  	[tilespmem:s26], [sflag:$0x3] =	stream.indirect.gather [hbm4b:s4+s19], $0x40, s25, s19, $0xb8;
	[tilespmem:$0x13A00] =	vst v63  }
0xa7: {  	_ =	swait.ge [sflag:s28], $0x2000  }
0xa8: {  	[sflag:s28] =	ssyncset.done $0x0  }
0xa9: {  	[sflag:s28] =	ssyncadd.s32 $0xFFFFE000  }
0xaa: {  	s30 =	simm.s32 $0x3;
	s17 =	simm.s32 $0x8480;
	v9 =	vld [tilespmem:$0x10840]  }
0xab: {  	v4 =	vmov s30;
	v7 =	vld [tilespmem:s17+$0x40]  }
0xac: {  	v13 =	vand.u32 $0x7F, v4  }
0xad: {  	s6 =	simm.s32 $0x0;
	v8 =	vadd.s32 v0, v13;
	v6 =	vld [tilespmem:$0x10850]  }
0xae: {  	s9 =	simm.s32 $0x1;
	v4 =	vmov s6;
	s10 =	simm.s32 $0x2;
	v10 =	vld [tilespmem:s17+$0xFFFFFF80]  }
0xaf: {  	v12 =	vand.u32 $0x7C, v4;
	v4 =	vmov s9;
	v14 =	vmov s10;
	v11 =	vld [tilespmem:s17+$0xFFFFFFC0]  }
0xb0: {  	v15 =	vadd.s32 v0, v12;
	v19 =	vand.u32 $0x7D, v4;
	v16 =	vld [tilespmem:s17+$0x0];
	v7 =	vadd.f32 v7, v9  }
0xb1: {  	v20 =	vand.u32 $0x7E, v14;
	v17 =	vadd.s32 v0, v19;
	v5 =	vld [tilespmem:$0x10860]  }
0xb2: {  	v14 =	vadd.s32 v0, v20;
	v4 =	vld [tilespmem:$0x10870];
	[tilespmem:v8+s29+$0x0] =	vst.idx.msk $0xffff, v7  }
0xb3: {  	v7 =	vadd.f32 v10, v9;
	v8 =	vld [tilespmem:s17+$0x50]  }
0xb4: {  	v10 =	vadd.f32 v11, v9  }
0xb5: {  	v11 =	vadd.s32 v1, v13;
	[tilespmem:v15+s29+$0x0] =	vst.idx.msk $0xffff, v7;
	v7 =	vadd.f32 v16, v9  }
0xb6: {  	[tilespmem:v17+s29+$0x0] =	vst.idx.msk $0xffff, v10;
	v15 =	vld [tilespmem:s17+$0xFFFFFF90]  }
0xb7: {  	v10 =	vld [tilespmem:s17+$0xFFFFFFD0];
	[tilespmem:v14+s29+$0x0] =	vst.idx.msk $0xffff, v7  }
0xb8: {  	v14 =	vld [tilespmem:s17+$0x10];
	v7 =	vadd.f32 v8, v6  }
0xb9: {  	s16 =	simm.s32 $0x7;
	s5 =	simm.s32 $0x8580;
	v16 =	vadd.s32 v1, v19  }
0xba: {  	s11 =	simm.s32 $0x4;
	v26 =	vadd.s32 v2, v13;
	v18 =	vld [tilespmem:s5+$0x40];
	v17 =	vadd.s32 v1, v20;
	[tilespmem:v11+s29+$0x0] =	vst.idx.msk $0xffff, v7;
	v7 =	vmov s16  }
0xbb: {  	v21 =	vadd.s32 v1, v12;
	v8 =	vmov s11;
	v7 =	vand.u32 $0x7F, v7;
	v22 =	vld [tilespmem:s17+$0x60]  }
0xbc: {  	s18 =	simm.s32 $0x5;
	v23 =	vld [tilespmem:s5+$0xFFFFFF80];
	v8 =	vand.u32 $0x7C, v8;
	v10 =	vadd.f32 v10, v6;
	v24 =	vadd.s32 v0, v7  }
0xbd: {  	s25 =	simm.s32 $0x6;
	v25 =	vld [tilespmem:s5+$0xFFFFFFC0];
	v15 =	vadd.f32 v15, v6;
	v11 =	vadd.f32 v14, v6;
	v14 =	vmov s18  }
0xbe: {  	v27 =	vadd.s32 v0, v8;
	[tilespmem:v16+s29+$0x0] =	vst.idx.msk $0xffff, v10;
	v16 =	vmov s25;
	v10 =	vand.u32 $0x7D, v14;
	v14 =	vld [tilespmem:s5+$0x0]  }
0xbf: {  	[tilespmem:v17+s29+$0x0] =	vst.idx.msk $0xffff, v11;
	v17 =	vadd.s32 v0, v10;
	v11 =	vand.u32 $0x7E, v16;
	v16 =	vadd.f32 v18, v9;
	v18 =	vld [tilespmem:s17+$0xFFFFFFE0]  }
0xc0: {  	[tilespmem:v21+s29+$0x0] =	vst.idx.msk $0xffff, v15;
	v15 =	vadd.s32 v0, v11;
	v21 =	vld [tilespmem:s17+$0x20];
	v22 =	vadd.f32 v22, v5  }
0xc1: {  	v23 =	vadd.f32 v23, v9;
	[tilespmem:v24+s29+$0x0] =	vst.idx.msk $0xffff, v16;
	v16 =	vld [tilespmem:s17+$0xFFFFFFA0];
	v24 =	vadd.s32 v2, v19  }
0xc2: {  	v29 =	vadd.s32 v2, v20;
	v25 =	vadd.f32 v25, v9;
	v28 =	vld [tilespmem:s5+$0x50];
	[tilespmem:v26+s29+$0x0] =	vst.idx.msk $0xffff, v22  }
0xc3: {  	[tilespmem:v27+s29+$0x0] =	vst.idx.msk $0xffff, v23;
	v23 =	vadd.s32 v2, v12;
	v14 =	vadd.f32 v14, v9;
	v26 =	vld [tilespmem:s17+$0x70]  }
0xc4: {  	v27 =	vld [tilespmem:s5+$0xFFFFFF90];
	[tilespmem:v17+s29+$0x0] =	vst.idx.msk $0xffff, v25;
	v25 =	vadd.s32 v1, v7;
	v18 =	vadd.f32 v18, v5  }
0xc5: {  	v31 =	vadd.s32 v3, v13;
	v30 =	vld [tilespmem:s5+$0xFFFFFFD0];
	[tilespmem:v15+s29+$0x0] =	vst.idx.msk $0xffff, v14;
	v14 =	vadd.f32 v21, v5  }
0xc6: {  	v22 =	vadd.s32 v1, v8;
	v17 =	vld [tilespmem:s5+$0x10];
	v13 =	vadd.f32 v16, v5;
	[tilespmem:v24+s29+$0x0] =	vst.idx.msk $0xffff, v18  }
0xc7: {  	s16 =	simm.s32 $0x8;
	v21 =	vadd.s32 v1, v10;
	[tilespmem:v29+s29+$0x0] =	vst.idx.msk $0xffff, v14;
	v18 =	vadd.f32 v28, v6;
	v16 =	vld [tilespmem:s17+$0xFFFFFFF0]  }
0xc8: {  	v24 =	vmov s16;
	v14 =	vadd.s32 v1, v11;
	v15 =	vld [tilespmem:s17+$0x30];
	[tilespmem:v23+s29+$0x0] =	vst.idx.msk $0xffff, v13;
	v63 =	vadd.f32 v26, v4  }
0xc9: {  	s30 =	simm.s32 $0xB;
	s6 =	simm.s32 $0x8680;
	v19 =	vadd.s32 v3, v19;
	v13 =	vand.u32 $0x7C, v24;
	v24 =	vadd.f32 v27, v6;
	[tilespmem:v25+s29+$0x0] =	vst.idx.msk $0xffff, v18;
	v18 =	vld [tilespmem:s17+$0xFFFFFFB0]  }
0xca: {  	s9 =	simm.s32 $0xC;
	v20 =	vadd.s32 v3, v20;
	v26 =	vmov s30;
	v23 =	vld [tilespmem:s6+$0x40];
	v25 =	vadd.f32 v30, v6;
	[tilespmem:v31+s29+$0x0] =	vst.idx.msk $0xffff, v63  }
.LBB2_6:
0xcb: {  	p0 =	slt.u32 s9, $0x7C;
	s17 =	sadd.s32 $0x1, s16;
	v26 =	vand.u32 $0x7F, v26;
	[tilespmem:v22+s29+$0x0] =	vst.idx.msk $0xffff, v24;
	v17 =	vadd.f32 v17, v6;
	v22 =	vld [tilespmem:s5+$0x60];
	v24 =	vadd.s32 v3, v12  }
0xcc: {  	v30 =	vmovc v11;
	v27 =	vld [tilespmem:s6+$0xFFFFFF80];
	v28 =	vmov s17;
	s17 =	sadd.s32 $0x2, s16;
	v29 =	vadd.s32 v0, v26;
	[tilespmem:v21+s29+$0x0] =	vst.idx.msk $0xffff, v25;
	v16 =	vadd.f32 v16, v4;
	s16 =	smov.u32 s9  }
0xcd: {  	v12 =	vmovc v8;
	v21 =	vld [tilespmem:s6+$0xFFFFFFC0];
	v11 =	vmov s17;
	[tilespmem:v14+s29+$0x0] =	vst.idx.msk $0xffff, v17;
	v14 =	vadd.s32 v2, v7;
	v15 =	vadd.f32 v15, v4  }
0xce: {  	v17 =	vadd.s32 v0, v13;
	v28 =	vand.u32 $0x7D, v28;
	v25 =	vld [tilespmem:s6+$0x0];
	v31 =	vadd.f32 v18, v4;
	[tilespmem:v19+s29+$0x0] =	vst.idx.msk $0xffff, v16  }
0xcf: {  	v16 =	vadd.s32 v0, v28;
	v11 =	vand.u32 $0x7E, v11;
	v18 =	vadd.f32 v23, v9;
	v19 =	vld [tilespmem:s5+$0xFFFFFFE0];
	[tilespmem:v20+s29+$0x0] =	vst.idx.msk $0xffff, v15  }
0xd0: {  	v8 =	vmov v13;
	v15 =	vadd.s32 v0, v11;
	v20 =	vld [tilespmem:s5+$0x20];
	v22 =	vadd.f32 v22, v5;
	[tilespmem:v24+s29+$0x0] =	vst.idx.msk $0xffff, v31  }
0xd1: {  	v23 =	vadd.s32 v2, v10;
	v13 =	vadd.f32 v27, v9;
	[tilespmem:v29+s29+$0x0] =	vst.idx.msk $0xffff, v18;
	v18 =	vld [tilespmem:s5+$0xFFFFFFA0]  }
0xd2: {  	v27 =	vadd.s32 v2, v30;
	v21 =	vadd.f32 v21, v9;
	v24 =	vld [tilespmem:s6+$0x50];
	[tilespmem:v14+s29+$0x0] =	vst.idx.msk $0xffff, v22  }
0xd3: {  	[tilespmem:v17+s29+$0x0] =	vst.idx.msk $0xffff, v13;
	v13 =	vadd.f32 v25, v9;
	v25 =	vadd.s32 v2, v12;
	v29 =	vld [tilespmem:s5+$0x70]  }
0xd4: {  	v32 =	vadd.s32 v1, v26;
	v31 =	vld [tilespmem:s6+$0xFFFFFF90];
	[tilespmem:v16+s29+$0x0] =	vst.idx.msk $0xffff, v21;
	v14 =	vadd.f32 v19, v5  }
0xd5: {  	v34 =	vadd.s32 v3, v7;
	v7 =	vmov v26;
	v33 =	vld [tilespmem:s6+$0xFFFFFFD0];
	[tilespmem:v15+s29+$0x0] =	vst.idx.msk $0xffff, v13;
	v13 =	vadd.f32 v20, v5  }
.Ltmp2:
0xd6: {  	v22 =	vadd.s32 v1, v8;
	v17 =	vld [tilespmem:s6+$0x10];
	v15 =	vadd.f32 v18, v5;
	[tilespmem:v23+s29+$0x0] =	vst.idx.msk $0xffff, v14;
	(pc) =	sbr.rel @p0 .LBB2_6-.Ltmp2, $4  }
0xd7: {  	v21 =	vadd.s32 v1, v28;
	v18 =	vadd.f32 v24, v6;
	v16 =	vld [tilespmem:s5+$0xFFFFFFF0];
	[tilespmem:v27+s29+$0x0] =	vst.idx.msk $0xffff, v13  }
0xd8: {  	v14 =	vadd.s32 v1, v11;
	v13 =	vmov s9;
	[tilespmem:v25+s29+$0x0] =	vst.idx.msk $0xffff, v15;
	v15 =	vld [tilespmem:s5+$0x30];
	v27 =	vadd.f32 v29, v4  }
0xd9: {  	s17 =	sadd.s32 $0x3, s9;
	v19 =	vadd.s32 v3, v10;
	v13 =	vand.u32 $0x7C, v13;
	v24 =	vadd.f32 v31, v6;
	[tilespmem:v32+s29+$0x0] =	vst.idx.msk $0xffff, v18;
	v18 =	vld [tilespmem:s5+$0xFFFFFFB0];
	s5 =	smov.u32 s6;
	s6 =	sadd.s32 $0x100, s6  }
0xda: {  	v26 =	vmov s17;
	v10 =	vmovc v28;
	v20 =	vadd.s32 v3, v30;
	s9 =	sadd.s32 $0x4, s9;
	v23 =	vld [tilespmem:s6+$0x40];
	v25 =	vadd.f32 v33, v6;
	[tilespmem:v34+s29+$0x0] =	vst.idx.msk $0xffff, v27  }
0xdb: {  	s9 =	sadd.s32 $0x1, s16  }
0xdc: {  	v26 =	vand.u32 $0x7F, v26;
	s11 =	sadd.s32 $0x2, s16;
	v28 =	vld [tilespmem:s6+$0xFFFFFFC0];
	v27 =	vmov s9  }
0xdd: {  	v31 =	vld [tilespmem:s6+$0x0];
	v29 =	vadd.s32 v0, v26;
	v30 =	vmov s11;
	v27 =	vand.u32 $0x7D, v27  }
0xde: {  	v32 =	vld [tilespmem:s6+$0xFFFFFF80];
	v30 =	vand.u32 $0x7E, v30;
	v33 =	vadd.s32 v0, v27  }
0xdf: {  	v34 =	vadd.s32 v0, v30  }
0xe0: {  	[tilespmem:v22+s29+$0x0] =	vst.idx.msk $0xffff, v24;
	v44 =	vadd.s32 v0, v13;
	v23 =	vadd.f32 v23, v9  }
0xe1: {  	[tilespmem:v21+s29+$0x0] =	vst.idx.msk $0xffff, v25;
	v45 =	vadd.f32 v28, v9  }
0xe2: {  	v46 =	vadd.f32 v31, v9;
	[tilespmem:v29+s29+$0x0] =	vst.idx.msk $0xffff, v23  }
0xe3: {  	v47 =	vadd.f32 v32, v9;
	v48 =	vld [tilespmem:s6+$0x50];
	[tilespmem:v33+s29+$0x0] =	vst.idx.msk $0xffff, v45  }
0xe4: {  	v17 =	vadd.f32 v17, v6;
	v12 =	vadd.s32 v3, v12;
	[tilespmem:v34+s29+$0x0] =	vst.idx.msk $0xffff, v46;
	v21 =	vld [tilespmem:s6+$0xFFFFFFD0]  }
0xe5: {  	v16 =	vadd.f32 v16, v4;
	v49 =	vadd.s32 v1, v26;
	[tilespmem:v44+s29+$0x0] =	vst.idx.msk $0xffff, v47;
	v50 =	vld [tilespmem:s6+$0x10]  }
0xe6: {  	[tilespmem:v14+s29+$0x0] =	vst.idx.msk $0xffff, v17;
	v51 =	vadd.f32 v15, v4;
	v53 =	vadd.s32 v1, v27;
	v52 =	vld [tilespmem:s6+$0xFFFFFF90]  }
0xe7: {  	v54 =	vld [tilespmem:s5+$0x60];
	v18 =	vadd.f32 v18, v4;
	[tilespmem:v19+s29+$0x0] =	vst.idx.msk $0xffff, v16;
	v55 =	vadd.s32 v1, v30  }
0xe8: {  	v57 =	vadd.s32 v1, v13;
	v60 =	vld [tilespmem:s5+$0x20];
	[tilespmem:v20+s29+$0x0] =	vst.idx.msk $0xffff, v51;
	v58 =	vadd.f32 v48, v6  }
0xe9: {  	v59 =	vadd.s32 v2, v7;
	v56 =	vld [tilespmem:s5+$0xFFFFFFE0];
	[tilespmem:v12+s29+$0x0] =	vst.idx.msk $0xffff, v18;
	v61 =	vadd.f32 v21, v6  }
0xea: {  	v62 =	vld [tilespmem:s5+$0xFFFFFFA0];
	v29 =	vadd.s32 v2, v11;
	[tilespmem:v49+s29+$0x0] =	vst.idx.msk $0xffff, v58;
	v28 =	vadd.f32 v50, v6  }
0xeb: {  	v63 =	vadd.s32 v2, v10;
	v31 =	vadd.f32 v52, v6;
	v32 =	vld [tilespmem:s6+$0x60];
	[tilespmem:v53+s29+$0x0] =	vst.idx.msk $0xffff, v61  }
0xec: {  	v33 =	vadd.f32 v54, v5;
	v34 =	vadd.s32 v2, v8;
	[tilespmem:v55+s29+$0x0] =	vst.idx.msk $0xffff, v28;
	v35 =	vld [tilespmem:s6+$0xFFFFFFE0]  }
0xed: {  	v37 =	vadd.s32 v2, v26;
	v39 =	vadd.f32 v60, v5;
	[tilespmem:v57+s29+$0x0] =	vst.idx.msk $0xffff, v31;
	v38 =	vld [tilespmem:s6+$0x20]  }
0xee: {  	v41 =	vadd.s32 v2, v27;
	v36 =	vadd.f32 v56, v5;
	[tilespmem:v59+s29+$0x0] =	vst.idx.msk $0xffff, v33;
	v40 =	vld [tilespmem:s6+$0xFFFFFFA0]  }
0xef: {  	v43 =	vadd.s32 v2, v30;
	v18 =	vadd.f32 v62, v5;
	v42 =	vld [tilespmem:s5+$0x70];
	[tilespmem:v29+s29+$0x0] =	vst.idx.msk $0xffff, v39  }
0xf0: {  	v45 =	vadd.s32 v2, v13;
	[tilespmem:v63+s29+$0x0] =	vst.idx.msk $0xffff, v36;
	v47 =	vld [tilespmem:s5+$0x30];
	v44 =	vadd.f32 v32, v5  }
0xf1: {  	v46 =	vadd.s32 v3, v7;
	[tilespmem:v34+s29+$0x0] =	vst.idx.msk $0xffff, v18;
	v21 =	vld [tilespmem:s5+$0xFFFFFFF0];
	v9 =	vadd.f32 v35, v5  }
0xf2: {  	v18 =	vld [tilespmem:s5+$0xFFFFFFB0];
	v50 =	vadd.s32 v3, v11;
	[tilespmem:v37+s29+$0x0] =	vst.idx.msk $0xffff, v44;
	v49 =	vadd.f32 v38, v5  }
0xf3: {  	v48 =	vadd.s32 v3, v10;
	v5 =	vadd.f32 v40, v5;
	v12 =	vld [tilespmem:s6+$0x70];
	[tilespmem:v41+s29+$0x0] =	vst.idx.msk $0xffff, v9  }
0xf4: {  	v52 =	vadd.s32 v3, v8;
	v51 =	vadd.f32 v42, v4;
	[tilespmem:v43+s29+$0x0] =	vst.idx.msk $0xffff, v49;
	v53 =	vld [tilespmem:s6+$0xFFFFFFF0]  }
0xf5: {  	v55 =	vadd.s32 v3, v26;
	v56 =	vadd.f32 v47, v4;
	[tilespmem:v45+s29+$0x0] =	vst.idx.msk $0xffff, v5;
	v5 =	vld [tilespmem:s6+$0x30]  }
0xf6: {  	v58 =	vadd.s32 v3, v27;
	[tilespmem:v46+s29+$0x0] =	vst.idx.msk $0xffff, v51;
	v54 =	vadd.f32 v21, v4;
	v57 =	vld [tilespmem:s6+$0xFFFFFFB0]  }
0xf7: {  	v60 =	vadd.s32 v3, v30;
	v59 =	vadd.f32 v18, v4;
	[tilespmem:v50+s29+$0x0] =	vst.idx.msk $0xffff, v56  }
0xf8: {  	v62 =	vadd.s32 v3, v13;
	[tilespmem:v48+s29+$0x0] =	vst.idx.msk $0xffff, v54;
	v61 =	vadd.f32 v12, v4  }
0xf9: {  	[tilespmem:v52+s29+$0x0] =	vst.idx.msk $0xffff, v59;
	v63 =	vadd.f32 v53, v4  }
0xfa: {  	[tilespmem:v55+s29+$0x0] =	vst.idx.msk $0xffff, v61;
	v5 =	vadd.f32 v5, v4  }
0xfb: {  	v4 =	vadd.f32 v57, v4;
	[tilespmem:v58+s29+$0x0] =	vst.idx.msk $0xffff, v63  }
0xfc: {  	[tilespmem:v60+s29+$0x0] =	vst.idx.msk $0xffff, v5  }
0xfd: {  	[tilespmem:v62+s29+$0x0] =	vst.idx.msk $0xffff, v4  }
0xfe: {  	s16 =	simm.s32 $0xE600;
	s10 =	rddreg [dreg:$0x5]  }
0xff: {  	[hbm4b:s10+s3] =	stream.linear.scatter [tilespmem:s16], [sflag:$0x5], $0x80, $0x38;
	[tilespmem:$0x13A00] =	vst v63  }
0x100: {  	s17 =	simm.s32 $0xE688;
	s18 =	sadd.s32 $0x10, s10  }
0x101: {  	[hbm4b:s18+s3] =	stream.linear.scatter [tilespmem:s17], [sflag:$0x5], $0x80, $0x38;
	[tilespmem:$0x13A00] =	vst v63  }
0x102: {  	s25 =	simm.s32 $0xE710;
	s11 =	simm.s32 $0xE820;
	s30 =	sadd.s32 $0x20, s10  }
0x103: {  	[hbm4b:s30+s3] =	stream.linear.scatter [tilespmem:s25], [sflag:$0x5], $0x80, $0x38;
	[tilespmem:$0x13A00] =	vst v63  }
0x104: {  	s5 =	simm.s32 $0x440;
	s6 =	simm.s32 $0xE798;
	s9 =	sadd.s32 $0x30, s10  }
0x105: {  	[hbm4b:s9+s3] =	stream.linear.scatter [tilespmem:s6], [sflag:$0x5], $0x80, $0x38;
	[tilespmem:$0x13A00] =	vst v63  }
0x106: {  	s16 =	sadd.s32 $0x40, s10;
	s17 =	simm.s32 $0xE8A8;
	s18 =	sadd.s32 $0x50, s10  }
0x107: {  	[hbm4b:s16+s3] =	stream.linear.scatter [tilespmem:s11], [sflag:$0x5], $0x80, $0x38;
	[tilespmem:$0x13A00] =	vst v63  }
0x108: {  	s25 =	simm.s32 $0xE930;
	s30 =	sadd.s32 $0x60, s10;
	s9 =	simm.s32 $0x2200  }
0x109: {  	[hbm4b:s18+s3] =	stream.linear.scatter [tilespmem:s17], [sflag:$0x5], $0x80, $0x38;
	[tilespmem:$0x13A00] =	vst v63  }
0x10a: {  	s6 =	sadd.s32 $0x1000, s10;
	s16 =	simm.s32 $0xE9B8;
	s17 =	sadd.s32 $0x70, s10  }
0x10b: {  	[hbm4b:s30+s3] =	stream.linear.scatter [tilespmem:s25], [sflag:$0x5], $0x80, $0x38;
	[tilespmem:$0x13A00] =	vst v63  }
.LBB2_8:
0x10c: {  	[hbm4b:s17+s3] =	stream.linear.scatter [tilespmem:s16], [sflag:$0x5], $0x80, $0x38;
	[tilespmem:$0x13A00] =	vst v63  }
0x10d: {  	s16 =	smov.u32 s5;
	s5 =	smov.u32 s9  }
0x10e: {  	s18 =	sadd.s32 $0x1100, s9;
	s5 =	sshra.s32 s5, $0x2;
	s17 =	sadd.s32 $0xE600, s16  }
0x10f: {  	[hbm4b:s6+s3] =	stream.linear.scatter [tilespmem:s17], [sflag:$0x5], $0x80, $0x38;
	[tilespmem:$0x13A00] =	vst v63  }
0x110: {  	p0 =	sne.s32 s9, $0x7700;
	s9 =	sadd.s32 $0xE688, s16;
	s17 =	sadd.s32 $0x10, s6  }
0x111: {  	[hbm4b:s17+s3] =	stream.linear.scatter [tilespmem:s9], [sflag:$0x5], $0x80, $0x38;
	[tilespmem:$0x13A00] =	vst v63  }
0x112: {  	s9 =	sadd.s32 $0xE710, s16;
	s17 =	sadd.s32 $0x20, s6  }
0x113: {  	[hbm4b:s17+s3] =	stream.linear.scatter [tilespmem:s9], [sflag:$0x5], $0x80, $0x38;
	[tilespmem:$0x13A00] =	vst v63  }
0x114: {  	s9 =	sadd.s32 $0xE798, s16;
	s17 =	sadd.s32 $0x30, s6  }
0x115: {  	[hbm4b:s17+s3] =	stream.linear.scatter [tilespmem:s9], [sflag:$0x5], $0x80, $0x38;
	[tilespmem:$0x13A00] =	vst v63  }
0x116: {  	s9 =	sadd.s32 $0xE820, s16;
	s17 =	sadd.s32 $0x40, s6  }
0x117: {  	[hbm4b:s17+s3] =	stream.linear.scatter [tilespmem:s9], [sflag:$0x5], $0x80, $0x38;
	[tilespmem:$0x13A00] =	vst v63  }
.Ltmp3:
0x118: {  	s9 =	sadd.s32 $0xE8A8, s16;
	s17 =	sadd.s32 $0x50, s6;
	(pc) =	sbr.rel @p0 .LBB2_8-.Ltmp3, $4  }
0x119: {  	[hbm4b:s17+s3] =	stream.linear.scatter [tilespmem:s9], [sflag:$0x5], $0x80, $0x38;
	[tilespmem:$0x13A00] =	vst v63  }
0x11a: {  	s9 =	sadd.s32 $0xE930, s16;
	s17 =	sadd.s32 $0x60, s6;
	s16 =	sadd.s32 $0xE9B8, s16  }
0x11b: {  	[hbm4b:s17+s3] =	stream.linear.scatter [tilespmem:s9], [sflag:$0x5], $0x80, $0x38;
	[tilespmem:$0x13A00] =	vst v63  }
0x11c: {  	s17 =	sadd.s32 $0x70, s6;
	s6 =	sadd.s32 $0x1000, s6;
	s9 =	smov.u32 s18  }
0x11d: {  	[hbm4b:s17+s3] =	stream.linear.scatter [tilespmem:s16], [sflag:$0x5], $0x80, $0x38;
	[tilespmem:$0x13A00] =	vst v63  }
0x11e: {  	s9 =	sadd.s32 $0xE600, s5  }
0x11f: {  	[hbm4b:s6+s3] =	stream.linear.scatter [tilespmem:s9], [sflag:$0x5], $0x80, $0x38;
	[tilespmem:$0x13A00] =	vst v63  }
0x120: {  	s25 =	sadd.s32 $0xE688, s5;
	s30 =	sadd.s32 $0x10, s6  }
0x121: {  	[hbm4b:s30+s3] =	stream.linear.scatter [tilespmem:s25], [sflag:$0x5], $0x80, $0x38;
	[tilespmem:$0x13A00] =	vst v63  }
0x122: {  	s10 =	sadd.s32 $0xE710, s5;
	s11 =	sadd.s32 $0x20, s6  }
0x123: {  	[hbm4b:s11+s3] =	stream.linear.scatter [tilespmem:s10], [sflag:$0x5], $0x80, $0x38;
	[tilespmem:$0x13A00] =	vst v63  }
0x124: {  	s17 =	sadd.s32 $0xE798, s5;
	s18 =	sadd.s32 $0x30, s6  }
0x125: {  	[hbm4b:s18+s3] =	stream.linear.scatter [tilespmem:s17], [sflag:$0x5], $0x80, $0x38;
	[tilespmem:$0x13A00] =	vst v63  }
0x126: {  	s25 =	sadd.s32 $0xE820, s5;
	s30 =	sadd.s32 $0x40, s6  }
0x127: {  	[hbm4b:s30+s3] =	stream.linear.scatter [tilespmem:s25], [sflag:$0x5], $0x80, $0x38;
	[tilespmem:$0x13A00] =	vst v63  }
0x128: {  	s10 =	sadd.s32 $0xE8A8, s5;
	s11 =	sadd.s32 $0x50, s6  }
0x129: {  	[hbm4b:s11+s3] =	stream.linear.scatter [tilespmem:s10], [sflag:$0x5], $0x80, $0x38;
	[tilespmem:$0x13A00] =	vst v63  }
0x12a: {  	s16 =	sadd.s32 $0xE930, s5;
	s17 =	sadd.s32 $0x60, s6  }
0x12b: {  	[hbm4b:s17+s3] =	stream.linear.scatter [tilespmem:s16], [sflag:$0x5], $0x80, $0x38;
	[tilespmem:$0x13A00] =	vst v63  }
0x12c: {  	s18 =	sadd.s32 $0xE9B8, s5;
	s25 =	sadd.s32 $0x70, s6  }
0x12d: {  	[hbm4b:s25+s3] =	stream.linear.scatter [tilespmem:s18], [sflag:$0x5], $0x80, $0x38;
	[tilespmem:$0x13A00] =	vst v63  }
0x12e: {  	s30 =	simm.s32 $0x180;
	s25 =	simm.s32 $0x0  }
0x12f: {  	[tilespmem:s21], [sflag:$0x1] =	stream.indirect.gather [hbm4b:s4+s19], $0x40, s30, s19, $0xb8;
	[tilespmem:$0x13A00] =	vst v63  }
.LBB2_10:
0x130: {  	_ =	swait.ge [sflag:s31], $0x2000  }
0x131: {  	s30 =	smul.u32 $0x6, s25;
	[sflag:s31] =	ssyncset.done $0x0  }
0x132: {  	[sflag:s31] =	ssyncadd.s32 $0xFFFFE000  }
0x133: {  	s5 =	sadd.s32 $0x2, s30;
	_ =	swait.ge [sflag:s0], $0x2000  }
0x134: {  	s6 =	sshll.u32 s5, $0x6;
	[sflag:s0] =	ssyncset.done $0x0  }
0x135: {  	s6 =	sand.u32 $0x3FFFFF80, s6;
	[sflag:s0] =	ssyncadd.s32 $0xFFFFE000  }
0x136: {  	s9 =	simm.s32 $0xA480;
	s16 =	simm.s32 $0x3;
	v9 =	vld [tilespmem:s6+$0x10800]  }
0x137: {  	v4 =	vmov s16;
	v7 =	vld [tilespmem:s9+$0x40]  }
0x138: {  	v13 =	vand.u32 $0x7F, v4  }
0x139: {  	v8 =	vadd.s32 v0, v13;
	v6 =	vld [tilespmem:s6+$0x10810]  }
0x13a: {  	s18 =	simm.s32 $0x1;
	s17 =	simm.s32 $0x2;
	v4 =	vmov s20;
	v10 =	vld [tilespmem:s9+$0xFFFFFF80]  }
0x13b: {  	v14 =	vmov s17;
	v12 =	vand.u32 $0x7C, v4;
	v4 =	vmov s18;
	v11 =	vld [tilespmem:s9+$0xFFFFFFC0]  }
0x13c: {  	v15 =	vadd.s32 v0, v12;
	v19 =	vand.u32 $0x7D, v4;
	v16 =	vld [tilespmem:s9+$0x0];
	v7 =	vadd.f32 v7, v9  }
0x13d: {  	v20 =	vand.u32 $0x7E, v14;
	v17 =	vadd.s32 v0, v19;
	v5 =	vld [tilespmem:s6+$0x10820]  }
0x13e: {  	v14 =	vadd.s32 v0, v20;
	v4 =	vld [tilespmem:s6+$0x10830];
	[tilespmem:v8+s24+$0x0] =	vst.idx.msk $0xffff, v7  }
0x13f: {  	v7 =	vadd.f32 v10, v9;
	v8 =	vld [tilespmem:s9+$0x50]  }
0x140: {  	v10 =	vadd.f32 v11, v9  }
0x141: {  	v11 =	vadd.s32 v1, v13;
	[tilespmem:v15+s24+$0x0] =	vst.idx.msk $0xffff, v7;
	v7 =	vadd.f32 v16, v9  }
0x142: {  	[tilespmem:v17+s24+$0x0] =	vst.idx.msk $0xffff, v10;
	v15 =	vld [tilespmem:s9+$0xFFFFFF90]  }
0x143: {  	v10 =	vld [tilespmem:s9+$0xFFFFFFD0];
	[tilespmem:v14+s24+$0x0] =	vst.idx.msk $0xffff, v7  }
0x144: {  	v14 =	vld [tilespmem:s9+$0x10];
	v7 =	vadd.f32 v8, v6  }
0x145: {  	s11 =	simm.s32 $0x7;
	s6 =	simm.s32 $0xA580;
	v16 =	vadd.s32 v1, v19  }
0x146: {  	s10 =	simm.s32 $0x4;
	v26 =	vadd.s32 v2, v13;
	v18 =	vld [tilespmem:s6+$0x40];
	v17 =	vadd.s32 v1, v20;
	[tilespmem:v11+s24+$0x0] =	vst.idx.msk $0xffff, v7;
	v7 =	vmov s11  }
0x147: {  	v21 =	vadd.s32 v1, v12;
	v8 =	vmov s10;
	v7 =	vand.u32 $0x7F, v7;
	v22 =	vld [tilespmem:s9+$0x60]  }
0x148: {  	s18 =	simm.s32 $0x5;
	v23 =	vld [tilespmem:s6+$0xFFFFFF80];
	v8 =	vand.u32 $0x7C, v8;
	v10 =	vadd.f32 v10, v6;
	v24 =	vadd.s32 v0, v7  }
0x149: {  	v25 =	vld [tilespmem:s6+$0xFFFFFFC0];
	s10 =	simm.s32 $0x6;
	v15 =	vadd.f32 v15, v6;
	v11 =	vadd.f32 v14, v6;
	v14 =	vmov s18  }
0x14a: {  	v27 =	vadd.s32 v0, v8;
	[tilespmem:v16+s24+$0x0] =	vst.idx.msk $0xffff, v10;
	v16 =	vmov s10;
	v10 =	vand.u32 $0x7D, v14;
	v14 =	vld [tilespmem:s6+$0x0]  }
0x14b: {  	[tilespmem:v17+s24+$0x0] =	vst.idx.msk $0xffff, v11;
	v17 =	vadd.s32 v0, v10;
	v11 =	vand.u32 $0x7E, v16;
	v16 =	vadd.f32 v18, v9;
	v18 =	vld [tilespmem:s9+$0xFFFFFFE0]  }
0x14c: {  	[tilespmem:v21+s24+$0x0] =	vst.idx.msk $0xffff, v15;
	v15 =	vadd.s32 v0, v11;
	v21 =	vld [tilespmem:s9+$0x20];
	v22 =	vadd.f32 v22, v5  }
0x14d: {  	v23 =	vadd.f32 v23, v9;
	[tilespmem:v24+s24+$0x0] =	vst.idx.msk $0xffff, v16;
	v16 =	vld [tilespmem:s9+$0xFFFFFFA0];
	v24 =	vadd.s32 v2, v19  }
0x14e: {  	v29 =	vadd.s32 v2, v20;
	v25 =	vadd.f32 v25, v9;
	v28 =	vld [tilespmem:s6+$0x50];
	[tilespmem:v26+s24+$0x0] =	vst.idx.msk $0xffff, v22  }
0x14f: {  	[tilespmem:v27+s24+$0x0] =	vst.idx.msk $0xffff, v23;
	v23 =	vadd.s32 v2, v12;
	v14 =	vadd.f32 v14, v9;
	v26 =	vld [tilespmem:s9+$0x70]  }
0x150: {  	v27 =	vld [tilespmem:s6+$0xFFFFFF90];
	[tilespmem:v17+s24+$0x0] =	vst.idx.msk $0xffff, v25;
	v25 =	vadd.s32 v1, v7;
	v18 =	vadd.f32 v18, v5  }
0x151: {  	v31 =	vadd.s32 v3, v13;
	v30 =	vld [tilespmem:s6+$0xFFFFFFD0];
	[tilespmem:v15+s24+$0x0] =	vst.idx.msk $0xffff, v14;
	v14 =	vadd.f32 v21, v5  }
0x152: {  	v22 =	vadd.s32 v1, v8;
	v17 =	vld [tilespmem:s6+$0x10];
	v13 =	vadd.f32 v16, v5;
	[tilespmem:v24+s24+$0x0] =	vst.idx.msk $0xffff, v18  }
0x153: {  	s18 =	simm.s32 $0x8;
	v21 =	vadd.s32 v1, v10;
	[tilespmem:v29+s24+$0x0] =	vst.idx.msk $0xffff, v14;
	v18 =	vadd.f32 v28, v6;
	v16 =	vld [tilespmem:s9+$0xFFFFFFF0]  }
0x154: {  	v24 =	vmov s18;
	v14 =	vadd.s32 v1, v11;
	v15 =	vld [tilespmem:s9+$0x30];
	[tilespmem:v23+s24+$0x0] =	vst.idx.msk $0xffff, v13;
	v63 =	vadd.f32 v26, v4  }
0x155: {  	s16 =	simm.s32 $0xA680;
	s11 =	simm.s32 $0xB;
	v19 =	vadd.s32 v3, v19;
	v13 =	vand.u32 $0x7C, v24;
	v24 =	vadd.f32 v27, v6;
	[tilespmem:v25+s24+$0x0] =	vst.idx.msk $0xffff, v18;
	v18 =	vld [tilespmem:s9+$0xFFFFFFB0]  }
0x156: {  	v20 =	vadd.s32 v3, v20;
	v26 =	vmov s11;
	v23 =	vld [tilespmem:s16+$0x40];
	s9 =	simm.s32 $0xC;
	v25 =	vadd.f32 v30, v6;
	[tilespmem:v31+s24+$0x0] =	vst.idx.msk $0xffff, v63  }
.LBB2_11:
0x157: {  	p0 =	slt.u32 s9, $0x7C;
	s17 =	sadd.s32 $0x1, s18;
	v26 =	vand.u32 $0x7F, v26;
	[tilespmem:v22+s24+$0x0] =	vst.idx.msk $0xffff, v24;
	v17 =	vadd.f32 v17, v6;
	v22 =	vld [tilespmem:s6+$0x60];
	v24 =	vadd.s32 v3, v12  }
0x158: {  	v30 =	vmovc v11;
	v27 =	vld [tilespmem:s16+$0xFFFFFF80];
	v28 =	vmov s17;
	s17 =	sadd.s32 $0x2, s18;
	v29 =	vadd.s32 v0, v26;
	[tilespmem:v21+s24+$0x0] =	vst.idx.msk $0xffff, v25;
	v16 =	vadd.f32 v16, v4;
	s18 =	smov.u32 s9  }
0x159: {  	v12 =	vmovc v8;
	v21 =	vld [tilespmem:s16+$0xFFFFFFC0];
	v11 =	vmov s17;
	[tilespmem:v14+s24+$0x0] =	vst.idx.msk $0xffff, v17;
	v14 =	vadd.s32 v2, v7;
	v15 =	vadd.f32 v15, v4  }
0x15a: {  	v17 =	vadd.s32 v0, v13;
	v28 =	vand.u32 $0x7D, v28;
	v25 =	vld [tilespmem:s16+$0x0];
	v31 =	vadd.f32 v18, v4;
	[tilespmem:v19+s24+$0x0] =	vst.idx.msk $0xffff, v16  }
0x15b: {  	v16 =	vadd.s32 v0, v28;
	v11 =	vand.u32 $0x7E, v11;
	v18 =	vadd.f32 v23, v9;
	v19 =	vld [tilespmem:s6+$0xFFFFFFE0];
	[tilespmem:v20+s24+$0x0] =	vst.idx.msk $0xffff, v15  }
0x15c: {  	v8 =	vmov v13;
	v15 =	vadd.s32 v0, v11;
	v20 =	vld [tilespmem:s6+$0x20];
	v22 =	vadd.f32 v22, v5;
	[tilespmem:v24+s24+$0x0] =	vst.idx.msk $0xffff, v31  }
0x15d: {  	v23 =	vadd.s32 v2, v10;
	v13 =	vadd.f32 v27, v9;
	[tilespmem:v29+s24+$0x0] =	vst.idx.msk $0xffff, v18;
	v18 =	vld [tilespmem:s6+$0xFFFFFFA0]  }
0x15e: {  	v27 =	vadd.s32 v2, v30;
	v21 =	vadd.f32 v21, v9;
	v24 =	vld [tilespmem:s16+$0x50];
	[tilespmem:v14+s24+$0x0] =	vst.idx.msk $0xffff, v22  }
0x15f: {  	[tilespmem:v17+s24+$0x0] =	vst.idx.msk $0xffff, v13;
	v13 =	vadd.f32 v25, v9;
	v25 =	vadd.s32 v2, v12;
	v29 =	vld [tilespmem:s6+$0x70]  }
0x160: {  	v32 =	vadd.s32 v1, v26;
	v31 =	vld [tilespmem:s16+$0xFFFFFF90];
	[tilespmem:v16+s24+$0x0] =	vst.idx.msk $0xffff, v21;
	v14 =	vadd.f32 v19, v5  }
0x161: {  	v34 =	vadd.s32 v3, v7;
	v7 =	vmov v26;
	v33 =	vld [tilespmem:s16+$0xFFFFFFD0];
	[tilespmem:v15+s24+$0x0] =	vst.idx.msk $0xffff, v13;
	v13 =	vadd.f32 v20, v5  }
.Ltmp4:
0x162: {  	v22 =	vadd.s32 v1, v8;
	v17 =	vld [tilespmem:s16+$0x10];
	v15 =	vadd.f32 v18, v5;
	[tilespmem:v23+s24+$0x0] =	vst.idx.msk $0xffff, v14;
	(pc) =	sbr.rel @p0 .LBB2_11-.Ltmp4, $4  }
0x163: {  	v21 =	vadd.s32 v1, v28;
	v18 =	vadd.f32 v24, v6;
	v16 =	vld [tilespmem:s6+$0xFFFFFFF0];
	[tilespmem:v27+s24+$0x0] =	vst.idx.msk $0xffff, v13  }
0x164: {  	v14 =	vadd.s32 v1, v11;
	v13 =	vmov s9;
	[tilespmem:v25+s24+$0x0] =	vst.idx.msk $0xffff, v15;
	v15 =	vld [tilespmem:s6+$0x30];
	v27 =	vadd.f32 v29, v4  }
0x165: {  	s17 =	sadd.s32 $0x3, s9;
	v19 =	vadd.s32 v3, v10;
	v13 =	vand.u32 $0x7C, v13;
	v24 =	vadd.f32 v31, v6;
	[tilespmem:v32+s24+$0x0] =	vst.idx.msk $0xffff, v18;
	v18 =	vld [tilespmem:s6+$0xFFFFFFB0];
	s6 =	smov.u32 s16;
	s16 =	sadd.s32 $0x100, s16  }
0x166: {  	v26 =	vmov s17;
	v10 =	vmovc v28;
	v20 =	vadd.s32 v3, v30;
	s9 =	sadd.s32 $0x4, s9;
	v23 =	vld [tilespmem:s16+$0x40];
	v25 =	vadd.f32 v33, v6;
	[tilespmem:v34+s24+$0x0] =	vst.idx.msk $0xffff, v27  }
0x167: {  	s9 =	sadd.s32 $0x1, s18  }
0x168: {  	v26 =	vand.u32 $0x7F, v26;
	s17 =	sadd.s32 $0x2, s18;
	v28 =	vld [tilespmem:s16+$0xFFFFFFC0];
	v27 =	vmov s9  }
0x169: {  	v31 =	vld [tilespmem:s16+$0x0];
	v29 =	vadd.s32 v0, v26;
	v30 =	vmov s17;
	v27 =	vand.u32 $0x7D, v27  }
0x16a: {  	v32 =	vld [tilespmem:s16+$0xFFFFFF80];
	v30 =	vand.u32 $0x7E, v30;
	v33 =	vadd.s32 v0, v27  }
0x16b: {  	v34 =	vadd.s32 v0, v30  }
0x16c: {  	[tilespmem:v22+s24+$0x0] =	vst.idx.msk $0xffff, v24;
	v44 =	vadd.s32 v0, v13;
	v23 =	vadd.f32 v23, v9  }
0x16d: {  	[tilespmem:v21+s24+$0x0] =	vst.idx.msk $0xffff, v25;
	v45 =	vadd.f32 v28, v9  }
0x16e: {  	v46 =	vadd.f32 v31, v9;
	[tilespmem:v29+s24+$0x0] =	vst.idx.msk $0xffff, v23  }
0x16f: {  	v47 =	vadd.f32 v32, v9;
	v48 =	vld [tilespmem:s16+$0x50];
	[tilespmem:v33+s24+$0x0] =	vst.idx.msk $0xffff, v45  }
0x170: {  	v17 =	vadd.f32 v17, v6;
	v12 =	vadd.s32 v3, v12;
	[tilespmem:v34+s24+$0x0] =	vst.idx.msk $0xffff, v46;
	v21 =	vld [tilespmem:s16+$0xFFFFFFD0]  }
0x171: {  	v16 =	vadd.f32 v16, v4;
	v49 =	vadd.s32 v1, v26;
	[tilespmem:v44+s24+$0x0] =	vst.idx.msk $0xffff, v47;
	v50 =	vld [tilespmem:s16+$0x10]  }
0x172: {  	[tilespmem:v14+s24+$0x0] =	vst.idx.msk $0xffff, v17;
	v51 =	vadd.f32 v15, v4;
	v53 =	vadd.s32 v1, v27;
	v52 =	vld [tilespmem:s16+$0xFFFFFF90]  }
0x173: {  	v54 =	vld [tilespmem:s6+$0x60];
	v18 =	vadd.f32 v18, v4;
	[tilespmem:v19+s24+$0x0] =	vst.idx.msk $0xffff, v16;
	v55 =	vadd.s32 v1, v30  }
0x174: {  	v57 =	vadd.s32 v1, v13;
	v60 =	vld [tilespmem:s6+$0x20];
	[tilespmem:v20+s24+$0x0] =	vst.idx.msk $0xffff, v51;
	v58 =	vadd.f32 v48, v6  }
0x175: {  	v59 =	vadd.s32 v2, v7;
	v56 =	vld [tilespmem:s6+$0xFFFFFFE0];
	[tilespmem:v12+s24+$0x0] =	vst.idx.msk $0xffff, v18;
	v61 =	vadd.f32 v21, v6  }
0x176: {  	v62 =	vld [tilespmem:s6+$0xFFFFFFA0];
	v29 =	vadd.s32 v2, v11;
	[tilespmem:v49+s24+$0x0] =	vst.idx.msk $0xffff, v58;
	v28 =	vadd.f32 v50, v6  }
0x177: {  	v63 =	vadd.s32 v2, v10;
	v31 =	vadd.f32 v52, v6;
	v32 =	vld [tilespmem:s16+$0x60];
	[tilespmem:v53+s24+$0x0] =	vst.idx.msk $0xffff, v61  }
0x178: {  	v33 =	vadd.f32 v54, v5;
	v34 =	vadd.s32 v2, v8;
	[tilespmem:v55+s24+$0x0] =	vst.idx.msk $0xffff, v28;
	v35 =	vld [tilespmem:s16+$0xFFFFFFE0]  }
0x179: {  	v37 =	vadd.s32 v2, v26;
	v39 =	vadd.f32 v60, v5;
	[tilespmem:v57+s24+$0x0] =	vst.idx.msk $0xffff, v31;
	v38 =	vld [tilespmem:s16+$0x20]  }
0x17a: {  	v41 =	vadd.s32 v2, v27;
	v36 =	vadd.f32 v56, v5;
	[tilespmem:v59+s24+$0x0] =	vst.idx.msk $0xffff, v33;
	v40 =	vld [tilespmem:s16+$0xFFFFFFA0]  }
0x17b: {  	v43 =	vadd.s32 v2, v30;
	v18 =	vadd.f32 v62, v5;
	v42 =	vld [tilespmem:s6+$0x70];
	[tilespmem:v29+s24+$0x0] =	vst.idx.msk $0xffff, v39  }
0x17c: {  	v45 =	vadd.s32 v2, v13;
	[tilespmem:v63+s24+$0x0] =	vst.idx.msk $0xffff, v36;
	v47 =	vld [tilespmem:s6+$0x30];
	v44 =	vadd.f32 v32, v5  }
0x17d: {  	v46 =	vadd.s32 v3, v7;
	[tilespmem:v34+s24+$0x0] =	vst.idx.msk $0xffff, v18;
	v21 =	vld [tilespmem:s6+$0xFFFFFFF0];
	v9 =	vadd.f32 v35, v5  }
0x17e: {  	v18 =	vld [tilespmem:s6+$0xFFFFFFB0];
	v50 =	vadd.s32 v3, v11;
	[tilespmem:v37+s24+$0x0] =	vst.idx.msk $0xffff, v44;
	v49 =	vadd.f32 v38, v5  }
0x17f: {  	v48 =	vadd.s32 v3, v10;
	v5 =	vadd.f32 v40, v5;
	v12 =	vld [tilespmem:s16+$0x70];
	[tilespmem:v41+s24+$0x0] =	vst.idx.msk $0xffff, v9  }
0x180: {  	v52 =	vadd.s32 v3, v8;
	v51 =	vadd.f32 v42, v4;
	[tilespmem:v43+s24+$0x0] =	vst.idx.msk $0xffff, v49;
	v53 =	vld [tilespmem:s16+$0xFFFFFFF0]  }
0x181: {  	v55 =	vadd.s32 v3, v26;
	v56 =	vadd.f32 v47, v4;
	[tilespmem:v45+s24+$0x0] =	vst.idx.msk $0xffff, v5;
	v5 =	vld [tilespmem:s16+$0x30]  }
0x182: {  	v58 =	vadd.s32 v3, v27;
	[tilespmem:v46+s24+$0x0] =	vst.idx.msk $0xffff, v51;
	v54 =	vadd.f32 v21, v4;
	v57 =	vld [tilespmem:s16+$0xFFFFFFB0]  }
0x183: {  	v60 =	vadd.s32 v3, v30;
	v59 =	vadd.f32 v18, v4;
	[tilespmem:v50+s24+$0x0] =	vst.idx.msk $0xffff, v56  }
0x184: {  	v62 =	vadd.s32 v3, v13;
	[tilespmem:v48+s24+$0x0] =	vst.idx.msk $0xffff, v54;
	v61 =	vadd.f32 v12, v4  }
0x185: {  	[tilespmem:v52+s24+$0x0] =	vst.idx.msk $0xffff, v59;
	v63 =	vadd.f32 v53, v4  }
0x186: {  	s5 =	sshll.u32 s5, $0x12;
	[tilespmem:v55+s24+$0x0] =	vst.idx.msk $0xffff, v61;
	v5 =	vadd.f32 v5, v4  }
0x187: {  	s5 =	sor.u32 s8, s5;
	v4 =	vadd.f32 v57, v4;
	[tilespmem:v58+s24+$0x0] =	vst.idx.msk $0xffff, v63  }
0x188: {  	s5 =	sshrl.u32 s5, $0x3;
	[tilespmem:v60+s24+$0x0] =	vst.idx.msk $0xffff, v5  }
0x189: {  	s18 =	simm.s32 $0xC400;
	s6 =	sadd.s32 s2, s5;
	[tilespmem:v62+s24+$0x0] =	vst.idx.msk $0xffff, v4  }
0x18a: {  	[hbm4b:s6+s3] =	stream.linear.scatter [tilespmem:s18], [sflag:$0x4], $0x80, $0x38;
	[tilespmem:$0x13A00] =	vst v63  }
0x18b: {  	s9 =	simm.s32 $0xC488;
	s10 =	sadd.s32 $0x10, s6  }
0x18c: {  	[hbm4b:s10+s3] =	stream.linear.scatter [tilespmem:s9], [sflag:$0x4], $0x80, $0x38;
	[tilespmem:$0x13A00] =	vst v63  }
0x18d: {  	s11 =	simm.s32 $0xC510;
	s16 =	sadd.s32 $0x20, s6  }
0x18e: {  	[hbm4b:s16+s3] =	stream.linear.scatter [tilespmem:s11], [sflag:$0x4], $0x80, $0x38;
	[tilespmem:$0x13A00] =	vst v63  }
0x18f: {  	s17 =	simm.s32 $0xC598;
	s18 =	sadd.s32 $0x30, s6  }
0x190: {  	[hbm4b:s18+s3] =	stream.linear.scatter [tilespmem:s17], [sflag:$0x4], $0x80, $0x38;
	[tilespmem:$0x13A00] =	vst v63  }
0x191: {  	s9 =	simm.s32 $0xC620;
	s10 =	sadd.s32 $0x40, s6  }
0x192: {  	[hbm4b:s10+s3] =	stream.linear.scatter [tilespmem:s9], [sflag:$0x4], $0x80, $0x38;
	[tilespmem:$0x13A00] =	vst v63  }
0x193: {  	s5 =	simm.s32 $0x440;
	s11 =	simm.s32 $0xC6A8;
	s16 =	sadd.s32 $0x50, s6  }
0x194: {  	[hbm4b:s16+s3] =	stream.linear.scatter [tilespmem:s11], [sflag:$0x4], $0x80, $0x38;
	[tilespmem:$0x13A00] =	vst v63  }
0x195: {  	s17 =	simm.s32 $0xC730;
	s18 =	sadd.s32 $0x60, s6;
	s9 =	simm.s32 $0x2200  }
0x196: {  	[hbm4b:s18+s3] =	stream.linear.scatter [tilespmem:s17], [sflag:$0x4], $0x80, $0x38;
	[tilespmem:$0x13A00] =	vst v63  }
0x197: {  	s16 =	simm.s32 $0xC7B8;
	s17 =	sadd.s32 $0x70, s6;
	s6 =	sadd.s32 $0x1000, s6  }
.LBB2_13:
0x198: {  	[hbm4b:s17+s3] =	stream.linear.scatter [tilespmem:s16], [sflag:$0x4], $0x80, $0x38;
	[tilespmem:$0x13A00] =	vst v63  }
0x199: {  	s16 =	smov.u32 s5;
	s5 =	smov.u32 s9  }
0x19a: {  	s18 =	sadd.s32 $0x1100, s9;
	s5 =	sshra.s32 s5, $0x2;
	s17 =	sadd.s32 $0xC400, s16  }
0x19b: {  	[hbm4b:s6+s3] =	stream.linear.scatter [tilespmem:s17], [sflag:$0x4], $0x80, $0x38;
	[tilespmem:$0x13A00] =	vst v63  }
0x19c: {  	p0 =	sne.s32 s9, $0x7700;
	s9 =	sadd.s32 $0xC488, s16;
	s17 =	sadd.s32 $0x10, s6  }
0x19d: {  	[hbm4b:s17+s3] =	stream.linear.scatter [tilespmem:s9], [sflag:$0x4], $0x80, $0x38;
	[tilespmem:$0x13A00] =	vst v63  }
0x19e: {  	s9 =	sadd.s32 $0xC510, s16;
	s17 =	sadd.s32 $0x20, s6  }
0x19f: {  	[hbm4b:s17+s3] =	stream.linear.scatter [tilespmem:s9], [sflag:$0x4], $0x80, $0x38;
	[tilespmem:$0x13A00] =	vst v63  }
0x1a0: {  	s9 =	sadd.s32 $0xC598, s16;
	s17 =	sadd.s32 $0x30, s6  }
0x1a1: {  	[hbm4b:s17+s3] =	stream.linear.scatter [tilespmem:s9], [sflag:$0x4], $0x80, $0x38;
	[tilespmem:$0x13A00] =	vst v63  }
0x1a2: {  	s9 =	sadd.s32 $0xC620, s16;
	s17 =	sadd.s32 $0x40, s6  }
0x1a3: {  	[hbm4b:s17+s3] =	stream.linear.scatter [tilespmem:s9], [sflag:$0x4], $0x80, $0x38;
	[tilespmem:$0x13A00] =	vst v63  }
.Ltmp5:
0x1a4: {  	s9 =	sadd.s32 $0xC6A8, s16;
	s17 =	sadd.s32 $0x50, s6;
	(pc) =	sbr.rel @p0 .LBB2_13-.Ltmp5, $4  }
0x1a5: {  	[hbm4b:s17+s3] =	stream.linear.scatter [tilespmem:s9], [sflag:$0x4], $0x80, $0x38;
	[tilespmem:$0x13A00] =	vst v63  }
0x1a6: {  	s9 =	sadd.s32 $0xC730, s16;
	s17 =	sadd.s32 $0x60, s6;
	s16 =	sadd.s32 $0xC7B8, s16  }
0x1a7: {  	[hbm4b:s17+s3] =	stream.linear.scatter [tilespmem:s9], [sflag:$0x4], $0x80, $0x38;
	[tilespmem:$0x13A00] =	vst v63  }
0x1a8: {  	s17 =	sadd.s32 $0x70, s6;
	s6 =	sadd.s32 $0x1000, s6;
	s9 =	smov.u32 s18  }
0x1a9: {  	[hbm4b:s17+s3] =	stream.linear.scatter [tilespmem:s16], [sflag:$0x4], $0x80, $0x38;
	[tilespmem:$0x13A00] =	vst v63  }
0x1aa: {  	s9 =	sadd.s32 $0xC400, s5  }
0x1ab: {  	[hbm4b:s6+s3] =	stream.linear.scatter [tilespmem:s9], [sflag:$0x4], $0x80, $0x38;
	[tilespmem:$0x13A00] =	vst v63  }
0x1ac: {  	s10 =	sadd.s32 $0xC488, s5;
	s11 =	sadd.s32 $0x10, s6  }
0x1ad: {  	[hbm4b:s11+s3] =	stream.linear.scatter [tilespmem:s10], [sflag:$0x4], $0x80, $0x38;
	[tilespmem:$0x13A00] =	vst v63  }
0x1ae: {  	s17 =	sadd.s32 $0xC510, s5;
	s18 =	sadd.s32 $0x20, s6  }
0x1af: {  	[hbm4b:s18+s3] =	stream.linear.scatter [tilespmem:s17], [sflag:$0x4], $0x80, $0x38;
	[tilespmem:$0x13A00] =	vst v63  }
0x1b0: {  	s10 =	sadd.s32 $0xC598, s5;
	s11 =	sadd.s32 $0x30, s6  }
0x1b1: {  	[hbm4b:s11+s3] =	stream.linear.scatter [tilespmem:s10], [sflag:$0x4], $0x80, $0x38;
	[tilespmem:$0x13A00] =	vst v63  }
0x1b2: {  	s17 =	sadd.s32 $0xC620, s5;
	s18 =	sadd.s32 $0x40, s6  }
0x1b3: {  	[hbm4b:s18+s3] =	stream.linear.scatter [tilespmem:s17], [sflag:$0x4], $0x80, $0x38;
	[tilespmem:$0x13A00] =	vst v63  }
0x1b4: {  	s10 =	sadd.s32 $0xC6A8, s5;
	s11 =	sadd.s32 $0x50, s6;
	s17 =	sadd.s32 $0xC730, s5  }
0x1b5: {  	[hbm4b:s11+s3] =	stream.linear.scatter [tilespmem:s10], [sflag:$0x4], $0x80, $0x38;
	[tilespmem:$0x13A00] =	vst v63  }
0x1b6: {  	s18 =	sadd.s32 $0x60, s6;
	s10 =	sadd.s32 $0xC7B8, s5;
	s5 =	sadd.s32 $0x4, s30  }
0x1b7: {  	[hbm4b:s18+s3] =	stream.linear.scatter [tilespmem:s17], [sflag:$0x4], $0x80, $0x38;
	[tilespmem:$0x13A00] =	vst v63  }
0x1b8: {  	s11 =	sadd.s32 $0x70, s6;
	s16 =	sshll.u32 s5, $0x7  }
0x1b9: {  	[hbm4b:s11+s3] =	stream.linear.scatter [tilespmem:s10], [sflag:$0x4], $0x80, $0x38;
	[tilespmem:$0x13A00] =	vst v63  }
0x1ba: {  	s6 =	sand.u32 $0x3FFFFF80, s16  }
0x1bb: {  	[tilespmem:s22], [sflag:$0x2] =	stream.indirect.gather [hbm4b:s4+s19], $0x40, s6, s19, $0xb8;
	[tilespmem:$0x13A00] =	vst v63  }
0x1bc: {  	_ =	swait.ge [sflag:s23], $0x2000  }
0x1bd: {  	[sflag:s23] =	ssyncset.done $0x0  }
0x1be: {  	[sflag:s23] =	ssyncadd.s32 $0xFFFFE000  }
0x1bf: {  	s6 =	sadd.s32 $0x3, s30;
	_ =	swait.ge [sflag:s1], $0x2000  }
0x1c0: {  	s17 =	sshll.u32 s6, $0x6;
	[sflag:s1] =	ssyncset.done $0x0  }
0x1c1: {  	s16 =	sand.u32 $0x3FFFFFC0, s17;
	[sflag:s1] =	ssyncadd.s32 $0xFFFFE000  }
0x1c2: {  	s9 =	simm.s32 $0x6480;
	s18 =	simm.s32 $0x3;
	v9 =	vld [tilespmem:s16+$0x10800]  }
0x1c3: {  	v4 =	vmov s18;
	v7 =	vld [tilespmem:s9+$0x40]  }
0x1c4: {  	v13 =	vand.u32 $0x7F, v4  }
0x1c5: {  	s10 =	simm.s32 $0x0;
	v8 =	vadd.s32 v0, v13;
	v6 =	vld [tilespmem:s16+$0x10810]  }
0x1c6: {  	s18 =	simm.s32 $0x2;
	s11 =	simm.s32 $0x1;
	v4 =	vmov s10;
	v10 =	vld [tilespmem:s9+$0xFFFFFF80]  }
0x1c7: {  	v14 =	vmov s18;
	v12 =	vand.u32 $0x7C, v4;
	v4 =	vmov s11;
	v11 =	vld [tilespmem:s9+$0xFFFFFFC0]  }
0x1c8: {  	v15 =	vadd.s32 v0, v12;
	v19 =	vand.u32 $0x7D, v4;
	v16 =	vld [tilespmem:s9+$0x0];
	v7 =	vadd.f32 v7, v9  }
0x1c9: {  	v20 =	vand.u32 $0x7E, v14;
	v17 =	vadd.s32 v0, v19;
	v5 =	vld [tilespmem:s16+$0x10820]  }
0x1ca: {  	v14 =	vadd.s32 v0, v20;
	v4 =	vld [tilespmem:s16+$0x10830];
	[tilespmem:v8+s29+$0x0] =	vst.idx.msk $0xffff, v7  }
0x1cb: {  	v7 =	vadd.f32 v10, v9;
	v8 =	vld [tilespmem:s9+$0x50]  }
0x1cc: {  	v10 =	vadd.f32 v11, v9  }
0x1cd: {  	v11 =	vadd.s32 v1, v13;
	[tilespmem:v15+s29+$0x0] =	vst.idx.msk $0xffff, v7;
	v7 =	vadd.f32 v16, v9  }
0x1ce: {  	[tilespmem:v17+s29+$0x0] =	vst.idx.msk $0xffff, v10;
	v15 =	vld [tilespmem:s9+$0xFFFFFF90]  }
0x1cf: {  	v10 =	vld [tilespmem:s9+$0xFFFFFFD0];
	[tilespmem:v14+s29+$0x0] =	vst.idx.msk $0xffff, v7  }
0x1d0: {  	v14 =	vld [tilespmem:s9+$0x10];
	v7 =	vadd.f32 v8, v6  }
0x1d1: {  	s10 =	simm.s32 $0x7;
	s16 =	simm.s32 $0x6580;
	v16 =	vadd.s32 v1, v19  }
0x1d2: {  	s18 =	simm.s32 $0x4;
	v26 =	vadd.s32 v2, v13;
	v18 =	vld [tilespmem:s16+$0x40];
	v17 =	vadd.s32 v1, v20;
	[tilespmem:v11+s29+$0x0] =	vst.idx.msk $0xffff, v7;
	v7 =	vmov s10  }
0x1d3: {  	v21 =	vadd.s32 v1, v12;
	v8 =	vmov s18;
	v7 =	vand.u32 $0x7F, v7;
	v22 =	vld [tilespmem:s9+$0x60]  }
0x1d4: {  	s11 =	simm.s32 $0x5;
	v23 =	vld [tilespmem:s16+$0xFFFFFF80];
	v8 =	vand.u32 $0x7C, v8;
	v10 =	vadd.f32 v10, v6;
	v24 =	vadd.s32 v0, v7  }
0x1d5: {  	v25 =	vld [tilespmem:s16+$0xFFFFFFC0];
	s18 =	simm.s32 $0x6;
	v15 =	vadd.f32 v15, v6;
	v11 =	vadd.f32 v14, v6;
	v14 =	vmov s11  }
0x1d6: {  	v27 =	vadd.s32 v0, v8;
	[tilespmem:v16+s29+$0x0] =	vst.idx.msk $0xffff, v10;
	v16 =	vmov s18;
	v10 =	vand.u32 $0x7D, v14;
	v14 =	vld [tilespmem:s16+$0x0]  }
0x1d7: {  	[tilespmem:v17+s29+$0x0] =	vst.idx.msk $0xffff, v11;
	v17 =	vadd.s32 v0, v10;
	v11 =	vand.u32 $0x7E, v16;
	v16 =	vadd.f32 v18, v9;
	v18 =	vld [tilespmem:s9+$0xFFFFFFE0]  }
0x1d8: {  	[tilespmem:v21+s29+$0x0] =	vst.idx.msk $0xffff, v15;
	v15 =	vadd.s32 v0, v11;
	v21 =	vld [tilespmem:s9+$0x20];
	v22 =	vadd.f32 v22, v5  }
0x1d9: {  	v23 =	vadd.f32 v23, v9;
	[tilespmem:v24+s29+$0x0] =	vst.idx.msk $0xffff, v16;
	v16 =	vld [tilespmem:s9+$0xFFFFFFA0];
	v24 =	vadd.s32 v2, v19  }
0x1da: {  	v29 =	vadd.s32 v2, v20;
	v25 =	vadd.f32 v25, v9;
	v28 =	vld [tilespmem:s16+$0x50];
	[tilespmem:v26+s29+$0x0] =	vst.idx.msk $0xffff, v22  }
0x1db: {  	[tilespmem:v27+s29+$0x0] =	vst.idx.msk $0xffff, v23;
	v23 =	vadd.s32 v2, v12;
	v14 =	vadd.f32 v14, v9;
	v26 =	vld [tilespmem:s9+$0x70]  }
0x1dc: {  	v27 =	vld [tilespmem:s16+$0xFFFFFF90];
	[tilespmem:v17+s29+$0x0] =	vst.idx.msk $0xffff, v25;
	v25 =	vadd.s32 v1, v7;
	v18 =	vadd.f32 v18, v5  }
0x1dd: {  	v31 =	vadd.s32 v3, v13;
	v30 =	vld [tilespmem:s16+$0xFFFFFFD0];
	[tilespmem:v15+s29+$0x0] =	vst.idx.msk $0xffff, v14;
	v14 =	vadd.f32 v21, v5  }
0x1de: {  	v22 =	vadd.s32 v1, v8;
	v17 =	vld [tilespmem:s16+$0x10];
	v13 =	vadd.f32 v16, v5;
	[tilespmem:v24+s29+$0x0] =	vst.idx.msk $0xffff, v18  }
0x1df: {  	s17 =	simm.s32 $0x8;
	v21 =	vadd.s32 v1, v10;
	[tilespmem:v29+s29+$0x0] =	vst.idx.msk $0xffff, v14;
	v18 =	vadd.f32 v28, v6;
	v16 =	vld [tilespmem:s9+$0xFFFFFFF0]  }
0x1e0: {  	v24 =	vmov s17;
	v14 =	vadd.s32 v1, v11;
	v15 =	vld [tilespmem:s9+$0x30];
	[tilespmem:v23+s29+$0x0] =	vst.idx.msk $0xffff, v13;
	v63 =	vadd.f32 v26, v4  }
0x1e1: {  	s10 =	simm.s32 $0xB;
	s18 =	simm.s32 $0x6680;
	v19 =	vadd.s32 v3, v19;
	v13 =	vand.u32 $0x7C, v24;
	v24 =	vadd.f32 v27, v6;
	[tilespmem:v25+s29+$0x0] =	vst.idx.msk $0xffff, v18;
	v18 =	vld [tilespmem:s9+$0xFFFFFFB0]  }
0x1e2: {  	v20 =	vadd.s32 v3, v20;
	v26 =	vmov s10;
	v23 =	vld [tilespmem:s18+$0x40];
	s9 =	simm.s32 $0xC;
	v25 =	vadd.f32 v30, v6;
	[tilespmem:v31+s29+$0x0] =	vst.idx.msk $0xffff, v63  }
.LBB2_15:
0x1e3: {  	p0 =	slt.u32 s9, $0x7C;
	s10 =	sadd.s32 $0x1, s17;
	v26 =	vand.u32 $0x7F, v26;
	[tilespmem:v22+s29+$0x0] =	vst.idx.msk $0xffff, v24;
	v17 =	vadd.f32 v17, v6;
	v22 =	vld [tilespmem:s16+$0x60];
	v24 =	vadd.s32 v3, v12  }
0x1e4: {  	v30 =	vmovc v11;
	v27 =	vld [tilespmem:s18+$0xFFFFFF80];
	v28 =	vmov s10;
	s10 =	sadd.s32 $0x2, s17;
	v29 =	vadd.s32 v0, v26;
	[tilespmem:v21+s29+$0x0] =	vst.idx.msk $0xffff, v25;
	v16 =	vadd.f32 v16, v4;
	s17 =	smov.u32 s9  }
0x1e5: {  	v12 =	vmovc v8;
	v21 =	vld [tilespmem:s18+$0xFFFFFFC0];
	v11 =	vmov s10;
	[tilespmem:v14+s29+$0x0] =	vst.idx.msk $0xffff, v17;
	v14 =	vadd.s32 v2, v7;
	v15 =	vadd.f32 v15, v4  }
0x1e6: {  	v17 =	vadd.s32 v0, v13;
	v28 =	vand.u32 $0x7D, v28;
	v25 =	vld [tilespmem:s18+$0x0];
	v31 =	vadd.f32 v18, v4;
	[tilespmem:v19+s29+$0x0] =	vst.idx.msk $0xffff, v16  }
0x1e7: {  	v16 =	vadd.s32 v0, v28;
	v11 =	vand.u32 $0x7E, v11;
	v18 =	vadd.f32 v23, v9;
	v19 =	vld [tilespmem:s16+$0xFFFFFFE0];
	[tilespmem:v20+s29+$0x0] =	vst.idx.msk $0xffff, v15  }
0x1e8: {  	v8 =	vmov v13;
	v15 =	vadd.s32 v0, v11;
	v20 =	vld [tilespmem:s16+$0x20];
	v22 =	vadd.f32 v22, v5;
	[tilespmem:v24+s29+$0x0] =	vst.idx.msk $0xffff, v31  }
0x1e9: {  	v23 =	vadd.s32 v2, v10;
	v13 =	vadd.f32 v27, v9;
	[tilespmem:v29+s29+$0x0] =	vst.idx.msk $0xffff, v18;
	v18 =	vld [tilespmem:s16+$0xFFFFFFA0]  }
0x1ea: {  	v27 =	vadd.s32 v2, v30;
	v21 =	vadd.f32 v21, v9;
	v24 =	vld [tilespmem:s18+$0x50];
	[tilespmem:v14+s29+$0x0] =	vst.idx.msk $0xffff, v22  }
0x1eb: {  	[tilespmem:v17+s29+$0x0] =	vst.idx.msk $0xffff, v13;
	v13 =	vadd.f32 v25, v9;
	v25 =	vadd.s32 v2, v12;
	v29 =	vld [tilespmem:s16+$0x70]  }
0x1ec: {  	v32 =	vadd.s32 v1, v26;
	v31 =	vld [tilespmem:s18+$0xFFFFFF90];
	[tilespmem:v16+s29+$0x0] =	vst.idx.msk $0xffff, v21;
	v14 =	vadd.f32 v19, v5  }
0x1ed: {  	v34 =	vadd.s32 v3, v7;
	v7 =	vmov v26;
	v33 =	vld [tilespmem:s18+$0xFFFFFFD0];
	[tilespmem:v15+s29+$0x0] =	vst.idx.msk $0xffff, v13;
	v13 =	vadd.f32 v20, v5  }
.Ltmp6:
0x1ee: {  	v22 =	vadd.s32 v1, v8;
	v17 =	vld [tilespmem:s18+$0x10];
	v15 =	vadd.f32 v18, v5;
	[tilespmem:v23+s29+$0x0] =	vst.idx.msk $0xffff, v14;
	(pc) =	sbr.rel @p0 .LBB2_15-.Ltmp6, $4  }
0x1ef: {  	v21 =	vadd.s32 v1, v28;
	v18 =	vadd.f32 v24, v6;
	v16 =	vld [tilespmem:s16+$0xFFFFFFF0];
	[tilespmem:v27+s29+$0x0] =	vst.idx.msk $0xffff, v13  }
0x1f0: {  	v14 =	vadd.s32 v1, v11;
	v13 =	vmov s9;
	[tilespmem:v25+s29+$0x0] =	vst.idx.msk $0xffff, v15;
	v15 =	vld [tilespmem:s16+$0x30];
	v27 =	vadd.f32 v29, v4  }
0x1f1: {  	s10 =	sadd.s32 $0x3, s9;
	v19 =	vadd.s32 v3, v10;
	v13 =	vand.u32 $0x7C, v13;
	v24 =	vadd.f32 v31, v6;
	[tilespmem:v32+s29+$0x0] =	vst.idx.msk $0xffff, v18;
	v18 =	vld [tilespmem:s16+$0xFFFFFFB0];
	s16 =	smov.u32 s18;
	s18 =	sadd.s32 $0x100, s18  }
0x1f2: {  	v26 =	vmov s10;
	v10 =	vmovc v28;
	v20 =	vadd.s32 v3, v30;
	s9 =	sadd.s32 $0x4, s9;
	v23 =	vld [tilespmem:s18+$0x40];
	v25 =	vadd.f32 v33, v6;
	[tilespmem:v34+s29+$0x0] =	vst.idx.msk $0xffff, v27  }
0x1f3: {  	s9 =	sadd.s32 $0x1, s17  }
0x1f4: {  	v26 =	vand.u32 $0x7F, v26;
	s10 =	sadd.s32 $0x2, s17;
	v28 =	vld [tilespmem:s18+$0xFFFFFFC0];
	v27 =	vmov s9  }
0x1f5: {  	v31 =	vld [tilespmem:s18+$0x0];
	v29 =	vadd.s32 v0, v26;
	v30 =	vmov s10;
	v27 =	vand.u32 $0x7D, v27  }
0x1f6: {  	v32 =	vld [tilespmem:s18+$0xFFFFFF80];
	v30 =	vand.u32 $0x7E, v30;
	v33 =	vadd.s32 v0, v27  }
0x1f7: {  	v34 =	vadd.s32 v0, v30  }
0x1f8: {  	[tilespmem:v22+s29+$0x0] =	vst.idx.msk $0xffff, v24;
	v44 =	vadd.s32 v0, v13;
	v23 =	vadd.f32 v23, v9  }
0x1f9: {  	[tilespmem:v21+s29+$0x0] =	vst.idx.msk $0xffff, v25;
	v45 =	vadd.f32 v28, v9  }
0x1fa: {  	v46 =	vadd.f32 v31, v9;
	[tilespmem:v29+s29+$0x0] =	vst.idx.msk $0xffff, v23  }
0x1fb: {  	v47 =	vadd.f32 v32, v9;
	v48 =	vld [tilespmem:s18+$0x50];
	[tilespmem:v33+s29+$0x0] =	vst.idx.msk $0xffff, v45  }
0x1fc: {  	v17 =	vadd.f32 v17, v6;
	v12 =	vadd.s32 v3, v12;
	[tilespmem:v34+s29+$0x0] =	vst.idx.msk $0xffff, v46;
	v21 =	vld [tilespmem:s18+$0xFFFFFFD0]  }
0x1fd: {  	v16 =	vadd.f32 v16, v4;
	v49 =	vadd.s32 v1, v26;
	[tilespmem:v44+s29+$0x0] =	vst.idx.msk $0xffff, v47;
	v50 =	vld [tilespmem:s18+$0x10]  }
0x1fe: {  	[tilespmem:v14+s29+$0x0] =	vst.idx.msk $0xffff, v17;
	v51 =	vadd.f32 v15, v4;
	v53 =	vadd.s32 v1, v27;
	v52 =	vld [tilespmem:s18+$0xFFFFFF90]  }
0x1ff: {  	v54 =	vld [tilespmem:s16+$0x60];
	v18 =	vadd.f32 v18, v4;
	[tilespmem:v19+s29+$0x0] =	vst.idx.msk $0xffff, v16;
	v55 =	vadd.s32 v1, v30  }
0x200: {  	v57 =	vadd.s32 v1, v13;
	v60 =	vld [tilespmem:s16+$0x20];
	[tilespmem:v20+s29+$0x0] =	vst.idx.msk $0xffff, v51;
	v58 =	vadd.f32 v48, v6  }
0x201: {  	v59 =	vadd.s32 v2, v7;
	v56 =	vld [tilespmem:s16+$0xFFFFFFE0];
	[tilespmem:v12+s29+$0x0] =	vst.idx.msk $0xffff, v18;
	v61 =	vadd.f32 v21, v6  }
0x202: {  	v62 =	vld [tilespmem:s16+$0xFFFFFFA0];
	v29 =	vadd.s32 v2, v11;
	[tilespmem:v49+s29+$0x0] =	vst.idx.msk $0xffff, v58;
	v28 =	vadd.f32 v50, v6  }
0x203: {  	v63 =	vadd.s32 v2, v10;
	v31 =	vadd.f32 v52, v6;
	v32 =	vld [tilespmem:s18+$0x60];
	[tilespmem:v53+s29+$0x0] =	vst.idx.msk $0xffff, v61  }
0x204: {  	v33 =	vadd.f32 v54, v5;
	v34 =	vadd.s32 v2, v8;
	[tilespmem:v55+s29+$0x0] =	vst.idx.msk $0xffff, v28;
	v35 =	vld [tilespmem:s18+$0xFFFFFFE0]  }
0x205: {  	v37 =	vadd.s32 v2, v26;
	v39 =	vadd.f32 v60, v5;
	[tilespmem:v57+s29+$0x0] =	vst.idx.msk $0xffff, v31;
	v38 =	vld [tilespmem:s18+$0x20]  }
0x206: {  	v41 =	vadd.s32 v2, v27;
	v36 =	vadd.f32 v56, v5;
	[tilespmem:v59+s29+$0x0] =	vst.idx.msk $0xffff, v33;
	v40 =	vld [tilespmem:s18+$0xFFFFFFA0]  }
0x207: {  	v43 =	vadd.s32 v2, v30;
	v18 =	vadd.f32 v62, v5;
	v42 =	vld [tilespmem:s16+$0x70];
	[tilespmem:v29+s29+$0x0] =	vst.idx.msk $0xffff, v39  }
0x208: {  	v45 =	vadd.s32 v2, v13;
	[tilespmem:v63+s29+$0x0] =	vst.idx.msk $0xffff, v36;
	v47 =	vld [tilespmem:s16+$0x30];
	v44 =	vadd.f32 v32, v5  }
0x209: {  	v46 =	vadd.s32 v3, v7;
	[tilespmem:v34+s29+$0x0] =	vst.idx.msk $0xffff, v18;
	v21 =	vld [tilespmem:s16+$0xFFFFFFF0];
	v9 =	vadd.f32 v35, v5  }
0x20a: {  	v18 =	vld [tilespmem:s16+$0xFFFFFFB0];
	v50 =	vadd.s32 v3, v11;
	[tilespmem:v37+s29+$0x0] =	vst.idx.msk $0xffff, v44;
	v49 =	vadd.f32 v38, v5  }
0x20b: {  	v48 =	vadd.s32 v3, v10;
	v5 =	vadd.f32 v40, v5;
	v12 =	vld [tilespmem:s18+$0x70];
	[tilespmem:v41+s29+$0x0] =	vst.idx.msk $0xffff, v9  }
0x20c: {  	v52 =	vadd.s32 v3, v8;
	v51 =	vadd.f32 v42, v4;
	[tilespmem:v43+s29+$0x0] =	vst.idx.msk $0xffff, v49;
	v53 =	vld [tilespmem:s18+$0xFFFFFFF0]  }
0x20d: {  	v55 =	vadd.s32 v3, v26;
	v56 =	vadd.f32 v47, v4;
	[tilespmem:v45+s29+$0x0] =	vst.idx.msk $0xffff, v5;
	v5 =	vld [tilespmem:s18+$0x30]  }
0x20e: {  	v58 =	vadd.s32 v3, v27;
	[tilespmem:v46+s29+$0x0] =	vst.idx.msk $0xffff, v51;
	v54 =	vadd.f32 v21, v4;
	v57 =	vld [tilespmem:s18+$0xFFFFFFB0]  }
0x20f: {  	v60 =	vadd.s32 v3, v30;
	v59 =	vadd.f32 v18, v4;
	[tilespmem:v50+s29+$0x0] =	vst.idx.msk $0xffff, v56  }
0x210: {  	v62 =	vadd.s32 v3, v13;
	[tilespmem:v48+s29+$0x0] =	vst.idx.msk $0xffff, v54;
	v61 =	vadd.f32 v12, v4  }
0x211: {  	[tilespmem:v52+s29+$0x0] =	vst.idx.msk $0xffff, v59;
	v63 =	vadd.f32 v53, v4  }
0x212: {  	s6 =	sshll.u32 s6, $0x12;
	[tilespmem:v55+s29+$0x0] =	vst.idx.msk $0xffff, v61;
	v5 =	vadd.f32 v5, v4  }
0x213: {  	s6 =	sor.u32 s8, s6;
	v4 =	vadd.f32 v57, v4;
	[tilespmem:v58+s29+$0x0] =	vst.idx.msk $0xffff, v63  }
0x214: {  	s6 =	sshrl.u32 s6, $0x3;
	[tilespmem:v60+s29+$0x0] =	vst.idx.msk $0xffff, v5  }
0x215: {  	s11 =	simm.s32 $0xE600;
	s9 =	sadd.s32 s2, s6;
	[tilespmem:v62+s29+$0x0] =	vst.idx.msk $0xffff, v4  }
0x216: {  	[hbm4b:s9+s3] =	stream.linear.scatter [tilespmem:s11], [sflag:$0x5], $0x80, $0x38;
	[tilespmem:$0x13A00] =	vst v63  }
0x217: {  	s10 =	sadd.s32 $0x10, s9;
	s16 =	simm.s32 $0xE688  }
0x218: {  	[hbm4b:s10+s3] =	stream.linear.scatter [tilespmem:s16], [sflag:$0x5], $0x80, $0x38;
	[tilespmem:$0x13A00] =	vst v63  }
0x219: {  	s17 =	simm.s32 $0xE710;
	s18 =	sadd.s32 $0x20, s9  }
0x21a: {  	[hbm4b:s18+s3] =	stream.linear.scatter [tilespmem:s17], [sflag:$0x5], $0x80, $0x38;
	[tilespmem:$0x13A00] =	vst v63  }
0x21b: {  	s11 =	simm.s32 $0xE798;
	s16 =	sadd.s32 $0x30, s9  }
0x21c: {  	[hbm4b:s16+s3] =	stream.linear.scatter [tilespmem:s11], [sflag:$0x5], $0x80, $0x38;
	[tilespmem:$0x13A00] =	vst v63  }
0x21d: {  	s17 =	simm.s32 $0xE820;
	s18 =	sadd.s32 $0x40, s9  }
0x21e: {  	[hbm4b:s18+s3] =	stream.linear.scatter [tilespmem:s17], [sflag:$0x5], $0x80, $0x38;
	[tilespmem:$0x13A00] =	vst v63  }
0x21f: {  	s6 =	simm.s32 $0x440;
	s11 =	simm.s32 $0xE8A8;
	s16 =	sadd.s32 $0x50, s9  }
0x220: {  	[hbm4b:s16+s3] =	stream.linear.scatter [tilespmem:s11], [sflag:$0x5], $0x80, $0x38;
	[tilespmem:$0x13A00] =	vst v63  }
0x221: {  	s17 =	simm.s32 $0xE930;
	s18 =	sadd.s32 $0x60, s9;
	s16 =	simm.s32 $0x2200  }
0x222: {  	[hbm4b:s18+s3] =	stream.linear.scatter [tilespmem:s17], [sflag:$0x5], $0x80, $0x38;
	[tilespmem:$0x13A00] =	vst v63  }
0x223: {  	s17 =	simm.s32 $0xE9B8;
	s18 =	sadd.s32 $0x70, s9;
	s9 =	sadd.s32 $0x1000, s9  }
.LBB2_17:
0x224: {  	[hbm4b:s18+s3] =	stream.linear.scatter [tilespmem:s17], [sflag:$0x5], $0x80, $0x38;
	[tilespmem:$0x13A00] =	vst v63  }
0x225: {  	s10 =	smov.u32 s6;
	s6 =	smov.u32 s16  }
0x226: {  	s11 =	sadd.s32 $0x1100, s16;
	s6 =	sshra.s32 s6, $0x2;
	s17 =	sadd.s32 $0xE600, s10  }
0x227: {  	[hbm4b:s9+s3] =	stream.linear.scatter [tilespmem:s17], [sflag:$0x5], $0x80, $0x38;
	[tilespmem:$0x13A00] =	vst v63  }
0x228: {  	p0 =	sne.s32 s16, $0x7700;
	s16 =	sadd.s32 $0xE688, s10;
	s17 =	sadd.s32 $0x10, s9  }
0x229: {  	[hbm4b:s17+s3] =	stream.linear.scatter [tilespmem:s16], [sflag:$0x5], $0x80, $0x38;
	[tilespmem:$0x13A00] =	vst v63  }
0x22a: {  	s16 =	sadd.s32 $0xE710, s10;
	s17 =	sadd.s32 $0x20, s9  }
0x22b: {  	[hbm4b:s17+s3] =	stream.linear.scatter [tilespmem:s16], [sflag:$0x5], $0x80, $0x38;
	[tilespmem:$0x13A00] =	vst v63  }
0x22c: {  	s16 =	sadd.s32 $0xE798, s10;
	s17 =	sadd.s32 $0x30, s9  }
0x22d: {  	[hbm4b:s17+s3] =	stream.linear.scatter [tilespmem:s16], [sflag:$0x5], $0x80, $0x38;
	[tilespmem:$0x13A00] =	vst v63  }
0x22e: {  	s16 =	sadd.s32 $0xE820, s10;
	s17 =	sadd.s32 $0x40, s9  }
0x22f: {  	[hbm4b:s17+s3] =	stream.linear.scatter [tilespmem:s16], [sflag:$0x5], $0x80, $0x38;
	[tilespmem:$0x13A00] =	vst v63  }
.Ltmp7:
0x230: {  	s16 =	sadd.s32 $0xE8A8, s10;
	s17 =	sadd.s32 $0x50, s9;
	(pc) =	sbr.rel @p0 .LBB2_17-.Ltmp7, $4  }
0x231: {  	[hbm4b:s17+s3] =	stream.linear.scatter [tilespmem:s16], [sflag:$0x5], $0x80, $0x38;
	[tilespmem:$0x13A00] =	vst v63  }
0x232: {  	s18 =	sadd.s32 $0x70, s9;
	s16 =	sadd.s32 $0xE930, s10;
	s17 =	sadd.s32 $0x60, s9  }
0x233: {  	[hbm4b:s17+s3] =	stream.linear.scatter [tilespmem:s16], [sflag:$0x5], $0x80, $0x38;
	[tilespmem:$0x13A00] =	vst v63  }
0x234: {  	s9 =	sadd.s32 $0x1000, s9;
	s17 =	sadd.s32 $0xE9B8, s10;
	s16 =	smov.u32 s11  }
0x235: {  	[hbm4b:s18+s3] =	stream.linear.scatter [tilespmem:s17], [sflag:$0x5], $0x80, $0x38;
	[tilespmem:$0x13A00] =	vst v63  }
0x236: {  	s10 =	sadd.s32 $0xE600, s6  }
0x237: {  	[hbm4b:s9+s3] =	stream.linear.scatter [tilespmem:s10], [sflag:$0x5], $0x80, $0x38;
	[tilespmem:$0x13A00] =	vst v63  }
0x238: {  	s18 =	sadd.s32 $0xE688, s6;
	s11 =	sadd.s32 $0x10, s9  }
0x239: {  	[hbm4b:s11+s3] =	stream.linear.scatter [tilespmem:s18], [sflag:$0x5], $0x80, $0x38;
	[tilespmem:$0x13A00] =	vst v63  }
0x23a: {  	s16 =	sadd.s32 $0x20, s9;
	s11 =	sadd.s32 $0xE710, s6  }
0x23b: {  	[hbm4b:s16+s3] =	stream.linear.scatter [tilespmem:s11], [sflag:$0x5], $0x80, $0x38;
	[tilespmem:$0x13A00] =	vst v63  }
0x23c: {  	s17 =	sadd.s32 $0xE798, s6;
	s18 =	sadd.s32 $0x30, s9  }
0x23d: {  	[hbm4b:s18+s3] =	stream.linear.scatter [tilespmem:s17], [sflag:$0x5], $0x80, $0x38;
	[tilespmem:$0x13A00] =	vst v63  }
0x23e: {  	s11 =	sadd.s32 $0xE820, s6;
	s16 =	sadd.s32 $0x40, s9  }
0x23f: {  	[hbm4b:s16+s3] =	stream.linear.scatter [tilespmem:s11], [sflag:$0x5], $0x80, $0x38;
	[tilespmem:$0x13A00] =	vst v63  }
0x240: {  	s17 =	sadd.s32 $0xE8A8, s6;
	s18 =	sadd.s32 $0x50, s9;
	s11 =	sadd.s32 $0xE930, s6  }
0x241: {  	[hbm4b:s18+s3] =	stream.linear.scatter [tilespmem:s17], [sflag:$0x5], $0x80, $0x38;
	[tilespmem:$0x13A00] =	vst v63  }
0x242: {  	s16 =	sadd.s32 $0x60, s9;
	s17 =	sadd.s32 $0xE9B8, s6;
	s6 =	sadd.s32 $0x5, s30  }
0x243: {  	[hbm4b:s16+s3] =	stream.linear.scatter [tilespmem:s11], [sflag:$0x5], $0x80, $0x38;
	[tilespmem:$0x13A00] =	vst v63  }
0x244: {  	s18 =	sadd.s32 $0x70, s9;
	s10 =	sshll.u32 s6, $0x7  }
0x245: {  	[hbm4b:s18+s3] =	stream.linear.scatter [tilespmem:s17], [sflag:$0x5], $0x80, $0x38;
	[tilespmem:$0x13A00] =	vst v63  }
0x246: {  	s9 =	sand.u32 $0x3FFFFF80, s10  }
0x247: {  	[tilespmem:s26], [sflag:$0x3] =	stream.indirect.gather [hbm4b:s4+s19], $0x40, s9, s19, $0xb8;
	[tilespmem:$0x13A00] =	vst v63  }
0x248: {  	_ =	swait.ge [sflag:s28], $0x2000  }
0x249: {  	[sflag:s28] =	ssyncset.done $0x0  }
0x24a: {  	[sflag:s28] =	ssyncadd.s32 $0xFFFFE000  }
0x24b: {  	_ =	swait.ge [sflag:s0], $0x2000  }
0x24c: {  	s11 =	sshll.u32 s5, $0x6;
	[sflag:s0] =	ssyncset.done $0x0  }
0x24d: {  	s10 =	sand.u32 $0x3FFFFFC0, s11;
	[sflag:s0] =	ssyncadd.s32 $0xFFFFE000  }
0x24e: {  	s16 =	simm.s32 $0x3;
	s9 =	simm.s32 $0x8480;
	v9 =	vld [tilespmem:s10+$0x10800]  }
0x24f: {  	v4 =	vmov s16;
	v7 =	vld [tilespmem:s9+$0x40]  }
0x250: {  	v13 =	vand.u32 $0x7F, v4  }
0x251: {  	s17 =	simm.s32 $0x0;
	v8 =	vadd.s32 v0, v13;
	v6 =	vld [tilespmem:s10+$0x10810]  }
0x252: {  	s16 =	simm.s32 $0x2;
	s18 =	simm.s32 $0x1;
	v4 =	vmov s17;
	v10 =	vld [tilespmem:s9+$0xFFFFFF80]  }
0x253: {  	v14 =	vmov s16;
	v12 =	vand.u32 $0x7C, v4;
	v4 =	vmov s18;
	v11 =	vld [tilespmem:s9+$0xFFFFFFC0]  }
0x254: {  	v15 =	vadd.s32 v0, v12;
	v19 =	vand.u32 $0x7D, v4;
	v16 =	vld [tilespmem:s9+$0x0];
	v7 =	vadd.f32 v7, v9  }
0x255: {  	v20 =	vand.u32 $0x7E, v14;
	v17 =	vadd.s32 v0, v19;
	v5 =	vld [tilespmem:s10+$0x10820]  }
0x256: {  	v14 =	vadd.s32 v0, v20;
	v4 =	vld [tilespmem:s10+$0x10830];
	[tilespmem:v8+s24+$0x0] =	vst.idx.msk $0xffff, v7  }
0x257: {  	v7 =	vadd.f32 v10, v9;
	v8 =	vld [tilespmem:s9+$0x50]  }
0x258: {  	v10 =	vadd.f32 v11, v9  }
0x259: {  	v11 =	vadd.s32 v1, v13;
	[tilespmem:v15+s24+$0x0] =	vst.idx.msk $0xffff, v7;
	v7 =	vadd.f32 v16, v9  }
0x25a: {  	[tilespmem:v17+s24+$0x0] =	vst.idx.msk $0xffff, v10;
	v15 =	vld [tilespmem:s9+$0xFFFFFF90]  }
0x25b: {  	v10 =	vld [tilespmem:s9+$0xFFFFFFD0];
	[tilespmem:v14+s24+$0x0] =	vst.idx.msk $0xffff, v7  }
0x25c: {  	v14 =	vld [tilespmem:s9+$0x10];
	v7 =	vadd.f32 v8, v6  }
0x25d: {  	s16 =	simm.s32 $0x8580;
	s18 =	simm.s32 $0x7;
	v16 =	vadd.s32 v1, v19  }
0x25e: {  	s17 =	simm.s32 $0x4;
	v26 =	vadd.s32 v2, v13;
	v18 =	vld [tilespmem:s16+$0x40];
	v17 =	vadd.s32 v1, v20;
	[tilespmem:v11+s24+$0x0] =	vst.idx.msk $0xffff, v7;
	v7 =	vmov s18  }
0x25f: {  	v21 =	vadd.s32 v1, v12;
	v8 =	vmov s17;
	v7 =	vand.u32 $0x7F, v7;
	v22 =	vld [tilespmem:s9+$0x60]  }
0x260: {  	v23 =	vld [tilespmem:s16+$0xFFFFFF80];
	s17 =	simm.s32 $0x5;
	v8 =	vand.u32 $0x7C, v8;
	v10 =	vadd.f32 v10, v6;
	v24 =	vadd.s32 v0, v7  }
0x261: {  	v25 =	vld [tilespmem:s16+$0xFFFFFFC0];
	v15 =	vadd.f32 v15, v6;
	s18 =	simm.s32 $0x6;
	v11 =	vadd.f32 v14, v6;
	v14 =	vmov s17  }
0x262: {  	v27 =	vadd.s32 v0, v8;
	[tilespmem:v16+s24+$0x0] =	vst.idx.msk $0xffff, v10;
	v16 =	vmov s18;
	v10 =	vand.u32 $0x7D, v14;
	v14 =	vld [tilespmem:s16+$0x0]  }
0x263: {  	[tilespmem:v17+s24+$0x0] =	vst.idx.msk $0xffff, v11;
	v17 =	vadd.s32 v0, v10;
	v11 =	vand.u32 $0x7E, v16;
	v16 =	vadd.f32 v18, v9;
	v18 =	vld [tilespmem:s9+$0xFFFFFFE0]  }
0x264: {  	[tilespmem:v21+s24+$0x0] =	vst.idx.msk $0xffff, v15;
	v15 =	vadd.s32 v0, v11;
	v21 =	vld [tilespmem:s9+$0x20];
	v22 =	vadd.f32 v22, v5  }
0x265: {  	v23 =	vadd.f32 v23, v9;
	[tilespmem:v24+s24+$0x0] =	vst.idx.msk $0xffff, v16;
	v16 =	vld [tilespmem:s9+$0xFFFFFFA0];
	v24 =	vadd.s32 v2, v19  }
0x266: {  	v29 =	vadd.s32 v2, v20;
	v25 =	vadd.f32 v25, v9;
	v28 =	vld [tilespmem:s16+$0x50];
	[tilespmem:v26+s24+$0x0] =	vst.idx.msk $0xffff, v22  }
0x267: {  	[tilespmem:v27+s24+$0x0] =	vst.idx.msk $0xffff, v23;
	v23 =	vadd.s32 v2, v12;
	v14 =	vadd.f32 v14, v9;
	v26 =	vld [tilespmem:s9+$0x70]  }
0x268: {  	v27 =	vld [tilespmem:s16+$0xFFFFFF90];
	[tilespmem:v17+s24+$0x0] =	vst.idx.msk $0xffff, v25;
	v25 =	vadd.s32 v1, v7;
	v18 =	vadd.f32 v18, v5  }
0x269: {  	v31 =	vadd.s32 v3, v13;
	v30 =	vld [tilespmem:s16+$0xFFFFFFD0];
	[tilespmem:v15+s24+$0x0] =	vst.idx.msk $0xffff, v14;
	v14 =	vadd.f32 v21, v5  }
0x26a: {  	v22 =	vadd.s32 v1, v8;
	v17 =	vld [tilespmem:s16+$0x10];
	v13 =	vadd.f32 v16, v5;
	[tilespmem:v24+s24+$0x0] =	vst.idx.msk $0xffff, v18  }
0x26b: {  	s17 =	simm.s32 $0x8;
	v21 =	vadd.s32 v1, v10;
	[tilespmem:v29+s24+$0x0] =	vst.idx.msk $0xffff, v14;
	v18 =	vadd.f32 v28, v6;
	v16 =	vld [tilespmem:s9+$0xFFFFFFF0]  }
0x26c: {  	v24 =	vmov s17;
	v14 =	vadd.s32 v1, v11;
	v15 =	vld [tilespmem:s9+$0x30];
	[tilespmem:v23+s24+$0x0] =	vst.idx.msk $0xffff, v13;
	v63 =	vadd.f32 v26, v4  }
0x26d: {  	s11 =	simm.s32 $0xB;
	s18 =	simm.s32 $0x8680;
	v19 =	vadd.s32 v3, v19;
	v13 =	vand.u32 $0x7C, v24;
	v24 =	vadd.f32 v27, v6;
	[tilespmem:v25+s24+$0x0] =	vst.idx.msk $0xffff, v18;
	v18 =	vld [tilespmem:s9+$0xFFFFFFB0]  }
0x26e: {  	v20 =	vadd.s32 v3, v20;
	v26 =	vmov s11;
	v23 =	vld [tilespmem:s18+$0x40];
	s9 =	simm.s32 $0xC;
	v25 =	vadd.f32 v30, v6;
	[tilespmem:v31+s24+$0x0] =	vst.idx.msk $0xffff, v63  }
.LBB2_19:
0x26f: {  	p0 =	slt.u32 s9, $0x7C;
	s10 =	sadd.s32 $0x1, s17;
	v26 =	vand.u32 $0x7F, v26;
	[tilespmem:v22+s24+$0x0] =	vst.idx.msk $0xffff, v24;
	v17 =	vadd.f32 v17, v6;
	v22 =	vld [tilespmem:s16+$0x60];
	v24 =	vadd.s32 v3, v12  }
0x270: {  	v30 =	vmovc v11;
	v27 =	vld [tilespmem:s18+$0xFFFFFF80];
	v28 =	vmov s10;
	s10 =	sadd.s32 $0x2, s17;
	v29 =	vadd.s32 v0, v26;
	[tilespmem:v21+s24+$0x0] =	vst.idx.msk $0xffff, v25;
	v16 =	vadd.f32 v16, v4;
	s17 =	smov.u32 s9  }
0x271: {  	v12 =	vmovc v8;
	v21 =	vld [tilespmem:s18+$0xFFFFFFC0];
	v11 =	vmov s10;
	[tilespmem:v14+s24+$0x0] =	vst.idx.msk $0xffff, v17;
	v14 =	vadd.s32 v2, v7;
	v15 =	vadd.f32 v15, v4  }
0x272: {  	v17 =	vadd.s32 v0, v13;
	v28 =	vand.u32 $0x7D, v28;
	v25 =	vld [tilespmem:s18+$0x0];
	v31 =	vadd.f32 v18, v4;
	[tilespmem:v19+s24+$0x0] =	vst.idx.msk $0xffff, v16  }
0x273: {  	v16 =	vadd.s32 v0, v28;
	v11 =	vand.u32 $0x7E, v11;
	v18 =	vadd.f32 v23, v9;
	v19 =	vld [tilespmem:s16+$0xFFFFFFE0];
	[tilespmem:v20+s24+$0x0] =	vst.idx.msk $0xffff, v15  }
0x274: {  	v8 =	vmov v13;
	v15 =	vadd.s32 v0, v11;
	v20 =	vld [tilespmem:s16+$0x20];
	v22 =	vadd.f32 v22, v5;
	[tilespmem:v24+s24+$0x0] =	vst.idx.msk $0xffff, v31  }
0x275: {  	v23 =	vadd.s32 v2, v10;
	v13 =	vadd.f32 v27, v9;
	[tilespmem:v29+s24+$0x0] =	vst.idx.msk $0xffff, v18;
	v18 =	vld [tilespmem:s16+$0xFFFFFFA0]  }
0x276: {  	v27 =	vadd.s32 v2, v30;
	v21 =	vadd.f32 v21, v9;
	v24 =	vld [tilespmem:s18+$0x50];
	[tilespmem:v14+s24+$0x0] =	vst.idx.msk $0xffff, v22  }
0x277: {  	[tilespmem:v17+s24+$0x0] =	vst.idx.msk $0xffff, v13;
	v13 =	vadd.f32 v25, v9;
	v25 =	vadd.s32 v2, v12;
	v29 =	vld [tilespmem:s16+$0x70]  }
0x278: {  	v32 =	vadd.s32 v1, v26;
	v31 =	vld [tilespmem:s18+$0xFFFFFF90];
	[tilespmem:v16+s24+$0x0] =	vst.idx.msk $0xffff, v21;
	v14 =	vadd.f32 v19, v5  }
0x279: {  	v34 =	vadd.s32 v3, v7;
	v7 =	vmov v26;
	v33 =	vld [tilespmem:s18+$0xFFFFFFD0];
	[tilespmem:v15+s24+$0x0] =	vst.idx.msk $0xffff, v13;
	v13 =	vadd.f32 v20, v5  }
.Ltmp8:
0x27a: {  	v22 =	vadd.s32 v1, v8;
	v17 =	vld [tilespmem:s18+$0x10];
	v15 =	vadd.f32 v18, v5;
	[tilespmem:v23+s24+$0x0] =	vst.idx.msk $0xffff, v14;
	(pc) =	sbr.rel @p0 .LBB2_19-.Ltmp8, $4  }
0x27b: {  	v21 =	vadd.s32 v1, v28;
	v18 =	vadd.f32 v24, v6;
	v16 =	vld [tilespmem:s16+$0xFFFFFFF0];
	[tilespmem:v27+s24+$0x0] =	vst.idx.msk $0xffff, v13  }
0x27c: {  	v14 =	vadd.s32 v1, v11;
	v13 =	vmov s9;
	[tilespmem:v25+s24+$0x0] =	vst.idx.msk $0xffff, v15;
	v15 =	vld [tilespmem:s16+$0x30];
	v27 =	vadd.f32 v29, v4  }
0x27d: {  	s10 =	sadd.s32 $0x3, s9;
	v19 =	vadd.s32 v3, v10;
	v13 =	vand.u32 $0x7C, v13;
	v24 =	vadd.f32 v31, v6;
	[tilespmem:v32+s24+$0x0] =	vst.idx.msk $0xffff, v18;
	v18 =	vld [tilespmem:s16+$0xFFFFFFB0];
	s16 =	smov.u32 s18;
	s18 =	sadd.s32 $0x100, s18  }
0x27e: {  	v26 =	vmov s10;
	v10 =	vmovc v28;
	v20 =	vadd.s32 v3, v30;
	s9 =	sadd.s32 $0x4, s9;
	v23 =	vld [tilespmem:s18+$0x40];
	v25 =	vadd.f32 v33, v6;
	[tilespmem:v34+s24+$0x0] =	vst.idx.msk $0xffff, v27  }
0x27f: {  	s9 =	sadd.s32 $0x1, s17  }
0x280: {  	v26 =	vand.u32 $0x7F, v26;
	s10 =	sadd.s32 $0x2, s17;
	v28 =	vld [tilespmem:s18+$0xFFFFFFC0];
	v27 =	vmov s9  }
0x281: {  	v31 =	vld [tilespmem:s18+$0x0];
	v29 =	vadd.s32 v0, v26;
	v30 =	vmov s10;
	v27 =	vand.u32 $0x7D, v27  }
0x282: {  	v32 =	vld [tilespmem:s18+$0xFFFFFF80];
	v30 =	vand.u32 $0x7E, v30;
	v33 =	vadd.s32 v0, v27  }
0x283: {  	v34 =	vadd.s32 v0, v30  }
0x284: {  	[tilespmem:v22+s24+$0x0] =	vst.idx.msk $0xffff, v24;
	v44 =	vadd.s32 v0, v13;
	v23 =	vadd.f32 v23, v9  }
0x285: {  	[tilespmem:v21+s24+$0x0] =	vst.idx.msk $0xffff, v25;
	v45 =	vadd.f32 v28, v9  }
0x286: {  	v46 =	vadd.f32 v31, v9;
	[tilespmem:v29+s24+$0x0] =	vst.idx.msk $0xffff, v23  }
0x287: {  	v47 =	vadd.f32 v32, v9;
	v48 =	vld [tilespmem:s18+$0x50];
	[tilespmem:v33+s24+$0x0] =	vst.idx.msk $0xffff, v45  }
0x288: {  	v17 =	vadd.f32 v17, v6;
	v12 =	vadd.s32 v3, v12;
	[tilespmem:v34+s24+$0x0] =	vst.idx.msk $0xffff, v46;
	v21 =	vld [tilespmem:s18+$0xFFFFFFD0]  }
0x289: {  	v16 =	vadd.f32 v16, v4;
	v49 =	vadd.s32 v1, v26;
	[tilespmem:v44+s24+$0x0] =	vst.idx.msk $0xffff, v47;
	v50 =	vld [tilespmem:s18+$0x10]  }
0x28a: {  	[tilespmem:v14+s24+$0x0] =	vst.idx.msk $0xffff, v17;
	v51 =	vadd.f32 v15, v4;
	v53 =	vadd.s32 v1, v27;
	v52 =	vld [tilespmem:s18+$0xFFFFFF90]  }
0x28b: {  	v54 =	vld [tilespmem:s16+$0x60];
	v18 =	vadd.f32 v18, v4;
	[tilespmem:v19+s24+$0x0] =	vst.idx.msk $0xffff, v16;
	v55 =	vadd.s32 v1, v30  }
0x28c: {  	v57 =	vadd.s32 v1, v13;
	v60 =	vld [tilespmem:s16+$0x20];
	[tilespmem:v20+s24+$0x0] =	vst.idx.msk $0xffff, v51;
	v58 =	vadd.f32 v48, v6  }
0x28d: {  	v59 =	vadd.s32 v2, v7;
	v56 =	vld [tilespmem:s16+$0xFFFFFFE0];
	[tilespmem:v12+s24+$0x0] =	vst.idx.msk $0xffff, v18;
	v61 =	vadd.f32 v21, v6  }
0x28e: {  	v62 =	vld [tilespmem:s16+$0xFFFFFFA0];
	v29 =	vadd.s32 v2, v11;
	[tilespmem:v49+s24+$0x0] =	vst.idx.msk $0xffff, v58;
	v28 =	vadd.f32 v50, v6  }
0x28f: {  	v63 =	vadd.s32 v2, v10;
	v31 =	vadd.f32 v52, v6;
	v32 =	vld [tilespmem:s18+$0x60];
	[tilespmem:v53+s24+$0x0] =	vst.idx.msk $0xffff, v61  }
0x290: {  	v33 =	vadd.f32 v54, v5;
	v34 =	vadd.s32 v2, v8;
	[tilespmem:v55+s24+$0x0] =	vst.idx.msk $0xffff, v28;
	v35 =	vld [tilespmem:s18+$0xFFFFFFE0]  }
0x291: {  	v37 =	vadd.s32 v2, v26;
	v39 =	vadd.f32 v60, v5;
	[tilespmem:v57+s24+$0x0] =	vst.idx.msk $0xffff, v31;
	v38 =	vld [tilespmem:s18+$0x20]  }
0x292: {  	v41 =	vadd.s32 v2, v27;
	v36 =	vadd.f32 v56, v5;
	[tilespmem:v59+s24+$0x0] =	vst.idx.msk $0xffff, v33;
	v40 =	vld [tilespmem:s18+$0xFFFFFFA0]  }
0x293: {  	v43 =	vadd.s32 v2, v30;
	v18 =	vadd.f32 v62, v5;
	v42 =	vld [tilespmem:s16+$0x70];
	[tilespmem:v29+s24+$0x0] =	vst.idx.msk $0xffff, v39  }
0x294: {  	v45 =	vadd.s32 v2, v13;
	[tilespmem:v63+s24+$0x0] =	vst.idx.msk $0xffff, v36;
	v47 =	vld [tilespmem:s16+$0x30];
	v44 =	vadd.f32 v32, v5  }
0x295: {  	v46 =	vadd.s32 v3, v7;
	[tilespmem:v34+s24+$0x0] =	vst.idx.msk $0xffff, v18;
	v21 =	vld [tilespmem:s16+$0xFFFFFFF0];
	v9 =	vadd.f32 v35, v5  }
0x296: {  	v18 =	vld [tilespmem:s16+$0xFFFFFFB0];
	v50 =	vadd.s32 v3, v11;
	[tilespmem:v37+s24+$0x0] =	vst.idx.msk $0xffff, v44;
	v49 =	vadd.f32 v38, v5  }
0x297: {  	v48 =	vadd.s32 v3, v10;
	v5 =	vadd.f32 v40, v5;
	v12 =	vld [tilespmem:s18+$0x70];
	[tilespmem:v41+s24+$0x0] =	vst.idx.msk $0xffff, v9  }
0x298: {  	v52 =	vadd.s32 v3, v8;
	v51 =	vadd.f32 v42, v4;
	[tilespmem:v43+s24+$0x0] =	vst.idx.msk $0xffff, v49;
	v53 =	vld [tilespmem:s18+$0xFFFFFFF0]  }
0x299: {  	v55 =	vadd.s32 v3, v26;
	v56 =	vadd.f32 v47, v4;
	[tilespmem:v45+s24+$0x0] =	vst.idx.msk $0xffff, v5;
	v5 =	vld [tilespmem:s18+$0x30]  }
0x29a: {  	v58 =	vadd.s32 v3, v27;
	[tilespmem:v46+s24+$0x0] =	vst.idx.msk $0xffff, v51;
	v54 =	vadd.f32 v21, v4;
	v57 =	vld [tilespmem:s18+$0xFFFFFFB0]  }
0x29b: {  	v60 =	vadd.s32 v3, v30;
	v59 =	vadd.f32 v18, v4;
	[tilespmem:v50+s24+$0x0] =	vst.idx.msk $0xffff, v56  }
0x29c: {  	v62 =	vadd.s32 v3, v13;
	[tilespmem:v48+s24+$0x0] =	vst.idx.msk $0xffff, v54;
	v61 =	vadd.f32 v12, v4  }
0x29d: {  	[tilespmem:v52+s24+$0x0] =	vst.idx.msk $0xffff, v59;
	v63 =	vadd.f32 v53, v4  }
0x29e: {  	s5 =	sshll.u32 s5, $0x12;
	[tilespmem:v55+s24+$0x0] =	vst.idx.msk $0xffff, v61;
	v5 =	vadd.f32 v5, v4  }
0x29f: {  	s5 =	sor.u32 s8, s5;
	v4 =	vadd.f32 v57, v4;
	[tilespmem:v58+s24+$0x0] =	vst.idx.msk $0xffff, v63  }
0x2a0: {  	s5 =	sshrl.u32 s5, $0x3;
	[tilespmem:v60+s24+$0x0] =	vst.idx.msk $0xffff, v5  }
0x2a1: {  	s11 =	simm.s32 $0xC400;
	s9 =	sadd.s32 s2, s5;
	[tilespmem:v62+s24+$0x0] =	vst.idx.msk $0xffff, v4  }
0x2a2: {  	[hbm4b:s9+s3] =	stream.linear.scatter [tilespmem:s11], [sflag:$0x4], $0x80, $0x38;
	[tilespmem:$0x13A00] =	vst v63  }
0x2a3: {  	s10 =	sadd.s32 $0x10, s9;
	s16 =	simm.s32 $0xC488  }
0x2a4: {  	[hbm4b:s10+s3] =	stream.linear.scatter [tilespmem:s16], [sflag:$0x4], $0x80, $0x38;
	[tilespmem:$0x13A00] =	vst v63  }
0x2a5: {  	s17 =	simm.s32 $0xC510;
	s18 =	sadd.s32 $0x20, s9  }
0x2a6: {  	[hbm4b:s18+s3] =	stream.linear.scatter [tilespmem:s17], [sflag:$0x4], $0x80, $0x38;
	[tilespmem:$0x13A00] =	vst v63  }
0x2a7: {  	s11 =	simm.s32 $0xC598;
	s16 =	sadd.s32 $0x30, s9  }
0x2a8: {  	[hbm4b:s16+s3] =	stream.linear.scatter [tilespmem:s11], [sflag:$0x4], $0x80, $0x38;
	[tilespmem:$0x13A00] =	vst v63  }
0x2a9: {  	s17 =	simm.s32 $0xC620;
	s18 =	sadd.s32 $0x40, s9  }
0x2aa: {  	[hbm4b:s18+s3] =	stream.linear.scatter [tilespmem:s17], [sflag:$0x4], $0x80, $0x38;
	[tilespmem:$0x13A00] =	vst v63  }
0x2ab: {  	s5 =	simm.s32 $0x440;
	s11 =	simm.s32 $0xC6A8;
	s16 =	sadd.s32 $0x50, s9  }
0x2ac: {  	[hbm4b:s16+s3] =	stream.linear.scatter [tilespmem:s11], [sflag:$0x4], $0x80, $0x38;
	[tilespmem:$0x13A00] =	vst v63  }
0x2ad: {  	s17 =	simm.s32 $0xC730;
	s18 =	sadd.s32 $0x60, s9;
	s16 =	simm.s32 $0x2200  }
0x2ae: {  	[hbm4b:s18+s3] =	stream.linear.scatter [tilespmem:s17], [sflag:$0x4], $0x80, $0x38;
	[tilespmem:$0x13A00] =	vst v63  }
0x2af: {  	s17 =	simm.s32 $0xC7B8;
	s18 =	sadd.s32 $0x70, s9;
	s9 =	sadd.s32 $0x1000, s9  }
.LBB2_21:
0x2b0: {  	[hbm4b:s18+s3] =	stream.linear.scatter [tilespmem:s17], [sflag:$0x4], $0x80, $0x38;
	[tilespmem:$0x13A00] =	vst v63  }
0x2b1: {  	s10 =	smov.u32 s5;
	s5 =	smov.u32 s16  }
0x2b2: {  	s11 =	sadd.s32 $0x1100, s16;
	s5 =	sshra.s32 s5, $0x2;
	s17 =	sadd.s32 $0xC400, s10  }
0x2b3: {  	[hbm4b:s9+s3] =	stream.linear.scatter [tilespmem:s17], [sflag:$0x4], $0x80, $0x38;
	[tilespmem:$0x13A00] =	vst v63  }
0x2b4: {  	p0 =	sne.s32 s16, $0x7700;
	s16 =	sadd.s32 $0xC488, s10;
	s17 =	sadd.s32 $0x10, s9  }
0x2b5: {  	[hbm4b:s17+s3] =	stream.linear.scatter [tilespmem:s16], [sflag:$0x4], $0x80, $0x38;
	[tilespmem:$0x13A00] =	vst v63  }
0x2b6: {  	s16 =	sadd.s32 $0xC510, s10;
	s17 =	sadd.s32 $0x20, s9  }
0x2b7: {  	[hbm4b:s17+s3] =	stream.linear.scatter [tilespmem:s16], [sflag:$0x4], $0x80, $0x38;
	[tilespmem:$0x13A00] =	vst v63  }
0x2b8: {  	s16 =	sadd.s32 $0xC598, s10;
	s17 =	sadd.s32 $0x30, s9  }
0x2b9: {  	[hbm4b:s17+s3] =	stream.linear.scatter [tilespmem:s16], [sflag:$0x4], $0x80, $0x38;
	[tilespmem:$0x13A00] =	vst v63  }
0x2ba: {  	s16 =	sadd.s32 $0xC620, s10;
	s17 =	sadd.s32 $0x40, s9  }
0x2bb: {  	[hbm4b:s17+s3] =	stream.linear.scatter [tilespmem:s16], [sflag:$0x4], $0x80, $0x38;
	[tilespmem:$0x13A00] =	vst v63  }
.Ltmp9:
0x2bc: {  	s16 =	sadd.s32 $0xC6A8, s10;
	s17 =	sadd.s32 $0x50, s9;
	(pc) =	sbr.rel @p0 .LBB2_21-.Ltmp9, $4  }
0x2bd: {  	[hbm4b:s17+s3] =	stream.linear.scatter [tilespmem:s16], [sflag:$0x4], $0x80, $0x38;
	[tilespmem:$0x13A00] =	vst v63  }
0x2be: {  	s18 =	sadd.s32 $0x70, s9;
	s16 =	sadd.s32 $0xC730, s10;
	s17 =	sadd.s32 $0x60, s9  }
0x2bf: {  	[hbm4b:s17+s3] =	stream.linear.scatter [tilespmem:s16], [sflag:$0x4], $0x80, $0x38;
	[tilespmem:$0x13A00] =	vst v63  }
0x2c0: {  	s9 =	sadd.s32 $0x1000, s9;
	s17 =	sadd.s32 $0xC7B8, s10;
	s16 =	smov.u32 s11  }
0x2c1: {  	[hbm4b:s18+s3] =	stream.linear.scatter [tilespmem:s17], [sflag:$0x4], $0x80, $0x38;
	[tilespmem:$0x13A00] =	vst v63  }
0x2c2: {  	s10 =	sadd.s32 $0xC400, s5  }
0x2c3: {  	[hbm4b:s9+s3] =	stream.linear.scatter [tilespmem:s10], [sflag:$0x4], $0x80, $0x38;
	[tilespmem:$0x13A00] =	vst v63  }
0x2c4: {  	s18 =	sadd.s32 $0xC488, s5;
	s11 =	sadd.s32 $0x10, s9  }
0x2c5: {  	[hbm4b:s11+s3] =	stream.linear.scatter [tilespmem:s18], [sflag:$0x4], $0x80, $0x38;
	[tilespmem:$0x13A00] =	vst v63  }
0x2c6: {  	s16 =	sadd.s32 $0x20, s9;
	s11 =	sadd.s32 $0xC510, s5  }
0x2c7: {  	[hbm4b:s16+s3] =	stream.linear.scatter [tilespmem:s11], [sflag:$0x4], $0x80, $0x38;
	[tilespmem:$0x13A00] =	vst v63  }
0x2c8: {  	s17 =	sadd.s32 $0xC598, s5;
	s18 =	sadd.s32 $0x30, s9  }
0x2c9: {  	[hbm4b:s18+s3] =	stream.linear.scatter [tilespmem:s17], [sflag:$0x4], $0x80, $0x38;
	[tilespmem:$0x13A00] =	vst v63  }
0x2ca: {  	s11 =	sadd.s32 $0xC620, s5;
	s16 =	sadd.s32 $0x40, s9  }
0x2cb: {  	[hbm4b:s16+s3] =	stream.linear.scatter [tilespmem:s11], [sflag:$0x4], $0x80, $0x38;
	[tilespmem:$0x13A00] =	vst v63  }
0x2cc: {  	s17 =	sadd.s32 $0xC6A8, s5;
	s18 =	sadd.s32 $0x50, s9;
	s11 =	sadd.s32 $0xC730, s5  }
0x2cd: {  	[hbm4b:s18+s3] =	stream.linear.scatter [tilespmem:s17], [sflag:$0x4], $0x80, $0x38;
	[tilespmem:$0x13A00] =	vst v63  }
0x2ce: {  	s16 =	sadd.s32 $0x60, s9;
	s17 =	sadd.s32 $0xC7B8, s5;
	s5 =	sadd.s32 $0x6, s30  }
0x2cf: {  	[hbm4b:s16+s3] =	stream.linear.scatter [tilespmem:s11], [sflag:$0x4], $0x80, $0x38;
	[tilespmem:$0x13A00] =	vst v63  }
0x2d0: {  	s18 =	sadd.s32 $0x70, s9;
	s10 =	sshll.u32 s5, $0x7  }
0x2d1: {  	[hbm4b:s18+s3] =	stream.linear.scatter [tilespmem:s17], [sflag:$0x4], $0x80, $0x38;
	[tilespmem:$0x13A00] =	vst v63  }
0x2d2: {  	s9 =	sand.u32 $0x3FFFFF80, s10  }
0x2d3: {  	[tilespmem:s21], [sflag:$0x1] =	stream.indirect.gather [hbm4b:s4+s19], $0x40, s9, s19, $0xb8;
	[tilespmem:$0x13A00] =	vst v63  }
0x2d4: {  	_ =	swait.ge [sflag:s31], $0x2000  }
0x2d5: {  	[sflag:s31] =	ssyncset.done $0x0  }
0x2d6: {  	[sflag:s31] =	ssyncadd.s32 $0xFFFFE000  }
0x2d7: {  	_ =	swait.ge [sflag:s1], $0x2000  }
0x2d8: {  	s11 =	sshll.u32 s6, $0x6;
	[sflag:s1] =	ssyncset.done $0x0  }
0x2d9: {  	s10 =	sand.u32 $0x3FFFFFC0, s11;
	[sflag:s1] =	ssyncadd.s32 $0xFFFFE000  }
0x2da: {  	s16 =	simm.s32 $0x3;
	s9 =	simm.s32 $0xA480;
	v9 =	vld [tilespmem:s10+$0x10800]  }
0x2db: {  	v4 =	vmov s16;
	v7 =	vld [tilespmem:s9+$0x40]  }
0x2dc: {  	v13 =	vand.u32 $0x7F, v4  }
0x2dd: {  	s17 =	simm.s32 $0x0;
	v8 =	vadd.s32 v0, v13;
	v6 =	vld [tilespmem:s10+$0x10810]  }
0x2de: {  	s16 =	simm.s32 $0x2;
	s18 =	simm.s32 $0x1;
	v4 =	vmov s17;
	v10 =	vld [tilespmem:s9+$0xFFFFFF80]  }
0x2df: {  	v14 =	vmov s16;
	v12 =	vand.u32 $0x7C, v4;
	v4 =	vmov s18;
	v11 =	vld [tilespmem:s9+$0xFFFFFFC0]  }
0x2e0: {  	v15 =	vadd.s32 v0, v12;
	v19 =	vand.u32 $0x7D, v4;
	v16 =	vld [tilespmem:s9+$0x0];
	v7 =	vadd.f32 v7, v9  }
0x2e1: {  	v20 =	vand.u32 $0x7E, v14;
	v17 =	vadd.s32 v0, v19;
	v5 =	vld [tilespmem:s10+$0x10820]  }
0x2e2: {  	v14 =	vadd.s32 v0, v20;
	v4 =	vld [tilespmem:s10+$0x10830];
	[tilespmem:v8+s29+$0x0] =	vst.idx.msk $0xffff, v7  }
0x2e3: {  	v7 =	vadd.f32 v10, v9;
	v8 =	vld [tilespmem:s9+$0x50]  }
0x2e4: {  	v10 =	vadd.f32 v11, v9  }
0x2e5: {  	v11 =	vadd.s32 v1, v13;
	[tilespmem:v15+s29+$0x0] =	vst.idx.msk $0xffff, v7;
	v7 =	vadd.f32 v16, v9  }
0x2e6: {  	[tilespmem:v17+s29+$0x0] =	vst.idx.msk $0xffff, v10;
	v15 =	vld [tilespmem:s9+$0xFFFFFF90]  }
0x2e7: {  	v10 =	vld [tilespmem:s9+$0xFFFFFFD0];
	[tilespmem:v14+s29+$0x0] =	vst.idx.msk $0xffff, v7  }
0x2e8: {  	v14 =	vld [tilespmem:s9+$0x10];
	v7 =	vadd.f32 v8, v6  }
0x2e9: {  	s16 =	simm.s32 $0xA580;
	s18 =	simm.s32 $0x7;
	v16 =	vadd.s32 v1, v19  }
0x2ea: {  	s17 =	simm.s32 $0x4;
	v26 =	vadd.s32 v2, v13;
	v18 =	vld [tilespmem:s16+$0x40];
	v17 =	vadd.s32 v1, v20;
	[tilespmem:v11+s29+$0x0] =	vst.idx.msk $0xffff, v7;
	v7 =	vmov s18  }
0x2eb: {  	v21 =	vadd.s32 v1, v12;
	v8 =	vmov s17;
	v7 =	vand.u32 $0x7F, v7;
	v22 =	vld [tilespmem:s9+$0x60]  }
0x2ec: {  	v23 =	vld [tilespmem:s16+$0xFFFFFF80];
	s17 =	simm.s32 $0x5;
	v8 =	vand.u32 $0x7C, v8;
	v10 =	vadd.f32 v10, v6;
	v24 =	vadd.s32 v0, v7  }
0x2ed: {  	v25 =	vld [tilespmem:s16+$0xFFFFFFC0];
	v15 =	vadd.f32 v15, v6;
	s18 =	simm.s32 $0x6;
	v11 =	vadd.f32 v14, v6;
	v14 =	vmov s17  }
0x2ee: {  	v27 =	vadd.s32 v0, v8;
	[tilespmem:v16+s29+$0x0] =	vst.idx.msk $0xffff, v10;
	v16 =	vmov s18;
	v10 =	vand.u32 $0x7D, v14;
	v14 =	vld [tilespmem:s16+$0x0]  }
0x2ef: {  	[tilespmem:v17+s29+$0x0] =	vst.idx.msk $0xffff, v11;
	v17 =	vadd.s32 v0, v10;
	v11 =	vand.u32 $0x7E, v16;
	v16 =	vadd.f32 v18, v9;
	v18 =	vld [tilespmem:s9+$0xFFFFFFE0]  }
0x2f0: {  	[tilespmem:v21+s29+$0x0] =	vst.idx.msk $0xffff, v15;
	v15 =	vadd.s32 v0, v11;
	v21 =	vld [tilespmem:s9+$0x20];
	v22 =	vadd.f32 v22, v5  }
0x2f1: {  	v23 =	vadd.f32 v23, v9;
	[tilespmem:v24+s29+$0x0] =	vst.idx.msk $0xffff, v16;
	v16 =	vld [tilespmem:s9+$0xFFFFFFA0];
	v24 =	vadd.s32 v2, v19  }
0x2f2: {  	v29 =	vadd.s32 v2, v20;
	v25 =	vadd.f32 v25, v9;
	v28 =	vld [tilespmem:s16+$0x50];
	[tilespmem:v26+s29+$0x0] =	vst.idx.msk $0xffff, v22  }
0x2f3: {  	[tilespmem:v27+s29+$0x0] =	vst.idx.msk $0xffff, v23;
	v23 =	vadd.s32 v2, v12;
	v14 =	vadd.f32 v14, v9;
	v26 =	vld [tilespmem:s9+$0x70]  }
0x2f4: {  	v27 =	vld [tilespmem:s16+$0xFFFFFF90];
	[tilespmem:v17+s29+$0x0] =	vst.idx.msk $0xffff, v25;
	v25 =	vadd.s32 v1, v7;
	v18 =	vadd.f32 v18, v5  }
0x2f5: {  	v31 =	vadd.s32 v3, v13;
	v30 =	vld [tilespmem:s16+$0xFFFFFFD0];
	[tilespmem:v15+s29+$0x0] =	vst.idx.msk $0xffff, v14;
	v14 =	vadd.f32 v21, v5  }
0x2f6: {  	v22 =	vadd.s32 v1, v8;
	v17 =	vld [tilespmem:s16+$0x10];
	v13 =	vadd.f32 v16, v5;
	[tilespmem:v24+s29+$0x0] =	vst.idx.msk $0xffff, v18  }
0x2f7: {  	s17 =	simm.s32 $0x8;
	v21 =	vadd.s32 v1, v10;
	[tilespmem:v29+s29+$0x0] =	vst.idx.msk $0xffff, v14;
	v18 =	vadd.f32 v28, v6;
	v16 =	vld [tilespmem:s9+$0xFFFFFFF0]  }
0x2f8: {  	v24 =	vmov s17;
	v14 =	vadd.s32 v1, v11;
	v15 =	vld [tilespmem:s9+$0x30];
	[tilespmem:v23+s29+$0x0] =	vst.idx.msk $0xffff, v13;
	v63 =	vadd.f32 v26, v4  }
0x2f9: {  	s11 =	simm.s32 $0xB;
	s18 =	simm.s32 $0xA680;
	v19 =	vadd.s32 v3, v19;
	v13 =	vand.u32 $0x7C, v24;
	v24 =	vadd.f32 v27, v6;
	[tilespmem:v25+s29+$0x0] =	vst.idx.msk $0xffff, v18;
	v18 =	vld [tilespmem:s9+$0xFFFFFFB0]  }
0x2fa: {  	v20 =	vadd.s32 v3, v20;
	v26 =	vmov s11;
	v23 =	vld [tilespmem:s18+$0x40];
	s9 =	simm.s32 $0xC;
	v25 =	vadd.f32 v30, v6;
	[tilespmem:v31+s29+$0x0] =	vst.idx.msk $0xffff, v63  }
.LBB2_23:
0x2fb: {  	p0 =	slt.u32 s9, $0x7C;
	s10 =	sadd.s32 $0x1, s17;
	v26 =	vand.u32 $0x7F, v26;
	[tilespmem:v22+s29+$0x0] =	vst.idx.msk $0xffff, v24;
	v17 =	vadd.f32 v17, v6;
	v22 =	vld [tilespmem:s16+$0x60];
	v24 =	vadd.s32 v3, v12  }
0x2fc: {  	v30 =	vmovc v11;
	v27 =	vld [tilespmem:s18+$0xFFFFFF80];
	v28 =	vmov s10;
	s10 =	sadd.s32 $0x2, s17;
	v29 =	vadd.s32 v0, v26;
	[tilespmem:v21+s29+$0x0] =	vst.idx.msk $0xffff, v25;
	v16 =	vadd.f32 v16, v4;
	s17 =	smov.u32 s9  }
0x2fd: {  	v12 =	vmovc v8;
	v21 =	vld [tilespmem:s18+$0xFFFFFFC0];
	v11 =	vmov s10;
	[tilespmem:v14+s29+$0x0] =	vst.idx.msk $0xffff, v17;
	v14 =	vadd.s32 v2, v7;
	v15 =	vadd.f32 v15, v4  }
0x2fe: {  	v17 =	vadd.s32 v0, v13;
	v28 =	vand.u32 $0x7D, v28;
	v25 =	vld [tilespmem:s18+$0x0];
	v31 =	vadd.f32 v18, v4;
	[tilespmem:v19+s29+$0x0] =	vst.idx.msk $0xffff, v16  }
0x2ff: {  	v16 =	vadd.s32 v0, v28;
	v11 =	vand.u32 $0x7E, v11;
	v18 =	vadd.f32 v23, v9;
	v19 =	vld [tilespmem:s16+$0xFFFFFFE0];
	[tilespmem:v20+s29+$0x0] =	vst.idx.msk $0xffff, v15  }
0x300: {  	v8 =	vmov v13;
	v15 =	vadd.s32 v0, v11;
	v20 =	vld [tilespmem:s16+$0x20];
	v22 =	vadd.f32 v22, v5;
	[tilespmem:v24+s29+$0x0] =	vst.idx.msk $0xffff, v31  }
0x301: {  	v23 =	vadd.s32 v2, v10;
	v13 =	vadd.f32 v27, v9;
	[tilespmem:v29+s29+$0x0] =	vst.idx.msk $0xffff, v18;
	v18 =	vld [tilespmem:s16+$0xFFFFFFA0]  }
0x302: {  	v27 =	vadd.s32 v2, v30;
	v21 =	vadd.f32 v21, v9;
	v24 =	vld [tilespmem:s18+$0x50];
	[tilespmem:v14+s29+$0x0] =	vst.idx.msk $0xffff, v22  }
0x303: {  	[tilespmem:v17+s29+$0x0] =	vst.idx.msk $0xffff, v13;
	v13 =	vadd.f32 v25, v9;
	v25 =	vadd.s32 v2, v12;
	v29 =	vld [tilespmem:s16+$0x70]  }
0x304: {  	v32 =	vadd.s32 v1, v26;
	v31 =	vld [tilespmem:s18+$0xFFFFFF90];
	[tilespmem:v16+s29+$0x0] =	vst.idx.msk $0xffff, v21;
	v14 =	vadd.f32 v19, v5  }
0x305: {  	v34 =	vadd.s32 v3, v7;
	v7 =	vmov v26;
	v33 =	vld [tilespmem:s18+$0xFFFFFFD0];
	[tilespmem:v15+s29+$0x0] =	vst.idx.msk $0xffff, v13;
	v13 =	vadd.f32 v20, v5  }
.Ltmp10:
0x306: {  	v22 =	vadd.s32 v1, v8;
	v17 =	vld [tilespmem:s18+$0x10];
	v15 =	vadd.f32 v18, v5;
	[tilespmem:v23+s29+$0x0] =	vst.idx.msk $0xffff, v14;
	(pc) =	sbr.rel @p0 .LBB2_23-.Ltmp10, $4  }
0x307: {  	v21 =	vadd.s32 v1, v28;
	v18 =	vadd.f32 v24, v6;
	v16 =	vld [tilespmem:s16+$0xFFFFFFF0];
	[tilespmem:v27+s29+$0x0] =	vst.idx.msk $0xffff, v13  }
0x308: {  	v14 =	vadd.s32 v1, v11;
	v13 =	vmov s9;
	[tilespmem:v25+s29+$0x0] =	vst.idx.msk $0xffff, v15;
	v15 =	vld [tilespmem:s16+$0x30];
	v27 =	vadd.f32 v29, v4  }
0x309: {  	s10 =	sadd.s32 $0x3, s9;
	v19 =	vadd.s32 v3, v10;
	v13 =	vand.u32 $0x7C, v13;
	v24 =	vadd.f32 v31, v6;
	[tilespmem:v32+s29+$0x0] =	vst.idx.msk $0xffff, v18;
	v18 =	vld [tilespmem:s16+$0xFFFFFFB0];
	s16 =	smov.u32 s18;
	s18 =	sadd.s32 $0x100, s18  }
0x30a: {  	v26 =	vmov s10;
	v10 =	vmovc v28;
	v20 =	vadd.s32 v3, v30;
	s9 =	sadd.s32 $0x4, s9;
	v23 =	vld [tilespmem:s18+$0x40];
	v25 =	vadd.f32 v33, v6;
	[tilespmem:v34+s29+$0x0] =	vst.idx.msk $0xffff, v27  }
0x30b: {  	s9 =	sadd.s32 $0x1, s17  }
0x30c: {  	v26 =	vand.u32 $0x7F, v26;
	s10 =	sadd.s32 $0x2, s17;
	v28 =	vld [tilespmem:s18+$0xFFFFFFC0];
	v27 =	vmov s9  }
0x30d: {  	v31 =	vld [tilespmem:s18+$0x0];
	v29 =	vadd.s32 v0, v26;
	v30 =	vmov s10;
	v27 =	vand.u32 $0x7D, v27  }
0x30e: {  	v32 =	vld [tilespmem:s18+$0xFFFFFF80];
	v30 =	vand.u32 $0x7E, v30;
	v33 =	vadd.s32 v0, v27  }
0x30f: {  	v34 =	vadd.s32 v0, v30  }
0x310: {  	[tilespmem:v22+s29+$0x0] =	vst.idx.msk $0xffff, v24;
	v44 =	vadd.s32 v0, v13;
	v23 =	vadd.f32 v23, v9  }
0x311: {  	[tilespmem:v21+s29+$0x0] =	vst.idx.msk $0xffff, v25;
	v45 =	vadd.f32 v28, v9  }
0x312: {  	v46 =	vadd.f32 v31, v9;
	[tilespmem:v29+s29+$0x0] =	vst.idx.msk $0xffff, v23  }
0x313: {  	v47 =	vadd.f32 v32, v9;
	v48 =	vld [tilespmem:s18+$0x50];
	[tilespmem:v33+s29+$0x0] =	vst.idx.msk $0xffff, v45  }
0x314: {  	v17 =	vadd.f32 v17, v6;
	v12 =	vadd.s32 v3, v12;
	[tilespmem:v34+s29+$0x0] =	vst.idx.msk $0xffff, v46;
	v21 =	vld [tilespmem:s18+$0xFFFFFFD0]  }
0x315: {  	v16 =	vadd.f32 v16, v4;
	v49 =	vadd.s32 v1, v26;
	[tilespmem:v44+s29+$0x0] =	vst.idx.msk $0xffff, v47;
	v50 =	vld [tilespmem:s18+$0x10]  }
0x316: {  	[tilespmem:v14+s29+$0x0] =	vst.idx.msk $0xffff, v17;
	v51 =	vadd.f32 v15, v4;
	v53 =	vadd.s32 v1, v27;
	v52 =	vld [tilespmem:s18+$0xFFFFFF90]  }
0x317: {  	v54 =	vld [tilespmem:s16+$0x60];
	v18 =	vadd.f32 v18, v4;
	[tilespmem:v19+s29+$0x0] =	vst.idx.msk $0xffff, v16;
	v55 =	vadd.s32 v1, v30  }
0x318: {  	v57 =	vadd.s32 v1, v13;
	v60 =	vld [tilespmem:s16+$0x20];
	[tilespmem:v20+s29+$0x0] =	vst.idx.msk $0xffff, v51;
	v58 =	vadd.f32 v48, v6  }
0x319: {  	v59 =	vadd.s32 v2, v7;
	v56 =	vld [tilespmem:s16+$0xFFFFFFE0];
	[tilespmem:v12+s29+$0x0] =	vst.idx.msk $0xffff, v18;
	v61 =	vadd.f32 v21, v6  }
0x31a: {  	v62 =	vld [tilespmem:s16+$0xFFFFFFA0];
	v29 =	vadd.s32 v2, v11;
	[tilespmem:v49+s29+$0x0] =	vst.idx.msk $0xffff, v58;
	v28 =	vadd.f32 v50, v6  }
0x31b: {  	v63 =	vadd.s32 v2, v10;
	v31 =	vadd.f32 v52, v6;
	v32 =	vld [tilespmem:s18+$0x60];
	[tilespmem:v53+s29+$0x0] =	vst.idx.msk $0xffff, v61  }
0x31c: {  	v33 =	vadd.f32 v54, v5;
	v34 =	vadd.s32 v2, v8;
	[tilespmem:v55+s29+$0x0] =	vst.idx.msk $0xffff, v28;
	v35 =	vld [tilespmem:s18+$0xFFFFFFE0]  }
0x31d: {  	v37 =	vadd.s32 v2, v26;
	v39 =	vadd.f32 v60, v5;
	[tilespmem:v57+s29+$0x0] =	vst.idx.msk $0xffff, v31;
	v38 =	vld [tilespmem:s18+$0x20]  }
0x31e: {  	v41 =	vadd.s32 v2, v27;
	v36 =	vadd.f32 v56, v5;
	[tilespmem:v59+s29+$0x0] =	vst.idx.msk $0xffff, v33;
	v40 =	vld [tilespmem:s18+$0xFFFFFFA0]  }
0x31f: {  	v43 =	vadd.s32 v2, v30;
	v18 =	vadd.f32 v62, v5;
	v42 =	vld [tilespmem:s16+$0x70];
	[tilespmem:v29+s29+$0x0] =	vst.idx.msk $0xffff, v39  }
0x320: {  	v45 =	vadd.s32 v2, v13;
	[tilespmem:v63+s29+$0x0] =	vst.idx.msk $0xffff, v36;
	v47 =	vld [tilespmem:s16+$0x30];
	v44 =	vadd.f32 v32, v5  }
0x321: {  	v46 =	vadd.s32 v3, v7;
	[tilespmem:v34+s29+$0x0] =	vst.idx.msk $0xffff, v18;
	v21 =	vld [tilespmem:s16+$0xFFFFFFF0];
	v9 =	vadd.f32 v35, v5  }
0x322: {  	v18 =	vld [tilespmem:s16+$0xFFFFFFB0];
	v50 =	vadd.s32 v3, v11;
	[tilespmem:v37+s29+$0x0] =	vst.idx.msk $0xffff, v44;
	v49 =	vadd.f32 v38, v5  }
0x323: {  	v48 =	vadd.s32 v3, v10;
	v5 =	vadd.f32 v40, v5;
	v12 =	vld [tilespmem:s18+$0x70];
	[tilespmem:v41+s29+$0x0] =	vst.idx.msk $0xffff, v9  }
0x324: {  	v52 =	vadd.s32 v3, v8;
	v51 =	vadd.f32 v42, v4;
	[tilespmem:v43+s29+$0x0] =	vst.idx.msk $0xffff, v49;
	v53 =	vld [tilespmem:s18+$0xFFFFFFF0]  }
0x325: {  	v55 =	vadd.s32 v3, v26;
	v56 =	vadd.f32 v47, v4;
	[tilespmem:v45+s29+$0x0] =	vst.idx.msk $0xffff, v5;
	v5 =	vld [tilespmem:s18+$0x30]  }
0x326: {  	v58 =	vadd.s32 v3, v27;
	[tilespmem:v46+s29+$0x0] =	vst.idx.msk $0xffff, v51;
	v54 =	vadd.f32 v21, v4;
	v57 =	vld [tilespmem:s18+$0xFFFFFFB0]  }
0x327: {  	v60 =	vadd.s32 v3, v30;
	v59 =	vadd.f32 v18, v4;
	[tilespmem:v50+s29+$0x0] =	vst.idx.msk $0xffff, v56  }
0x328: {  	v62 =	vadd.s32 v3, v13;
	[tilespmem:v48+s29+$0x0] =	vst.idx.msk $0xffff, v54;
	v61 =	vadd.f32 v12, v4  }
0x329: {  	[tilespmem:v52+s29+$0x0] =	vst.idx.msk $0xffff, v59;
	v63 =	vadd.f32 v53, v4  }
0x32a: {  	s6 =	sshll.u32 s6, $0x12;
	[tilespmem:v55+s29+$0x0] =	vst.idx.msk $0xffff, v61;
	v5 =	vadd.f32 v5, v4  }
0x32b: {  	s6 =	sor.u32 s8, s6;
	v4 =	vadd.f32 v57, v4;
	[tilespmem:v58+s29+$0x0] =	vst.idx.msk $0xffff, v63  }
0x32c: {  	s6 =	sshrl.u32 s6, $0x3;
	[tilespmem:v60+s29+$0x0] =	vst.idx.msk $0xffff, v5  }
0x32d: {  	s11 =	simm.s32 $0xE600;
	s9 =	sadd.s32 s2, s6;
	[tilespmem:v62+s29+$0x0] =	vst.idx.msk $0xffff, v4  }
0x32e: {  	[hbm4b:s9+s3] =	stream.linear.scatter [tilespmem:s11], [sflag:$0x5], $0x80, $0x38;
	[tilespmem:$0x13A00] =	vst v63  }
0x32f: {  	s10 =	sadd.s32 $0x10, s9;
	s16 =	simm.s32 $0xE688  }
0x330: {  	[hbm4b:s10+s3] =	stream.linear.scatter [tilespmem:s16], [sflag:$0x5], $0x80, $0x38;
	[tilespmem:$0x13A00] =	vst v63  }
0x331: {  	s17 =	simm.s32 $0xE710;
	s18 =	sadd.s32 $0x20, s9  }
0x332: {  	[hbm4b:s18+s3] =	stream.linear.scatter [tilespmem:s17], [sflag:$0x5], $0x80, $0x38;
	[tilespmem:$0x13A00] =	vst v63  }
0x333: {  	s11 =	simm.s32 $0xE798;
	s16 =	sadd.s32 $0x30, s9  }
0x334: {  	[hbm4b:s16+s3] =	stream.linear.scatter [tilespmem:s11], [sflag:$0x5], $0x80, $0x38;
	[tilespmem:$0x13A00] =	vst v63  }
0x335: {  	s17 =	simm.s32 $0xE820;
	s18 =	sadd.s32 $0x40, s9  }
0x336: {  	[hbm4b:s18+s3] =	stream.linear.scatter [tilespmem:s17], [sflag:$0x5], $0x80, $0x38;
	[tilespmem:$0x13A00] =	vst v63  }
0x337: {  	s6 =	simm.s32 $0x440;
	s11 =	simm.s32 $0xE8A8;
	s16 =	sadd.s32 $0x50, s9  }
0x338: {  	[hbm4b:s16+s3] =	stream.linear.scatter [tilespmem:s11], [sflag:$0x5], $0x80, $0x38;
	[tilespmem:$0x13A00] =	vst v63  }
0x339: {  	s17 =	simm.s32 $0xE930;
	s18 =	sadd.s32 $0x60, s9;
	s16 =	simm.s32 $0x2200  }
0x33a: {  	[hbm4b:s18+s3] =	stream.linear.scatter [tilespmem:s17], [sflag:$0x5], $0x80, $0x38;
	[tilespmem:$0x13A00] =	vst v63  }
0x33b: {  	s17 =	simm.s32 $0xE9B8;
	s18 =	sadd.s32 $0x70, s9;
	s9 =	sadd.s32 $0x1000, s9  }
.LBB2_25:
0x33c: {  	[hbm4b:s18+s3] =	stream.linear.scatter [tilespmem:s17], [sflag:$0x5], $0x80, $0x38;
	[tilespmem:$0x13A00] =	vst v63  }
0x33d: {  	s10 =	smov.u32 s6;
	s6 =	smov.u32 s16  }
0x33e: {  	s11 =	sadd.s32 $0x1100, s16;
	s6 =	sshra.s32 s6, $0x2;
	s17 =	sadd.s32 $0xE600, s10  }
0x33f: {  	[hbm4b:s9+s3] =	stream.linear.scatter [tilespmem:s17], [sflag:$0x5], $0x80, $0x38;
	[tilespmem:$0x13A00] =	vst v63  }
0x340: {  	p0 =	sne.s32 s16, $0x7700;
	s16 =	sadd.s32 $0xE688, s10;
	s17 =	sadd.s32 $0x10, s9  }
0x341: {  	[hbm4b:s17+s3] =	stream.linear.scatter [tilespmem:s16], [sflag:$0x5], $0x80, $0x38;
	[tilespmem:$0x13A00] =	vst v63  }
0x342: {  	s16 =	sadd.s32 $0xE710, s10;
	s17 =	sadd.s32 $0x20, s9  }
0x343: {  	[hbm4b:s17+s3] =	stream.linear.scatter [tilespmem:s16], [sflag:$0x5], $0x80, $0x38;
	[tilespmem:$0x13A00] =	vst v63  }
0x344: {  	s16 =	sadd.s32 $0xE798, s10;
	s17 =	sadd.s32 $0x30, s9  }
0x345: {  	[hbm4b:s17+s3] =	stream.linear.scatter [tilespmem:s16], [sflag:$0x5], $0x80, $0x38;
	[tilespmem:$0x13A00] =	vst v63  }
0x346: {  	s16 =	sadd.s32 $0xE820, s10;
	s17 =	sadd.s32 $0x40, s9  }
0x347: {  	[hbm4b:s17+s3] =	stream.linear.scatter [tilespmem:s16], [sflag:$0x5], $0x80, $0x38;
	[tilespmem:$0x13A00] =	vst v63  }
.Ltmp11:
0x348: {  	s16 =	sadd.s32 $0xE8A8, s10;
	s17 =	sadd.s32 $0x50, s9;
	(pc) =	sbr.rel @p0 .LBB2_25-.Ltmp11, $4  }
0x349: {  	[hbm4b:s17+s3] =	stream.linear.scatter [tilespmem:s16], [sflag:$0x5], $0x80, $0x38;
	[tilespmem:$0x13A00] =	vst v63  }
0x34a: {  	s18 =	sadd.s32 $0x70, s9;
	s16 =	sadd.s32 $0xE930, s10;
	s17 =	sadd.s32 $0x60, s9  }
0x34b: {  	[hbm4b:s17+s3] =	stream.linear.scatter [tilespmem:s16], [sflag:$0x5], $0x80, $0x38;
	[tilespmem:$0x13A00] =	vst v63  }
0x34c: {  	s9 =	sadd.s32 $0x1000, s9;
	s17 =	sadd.s32 $0xE9B8, s10;
	s16 =	smov.u32 s11  }
0x34d: {  	[hbm4b:s18+s3] =	stream.linear.scatter [tilespmem:s17], [sflag:$0x5], $0x80, $0x38;
	[tilespmem:$0x13A00] =	vst v63  }
0x34e: {  	s10 =	sadd.s32 $0xE600, s6  }
0x34f: {  	[hbm4b:s9+s3] =	stream.linear.scatter [tilespmem:s10], [sflag:$0x5], $0x80, $0x38;
	[tilespmem:$0x13A00] =	vst v63  }
0x350: {  	s16 =	sadd.s32 $0xE688, s6;
	s11 =	sadd.s32 $0x10, s9  }
0x351: {  	[hbm4b:s11+s3] =	stream.linear.scatter [tilespmem:s16], [sflag:$0x5], $0x80, $0x38;
	[tilespmem:$0x13A00] =	vst v63  }
0x352: {  	s17 =	sadd.s32 $0xE710, s6;
	s18 =	sadd.s32 $0x20, s9  }
0x353: {  	[hbm4b:s18+s3] =	stream.linear.scatter [tilespmem:s17], [sflag:$0x5], $0x80, $0x38;
	[tilespmem:$0x13A00] =	vst v63  }
0x354: {  	s11 =	sadd.s32 $0xE798, s6;
	s16 =	sadd.s32 $0x30, s9  }
0x355: {  	[hbm4b:s16+s3] =	stream.linear.scatter [tilespmem:s11], [sflag:$0x5], $0x80, $0x38;
	[tilespmem:$0x13A00] =	vst v63  }
0x356: {  	s17 =	sadd.s32 $0xE820, s6;
	s18 =	sadd.s32 $0x40, s9  }
0x357: {  	[hbm4b:s18+s3] =	stream.linear.scatter [tilespmem:s17], [sflag:$0x5], $0x80, $0x38;
	[tilespmem:$0x13A00] =	vst v63  }
0x358: {  	s10 =	sadd.s32 $0xE9B8, s6;
	s11 =	sadd.s32 $0xE8A8, s6;
	s16 =	sadd.s32 $0x50, s9  }
0x359: {  	[hbm4b:s16+s3] =	stream.linear.scatter [tilespmem:s11], [sflag:$0x5], $0x80, $0x38;
	[tilespmem:$0x13A00] =	vst v63  }
0x35a: {  	s17 =	sadd.s32 $0xE930, s6;
	s18 =	sadd.s32 $0x60, s9;
	s6 =	sadd.s32 $0x7, s30  }
0x35b: {  	[hbm4b:s18+s3] =	stream.linear.scatter [tilespmem:s17], [sflag:$0x5], $0x80, $0x38;
	[tilespmem:$0x13A00] =	vst v63  }
0x35c: {  	s11 =	sadd.s32 $0x70, s9;
	s16 =	sshll.u32 s6, $0x7  }
0x35d: {  	[hbm4b:s11+s3] =	stream.linear.scatter [tilespmem:s10], [sflag:$0x5], $0x80, $0x38;
	[tilespmem:$0x13A00] =	vst v63  }
0x35e: {  	s9 =	sand.u32 $0x3FFFFF80, s16  }
0x35f: {  	[tilespmem:s22], [sflag:$0x2] =	stream.indirect.gather [hbm4b:s4+s19], $0x40, s9, s19, $0xb8;
	[tilespmem:$0x13A00] =	vst v63  }
0x360: {  	_ =	swait.ge [sflag:s23], $0x2000  }
0x361: {  	[sflag:s23] =	ssyncset.done $0x0  }
0x362: {  	[sflag:s23] =	ssyncadd.s32 $0xFFFFE000  }
0x363: {  	_ =	swait.ge [sflag:s0], $0x2000  }
0x364: {  	s17 =	sshll.u32 s5, $0x6;
	[sflag:s0] =	ssyncset.done $0x0  }
0x365: {  	s18 =	sand.u32 $0x3FFFFFC0, s17;
	[sflag:s0] =	ssyncadd.s32 $0xFFFFE000  }
0x366: {  	s30 =	simm.s32 $0x3;
	s9 =	simm.s32 $0x6480;
	v9 =	vld [tilespmem:s18+$0x10800]  }
0x367: {  	v4 =	vmov s30;
	v7 =	vld [tilespmem:s9+$0x40]  }
0x368: {  	v13 =	vand.u32 $0x7F, v4  }
0x369: {  	s16 =	simm.s32 $0x0;
	v8 =	vadd.s32 v0, v13;
	v6 =	vld [tilespmem:s18+$0x10810]  }
0x36a: {  	v4 =	vmov s16;
	s16 =	simm.s32 $0x2;
	s17 =	simm.s32 $0x1;
	v10 =	vld [tilespmem:s9+$0xFFFFFF80]  }
0x36b: {  	v12 =	vand.u32 $0x7C, v4;
	v14 =	vmov s16;
	v4 =	vmov s17;
	v11 =	vld [tilespmem:s9+$0xFFFFFFC0]  }
0x36c: {  	v15 =	vadd.s32 v0, v12;
	v19 =	vand.u32 $0x7D, v4;
	v16 =	vld [tilespmem:s9+$0x0];
	v7 =	vadd.f32 v7, v9  }
0x36d: {  	v20 =	vand.u32 $0x7E, v14;
	v17 =	vadd.s32 v0, v19;
	v5 =	vld [tilespmem:s18+$0x10820]  }
0x36e: {  	v14 =	vadd.s32 v0, v20;
	v4 =	vld [tilespmem:s18+$0x10830];
	[tilespmem:v8+s24+$0x0] =	vst.idx.msk $0xffff, v7  }
0x36f: {  	v7 =	vadd.f32 v10, v9;
	v8 =	vld [tilespmem:s9+$0x50]  }
0x370: {  	v10 =	vadd.f32 v11, v9  }
0x371: {  	v11 =	vadd.s32 v1, v13;
	[tilespmem:v15+s24+$0x0] =	vst.idx.msk $0xffff, v7;
	v7 =	vadd.f32 v16, v9  }
0x372: {  	[tilespmem:v17+s24+$0x0] =	vst.idx.msk $0xffff, v10;
	v15 =	vld [tilespmem:s9+$0xFFFFFF90]  }
0x373: {  	v10 =	vld [tilespmem:s9+$0xFFFFFFD0];
	[tilespmem:v14+s24+$0x0] =	vst.idx.msk $0xffff, v7  }
0x374: {  	v14 =	vld [tilespmem:s9+$0x10];
	v7 =	vadd.f32 v8, v6  }
0x375: {  	s30 =	simm.s32 $0x7;
	s16 =	simm.s32 $0x6580;
	v16 =	vadd.s32 v1, v19  }
0x376: {  	v26 =	vadd.s32 v2, v13;
	s18 =	simm.s32 $0x4;
	v18 =	vld [tilespmem:s16+$0x40];
	v17 =	vadd.s32 v1, v20;
	[tilespmem:v11+s24+$0x0] =	vst.idx.msk $0xffff, v7;
	v7 =	vmov s30  }
0x377: {  	v21 =	vadd.s32 v1, v12;
	v8 =	vmov s18;
	v7 =	vand.u32 $0x7F, v7;
	v22 =	vld [tilespmem:s9+$0x60]  }
0x378: {  	s17 =	simm.s32 $0x5;
	v23 =	vld [tilespmem:s16+$0xFFFFFF80];
	v8 =	vand.u32 $0x7C, v8;
	v10 =	vadd.f32 v10, v6;
	v24 =	vadd.s32 v0, v7  }
0x379: {  	v25 =	vld [tilespmem:s16+$0xFFFFFFC0];
	s18 =	simm.s32 $0x6;
	v15 =	vadd.f32 v15, v6;
	v11 =	vadd.f32 v14, v6;
	v14 =	vmov s17  }
0x37a: {  	v27 =	vadd.s32 v0, v8;
	[tilespmem:v16+s24+$0x0] =	vst.idx.msk $0xffff, v10;
	v16 =	vmov s18;
	v10 =	vand.u32 $0x7D, v14;
	v14 =	vld [tilespmem:s16+$0x0]  }
0x37b: {  	[tilespmem:v17+s24+$0x0] =	vst.idx.msk $0xffff, v11;
	v17 =	vadd.s32 v0, v10;
	v11 =	vand.u32 $0x7E, v16;
	v16 =	vadd.f32 v18, v9;
	v18 =	vld [tilespmem:s9+$0xFFFFFFE0]  }
0x37c: {  	[tilespmem:v21+s24+$0x0] =	vst.idx.msk $0xffff, v15;
	v15 =	vadd.s32 v0, v11;
	v21 =	vld [tilespmem:s9+$0x20];
	v22 =	vadd.f32 v22, v5  }
0x37d: {  	v23 =	vadd.f32 v23, v9;
	[tilespmem:v24+s24+$0x0] =	vst.idx.msk $0xffff, v16;
	v16 =	vld [tilespmem:s9+$0xFFFFFFA0];
	v24 =	vadd.s32 v2, v19  }
0x37e: {  	v29 =	vadd.s32 v2, v20;
	v25 =	vadd.f32 v25, v9;
	v28 =	vld [tilespmem:s16+$0x50];
	[tilespmem:v26+s24+$0x0] =	vst.idx.msk $0xffff, v22  }
0x37f: {  	[tilespmem:v27+s24+$0x0] =	vst.idx.msk $0xffff, v23;
	v23 =	vadd.s32 v2, v12;
	v14 =	vadd.f32 v14, v9;
	v26 =	vld [tilespmem:s9+$0x70]  }
0x380: {  	v27 =	vld [tilespmem:s16+$0xFFFFFF90];
	[tilespmem:v17+s24+$0x0] =	vst.idx.msk $0xffff, v25;
	v25 =	vadd.s32 v1, v7;
	v18 =	vadd.f32 v18, v5  }
0x381: {  	v31 =	vadd.s32 v3, v13;
	v30 =	vld [tilespmem:s16+$0xFFFFFFD0];
	[tilespmem:v15+s24+$0x0] =	vst.idx.msk $0xffff, v14;
	v14 =	vadd.f32 v21, v5  }
0x382: {  	v22 =	vadd.s32 v1, v8;
	v17 =	vld [tilespmem:s16+$0x10];
	v13 =	vadd.f32 v16, v5;
	[tilespmem:v24+s24+$0x0] =	vst.idx.msk $0xffff, v18  }
0x383: {  	s17 =	simm.s32 $0x8;
	v21 =	vadd.s32 v1, v10;
	[tilespmem:v29+s24+$0x0] =	vst.idx.msk $0xffff, v14;
	v18 =	vadd.f32 v28, v6;
	v16 =	vld [tilespmem:s9+$0xFFFFFFF0]  }
0x384: {  	v24 =	vmov s17;
	v14 =	vadd.s32 v1, v11;
	v15 =	vld [tilespmem:s9+$0x30];
	[tilespmem:v23+s24+$0x0] =	vst.idx.msk $0xffff, v13;
	v63 =	vadd.f32 v26, v4  }
0x385: {  	s30 =	simm.s32 $0xB;
	s18 =	simm.s32 $0x6680;
	v19 =	vadd.s32 v3, v19;
	v13 =	vand.u32 $0x7C, v24;
	v24 =	vadd.f32 v27, v6;
	[tilespmem:v25+s24+$0x0] =	vst.idx.msk $0xffff, v18;
	v18 =	vld [tilespmem:s9+$0xFFFFFFB0]  }
0x386: {  	v20 =	vadd.s32 v3, v20;
	v26 =	vmov s30;
	v23 =	vld [tilespmem:s18+$0x40];
	s9 =	simm.s32 $0xC;
	v25 =	vadd.f32 v30, v6;
	[tilespmem:v31+s24+$0x0] =	vst.idx.msk $0xffff, v63  }
.LBB2_27:
0x387: {  	p0 =	slt.u32 s9, $0x7C;
	s10 =	sadd.s32 $0x1, s17;
	v26 =	vand.u32 $0x7F, v26;
	[tilespmem:v22+s24+$0x0] =	vst.idx.msk $0xffff, v24;
	v17 =	vadd.f32 v17, v6;
	v22 =	vld [tilespmem:s16+$0x60];
	v24 =	vadd.s32 v3, v12  }
0x388: {  	v30 =	vmovc v11;
	v27 =	vld [tilespmem:s18+$0xFFFFFF80];
	v28 =	vmov s10;
	s10 =	sadd.s32 $0x2, s17;
	v29 =	vadd.s32 v0, v26;
	[tilespmem:v21+s24+$0x0] =	vst.idx.msk $0xffff, v25;
	v16 =	vadd.f32 v16, v4;
	s17 =	smov.u32 s9  }
0x389: {  	v12 =	vmovc v8;
	v21 =	vld [tilespmem:s18+$0xFFFFFFC0];
	v11 =	vmov s10;
	[tilespmem:v14+s24+$0x0] =	vst.idx.msk $0xffff, v17;
	v14 =	vadd.s32 v2, v7;
	v15 =	vadd.f32 v15, v4  }
0x38a: {  	v17 =	vadd.s32 v0, v13;
	v28 =	vand.u32 $0x7D, v28;
	v25 =	vld [tilespmem:s18+$0x0];
	v31 =	vadd.f32 v18, v4;
	[tilespmem:v19+s24+$0x0] =	vst.idx.msk $0xffff, v16  }
0x38b: {  	v16 =	vadd.s32 v0, v28;
	v11 =	vand.u32 $0x7E, v11;
	v18 =	vadd.f32 v23, v9;
	v19 =	vld [tilespmem:s16+$0xFFFFFFE0];
	[tilespmem:v20+s24+$0x0] =	vst.idx.msk $0xffff, v15  }
0x38c: {  	v8 =	vmov v13;
	v15 =	vadd.s32 v0, v11;
	v20 =	vld [tilespmem:s16+$0x20];
	v22 =	vadd.f32 v22, v5;
	[tilespmem:v24+s24+$0x0] =	vst.idx.msk $0xffff, v31  }
0x38d: {  	v23 =	vadd.s32 v2, v10;
	v13 =	vadd.f32 v27, v9;
	[tilespmem:v29+s24+$0x0] =	vst.idx.msk $0xffff, v18;
	v18 =	vld [tilespmem:s16+$0xFFFFFFA0]  }
0x38e: {  	v27 =	vadd.s32 v2, v30;
	v21 =	vadd.f32 v21, v9;
	v24 =	vld [tilespmem:s18+$0x50];
	[tilespmem:v14+s24+$0x0] =	vst.idx.msk $0xffff, v22  }
0x38f: {  	[tilespmem:v17+s24+$0x0] =	vst.idx.msk $0xffff, v13;
	v13 =	vadd.f32 v25, v9;
	v25 =	vadd.s32 v2, v12;
	v29 =	vld [tilespmem:s16+$0x70]  }
0x390: {  	v32 =	vadd.s32 v1, v26;
	v31 =	vld [tilespmem:s18+$0xFFFFFF90];
	[tilespmem:v16+s24+$0x0] =	vst.idx.msk $0xffff, v21;
	v14 =	vadd.f32 v19, v5  }
0x391: {  	v34 =	vadd.s32 v3, v7;
	v7 =	vmov v26;
	v33 =	vld [tilespmem:s18+$0xFFFFFFD0];
	[tilespmem:v15+s24+$0x0] =	vst.idx.msk $0xffff, v13;
	v13 =	vadd.f32 v20, v5  }
.Ltmp12:
0x392: {  	v22 =	vadd.s32 v1, v8;
	v17 =	vld [tilespmem:s18+$0x10];
	v15 =	vadd.f32 v18, v5;
	[tilespmem:v23+s24+$0x0] =	vst.idx.msk $0xffff, v14;
	(pc) =	sbr.rel @p0 .LBB2_27-.Ltmp12, $4  }
0x393: {  	v21 =	vadd.s32 v1, v28;
	v18 =	vadd.f32 v24, v6;
	v16 =	vld [tilespmem:s16+$0xFFFFFFF0];
	[tilespmem:v27+s24+$0x0] =	vst.idx.msk $0xffff, v13  }
0x394: {  	v14 =	vadd.s32 v1, v11;
	v13 =	vmov s9;
	[tilespmem:v25+s24+$0x0] =	vst.idx.msk $0xffff, v15;
	v15 =	vld [tilespmem:s16+$0x30];
	v27 =	vadd.f32 v29, v4  }
0x395: {  	s10 =	sadd.s32 $0x3, s9;
	v19 =	vadd.s32 v3, v10;
	v13 =	vand.u32 $0x7C, v13;
	v24 =	vadd.f32 v31, v6;
	[tilespmem:v32+s24+$0x0] =	vst.idx.msk $0xffff, v18;
	v18 =	vld [tilespmem:s16+$0xFFFFFFB0];
	s16 =	smov.u32 s18;
	s18 =	sadd.s32 $0x100, s18  }
0x396: {  	v26 =	vmov s10;
	v10 =	vmovc v28;
	v20 =	vadd.s32 v3, v30;
	s9 =	sadd.s32 $0x4, s9;
	v23 =	vld [tilespmem:s18+$0x40];
	v25 =	vadd.f32 v33, v6;
	[tilespmem:v34+s24+$0x0] =	vst.idx.msk $0xffff, v27  }
0x397: {  	s9 =	sadd.s32 $0x1, s17  }
0x398: {  	v26 =	vand.u32 $0x7F, v26;
	s30 =	sadd.s32 $0x2, s17;
	v28 =	vld [tilespmem:s18+$0xFFFFFFC0];
	v27 =	vmov s9  }
0x399: {  	v31 =	vld [tilespmem:s18+$0x0];
	v29 =	vadd.s32 v0, v26;
	v30 =	vmov s30;
	v27 =	vand.u32 $0x7D, v27  }
0x39a: {  	v32 =	vld [tilespmem:s18+$0xFFFFFF80];
	v30 =	vand.u32 $0x7E, v30;
	v33 =	vadd.s32 v0, v27  }
0x39b: {  	v34 =	vadd.s32 v0, v30  }
0x39c: {  	[tilespmem:v22+s24+$0x0] =	vst.idx.msk $0xffff, v24;
	v44 =	vadd.s32 v0, v13;
	v23 =	vadd.f32 v23, v9  }
0x39d: {  	[tilespmem:v21+s24+$0x0] =	vst.idx.msk $0xffff, v25;
	v45 =	vadd.f32 v28, v9  }
0x39e: {  	v46 =	vadd.f32 v31, v9;
	[tilespmem:v29+s24+$0x0] =	vst.idx.msk $0xffff, v23  }
0x39f: {  	v47 =	vadd.f32 v32, v9;
	v48 =	vld [tilespmem:s18+$0x50];
	[tilespmem:v33+s24+$0x0] =	vst.idx.msk $0xffff, v45  }
0x3a0: {  	v17 =	vadd.f32 v17, v6;
	v12 =	vadd.s32 v3, v12;
	[tilespmem:v34+s24+$0x0] =	vst.idx.msk $0xffff, v46;
	v21 =	vld [tilespmem:s18+$0xFFFFFFD0]  }
0x3a1: {  	v16 =	vadd.f32 v16, v4;
	v49 =	vadd.s32 v1, v26;
	[tilespmem:v44+s24+$0x0] =	vst.idx.msk $0xffff, v47;
	v50 =	vld [tilespmem:s18+$0x10]  }
0x3a2: {  	[tilespmem:v14+s24+$0x0] =	vst.idx.msk $0xffff, v17;
	v51 =	vadd.f32 v15, v4;
	v53 =	vadd.s32 v1, v27;
	v52 =	vld [tilespmem:s18+$0xFFFFFF90]  }
0x3a3: {  	v54 =	vld [tilespmem:s16+$0x60];
	v18 =	vadd.f32 v18, v4;
	[tilespmem:v19+s24+$0x0] =	vst.idx.msk $0xffff, v16;
	v55 =	vadd.s32 v1, v30  }
0x3a4: {  	v57 =	vadd.s32 v1, v13;
	v60 =	vld [tilespmem:s16+$0x20];
	[tilespmem:v20+s24+$0x0] =	vst.idx.msk $0xffff, v51;
	v58 =	vadd.f32 v48, v6  }
0x3a5: {  	v59 =	vadd.s32 v2, v7;
	v56 =	vld [tilespmem:s16+$0xFFFFFFE0];
	[tilespmem:v12+s24+$0x0] =	vst.idx.msk $0xffff, v18;
	v61 =	vadd.f32 v21, v6  }
0x3a6: {  	v62 =	vld [tilespmem:s16+$0xFFFFFFA0];
	v29 =	vadd.s32 v2, v11;
	[tilespmem:v49+s24+$0x0] =	vst.idx.msk $0xffff, v58;
	v28 =	vadd.f32 v50, v6  }
0x3a7: {  	v63 =	vadd.s32 v2, v10;
	v31 =	vadd.f32 v52, v6;
	v32 =	vld [tilespmem:s18+$0x60];
	[tilespmem:v53+s24+$0x0] =	vst.idx.msk $0xffff, v61  }
0x3a8: {  	v33 =	vadd.f32 v54, v5;
	v34 =	vadd.s32 v2, v8;
	[tilespmem:v55+s24+$0x0] =	vst.idx.msk $0xffff, v28;
	v35 =	vld [tilespmem:s18+$0xFFFFFFE0]  }
0x3a9: {  	v37 =	vadd.s32 v2, v26;
	v39 =	vadd.f32 v60, v5;
	[tilespmem:v57+s24+$0x0] =	vst.idx.msk $0xffff, v31;
	v38 =	vld [tilespmem:s18+$0x20]  }
0x3aa: {  	v41 =	vadd.s32 v2, v27;
	v36 =	vadd.f32 v56, v5;
	[tilespmem:v59+s24+$0x0] =	vst.idx.msk $0xffff, v33;
	v40 =	vld [tilespmem:s18+$0xFFFFFFA0]  }
0x3ab: {  	v43 =	vadd.s32 v2, v30;
	v18 =	vadd.f32 v62, v5;
	v42 =	vld [tilespmem:s16+$0x70];
	[tilespmem:v29+s24+$0x0] =	vst.idx.msk $0xffff, v39  }
0x3ac: {  	v45 =	vadd.s32 v2, v13;
	[tilespmem:v63+s24+$0x0] =	vst.idx.msk $0xffff, v36;
	v47 =	vld [tilespmem:s16+$0x30];
	v44 =	vadd.f32 v32, v5  }
0x3ad: {  	v46 =	vadd.s32 v3, v7;
	[tilespmem:v34+s24+$0x0] =	vst.idx.msk $0xffff, v18;
	v21 =	vld [tilespmem:s16+$0xFFFFFFF0];
	v9 =	vadd.f32 v35, v5  }
0x3ae: {  	v18 =	vld [tilespmem:s16+$0xFFFFFFB0];
	v50 =	vadd.s32 v3, v11;
	[tilespmem:v37+s24+$0x0] =	vst.idx.msk $0xffff, v44;
	v49 =	vadd.f32 v38, v5  }
0x3af: {  	v48 =	vadd.s32 v3, v10;
	v5 =	vadd.f32 v40, v5;
	v12 =	vld [tilespmem:s18+$0x70];
	[tilespmem:v41+s24+$0x0] =	vst.idx.msk $0xffff, v9  }
0x3b0: {  	v52 =	vadd.s32 v3, v8;
	v51 =	vadd.f32 v42, v4;
	[tilespmem:v43+s24+$0x0] =	vst.idx.msk $0xffff, v49;
	v53 =	vld [tilespmem:s18+$0xFFFFFFF0]  }
0x3b1: {  	v55 =	vadd.s32 v3, v26;
	v56 =	vadd.f32 v47, v4;
	[tilespmem:v45+s24+$0x0] =	vst.idx.msk $0xffff, v5;
	v5 =	vld [tilespmem:s18+$0x30]  }
0x3b2: {  	v58 =	vadd.s32 v3, v27;
	[tilespmem:v46+s24+$0x0] =	vst.idx.msk $0xffff, v51;
	v54 =	vadd.f32 v21, v4;
	v57 =	vld [tilespmem:s18+$0xFFFFFFB0]  }
0x3b3: {  	v60 =	vadd.s32 v3, v30;
	v59 =	vadd.f32 v18, v4;
	[tilespmem:v50+s24+$0x0] =	vst.idx.msk $0xffff, v56  }
0x3b4: {  	v62 =	vadd.s32 v3, v13;
	[tilespmem:v48+s24+$0x0] =	vst.idx.msk $0xffff, v54;
	v61 =	vadd.f32 v12, v4  }
0x3b5: {  	[tilespmem:v52+s24+$0x0] =	vst.idx.msk $0xffff, v59;
	v63 =	vadd.f32 v53, v4  }
0x3b6: {  	s5 =	sshll.u32 s5, $0x12;
	[tilespmem:v55+s24+$0x0] =	vst.idx.msk $0xffff, v61;
	v5 =	vadd.f32 v5, v4  }
0x3b7: {  	s5 =	sor.u32 s8, s5;
	v4 =	vadd.f32 v57, v4;
	[tilespmem:v58+s24+$0x0] =	vst.idx.msk $0xffff, v63  }
0x3b8: {  	s5 =	sshrl.u32 s5, $0x3;
	[tilespmem:v60+s24+$0x0] =	vst.idx.msk $0xffff, v5  }
0x3b9: {  	s10 =	simm.s32 $0xC400;
	s9 =	sadd.s32 s2, s5;
	[tilespmem:v62+s24+$0x0] =	vst.idx.msk $0xffff, v4  }
0x3ba: {  	[hbm4b:s9+s3] =	stream.linear.scatter [tilespmem:s10], [sflag:$0x4], $0x80, $0x38;
	[tilespmem:$0x13A00] =	vst v63  }
0x3bb: {  	s11 =	simm.s32 $0xC488;
	s10 =	sadd.s32 $0x10, s9  }
0x3bc: {  	[hbm4b:s10+s3] =	stream.linear.scatter [tilespmem:s11], [sflag:$0x4], $0x80, $0x38;
	[tilespmem:$0x13A00] =	vst v63  }
0x3bd: {  	s17 =	sadd.s32 $0x20, s9;
	s16 =	simm.s32 $0xC510  }
0x3be: {  	[hbm4b:s17+s3] =	stream.linear.scatter [tilespmem:s16], [sflag:$0x4], $0x80, $0x38;
	[tilespmem:$0x13A00] =	vst v63  }
0x3bf: {  	s30 =	sadd.s32 $0x30, s9;
	s18 =	simm.s32 $0xC598  }
0x3c0: {  	[hbm4b:s30+s3] =	stream.linear.scatter [tilespmem:s18], [sflag:$0x4], $0x80, $0x38;
	[tilespmem:$0x13A00] =	vst v63  }
0x3c1: {  	s10 =	simm.s32 $0xC620;
	s11 =	sadd.s32 $0x40, s9  }
0x3c2: {  	[hbm4b:s11+s3] =	stream.linear.scatter [tilespmem:s10], [sflag:$0x4], $0x80, $0x38;
	[tilespmem:$0x13A00] =	vst v63  }
0x3c3: {  	s5 =	simm.s32 $0x440;
	s16 =	simm.s32 $0xC6A8;
	s17 =	sadd.s32 $0x50, s9  }
0x3c4: {  	[hbm4b:s17+s3] =	stream.linear.scatter [tilespmem:s16], [sflag:$0x4], $0x80, $0x38;
	[tilespmem:$0x13A00] =	vst v63  }
0x3c5: {  	s18 =	simm.s32 $0xC730;
	s30 =	sadd.s32 $0x60, s9;
	s16 =	simm.s32 $0x2200  }
0x3c6: {  	[hbm4b:s30+s3] =	stream.linear.scatter [tilespmem:s18], [sflag:$0x4], $0x80, $0x38;
	[tilespmem:$0x13A00] =	vst v63  }
0x3c7: {  	s17 =	simm.s32 $0xC7B8;
	s18 =	sadd.s32 $0x70, s9;
	s9 =	sadd.s32 $0x1000, s9  }
.LBB2_29:
0x3c8: {  	[hbm4b:s18+s3] =	stream.linear.scatter [tilespmem:s17], [sflag:$0x4], $0x80, $0x38;
	[tilespmem:$0x13A00] =	vst v63  }
0x3c9: {  	s10 =	smov.u32 s5;
	s5 =	smov.u32 s16  }
0x3ca: {  	s11 =	sadd.s32 $0x1100, s16;
	s5 =	sshra.s32 s5, $0x2;
	s17 =	sadd.s32 $0xC400, s10  }
0x3cb: {  	[hbm4b:s9+s3] =	stream.linear.scatter [tilespmem:s17], [sflag:$0x4], $0x80, $0x38;
	[tilespmem:$0x13A00] =	vst v63  }
0x3cc: {  	p0 =	sne.s32 s16, $0x7700;
	s16 =	sadd.s32 $0xC488, s10;
	s17 =	sadd.s32 $0x10, s9  }
0x3cd: {  	[hbm4b:s17+s3] =	stream.linear.scatter [tilespmem:s16], [sflag:$0x4], $0x80, $0x38;
	[tilespmem:$0x13A00] =	vst v63  }
0x3ce: {  	s16 =	sadd.s32 $0xC510, s10;
	s17 =	sadd.s32 $0x20, s9  }
0x3cf: {  	[hbm4b:s17+s3] =	stream.linear.scatter [tilespmem:s16], [sflag:$0x4], $0x80, $0x38;
	[tilespmem:$0x13A00] =	vst v63  }
0x3d0: {  	s16 =	sadd.s32 $0xC598, s10;
	s17 =	sadd.s32 $0x30, s9  }
0x3d1: {  	[hbm4b:s17+s3] =	stream.linear.scatter [tilespmem:s16], [sflag:$0x4], $0x80, $0x38;
	[tilespmem:$0x13A00] =	vst v63  }
0x3d2: {  	s16 =	sadd.s32 $0xC620, s10;
	s17 =	sadd.s32 $0x40, s9  }
0x3d3: {  	[hbm4b:s17+s3] =	stream.linear.scatter [tilespmem:s16], [sflag:$0x4], $0x80, $0x38;
	[tilespmem:$0x13A00] =	vst v63  }
.Ltmp13:
0x3d4: {  	s16 =	sadd.s32 $0xC6A8, s10;
	s17 =	sadd.s32 $0x50, s9;
	(pc) =	sbr.rel @p0 .LBB2_29-.Ltmp13, $4  }
0x3d5: {  	[hbm4b:s17+s3] =	stream.linear.scatter [tilespmem:s16], [sflag:$0x4], $0x80, $0x38;
	[tilespmem:$0x13A00] =	vst v63  }
0x3d6: {  	s18 =	sadd.s32 $0x70, s9;
	s16 =	sadd.s32 $0xC730, s10;
	s17 =	sadd.s32 $0x60, s9  }
0x3d7: {  	[hbm4b:s17+s3] =	stream.linear.scatter [tilespmem:s16], [sflag:$0x4], $0x80, $0x38;
	[tilespmem:$0x13A00] =	vst v63  }
0x3d8: {  	s9 =	sadd.s32 $0x1000, s9;
	s17 =	sadd.s32 $0xC7B8, s10;
	s16 =	smov.u32 s11  }
0x3d9: {  	[hbm4b:s18+s3] =	stream.linear.scatter [tilespmem:s17], [sflag:$0x4], $0x80, $0x38;
	[tilespmem:$0x13A00] =	vst v63  }
0x3da: {  	s10 =	sadd.s32 $0xC400, s5  }
0x3db: {  	[hbm4b:s9+s3] =	stream.linear.scatter [tilespmem:s10], [sflag:$0x4], $0x80, $0x38;
	[tilespmem:$0x13A00] =	vst v63  }
0x3dc: {  	s17 =	sadd.s32 $0xC488, s5;
	s11 =	sadd.s32 $0x10, s9  }
0x3dd: {  	[hbm4b:s11+s3] =	stream.linear.scatter [tilespmem:s17], [sflag:$0x4], $0x80, $0x38;
	[tilespmem:$0x13A00] =	vst v63  }
0x3de: {  	s18 =	sadd.s32 $0xC510, s5;
	s30 =	sadd.s32 $0x20, s9  }
0x3df: {  	[hbm4b:s30+s3] =	stream.linear.scatter [tilespmem:s18], [sflag:$0x4], $0x80, $0x38;
	[tilespmem:$0x13A00] =	vst v63  }
0x3e0: {  	s16 =	sadd.s32 $0xC598, s5;
	s17 =	sadd.s32 $0x30, s9  }
0x3e1: {  	[hbm4b:s17+s3] =	stream.linear.scatter [tilespmem:s16], [sflag:$0x4], $0x80, $0x38;
	[tilespmem:$0x13A00] =	vst v63  }
0x3e2: {  	s18 =	sadd.s32 $0xC620, s5;
	s30 =	sadd.s32 $0x40, s9  }
0x3e3: {  	[hbm4b:s30+s3] =	stream.linear.scatter [tilespmem:s18], [sflag:$0x4], $0x80, $0x38;
	[tilespmem:$0x13A00] =	vst v63  }
0x3e4: {  	s11 =	sadd.s32 $0xC6A8, s5;
	s16 =	sadd.s32 $0x50, s9  }
0x3e5: {  	[hbm4b:s16+s3] =	stream.linear.scatter [tilespmem:s11], [sflag:$0x4], $0x80, $0x38;
	[tilespmem:$0x13A00] =	vst v63  }
0x3e6: {  	s17 =	sadd.s32 $0xC730, s5;
	s18 =	sadd.s32 $0x60, s9;
	s11 =	smul.u32 $0xC00, s25  }
0x3e7: {  	[hbm4b:s18+s3] =	stream.linear.scatter [tilespmem:s17], [sflag:$0x4], $0x80, $0x38;
	[tilespmem:$0x13A00] =	vst v63  }
0x3e8: {  	s10 =	sadd.s32 $0x70, s9;
	s30 =	sadd.s32 $0xC7B8, s5;
	s5 =	sshra.s32 s11, $0x2  }
0x3e9: {  	[hbm4b:s10+s3] =	stream.linear.scatter [tilespmem:s30], [sflag:$0x4], $0x80, $0x38;
	[tilespmem:$0x13A00] =	vst v63  }
0x3ea: {  	s16 =	sadd.s32 $0x400, s5  }
0x3eb: {  	[tilespmem:s26], [sflag:$0x3] =	stream.indirect.gather [hbm4b:s4+s19], $0x40, s16, s19, $0xb8;
	[tilespmem:$0x13A00] =	vst v63  }
0x3ec: {  	_ =	swait.ge [sflag:s28], $0x2000  }
0x3ed: {  	[sflag:s28] =	ssyncset.done $0x0  }
0x3ee: {  	[sflag:s28] =	ssyncadd.s32 $0xFFFFE000  }
0x3ef: {  	_ =	swait.ge [sflag:s1], $0x2000  }
0x3f0: {  	s17 =	sshll.u32 s6, $0x6;
	[sflag:s1] =	ssyncset.done $0x0  }
0x3f1: {  	s18 =	sand.u32 $0x3FFFFFC0, s17;
	[sflag:s1] =	ssyncadd.s32 $0xFFFFE000  }
0x3f2: {  	s9 =	simm.s32 $0x8480;
	s30 =	simm.s32 $0x3;
	v9 =	vld [tilespmem:s18+$0x10800]  }
0x3f3: {  	v4 =	vmov s30;
	v7 =	vld [tilespmem:s9+$0x40]  }
0x3f4: {  	v13 =	vand.u32 $0x7F, v4  }
0x3f5: {  	s16 =	simm.s32 $0x0;
	v8 =	vadd.s32 v0, v13;
	v6 =	vld [tilespmem:s18+$0x10810]  }
0x3f6: {  	s17 =	simm.s32 $0x1;
	v4 =	vmov s16;
	s16 =	simm.s32 $0x2;
	v10 =	vld [tilespmem:s9+$0xFFFFFF80]  }
0x3f7: {  	v12 =	vand.u32 $0x7C, v4;
	v4 =	vmov s17;
	v14 =	vmov s16;
	v11 =	vld [tilespmem:s9+$0xFFFFFFC0]  }
0x3f8: {  	v15 =	vadd.s32 v0, v12;
	v19 =	vand.u32 $0x7D, v4;
	v16 =	vld [tilespmem:s9+$0x0];
	v7 =	vadd.f32 v7, v9  }
0x3f9: {  	v20 =	vand.u32 $0x7E, v14;
	v17 =	vadd.s32 v0, v19;
	v5 =	vld [tilespmem:s18+$0x10820]  }
0x3fa: {  	v14 =	vadd.s32 v0, v20;
	v4 =	vld [tilespmem:s18+$0x10830];
	[tilespmem:v8+s29+$0x0] =	vst.idx.msk $0xffff, v7  }
0x3fb: {  	v7 =	vadd.f32 v10, v9;
	v8 =	vld [tilespmem:s9+$0x50]  }
0x3fc: {  	v10 =	vadd.f32 v11, v9  }
0x3fd: {  	v11 =	vadd.s32 v1, v13;
	[tilespmem:v15+s29+$0x0] =	vst.idx.msk $0xffff, v7;
	v7 =	vadd.f32 v16, v9  }
0x3fe: {  	[tilespmem:v17+s29+$0x0] =	vst.idx.msk $0xffff, v10;
	v15 =	vld [tilespmem:s9+$0xFFFFFF90]  }
0x3ff: {  	v10 =	vld [tilespmem:s9+$0xFFFFFFD0];
	[tilespmem:v14+s29+$0x0] =	vst.idx.msk $0xffff, v7  }
0x400: {  	v14 =	vld [tilespmem:s9+$0x10];
	v7 =	vadd.f32 v8, v6  }
0x401: {  	s30 =	simm.s32 $0x7;
	s16 =	simm.s32 $0x8580;
	v16 =	vadd.s32 v1, v19  }
0x402: {  	v26 =	vadd.s32 v2, v13;
	s18 =	simm.s32 $0x4;
	v18 =	vld [tilespmem:s16+$0x40];
	v17 =	vadd.s32 v1, v20;
	[tilespmem:v11+s29+$0x0] =	vst.idx.msk $0xffff, v7;
	v7 =	vmov s30  }
0x403: {  	v21 =	vadd.s32 v1, v12;
	v8 =	vmov s18;
	v7 =	vand.u32 $0x7F, v7;
	v22 =	vld [tilespmem:s9+$0x60]  }
0x404: {  	s17 =	simm.s32 $0x5;
	v23 =	vld [tilespmem:s16+$0xFFFFFF80];
	v8 =	vand.u32 $0x7C, v8;
	v10 =	vadd.f32 v10, v6;
	v24 =	vadd.s32 v0, v7  }
0x405: {  	v25 =	vld [tilespmem:s16+$0xFFFFFFC0];
	s18 =	simm.s32 $0x6;
	v15 =	vadd.f32 v15, v6;
	v11 =	vadd.f32 v14, v6;
	v14 =	vmov s17  }
0x406: {  	v27 =	vadd.s32 v0, v8;
	[tilespmem:v16+s29+$0x0] =	vst.idx.msk $0xffff, v10;
	v16 =	vmov s18;
	v10 =	vand.u32 $0x7D, v14;
	v14 =	vld [tilespmem:s16+$0x0]  }
0x407: {  	[tilespmem:v17+s29+$0x0] =	vst.idx.msk $0xffff, v11;
	v17 =	vadd.s32 v0, v10;
	v11 =	vand.u32 $0x7E, v16;
	v16 =	vadd.f32 v18, v9;
	v18 =	vld [tilespmem:s9+$0xFFFFFFE0]  }
0x408: {  	[tilespmem:v21+s29+$0x0] =	vst.idx.msk $0xffff, v15;
	v15 =	vadd.s32 v0, v11;
	v21 =	vld [tilespmem:s9+$0x20];
	v22 =	vadd.f32 v22, v5  }
0x409: {  	v23 =	vadd.f32 v23, v9;
	[tilespmem:v24+s29+$0x0] =	vst.idx.msk $0xffff, v16;
	v16 =	vld [tilespmem:s9+$0xFFFFFFA0];
	v24 =	vadd.s32 v2, v19  }
0x40a: {  	v29 =	vadd.s32 v2, v20;
	v25 =	vadd.f32 v25, v9;
	v28 =	vld [tilespmem:s16+$0x50];
	[tilespmem:v26+s29+$0x0] =	vst.idx.msk $0xffff, v22  }
0x40b: {  	[tilespmem:v27+s29+$0x0] =	vst.idx.msk $0xffff, v23;
	v23 =	vadd.s32 v2, v12;
	v14 =	vadd.f32 v14, v9;
	v26 =	vld [tilespmem:s9+$0x70]  }
0x40c: {  	v27 =	vld [tilespmem:s16+$0xFFFFFF90];
	[tilespmem:v17+s29+$0x0] =	vst.idx.msk $0xffff, v25;
	v25 =	vadd.s32 v1, v7;
	v18 =	vadd.f32 v18, v5  }
0x40d: {  	v31 =	vadd.s32 v3, v13;
	v30 =	vld [tilespmem:s16+$0xFFFFFFD0];
	[tilespmem:v15+s29+$0x0] =	vst.idx.msk $0xffff, v14;
	v14 =	vadd.f32 v21, v5  }
0x40e: {  	v22 =	vadd.s32 v1, v8;
	v17 =	vld [tilespmem:s16+$0x10];
	v13 =	vadd.f32 v16, v5;
	[tilespmem:v24+s29+$0x0] =	vst.idx.msk $0xffff, v18  }
0x40f: {  	s17 =	simm.s32 $0x8;
	v21 =	vadd.s32 v1, v10;
	[tilespmem:v29+s29+$0x0] =	vst.idx.msk $0xffff, v14;
	v18 =	vadd.f32 v28, v6;
	v16 =	vld [tilespmem:s9+$0xFFFFFFF0]  }
0x410: {  	v24 =	vmov s17;
	v14 =	vadd.s32 v1, v11;
	v15 =	vld [tilespmem:s9+$0x30];
	[tilespmem:v23+s29+$0x0] =	vst.idx.msk $0xffff, v13;
	v63 =	vadd.f32 v26, v4  }
0x411: {  	s30 =	simm.s32 $0xB;
	s18 =	simm.s32 $0x8680;
	v19 =	vadd.s32 v3, v19;
	v13 =	vand.u32 $0x7C, v24;
	v24 =	vadd.f32 v27, v6;
	[tilespmem:v25+s29+$0x0] =	vst.idx.msk $0xffff, v18;
	v18 =	vld [tilespmem:s9+$0xFFFFFFB0]  }
0x412: {  	v20 =	vadd.s32 v3, v20;
	v26 =	vmov s30;
	v23 =	vld [tilespmem:s18+$0x40];
	s9 =	simm.s32 $0xC;
	v25 =	vadd.f32 v30, v6;
	[tilespmem:v31+s29+$0x0] =	vst.idx.msk $0xffff, v63  }
.LBB2_31:
0x413: {  	p0 =	slt.u32 s9, $0x7C;
	s10 =	sadd.s32 $0x1, s17;
	v26 =	vand.u32 $0x7F, v26;
	[tilespmem:v22+s29+$0x0] =	vst.idx.msk $0xffff, v24;
	v17 =	vadd.f32 v17, v6;
	v22 =	vld [tilespmem:s16+$0x60];
	v24 =	vadd.s32 v3, v12  }
0x414: {  	v30 =	vmovc v11;
	v27 =	vld [tilespmem:s18+$0xFFFFFF80];
	v28 =	vmov s10;
	s10 =	sadd.s32 $0x2, s17;
	v29 =	vadd.s32 v0, v26;
	[tilespmem:v21+s29+$0x0] =	vst.idx.msk $0xffff, v25;
	v16 =	vadd.f32 v16, v4;
	s17 =	smov.u32 s9  }
0x415: {  	v12 =	vmovc v8;
	v21 =	vld [tilespmem:s18+$0xFFFFFFC0];
	v11 =	vmov s10;
	[tilespmem:v14+s29+$0x0] =	vst.idx.msk $0xffff, v17;
	v14 =	vadd.s32 v2, v7;
	v15 =	vadd.f32 v15, v4  }
0x416: {  	v17 =	vadd.s32 v0, v13;
	v28 =	vand.u32 $0x7D, v28;
	v25 =	vld [tilespmem:s18+$0x0];
	v31 =	vadd.f32 v18, v4;
	[tilespmem:v19+s29+$0x0] =	vst.idx.msk $0xffff, v16  }
0x417: {  	v16 =	vadd.s32 v0, v28;
	v11 =	vand.u32 $0x7E, v11;
	v18 =	vadd.f32 v23, v9;
	v19 =	vld [tilespmem:s16+$0xFFFFFFE0];
	[tilespmem:v20+s29+$0x0] =	vst.idx.msk $0xffff, v15  }
0x418: {  	v8 =	vmov v13;
	v15 =	vadd.s32 v0, v11;
	v20 =	vld [tilespmem:s16+$0x20];
	v22 =	vadd.f32 v22, v5;
	[tilespmem:v24+s29+$0x0] =	vst.idx.msk $0xffff, v31  }
0x419: {  	v23 =	vadd.s32 v2, v10;
	v13 =	vadd.f32 v27, v9;
	[tilespmem:v29+s29+$0x0] =	vst.idx.msk $0xffff, v18;
	v18 =	vld [tilespmem:s16+$0xFFFFFFA0]  }
0x41a: {  	v27 =	vadd.s32 v2, v30;
	v21 =	vadd.f32 v21, v9;
	v24 =	vld [tilespmem:s18+$0x50];
	[tilespmem:v14+s29+$0x0] =	vst.idx.msk $0xffff, v22  }
0x41b: {  	[tilespmem:v17+s29+$0x0] =	vst.idx.msk $0xffff, v13;
	v13 =	vadd.f32 v25, v9;
	v25 =	vadd.s32 v2, v12;
	v29 =	vld [tilespmem:s16+$0x70]  }
0x41c: {  	v32 =	vadd.s32 v1, v26;
	v31 =	vld [tilespmem:s18+$0xFFFFFF90];
	[tilespmem:v16+s29+$0x0] =	vst.idx.msk $0xffff, v21;
	v14 =	vadd.f32 v19, v5  }
0x41d: {  	v34 =	vadd.s32 v3, v7;
	v7 =	vmov v26;
	v33 =	vld [tilespmem:s18+$0xFFFFFFD0];
	[tilespmem:v15+s29+$0x0] =	vst.idx.msk $0xffff, v13;
	v13 =	vadd.f32 v20, v5  }
.Ltmp14:
0x41e: {  	v22 =	vadd.s32 v1, v8;
	v17 =	vld [tilespmem:s18+$0x10];
	v15 =	vadd.f32 v18, v5;
	[tilespmem:v23+s29+$0x0] =	vst.idx.msk $0xffff, v14;
	(pc) =	sbr.rel @p0 .LBB2_31-.Ltmp14, $4  }
0x41f: {  	v21 =	vadd.s32 v1, v28;
	v18 =	vadd.f32 v24, v6;
	v16 =	vld [tilespmem:s16+$0xFFFFFFF0];
	[tilespmem:v27+s29+$0x0] =	vst.idx.msk $0xffff, v13  }
0x420: {  	v14 =	vadd.s32 v1, v11;
	v13 =	vmov s9;
	[tilespmem:v25+s29+$0x0] =	vst.idx.msk $0xffff, v15;
	v15 =	vld [tilespmem:s16+$0x30];
	v27 =	vadd.f32 v29, v4  }
0x421: {  	s10 =	sadd.s32 $0x3, s9;
	v19 =	vadd.s32 v3, v10;
	v13 =	vand.u32 $0x7C, v13;
	v24 =	vadd.f32 v31, v6;
	[tilespmem:v32+s29+$0x0] =	vst.idx.msk $0xffff, v18;
	v18 =	vld [tilespmem:s16+$0xFFFFFFB0];
	s16 =	smov.u32 s18;
	s18 =	sadd.s32 $0x100, s18  }
0x422: {  	v26 =	vmov s10;
	v10 =	vmovc v28;
	v20 =	vadd.s32 v3, v30;
	s9 =	sadd.s32 $0x4, s9;
	v23 =	vld [tilespmem:s18+$0x40];
	v25 =	vadd.f32 v33, v6;
	[tilespmem:v34+s29+$0x0] =	vst.idx.msk $0xffff, v27  }
0x423: {  	s9 =	sadd.s32 $0x1, s17  }
0x424: {  	v26 =	vand.u32 $0x7F, v26;
	s30 =	sadd.s32 $0x2, s17;
	v28 =	vld [tilespmem:s18+$0xFFFFFFC0];
	v27 =	vmov s9  }
0x425: {  	v31 =	vld [tilespmem:s18+$0x0];
	v29 =	vadd.s32 v0, v26;
	v30 =	vmov s30;
	v27 =	vand.u32 $0x7D, v27  }
0x426: {  	v32 =	vld [tilespmem:s18+$0xFFFFFF80];
	v30 =	vand.u32 $0x7E, v30;
	v33 =	vadd.s32 v0, v27  }
0x427: {  	v34 =	vadd.s32 v0, v30  }
0x428: {  	[tilespmem:v22+s29+$0x0] =	vst.idx.msk $0xffff, v24;
	v44 =	vadd.s32 v0, v13;
	v23 =	vadd.f32 v23, v9  }
0x429: {  	[tilespmem:v21+s29+$0x0] =	vst.idx.msk $0xffff, v25;
	v45 =	vadd.f32 v28, v9  }
0x42a: {  	v46 =	vadd.f32 v31, v9;
	[tilespmem:v29+s29+$0x0] =	vst.idx.msk $0xffff, v23  }
0x42b: {  	v47 =	vadd.f32 v32, v9;
	v48 =	vld [tilespmem:s18+$0x50];
	[tilespmem:v33+s29+$0x0] =	vst.idx.msk $0xffff, v45  }
0x42c: {  	v17 =	vadd.f32 v17, v6;
	v12 =	vadd.s32 v3, v12;
	[tilespmem:v34+s29+$0x0] =	vst.idx.msk $0xffff, v46;
	v21 =	vld [tilespmem:s18+$0xFFFFFFD0]  }
0x42d: {  	v16 =	vadd.f32 v16, v4;
	v49 =	vadd.s32 v1, v26;
	[tilespmem:v44+s29+$0x0] =	vst.idx.msk $0xffff, v47;
	v50 =	vld [tilespmem:s18+$0x10]  }
0x42e: {  	[tilespmem:v14+s29+$0x0] =	vst.idx.msk $0xffff, v17;
	v51 =	vadd.f32 v15, v4;
	v53 =	vadd.s32 v1, v27;
	v52 =	vld [tilespmem:s18+$0xFFFFFF90]  }
0x42f: {  	v54 =	vld [tilespmem:s16+$0x60];
	v18 =	vadd.f32 v18, v4;
	[tilespmem:v19+s29+$0x0] =	vst.idx.msk $0xffff, v16;
	v55 =	vadd.s32 v1, v30  }
0x430: {  	v57 =	vadd.s32 v1, v13;
	v60 =	vld [tilespmem:s16+$0x20];
	[tilespmem:v20+s29+$0x0] =	vst.idx.msk $0xffff, v51;
	v58 =	vadd.f32 v48, v6  }
0x431: {  	v59 =	vadd.s32 v2, v7;
	v56 =	vld [tilespmem:s16+$0xFFFFFFE0];
	[tilespmem:v12+s29+$0x0] =	vst.idx.msk $0xffff, v18;
	v61 =	vadd.f32 v21, v6  }
0x432: {  	v62 =	vld [tilespmem:s16+$0xFFFFFFA0];
	v29 =	vadd.s32 v2, v11;
	[tilespmem:v49+s29+$0x0] =	vst.idx.msk $0xffff, v58;
	v28 =	vadd.f32 v50, v6  }
0x433: {  	v63 =	vadd.s32 v2, v10;
	v31 =	vadd.f32 v52, v6;
	v32 =	vld [tilespmem:s18+$0x60];
	[tilespmem:v53+s29+$0x0] =	vst.idx.msk $0xffff, v61  }
0x434: {  	v33 =	vadd.f32 v54, v5;
	v34 =	vadd.s32 v2, v8;
	[tilespmem:v55+s29+$0x0] =	vst.idx.msk $0xffff, v28;
	v35 =	vld [tilespmem:s18+$0xFFFFFFE0]  }
0x435: {  	v37 =	vadd.s32 v2, v26;
	v39 =	vadd.f32 v60, v5;
	[tilespmem:v57+s29+$0x0] =	vst.idx.msk $0xffff, v31;
	v38 =	vld [tilespmem:s18+$0x20]  }
0x436: {  	v41 =	vadd.s32 v2, v27;
	v36 =	vadd.f32 v56, v5;
	[tilespmem:v59+s29+$0x0] =	vst.idx.msk $0xffff, v33;
	v40 =	vld [tilespmem:s18+$0xFFFFFFA0]  }
0x437: {  	v43 =	vadd.s32 v2, v30;
	v18 =	vadd.f32 v62, v5;
	v42 =	vld [tilespmem:s16+$0x70];
	[tilespmem:v29+s29+$0x0] =	vst.idx.msk $0xffff, v39  }
0x438: {  	v45 =	vadd.s32 v2, v13;
	[tilespmem:v63+s29+$0x0] =	vst.idx.msk $0xffff, v36;
	v47 =	vld [tilespmem:s16+$0x30];
	v44 =	vadd.f32 v32, v5  }
0x439: {  	v46 =	vadd.s32 v3, v7;
	[tilespmem:v34+s29+$0x0] =	vst.idx.msk $0xffff, v18;
	v21 =	vld [tilespmem:s16+$0xFFFFFFF0];
	v9 =	vadd.f32 v35, v5  }
0x43a: {  	v18 =	vld [tilespmem:s16+$0xFFFFFFB0];
	v50 =	vadd.s32 v3, v11;
	[tilespmem:v37+s29+$0x0] =	vst.idx.msk $0xffff, v44;
	v49 =	vadd.f32 v38, v5  }
0x43b: {  	v48 =	vadd.s32 v3, v10;
	v5 =	vadd.f32 v40, v5;
	v12 =	vld [tilespmem:s18+$0x70];
	[tilespmem:v41+s29+$0x0] =	vst.idx.msk $0xffff, v9  }
0x43c: {  	v52 =	vadd.s32 v3, v8;
	v51 =	vadd.f32 v42, v4;
	[tilespmem:v43+s29+$0x0] =	vst.idx.msk $0xffff, v49;
	v53 =	vld [tilespmem:s18+$0xFFFFFFF0]  }
0x43d: {  	v55 =	vadd.s32 v3, v26;
	v56 =	vadd.f32 v47, v4;
	[tilespmem:v45+s29+$0x0] =	vst.idx.msk $0xffff, v5;
	v5 =	vld [tilespmem:s18+$0x30]  }
0x43e: {  	v58 =	vadd.s32 v3, v27;
	[tilespmem:v46+s29+$0x0] =	vst.idx.msk $0xffff, v51;
	v54 =	vadd.f32 v21, v4;
	v57 =	vld [tilespmem:s18+$0xFFFFFFB0]  }
0x43f: {  	v60 =	vadd.s32 v3, v30;
	v59 =	vadd.f32 v18, v4;
	[tilespmem:v50+s29+$0x0] =	vst.idx.msk $0xffff, v56  }
0x440: {  	v62 =	vadd.s32 v3, v13;
	[tilespmem:v48+s29+$0x0] =	vst.idx.msk $0xffff, v54;
	v61 =	vadd.f32 v12, v4  }
0x441: {  	[tilespmem:v52+s29+$0x0] =	vst.idx.msk $0xffff, v59;
	v63 =	vadd.f32 v53, v4  }
0x442: {  	s6 =	sshll.u32 s6, $0x12;
	[tilespmem:v55+s29+$0x0] =	vst.idx.msk $0xffff, v61;
	v5 =	vadd.f32 v5, v4  }
0x443: {  	s6 =	sor.u32 s8, s6;
	v4 =	vadd.f32 v57, v4;
	[tilespmem:v58+s29+$0x0] =	vst.idx.msk $0xffff, v63  }
0x444: {  	s6 =	sshrl.u32 s6, $0x3;
	[tilespmem:v60+s29+$0x0] =	vst.idx.msk $0xffff, v5  }
0x445: {  	s10 =	simm.s32 $0xE600;
	s9 =	sadd.s32 s2, s6;
	[tilespmem:v62+s29+$0x0] =	vst.idx.msk $0xffff, v4  }
0x446: {  	[hbm4b:s9+s3] =	stream.linear.scatter [tilespmem:s10], [sflag:$0x5], $0x80, $0x38;
	[tilespmem:$0x13A00] =	vst v63  }
0x447: {  	s11 =	simm.s32 $0xE688;
	s10 =	sadd.s32 $0x10, s9  }
0x448: {  	[hbm4b:s10+s3] =	stream.linear.scatter [tilespmem:s11], [sflag:$0x5], $0x80, $0x38;
	[tilespmem:$0x13A00] =	vst v63  }
0x449: {  	s17 =	sadd.s32 $0x20, s9;
	s16 =	simm.s32 $0xE710  }
0x44a: {  	[hbm4b:s17+s3] =	stream.linear.scatter [tilespmem:s16], [sflag:$0x5], $0x80, $0x38;
	[tilespmem:$0x13A00] =	vst v63  }
0x44b: {  	s30 =	sadd.s32 $0x30, s9;
	s18 =	simm.s32 $0xE798  }
0x44c: {  	[hbm4b:s30+s3] =	stream.linear.scatter [tilespmem:s18], [sflag:$0x5], $0x80, $0x38;
	[tilespmem:$0x13A00] =	vst v63  }
0x44d: {  	s10 =	simm.s32 $0xE820;
	s11 =	sadd.s32 $0x40, s9  }
0x44e: {  	[hbm4b:s11+s3] =	stream.linear.scatter [tilespmem:s10], [sflag:$0x5], $0x80, $0x38;
	[tilespmem:$0x13A00] =	vst v63  }
0x44f: {  	s6 =	simm.s32 $0x440;
	s16 =	simm.s32 $0xE8A8;
	s17 =	sadd.s32 $0x50, s9  }
0x450: {  	[hbm4b:s17+s3] =	stream.linear.scatter [tilespmem:s16], [sflag:$0x5], $0x80, $0x38;
	[tilespmem:$0x13A00] =	vst v63  }
0x451: {  	s18 =	simm.s32 $0xE930;
	s30 =	sadd.s32 $0x60, s9;
	s16 =	simm.s32 $0x2200  }
0x452: {  	[hbm4b:s30+s3] =	stream.linear.scatter [tilespmem:s18], [sflag:$0x5], $0x80, $0x38;
	[tilespmem:$0x13A00] =	vst v63  }
0x453: {  	s17 =	simm.s32 $0xE9B8;
	s18 =	sadd.s32 $0x70, s9;
	s9 =	sadd.s32 $0x1000, s9  }
.LBB2_33:
0x454: {  	[hbm4b:s18+s3] =	stream.linear.scatter [tilespmem:s17], [sflag:$0x5], $0x80, $0x38;
	[tilespmem:$0x13A00] =	vst v63  }
0x455: {  	s10 =	smov.u32 s6;
	s6 =	smov.u32 s16  }
0x456: {  	s11 =	sadd.s32 $0x1100, s16;
	s6 =	sshra.s32 s6, $0x2;
	s17 =	sadd.s32 $0xE600, s10  }
0x457: {  	[hbm4b:s9+s3] =	stream.linear.scatter [tilespmem:s17], [sflag:$0x5], $0x80, $0x38;
	[tilespmem:$0x13A00] =	vst v63  }
0x458: {  	p0 =	sne.s32 s16, $0x7700;
	s16 =	sadd.s32 $0xE688, s10;
	s17 =	sadd.s32 $0x10, s9  }
0x459: {  	[hbm4b:s17+s3] =	stream.linear.scatter [tilespmem:s16], [sflag:$0x5], $0x80, $0x38;
	[tilespmem:$0x13A00] =	vst v63  }
0x45a: {  	s16 =	sadd.s32 $0xE710, s10;
	s17 =	sadd.s32 $0x20, s9  }
0x45b: {  	[hbm4b:s17+s3] =	stream.linear.scatter [tilespmem:s16], [sflag:$0x5], $0x80, $0x38;
	[tilespmem:$0x13A00] =	vst v63  }
0x45c: {  	s16 =	sadd.s32 $0xE798, s10;
	s17 =	sadd.s32 $0x30, s9  }
0x45d: {  	[hbm4b:s17+s3] =	stream.linear.scatter [tilespmem:s16], [sflag:$0x5], $0x80, $0x38;
	[tilespmem:$0x13A00] =	vst v63  }
0x45e: {  	s16 =	sadd.s32 $0xE820, s10;
	s17 =	sadd.s32 $0x40, s9  }
0x45f: {  	[hbm4b:s17+s3] =	stream.linear.scatter [tilespmem:s16], [sflag:$0x5], $0x80, $0x38;
	[tilespmem:$0x13A00] =	vst v63  }
.Ltmp15:
0x460: {  	s16 =	sadd.s32 $0xE8A8, s10;
	s17 =	sadd.s32 $0x50, s9;
	(pc) =	sbr.rel @p0 .LBB2_33-.Ltmp15, $4  }
0x461: {  	[hbm4b:s17+s3] =	stream.linear.scatter [tilespmem:s16], [sflag:$0x5], $0x80, $0x38;
	[tilespmem:$0x13A00] =	vst v63  }
0x462: {  	s18 =	sadd.s32 $0x70, s9;
	s16 =	sadd.s32 $0xE930, s10;
	s17 =	sadd.s32 $0x60, s9  }
0x463: {  	[hbm4b:s17+s3] =	stream.linear.scatter [tilespmem:s16], [sflag:$0x5], $0x80, $0x38;
	[tilespmem:$0x13A00] =	vst v63  }
0x464: {  	s9 =	sadd.s32 $0x1000, s9;
	s17 =	sadd.s32 $0xE9B8, s10;
	s16 =	smov.u32 s11  }
0x465: {  	[hbm4b:s18+s3] =	stream.linear.scatter [tilespmem:s17], [sflag:$0x5], $0x80, $0x38;
	[tilespmem:$0x13A00] =	vst v63  }
0x466: {  	s10 =	sadd.s32 $0xE600, s6  }
0x467: {  	[hbm4b:s9+s3] =	stream.linear.scatter [tilespmem:s10], [sflag:$0x5], $0x80, $0x38;
	[tilespmem:$0x13A00] =	vst v63  }
0x468: {  	s30 =	sadd.s32 $0xE688, s6;
	s11 =	sadd.s32 $0x10, s9  }
0x469: {  	[hbm4b:s11+s3] =	stream.linear.scatter [tilespmem:s30], [sflag:$0x5], $0x80, $0x38;
	[tilespmem:$0x13A00] =	vst v63  }
0x46a: {  	s16 =	sadd.s32 $0xE710, s6;
	s17 =	sadd.s32 $0x20, s9  }
0x46b: {  	[hbm4b:s17+s3] =	stream.linear.scatter [tilespmem:s16], [sflag:$0x5], $0x80, $0x38;
	[tilespmem:$0x13A00] =	vst v63  }
0x46c: {  	s18 =	sadd.s32 $0xE798, s6;
	s30 =	sadd.s32 $0x30, s9  }
0x46d: {  	[hbm4b:s30+s3] =	stream.linear.scatter [tilespmem:s18], [sflag:$0x5], $0x80, $0x38;
	[tilespmem:$0x13A00] =	vst v63  }
0x46e: {  	s16 =	sadd.s32 $0xE820, s6;
	s17 =	sadd.s32 $0x40, s9  }
0x46f: {  	[hbm4b:s17+s3] =	stream.linear.scatter [tilespmem:s16], [sflag:$0x5], $0x80, $0x38;
	[tilespmem:$0x13A00] =	vst v63  }
0x470: {  	s25 =	sadd.s32 $0x1, s25;
	s18 =	sadd.s32 $0xE8A8, s6;
	s30 =	sadd.s32 $0x50, s9  }
0x471: {  	[hbm4b:s30+s3] =	stream.linear.scatter [tilespmem:s18], [sflag:$0x5], $0x80, $0x38;
	[tilespmem:$0x13A00] =	vst v63  }
0x472: {  	p0 =	sne.s32 s25, $0x20;
	s16 =	sadd.s32 $0xE930, s6;
	s17 =	sadd.s32 $0x60, s9  }
0x473: {  	[hbm4b:s17+s3] =	stream.linear.scatter [tilespmem:s16], [sflag:$0x5], $0x80, $0x38;
	[tilespmem:$0x13A00] =	vst v63  }
.Ltmp16:
0x474: {  	_ = 	snop;
	(pc) =	sbr.rel @p0 .LBB2_10-.Ltmp16, $4  }
0x475: {  	s18 =	sadd.s32 $0xE9B8, s6;
	s30 =	sadd.s32 $0x70, s9  }
0x476: {  	[hbm4b:s30+s3] =	stream.linear.scatter [tilespmem:s18], [sflag:$0x5], $0x80, $0x38;
	[tilespmem:$0x13A00] =	vst v63  }
0x477: {  	s5 =	sadd.s32 $0x480, s5  }
0x478: {  	[tilespmem:s21], [sflag:$0x1] =	stream.indirect.gather [hbm4b:s4+s19], $0x40, s5, s19, $0xb8;
	[tilespmem:$0x13A00] =	vst v63  }
0x479: {  	_ =	swait.ge [sflag:s31], $0x2000  }
0x47a: {  	[sflag:s31] =	ssyncset.done $0x0  }
0x47b: {  	[sflag:s31] =	ssyncadd.s32 $0xFFFFE000  }
0x47c: {  	_ =	swait.ge [sflag:s0], $0x2000  }
0x47d: {  	[sflag:s0] =	ssyncset.done $0x0  }
0x47e: {  	[sflag:s0] =	ssyncadd.s32 $0xFFFFE000  }
0x47f: {  	s9 =	simm.s32 $0xA480;
	s5 =	simm.s32 $0x3;
	v9 =	vld [tilespmem:$0x13880]  }
0x480: {  	v4 =	vmov s5;
	v7 =	vld [tilespmem:s9+$0x40]  }
0x481: {  	v13 =	vand.u32 $0x7F, v4  }
0x482: {  	s11 =	simm.s32 $0x0;
	v8 =	vadd.s32 v0, v13;
	v6 =	vld [tilespmem:$0x13890]  }
0x483: {  	s16 =	simm.s32 $0x1;
	s6 =	simm.s32 $0x2;
	v4 =	vmov s11;
	v10 =	vld [tilespmem:s9+$0xFFFFFF80]  }
0x484: {  	v14 =	vmov s6;
	v12 =	vand.u32 $0x7C, v4;
	v4 =	vmov s16;
	v11 =	vld [tilespmem:s9+$0xFFFFFFC0]  }
0x485: {  	v15 =	vadd.s32 v0, v12;
	v19 =	vand.u32 $0x7D, v4;
	v16 =	vld [tilespmem:s9+$0x0];
	v7 =	vadd.f32 v7, v9  }
0x486: {  	v20 =	vand.u32 $0x7E, v14;
	v17 =	vadd.s32 v0, v19;
	v5 =	vld [tilespmem:$0x138A0]  }
0x487: {  	v14 =	vadd.s32 v0, v20;
	v4 =	vld [tilespmem:$0x138B0];
	[tilespmem:v8+s24+$0x0] =	vst.idx.msk $0xffff, v7  }
0x488: {  	v7 =	vadd.f32 v10, v9;
	v8 =	vld [tilespmem:s9+$0x50]  }
0x489: {  	v10 =	vadd.f32 v11, v9  }
0x48a: {  	v11 =	vadd.s32 v1, v13;
	[tilespmem:v15+s24+$0x0] =	vst.idx.msk $0xffff, v7;
	v7 =	vadd.f32 v16, v9  }
0x48b: {  	[tilespmem:v17+s24+$0x0] =	vst.idx.msk $0xffff, v10;
	v15 =	vld [tilespmem:s9+$0xFFFFFF90]  }
0x48c: {  	v10 =	vld [tilespmem:s9+$0xFFFFFFD0];
	[tilespmem:v14+s24+$0x0] =	vst.idx.msk $0xffff, v7  }
0x48d: {  	v14 =	vld [tilespmem:s9+$0x10];
	v7 =	vadd.f32 v8, v6  }
0x48e: {  	s10 =	simm.s32 $0x7;
	s5 =	simm.s32 $0xA580;
	v16 =	vadd.s32 v1, v19  }
0x48f: {  	s17 =	simm.s32 $0x4;
	v26 =	vadd.s32 v2, v13;
	v18 =	vld [tilespmem:s5+$0x40];
	v17 =	vadd.s32 v1, v20;
	[tilespmem:v11+s24+$0x0] =	vst.idx.msk $0xffff, v7;
	v7 =	vmov s10  }
0x490: {  	v21 =	vadd.s32 v1, v12;
	v8 =	vmov s17;
	v7 =	vand.u32 $0x7F, v7;
	v22 =	vld [tilespmem:s9+$0x60]  }
0x491: {  	s18 =	simm.s32 $0x5;
	v23 =	vld [tilespmem:s5+$0xFFFFFF80];
	v8 =	vand.u32 $0x7C, v8;
	v10 =	vadd.f32 v10, v6;
	v24 =	vadd.s32 v0, v7  }
0x492: {  	s25 =	simm.s32 $0x6;
	v25 =	vld [tilespmem:s5+$0xFFFFFFC0];
	v15 =	vadd.f32 v15, v6;
	v11 =	vadd.f32 v14, v6;
	v14 =	vmov s18  }
0x493: {  	v27 =	vadd.s32 v0, v8;
	[tilespmem:v16+s24+$0x0] =	vst.idx.msk $0xffff, v10;
	v16 =	vmov s25;
	v10 =	vand.u32 $0x7D, v14;
	v14 =	vld [tilespmem:s5+$0x0]  }
0x494: {  	[tilespmem:v17+s24+$0x0] =	vst.idx.msk $0xffff, v11;
	v17 =	vadd.s32 v0, v10;
	v11 =	vand.u32 $0x7E, v16;
	v16 =	vadd.f32 v18, v9;
	v18 =	vld [tilespmem:s9+$0xFFFFFFE0]  }
0x495: {  	[tilespmem:v21+s24+$0x0] =	vst.idx.msk $0xffff, v15;
	v15 =	vadd.s32 v0, v11;
	v21 =	vld [tilespmem:s9+$0x20];
	v22 =	vadd.f32 v22, v5  }
0x496: {  	v23 =	vadd.f32 v23, v9;
	[tilespmem:v24+s24+$0x0] =	vst.idx.msk $0xffff, v16;
	v16 =	vld [tilespmem:s9+$0xFFFFFFA0];
	v24 =	vadd.s32 v2, v19  }
0x497: {  	v29 =	vadd.s32 v2, v20;
	v25 =	vadd.f32 v25, v9;
	v28 =	vld [tilespmem:s5+$0x50];
	[tilespmem:v26+s24+$0x0] =	vst.idx.msk $0xffff, v22  }
0x498: {  	[tilespmem:v27+s24+$0x0] =	vst.idx.msk $0xffff, v23;
	v23 =	vadd.s32 v2, v12;
	v14 =	vadd.f32 v14, v9;
	v26 =	vld [tilespmem:s9+$0x70]  }
0x499: {  	v27 =	vld [tilespmem:s5+$0xFFFFFF90];
	[tilespmem:v17+s24+$0x0] =	vst.idx.msk $0xffff, v25;
	v25 =	vadd.s32 v1, v7;
	v18 =	vadd.f32 v18, v5  }
0x49a: {  	v31 =	vadd.s32 v3, v13;
	v30 =	vld [tilespmem:s5+$0xFFFFFFD0];
	[tilespmem:v15+s24+$0x0] =	vst.idx.msk $0xffff, v14;
	v14 =	vadd.f32 v21, v5  }
0x49b: {  	v22 =	vadd.s32 v1, v8;
	v17 =	vld [tilespmem:s5+$0x10];
	v13 =	vadd.f32 v16, v5;
	[tilespmem:v24+s24+$0x0] =	vst.idx.msk $0xffff, v18  }
0x49c: {  	s16 =	simm.s32 $0x8;
	v21 =	vadd.s32 v1, v10;
	[tilespmem:v29+s24+$0x0] =	vst.idx.msk $0xffff, v14;
	v18 =	vadd.f32 v28, v6;
	v16 =	vld [tilespmem:s9+$0xFFFFFFF0]  }
0x49d: {  	v24 =	vmov s16;
	v14 =	vadd.s32 v1, v11;
	v15 =	vld [tilespmem:s9+$0x30];
	[tilespmem:v23+s24+$0x0] =	vst.idx.msk $0xffff, v13;
	v63 =	vadd.f32 v26, v4  }
0x49e: {  	s30 =	simm.s32 $0xB;
	s6 =	simm.s32 $0xA680;
	v19 =	vadd.s32 v3, v19;
	v13 =	vand.u32 $0x7C, v24;
	v24 =	vadd.f32 v27, v6;
	[tilespmem:v25+s24+$0x0] =	vst.idx.msk $0xffff, v18;
	v18 =	vld [tilespmem:s9+$0xFFFFFFB0]  }
0x49f: {  	v20 =	vadd.s32 v3, v20;
	v26 =	vmov s30;
	v23 =	vld [tilespmem:s6+$0x40];
	s9 =	simm.s32 $0xC;
	v25 =	vadd.f32 v30, v6;
	[tilespmem:v31+s24+$0x0] =	vst.idx.msk $0xffff, v63  }
.LBB2_36:
0x4a0: {  	p0 =	slt.u32 s9, $0x7C;
	s10 =	sadd.s32 $0x1, s16;
	v26 =	vand.u32 $0x7F, v26;
	[tilespmem:v22+s24+$0x0] =	vst.idx.msk $0xffff, v24;
	v17 =	vadd.f32 v17, v6;
	v22 =	vld [tilespmem:s5+$0x60];
	v24 =	vadd.s32 v3, v12  }
0x4a1: {  	v30 =	vmovc v11;
	v27 =	vld [tilespmem:s6+$0xFFFFFF80];
	v28 =	vmov s10;
	s10 =	sadd.s32 $0x2, s16;
	v29 =	vadd.s32 v0, v26;
	[tilespmem:v21+s24+$0x0] =	vst.idx.msk $0xffff, v25;
	v16 =	vadd.f32 v16, v4;
	s16 =	smov.u32 s9  }
0x4a2: {  	v12 =	vmovc v8;
	v21 =	vld [tilespmem:s6+$0xFFFFFFC0];
	v11 =	vmov s10;
	[tilespmem:v14+s24+$0x0] =	vst.idx.msk $0xffff, v17;
	v14 =	vadd.s32 v2, v7;
	v15 =	vadd.f32 v15, v4  }
0x4a3: {  	v17 =	vadd.s32 v0, v13;
	v28 =	vand.u32 $0x7D, v28;
	v25 =	vld [tilespmem:s6+$0x0];
	v31 =	vadd.f32 v18, v4;
	[tilespmem:v19+s24+$0x0] =	vst.idx.msk $0xffff, v16  }
0x4a4: {  	v16 =	vadd.s32 v0, v28;
	v11 =	vand.u32 $0x7E, v11;
	v18 =	vadd.f32 v23, v9;
	v19 =	vld [tilespmem:s5+$0xFFFFFFE0];
	[tilespmem:v20+s24+$0x0] =	vst.idx.msk $0xffff, v15  }
0x4a5: {  	v8 =	vmov v13;
	v15 =	vadd.s32 v0, v11;
	v20 =	vld [tilespmem:s5+$0x20];
	v22 =	vadd.f32 v22, v5;
	[tilespmem:v24+s24+$0x0] =	vst.idx.msk $0xffff, v31  }
0x4a6: {  	v23 =	vadd.s32 v2, v10;
	v13 =	vadd.f32 v27, v9;
	[tilespmem:v29+s24+$0x0] =	vst.idx.msk $0xffff, v18;
	v18 =	vld [tilespmem:s5+$0xFFFFFFA0]  }
0x4a7: {  	v27 =	vadd.s32 v2, v30;
	v21 =	vadd.f32 v21, v9;
	v24 =	vld [tilespmem:s6+$0x50];
	[tilespmem:v14+s24+$0x0] =	vst.idx.msk $0xffff, v22  }
0x4a8: {  	[tilespmem:v17+s24+$0x0] =	vst.idx.msk $0xffff, v13;
	v13 =	vadd.f32 v25, v9;
	v25 =	vadd.s32 v2, v12;
	v29 =	vld [tilespmem:s5+$0x70]  }
0x4a9: {  	v32 =	vadd.s32 v1, v26;
	v31 =	vld [tilespmem:s6+$0xFFFFFF90];
	[tilespmem:v16+s24+$0x0] =	vst.idx.msk $0xffff, v21;
	v14 =	vadd.f32 v19, v5  }
0x4aa: {  	v34 =	vadd.s32 v3, v7;
	v7 =	vmov v26;
	v33 =	vld [tilespmem:s6+$0xFFFFFFD0];
	[tilespmem:v15+s24+$0x0] =	vst.idx.msk $0xffff, v13;
	v13 =	vadd.f32 v20, v5  }
.Ltmp17:
0x4ab: {  	v22 =	vadd.s32 v1, v8;
	v17 =	vld [tilespmem:s6+$0x10];
	v15 =	vadd.f32 v18, v5;
	[tilespmem:v23+s24+$0x0] =	vst.idx.msk $0xffff, v14;
	(pc) =	sbr.rel @p0 .LBB2_36-.Ltmp17, $4  }
0x4ac: {  	v21 =	vadd.s32 v1, v28;
	v18 =	vadd.f32 v24, v6;
	v16 =	vld [tilespmem:s5+$0xFFFFFFF0];
	[tilespmem:v27+s24+$0x0] =	vst.idx.msk $0xffff, v13  }
0x4ad: {  	v14 =	vadd.s32 v1, v11;
	v13 =	vmov s9;
	[tilespmem:v25+s24+$0x0] =	vst.idx.msk $0xffff, v15;
	v15 =	vld [tilespmem:s5+$0x30];
	v27 =	vadd.f32 v29, v4  }
0x4ae: {  	s10 =	sadd.s32 $0x3, s9;
	v19 =	vadd.s32 v3, v10;
	v13 =	vand.u32 $0x7C, v13;
	v24 =	vadd.f32 v31, v6;
	[tilespmem:v32+s24+$0x0] =	vst.idx.msk $0xffff, v18;
	v18 =	vld [tilespmem:s5+$0xFFFFFFB0];
	s5 =	smov.u32 s6;
	s6 =	sadd.s32 $0x100, s6  }
0x4af: {  	v26 =	vmov s10;
	v10 =	vmovc v28;
	v20 =	vadd.s32 v3, v30;
	s9 =	sadd.s32 $0x4, s9;
	v23 =	vld [tilespmem:s6+$0x40];
	v25 =	vadd.f32 v33, v6;
	[tilespmem:v34+s24+$0x0] =	vst.idx.msk $0xffff, v27  }
0x4b0: {  	s9 =	sadd.s32 $0x1, s16  }
0x4b1: {  	v26 =	vand.u32 $0x7F, v26;
	s11 =	sadd.s32 $0x2, s16;
	v28 =	vld [tilespmem:s6+$0xFFFFFFC0];
	v27 =	vmov s9  }
0x4b2: {  	v31 =	vld [tilespmem:s6+$0x0];
	v29 =	vadd.s32 v0, v26;
	v30 =	vmov s11;
	v27 =	vand.u32 $0x7D, v27  }
0x4b3: {  	v32 =	vld [tilespmem:s6+$0xFFFFFF80];
	v30 =	vand.u32 $0x7E, v30;
	v33 =	vadd.s32 v0, v27  }
0x4b4: {  	v34 =	vadd.s32 v0, v30  }
0x4b5: {  	[tilespmem:v22+s24+$0x0] =	vst.idx.msk $0xffff, v24;
	v44 =	vadd.s32 v0, v13;
	v23 =	vadd.f32 v23, v9  }
0x4b6: {  	[tilespmem:v21+s24+$0x0] =	vst.idx.msk $0xffff, v25;
	v45 =	vadd.f32 v28, v9  }
0x4b7: {  	v46 =	vadd.f32 v31, v9;
	[tilespmem:v29+s24+$0x0] =	vst.idx.msk $0xffff, v23  }
0x4b8: {  	v47 =	vadd.f32 v32, v9;
	v48 =	vld [tilespmem:s6+$0x50];
	[tilespmem:v33+s24+$0x0] =	vst.idx.msk $0xffff, v45  }
0x4b9: {  	v17 =	vadd.f32 v17, v6;
	v12 =	vadd.s32 v3, v12;
	[tilespmem:v34+s24+$0x0] =	vst.idx.msk $0xffff, v46;
	v21 =	vld [tilespmem:s6+$0xFFFFFFD0]  }
0x4ba: {  	v16 =	vadd.f32 v16, v4;
	v49 =	vadd.s32 v1, v26;
	[tilespmem:v44+s24+$0x0] =	vst.idx.msk $0xffff, v47;
	v50 =	vld [tilespmem:s6+$0x10]  }
0x4bb: {  	[tilespmem:v14+s24+$0x0] =	vst.idx.msk $0xffff, v17;
	v51 =	vadd.f32 v15, v4;
	v53 =	vadd.s32 v1, v27;
	v52 =	vld [tilespmem:s6+$0xFFFFFF90]  }
0x4bc: {  	v54 =	vld [tilespmem:s5+$0x60];
	v18 =	vadd.f32 v18, v4;
	[tilespmem:v19+s24+$0x0] =	vst.idx.msk $0xffff, v16;
	v55 =	vadd.s32 v1, v30  }
0x4bd: {  	v57 =	vadd.s32 v1, v13;
	v60 =	vld [tilespmem:s5+$0x20];
	[tilespmem:v20+s24+$0x0] =	vst.idx.msk $0xffff, v51;
	v58 =	vadd.f32 v48, v6  }
0x4be: {  	v59 =	vadd.s32 v2, v7;
	v56 =	vld [tilespmem:s5+$0xFFFFFFE0];
	[tilespmem:v12+s24+$0x0] =	vst.idx.msk $0xffff, v18;
	v61 =	vadd.f32 v21, v6  }
0x4bf: {  	v62 =	vld [tilespmem:s5+$0xFFFFFFA0];
	v29 =	vadd.s32 v2, v11;
	[tilespmem:v49+s24+$0x0] =	vst.idx.msk $0xffff, v58;
	v28 =	vadd.f32 v50, v6  }
0x4c0: {  	v63 =	vadd.s32 v2, v10;
	v31 =	vadd.f32 v52, v6;
	v32 =	vld [tilespmem:s6+$0x60];
	[tilespmem:v53+s24+$0x0] =	vst.idx.msk $0xffff, v61  }
0x4c1: {  	v33 =	vadd.f32 v54, v5;
	v34 =	vadd.s32 v2, v8;
	[tilespmem:v55+s24+$0x0] =	vst.idx.msk $0xffff, v28;
	v35 =	vld [tilespmem:s6+$0xFFFFFFE0]  }
0x4c2: {  	v37 =	vadd.s32 v2, v26;
	v39 =	vadd.f32 v60, v5;
	[tilespmem:v57+s24+$0x0] =	vst.idx.msk $0xffff, v31;
	v38 =	vld [tilespmem:s6+$0x20]  }
0x4c3: {  	v41 =	vadd.s32 v2, v27;
	v36 =	vadd.f32 v56, v5;
	[tilespmem:v59+s24+$0x0] =	vst.idx.msk $0xffff, v33;
	v40 =	vld [tilespmem:s6+$0xFFFFFFA0]  }
0x4c4: {  	v43 =	vadd.s32 v2, v30;
	v18 =	vadd.f32 v62, v5;
	v42 =	vld [tilespmem:s5+$0x70];
	[tilespmem:v29+s24+$0x0] =	vst.idx.msk $0xffff, v39  }
0x4c5: {  	v45 =	vadd.s32 v2, v13;
	[tilespmem:v63+s24+$0x0] =	vst.idx.msk $0xffff, v36;
	v47 =	vld [tilespmem:s5+$0x30];
	v44 =	vadd.f32 v32, v5  }
0x4c6: {  	v46 =	vadd.s32 v3, v7;
	[tilespmem:v34+s24+$0x0] =	vst.idx.msk $0xffff, v18;
	v21 =	vld [tilespmem:s5+$0xFFFFFFF0];
	v9 =	vadd.f32 v35, v5  }
0x4c7: {  	v18 =	vld [tilespmem:s5+$0xFFFFFFB0];
	v50 =	vadd.s32 v3, v11;
	[tilespmem:v37+s24+$0x0] =	vst.idx.msk $0xffff, v44;
	v49 =	vadd.f32 v38, v5  }
0x4c8: {  	v48 =	vadd.s32 v3, v10;
	v5 =	vadd.f32 v40, v5;
	v12 =	vld [tilespmem:s6+$0x70];
	[tilespmem:v41+s24+$0x0] =	vst.idx.msk $0xffff, v9  }
0x4c9: {  	v52 =	vadd.s32 v3, v8;
	v51 =	vadd.f32 v42, v4;
	[tilespmem:v43+s24+$0x0] =	vst.idx.msk $0xffff, v49;
	v53 =	vld [tilespmem:s6+$0xFFFFFFF0]  }
0x4ca: {  	v55 =	vadd.s32 v3, v26;
	v56 =	vadd.f32 v47, v4;
	[tilespmem:v45+s24+$0x0] =	vst.idx.msk $0xffff, v5;
	v5 =	vld [tilespmem:s6+$0x30]  }
0x4cb: {  	v58 =	vadd.s32 v3, v27;
	[tilespmem:v46+s24+$0x0] =	vst.idx.msk $0xffff, v51;
	v54 =	vadd.f32 v21, v4;
	v57 =	vld [tilespmem:s6+$0xFFFFFFB0]  }
0x4cc: {  	v60 =	vadd.s32 v3, v30;
	v59 =	vadd.f32 v18, v4;
	[tilespmem:v50+s24+$0x0] =	vst.idx.msk $0xffff, v56  }
0x4cd: {  	v62 =	vadd.s32 v3, v13;
	[tilespmem:v48+s24+$0x0] =	vst.idx.msk $0xffff, v54;
	v61 =	vadd.f32 v12, v4  }
0x4ce: {  	[tilespmem:v52+s24+$0x0] =	vst.idx.msk $0xffff, v59;
	v63 =	vadd.f32 v53, v4  }
0x4cf: {  	[tilespmem:v55+s24+$0x0] =	vst.idx.msk $0xffff, v61;
	v5 =	vadd.f32 v5, v4  }
0x4d0: {  	v4 =	vadd.f32 v57, v4;
	[tilespmem:v58+s24+$0x0] =	vst.idx.msk $0xffff, v63  }
0x4d1: {  	[tilespmem:v60+s24+$0x0] =	vst.idx.msk $0xffff, v5  }
0x4d2: {  	[tilespmem:v62+s24+$0x0] =	vst.idx.msk $0xffff, v4  }
0x4d3: {  	s16 =	simm.s32 $0xC400;
	s10 =	rddreg [dreg:$0x6]  }
0x4d4: {  	[hbm4b:s10+s3] =	stream.linear.scatter [tilespmem:s16], [sflag:$0x4], $0x80, $0x38;
	[tilespmem:$0x13A00] =	vst v63  }
0x4d5: {  	s17 =	simm.s32 $0xC488;
	s18 =	sadd.s32 $0x10, s10  }
0x4d6: {  	[hbm4b:s18+s3] =	stream.linear.scatter [tilespmem:s17], [sflag:$0x4], $0x80, $0x38;
	[tilespmem:$0x13A00] =	vst v63  }
0x4d7: {  	s25 =	simm.s32 $0xC510;
	s11 =	simm.s32 $0xC620;
	s30 =	sadd.s32 $0x20, s10  }
0x4d8: {  	[hbm4b:s30+s3] =	stream.linear.scatter [tilespmem:s25], [sflag:$0x4], $0x80, $0x38;
	[tilespmem:$0x13A00] =	vst v63  }
0x4d9: {  	s5 =	simm.s32 $0x440;
	s6 =	simm.s32 $0xC598;
	s9 =	sadd.s32 $0x30, s10  }
0x4da: {  	[hbm4b:s9+s3] =	stream.linear.scatter [tilespmem:s6], [sflag:$0x4], $0x80, $0x38;
	[tilespmem:$0x13A00] =	vst v63  }
0x4db: {  	s16 =	sadd.s32 $0x40, s10;
	s17 =	simm.s32 $0xC6A8;
	s18 =	sadd.s32 $0x50, s10  }
0x4dc: {  	[hbm4b:s16+s3] =	stream.linear.scatter [tilespmem:s11], [sflag:$0x4], $0x80, $0x38;
	[tilespmem:$0x13A00] =	vst v63  }
0x4dd: {  	s25 =	simm.s32 $0xC730;
	s30 =	sadd.s32 $0x60, s10;
	s9 =	simm.s32 $0x2200  }
0x4de: {  	[hbm4b:s18+s3] =	stream.linear.scatter [tilespmem:s17], [sflag:$0x4], $0x80, $0x38;
	[tilespmem:$0x13A00] =	vst v63  }
0x4df: {  	s6 =	sadd.s32 $0x1000, s10;
	s16 =	simm.s32 $0xC7B8;
	s17 =	sadd.s32 $0x70, s10  }
0x4e0: {  	[hbm4b:s30+s3] =	stream.linear.scatter [tilespmem:s25], [sflag:$0x4], $0x80, $0x38;
	[tilespmem:$0x13A00] =	vst v63  }
.LBB2_38:
0x4e1: {  	[hbm4b:s17+s3] =	stream.linear.scatter [tilespmem:s16], [sflag:$0x4], $0x80, $0x38;
	[tilespmem:$0x13A00] =	vst v63  }
0x4e2: {  	s10 =	smov.u32 s5;
	s5 =	smov.u32 s9  }
0x4e3: {  	s11 =	sadd.s32 $0x1100, s9;
	s5 =	sshra.s32 s5, $0x2;
	s16 =	sadd.s32 $0xC400, s10  }
0x4e4: {  	[hbm4b:s6+s3] =	stream.linear.scatter [tilespmem:s16], [sflag:$0x4], $0x80, $0x38;
	[tilespmem:$0x13A00] =	vst v63  }
0x4e5: {  	p0 =	sne.s32 s9, $0x7700;
	s9 =	sadd.s32 $0xC488, s10;
	s16 =	sadd.s32 $0x10, s6  }
0x4e6: {  	[hbm4b:s16+s3] =	stream.linear.scatter [tilespmem:s9], [sflag:$0x4], $0x80, $0x38;
	[tilespmem:$0x13A00] =	vst v63  }
0x4e7: {  	s9 =	sadd.s32 $0xC510, s10;
	s16 =	sadd.s32 $0x20, s6  }
0x4e8: {  	[hbm4b:s16+s3] =	stream.linear.scatter [tilespmem:s9], [sflag:$0x4], $0x80, $0x38;
	[tilespmem:$0x13A00] =	vst v63  }
0x4e9: {  	s9 =	sadd.s32 $0xC598, s10;
	s16 =	sadd.s32 $0x30, s6  }
0x4ea: {  	[hbm4b:s16+s3] =	stream.linear.scatter [tilespmem:s9], [sflag:$0x4], $0x80, $0x38;
	[tilespmem:$0x13A00] =	vst v63  }
0x4eb: {  	s9 =	sadd.s32 $0xC620, s10;
	s16 =	sadd.s32 $0x40, s6  }
0x4ec: {  	[hbm4b:s16+s3] =	stream.linear.scatter [tilespmem:s9], [sflag:$0x4], $0x80, $0x38;
	[tilespmem:$0x13A00] =	vst v63  }
.Ltmp18:
0x4ed: {  	s9 =	sadd.s32 $0xC6A8, s10;
	s16 =	sadd.s32 $0x50, s6;
	(pc) =	sbr.rel @p0 .LBB2_38-.Ltmp18, $4  }
0x4ee: {  	[hbm4b:s16+s3] =	stream.linear.scatter [tilespmem:s9], [sflag:$0x4], $0x80, $0x38;
	[tilespmem:$0x13A00] =	vst v63  }
0x4ef: {  	s17 =	sadd.s32 $0x70, s6;
	s9 =	sadd.s32 $0xC730, s10;
	s16 =	sadd.s32 $0x60, s6  }
0x4f0: {  	[hbm4b:s16+s3] =	stream.linear.scatter [tilespmem:s9], [sflag:$0x4], $0x80, $0x38;
	[tilespmem:$0x13A00] =	vst v63  }
0x4f1: {  	s6 =	sadd.s32 $0x1000, s6;
	s16 =	sadd.s32 $0xC7B8, s10;
	s9 =	smov.u32 s11  }
0x4f2: {  	[hbm4b:s17+s3] =	stream.linear.scatter [tilespmem:s16], [sflag:$0x4], $0x80, $0x38;
	[tilespmem:$0x13A00] =	vst v63  }
0x4f3: {  	s9 =	sadd.s32 $0xC400, s5  }
0x4f4: {  	[hbm4b:s6+s3] =	stream.linear.scatter [tilespmem:s9], [sflag:$0x4], $0x80, $0x38;
	[tilespmem:$0x13A00] =	vst v63  }
0x4f5: {  	s18 =	sadd.s32 $0xC488, s5;
	s10 =	sadd.s32 $0x10, s6  }
0x4f6: {  	[hbm4b:s10+s3] =	stream.linear.scatter [tilespmem:s18], [sflag:$0x4], $0x80, $0x38;
	[tilespmem:$0x13A00] =	vst v63  }
0x4f7: {  	s25 =	sadd.s32 $0xC510, s5;
	s30 =	sadd.s32 $0x20, s6  }
0x4f8: {  	[hbm4b:s30+s3] =	stream.linear.scatter [tilespmem:s25], [sflag:$0x4], $0x80, $0x38;
	[tilespmem:$0x13A00] =	vst v63  }
0x4f9: {  	s11 =	sadd.s32 $0xC598, s5;
	s16 =	sadd.s32 $0x30, s6  }
0x4fa: {  	[hbm4b:s16+s3] =	stream.linear.scatter [tilespmem:s11], [sflag:$0x4], $0x80, $0x38;
	[tilespmem:$0x13A00] =	vst v63  }
0x4fb: {  	s17 =	sadd.s32 $0xC620, s5;
	s18 =	sadd.s32 $0x40, s6  }
0x4fc: {  	[hbm4b:s18+s3] =	stream.linear.scatter [tilespmem:s17], [sflag:$0x4], $0x80, $0x38;
	[tilespmem:$0x13A00] =	vst v63  }
0x4fd: {  	s25 =	sadd.s32 $0xC6A8, s5;
	s30 =	sadd.s32 $0x50, s6  }
0x4fe: {  	[hbm4b:s30+s3] =	stream.linear.scatter [tilespmem:s25], [sflag:$0x4], $0x80, $0x38;
	[tilespmem:$0x13A00] =	vst v63  }
0x4ff: {  	s11 =	sadd.s32 $0xC730, s5;
	s16 =	sadd.s32 $0x60, s6  }
0x500: {  	[hbm4b:s16+s3] =	stream.linear.scatter [tilespmem:s11], [sflag:$0x4], $0x80, $0x38;
	[tilespmem:$0x13A00] =	vst v63  }
0x501: {  	s17 =	sadd.s32 $0xC7B8, s5;
	s18 =	sadd.s32 $0x70, s6  }
0x502: {  	[hbm4b:s18+s3] =	stream.linear.scatter [tilespmem:s17], [sflag:$0x4], $0x80, $0x38;
	[tilespmem:$0x13A00] =	vst v63  }
0x503: {  	s25 =	simm.s32 $0x6200  }
0x504: {  	[tilespmem:s22], [sflag:$0x2] =	stream.indirect.gather [hbm4b:s4+s19], $0x40, s25, s19, $0xb8;
	[tilespmem:$0x13A00] =	vst v63  }
0x505: {  	_ =	swait.ge [sflag:s23], $0x2000  }
0x506: {  	[sflag:s23] =	ssyncset.done $0x0  }
0x507: {  	[sflag:s23] =	ssyncadd.s32 $0xFFFFE000  }
0x508: {  	_ =	swait.ge [sflag:s1], $0x2000  }
0x509: {  	[sflag:s1] =	ssyncset.done $0x0  }
0x50a: {  	[sflag:s1] =	ssyncadd.s32 $0xFFFFE000  }
0x50b: {  	s9 =	simm.s32 $0x6480;
	s30 =	simm.s32 $0x3;
	v9 =	vld [tilespmem:$0x138C0]  }
0x50c: {  	v4 =	vmov s30;
	v7 =	vld [tilespmem:s9+$0x40]  }
0x50d: {  	v13 =	vand.u32 $0x7F, v4  }
0x50e: {  	s6 =	simm.s32 $0x0;
	v8 =	vadd.s32 v0, v13;
	v6 =	vld [tilespmem:$0x138D0]  }
0x50f: {  	s10 =	simm.s32 $0x1;
	v4 =	vmov s6;
	s11 =	simm.s32 $0x2;
	v10 =	vld [tilespmem:s9+$0xFFFFFF80]  }
0x510: {  	v12 =	vand.u32 $0x7C, v4;
	v4 =	vmov s10;
	v14 =	vmov s11;
	v11 =	vld [tilespmem:s9+$0xFFFFFFC0]  }
0x511: {  	v15 =	vadd.s32 v0, v12;
	v19 =	vand.u32 $0x7D, v4;
	v16 =	vld [tilespmem:s9+$0x0];
	v7 =	vadd.f32 v7, v9  }
0x512: {  	v20 =	vand.u32 $0x7E, v14;
	v17 =	vadd.s32 v0, v19;
	v5 =	vld [tilespmem:$0x138E0]  }
0x513: {  	v14 =	vadd.s32 v0, v20;
	v4 =	vld [tilespmem:$0x138F0];
	[tilespmem:v8+s29+$0x0] =	vst.idx.msk $0xffff, v7  }
0x514: {  	v7 =	vadd.f32 v10, v9;
	v8 =	vld [tilespmem:s9+$0x50]  }
0x515: {  	v10 =	vadd.f32 v11, v9  }
0x516: {  	v11 =	vadd.s32 v1, v13;
	[tilespmem:v15+s29+$0x0] =	vst.idx.msk $0xffff, v7;
	v7 =	vadd.f32 v16, v9  }
0x517: {  	[tilespmem:v17+s29+$0x0] =	vst.idx.msk $0xffff, v10;
	v15 =	vld [tilespmem:s9+$0xFFFFFF90]  }
0x518: {  	v10 =	vld [tilespmem:s9+$0xFFFFFFD0];
	[tilespmem:v14+s29+$0x0] =	vst.idx.msk $0xffff, v7  }
0x519: {  	v14 =	vld [tilespmem:s9+$0x10];
	v7 =	vadd.f32 v8, v6  }
0x51a: {  	s5 =	simm.s32 $0x6580;
	s17 =	simm.s32 $0x7;
	v16 =	vadd.s32 v1, v19  }
0x51b: {  	s16 =	simm.s32 $0x4;
	v26 =	vadd.s32 v2, v13;
	v18 =	vld [tilespmem:s5+$0x40];
	v17 =	vadd.s32 v1, v20;
	[tilespmem:v11+s29+$0x0] =	vst.idx.msk $0xffff, v7;
	v7 =	vmov s17  }
0x51c: {  	v21 =	vadd.s32 v1, v12;
	v8 =	vmov s16;
	v7 =	vand.u32 $0x7F, v7;
	v22 =	vld [tilespmem:s9+$0x60]  }
0x51d: {  	s18 =	simm.s32 $0x5;
	v23 =	vld [tilespmem:s5+$0xFFFFFF80];
	v8 =	vand.u32 $0x7C, v8;
	v10 =	vadd.f32 v10, v6;
	v24 =	vadd.s32 v0, v7  }
0x51e: {  	s25 =	simm.s32 $0x6;
	v25 =	vld [tilespmem:s5+$0xFFFFFFC0];
	v15 =	vadd.f32 v15, v6;
	v11 =	vadd.f32 v14, v6;
	v14 =	vmov s18  }
0x51f: {  	v27 =	vadd.s32 v0, v8;
	[tilespmem:v16+s29+$0x0] =	vst.idx.msk $0xffff, v10;
	v16 =	vmov s25;
	v10 =	vand.u32 $0x7D, v14;
	v14 =	vld [tilespmem:s5+$0x0]  }
0x520: {  	[tilespmem:v17+s29+$0x0] =	vst.idx.msk $0xffff, v11;
	v17 =	vadd.s32 v0, v10;
	v11 =	vand.u32 $0x7E, v16;
	v16 =	vadd.f32 v18, v9;
	v18 =	vld [tilespmem:s9+$0xFFFFFFE0]  }
0x521: {  	[tilespmem:v21+s29+$0x0] =	vst.idx.msk $0xffff, v15;
	v15 =	vadd.s32 v0, v11;
	v21 =	vld [tilespmem:s9+$0x20];
	v22 =	vadd.f32 v22, v5  }
0x522: {  	v23 =	vadd.f32 v23, v9;
	[tilespmem:v24+s29+$0x0] =	vst.idx.msk $0xffff, v16;
	v16 =	vld [tilespmem:s9+$0xFFFFFFA0];
	v24 =	vadd.s32 v2, v19  }
0x523: {  	v29 =	vadd.s32 v2, v20;
	v25 =	vadd.f32 v25, v9;
	v28 =	vld [tilespmem:s5+$0x50];
	[tilespmem:v26+s29+$0x0] =	vst.idx.msk $0xffff, v22  }
0x524: {  	[tilespmem:v27+s29+$0x0] =	vst.idx.msk $0xffff, v23;
	v23 =	vadd.s32 v2, v12;
	v14 =	vadd.f32 v14, v9;
	v26 =	vld [tilespmem:s9+$0x70]  }
0x525: {  	v27 =	vld [tilespmem:s5+$0xFFFFFF90];
	[tilespmem:v17+s29+$0x0] =	vst.idx.msk $0xffff, v25;
	v25 =	vadd.s32 v1, v7;
	v18 =	vadd.f32 v18, v5  }
0x526: {  	v31 =	vadd.s32 v3, v13;
	v30 =	vld [tilespmem:s5+$0xFFFFFFD0];
	[tilespmem:v15+s29+$0x0] =	vst.idx.msk $0xffff, v14;
	v14 =	vadd.f32 v21, v5  }
0x527: {  	v22 =	vadd.s32 v1, v8;
	v17 =	vld [tilespmem:s5+$0x10];
	v13 =	vadd.f32 v16, v5;
	[tilespmem:v24+s29+$0x0] =	vst.idx.msk $0xffff, v18  }
0x528: {  	s16 =	simm.s32 $0x8;
	v21 =	vadd.s32 v1, v10;
	[tilespmem:v29+s29+$0x0] =	vst.idx.msk $0xffff, v14;
	v18 =	vadd.f32 v28, v6;
	v16 =	vld [tilespmem:s9+$0xFFFFFFF0]  }
0x529: {  	v24 =	vmov s16;
	v14 =	vadd.s32 v1, v11;
	v15 =	vld [tilespmem:s9+$0x30];
	[tilespmem:v23+s29+$0x0] =	vst.idx.msk $0xffff, v13;
	v63 =	vadd.f32 v26, v4  }
0x52a: {  	s30 =	simm.s32 $0xB;
	s6 =	simm.s32 $0x6680;
	v19 =	vadd.s32 v3, v19;
	v13 =	vand.u32 $0x7C, v24;
	v24 =	vadd.f32 v27, v6;
	[tilespmem:v25+s29+$0x0] =	vst.idx.msk $0xffff, v18;
	v18 =	vld [tilespmem:s9+$0xFFFFFFB0]  }
0x52b: {  	v20 =	vadd.s32 v3, v20;
	v26 =	vmov s30;
	v23 =	vld [tilespmem:s6+$0x40];
	s9 =	simm.s32 $0xC;
	v25 =	vadd.f32 v30, v6;
	[tilespmem:v31+s29+$0x0] =	vst.idx.msk $0xffff, v63  }
.LBB2_40:
0x52c: {  	p0 =	slt.u32 s9, $0x7C;
	s10 =	sadd.s32 $0x1, s16;
	v26 =	vand.u32 $0x7F, v26;
	[tilespmem:v22+s29+$0x0] =	vst.idx.msk $0xffff, v24;
	v17 =	vadd.f32 v17, v6;
	v22 =	vld [tilespmem:s5+$0x60];
	v24 =	vadd.s32 v3, v12  }
0x52d: {  	v30 =	vmovc v11;
	v27 =	vld [tilespmem:s6+$0xFFFFFF80];
	v28 =	vmov s10;
	s10 =	sadd.s32 $0x2, s16;
	v29 =	vadd.s32 v0, v26;
	[tilespmem:v21+s29+$0x0] =	vst.idx.msk $0xffff, v25;
	v16 =	vadd.f32 v16, v4;
	s16 =	smov.u32 s9  }
0x52e: {  	v12 =	vmovc v8;
	v21 =	vld [tilespmem:s6+$0xFFFFFFC0];
	v11 =	vmov s10;
	[tilespmem:v14+s29+$0x0] =	vst.idx.msk $0xffff, v17;
	v14 =	vadd.s32 v2, v7;
	v15 =	vadd.f32 v15, v4  }
0x52f: {  	v17 =	vadd.s32 v0, v13;
	v28 =	vand.u32 $0x7D, v28;
	v25 =	vld [tilespmem:s6+$0x0];
	v31 =	vadd.f32 v18, v4;
	[tilespmem:v19+s29+$0x0] =	vst.idx.msk $0xffff, v16  }
0x530: {  	v16 =	vadd.s32 v0, v28;
	v11 =	vand.u32 $0x7E, v11;
	v18 =	vadd.f32 v23, v9;
	v19 =	vld [tilespmem:s5+$0xFFFFFFE0];
	[tilespmem:v20+s29+$0x0] =	vst.idx.msk $0xffff, v15  }
0x531: {  	v8 =	vmov v13;
	v15 =	vadd.s32 v0, v11;
	v20 =	vld [tilespmem:s5+$0x20];
	v22 =	vadd.f32 v22, v5;
	[tilespmem:v24+s29+$0x0] =	vst.idx.msk $0xffff, v31  }
0x532: {  	v23 =	vadd.s32 v2, v10;
	v13 =	vadd.f32 v27, v9;
	[tilespmem:v29+s29+$0x0] =	vst.idx.msk $0xffff, v18;
	v18 =	vld [tilespmem:s5+$0xFFFFFFA0]  }
0x533: {  	v27 =	vadd.s32 v2, v30;
	v21 =	vadd.f32 v21, v9;
	v24 =	vld [tilespmem:s6+$0x50];
	[tilespmem:v14+s29+$0x0] =	vst.idx.msk $0xffff, v22  }
0x534: {  	[tilespmem:v17+s29+$0x0] =	vst.idx.msk $0xffff, v13;
	v13 =	vadd.f32 v25, v9;
	v25 =	vadd.s32 v2, v12;
	v29 =	vld [tilespmem:s5+$0x70]  }
0x535: {  	v32 =	vadd.s32 v1, v26;
	v31 =	vld [tilespmem:s6+$0xFFFFFF90];
	[tilespmem:v16+s29+$0x0] =	vst.idx.msk $0xffff, v21;
	v14 =	vadd.f32 v19, v5  }
0x536: {  	v34 =	vadd.s32 v3, v7;
	v7 =	vmov v26;
	v33 =	vld [tilespmem:s6+$0xFFFFFFD0];
	[tilespmem:v15+s29+$0x0] =	vst.idx.msk $0xffff, v13;
	v13 =	vadd.f32 v20, v5  }
.Ltmp19:
0x537: {  	v22 =	vadd.s32 v1, v8;
	v17 =	vld [tilespmem:s6+$0x10];
	v15 =	vadd.f32 v18, v5;
	[tilespmem:v23+s29+$0x0] =	vst.idx.msk $0xffff, v14;
	(pc) =	sbr.rel @p0 .LBB2_40-.Ltmp19, $4  }
0x538: {  	v21 =	vadd.s32 v1, v28;
	v18 =	vadd.f32 v24, v6;
	v16 =	vld [tilespmem:s5+$0xFFFFFFF0];
	[tilespmem:v27+s29+$0x0] =	vst.idx.msk $0xffff, v13  }
0x539: {  	v14 =	vadd.s32 v1, v11;
	v13 =	vmov s9;
	[tilespmem:v25+s29+$0x0] =	vst.idx.msk $0xffff, v15;
	v15 =	vld [tilespmem:s5+$0x30];
	v27 =	vadd.f32 v29, v4  }
0x53a: {  	s10 =	sadd.s32 $0x3, s9;
	v19 =	vadd.s32 v3, v10;
	v13 =	vand.u32 $0x7C, v13;
	v24 =	vadd.f32 v31, v6;
	[tilespmem:v32+s29+$0x0] =	vst.idx.msk $0xffff, v18;
	v18 =	vld [tilespmem:s5+$0xFFFFFFB0];
	s5 =	smov.u32 s6;
	s6 =	sadd.s32 $0x100, s6  }
0x53b: {  	v26 =	vmov s10;
	v10 =	vmovc v28;
	v20 =	vadd.s32 v3, v30;
	s9 =	sadd.s32 $0x4, s9;
	v23 =	vld [tilespmem:s6+$0x40];
	v25 =	vadd.f32 v33, v6;
	[tilespmem:v34+s29+$0x0] =	vst.idx.msk $0xffff, v27  }
0x53c: {  	s9 =	sadd.s32 $0x1, s16  }
0x53d: {  	v26 =	vand.u32 $0x7F, v26;
	s11 =	sadd.s32 $0x2, s16;
	v28 =	vld [tilespmem:s6+$0xFFFFFFC0];
	v27 =	vmov s9  }
0x53e: {  	v31 =	vld [tilespmem:s6+$0x0];
	v29 =	vadd.s32 v0, v26;
	v30 =	vmov s11;
	v27 =	vand.u32 $0x7D, v27  }
0x53f: {  	v32 =	vld [tilespmem:s6+$0xFFFFFF80];
	v30 =	vand.u32 $0x7E, v30;
	v33 =	vadd.s32 v0, v27  }
0x540: {  	v34 =	vadd.s32 v0, v30  }
0x541: {  	[tilespmem:v22+s29+$0x0] =	vst.idx.msk $0xffff, v24;
	v44 =	vadd.s32 v0, v13;
	v23 =	vadd.f32 v23, v9  }
0x542: {  	[tilespmem:v21+s29+$0x0] =	vst.idx.msk $0xffff, v25;
	v45 =	vadd.f32 v28, v9  }
0x543: {  	v46 =	vadd.f32 v31, v9;
	[tilespmem:v29+s29+$0x0] =	vst.idx.msk $0xffff, v23  }
0x544: {  	v47 =	vadd.f32 v32, v9;
	v48 =	vld [tilespmem:s6+$0x50];
	[tilespmem:v33+s29+$0x0] =	vst.idx.msk $0xffff, v45  }
0x545: {  	v17 =	vadd.f32 v17, v6;
	v12 =	vadd.s32 v3, v12;
	[tilespmem:v34+s29+$0x0] =	vst.idx.msk $0xffff, v46;
	v21 =	vld [tilespmem:s6+$0xFFFFFFD0]  }
0x546: {  	v16 =	vadd.f32 v16, v4;
	v49 =	vadd.s32 v1, v26;
	[tilespmem:v44+s29+$0x0] =	vst.idx.msk $0xffff, v47;
	v50 =	vld [tilespmem:s6+$0x10]  }
0x547: {  	[tilespmem:v14+s29+$0x0] =	vst.idx.msk $0xffff, v17;
	v51 =	vadd.f32 v15, v4;
	v53 =	vadd.s32 v1, v27;
	v52 =	vld [tilespmem:s6+$0xFFFFFF90]  }
0x548: {  	v54 =	vld [tilespmem:s5+$0x60];
	v18 =	vadd.f32 v18, v4;
	[tilespmem:v19+s29+$0x0] =	vst.idx.msk $0xffff, v16;
	v55 =	vadd.s32 v1, v30  }
0x549: {  	v57 =	vadd.s32 v1, v13;
	v60 =	vld [tilespmem:s5+$0x20];
	[tilespmem:v20+s29+$0x0] =	vst.idx.msk $0xffff, v51;
	v58 =	vadd.f32 v48, v6  }
0x54a: {  	v59 =	vadd.s32 v2, v7;
	v56 =	vld [tilespmem:s5+$0xFFFFFFE0];
	[tilespmem:v12+s29+$0x0] =	vst.idx.msk $0xffff, v18;
	v61 =	vadd.f32 v21, v6  }
0x54b: {  	v62 =	vld [tilespmem:s5+$0xFFFFFFA0];
	v29 =	vadd.s32 v2, v11;
	[tilespmem:v49+s29+$0x0] =	vst.idx.msk $0xffff, v58;
	v28 =	vadd.f32 v50, v6  }
0x54c: {  	v63 =	vadd.s32 v2, v10;
	v31 =	vadd.f32 v52, v6;
	v32 =	vld [tilespmem:s6+$0x60];
	[tilespmem:v53+s29+$0x0] =	vst.idx.msk $0xffff, v61  }
0x54d: {  	v33 =	vadd.f32 v54, v5;
	v34 =	vadd.s32 v2, v8;
	[tilespmem:v55+s29+$0x0] =	vst.idx.msk $0xffff, v28;
	v35 =	vld [tilespmem:s6+$0xFFFFFFE0]  }
0x54e: {  	v37 =	vadd.s32 v2, v26;
	v39 =	vadd.f32 v60, v5;
	[tilespmem:v57+s29+$0x0] =	vst.idx.msk $0xffff, v31;
	v38 =	vld [tilespmem:s6+$0x20]  }
0x54f: {  	v41 =	vadd.s32 v2, v27;
	v36 =	vadd.f32 v56, v5;
	[tilespmem:v59+s29+$0x0] =	vst.idx.msk $0xffff, v33;
	v40 =	vld [tilespmem:s6+$0xFFFFFFA0]  }
0x550: {  	v43 =	vadd.s32 v2, v30;
	v18 =	vadd.f32 v62, v5;
	v42 =	vld [tilespmem:s5+$0x70];
	[tilespmem:v29+s29+$0x0] =	vst.idx.msk $0xffff, v39  }
0x551: {  	v45 =	vadd.s32 v2, v13;
	[tilespmem:v63+s29+$0x0] =	vst.idx.msk $0xffff, v36;
	v47 =	vld [tilespmem:s5+$0x30];
	v44 =	vadd.f32 v32, v5  }
0x552: {  	v46 =	vadd.s32 v3, v7;
	[tilespmem:v34+s29+$0x0] =	vst.idx.msk $0xffff, v18;
	v21 =	vld [tilespmem:s5+$0xFFFFFFF0];
	v9 =	vadd.f32 v35, v5  }
0x553: {  	v18 =	vld [tilespmem:s5+$0xFFFFFFB0];
	v50 =	vadd.s32 v3, v11;
	[tilespmem:v37+s29+$0x0] =	vst.idx.msk $0xffff, v44;
	v49 =	vadd.f32 v38, v5  }
0x554: {  	v48 =	vadd.s32 v3, v10;
	v5 =	vadd.f32 v40, v5;
	v12 =	vld [tilespmem:s6+$0x70];
	[tilespmem:v41+s29+$0x0] =	vst.idx.msk $0xffff, v9  }
0x555: {  	v52 =	vadd.s32 v3, v8;
	v51 =	vadd.f32 v42, v4;
	[tilespmem:v43+s29+$0x0] =	vst.idx.msk $0xffff, v49;
	v53 =	vld [tilespmem:s6+$0xFFFFFFF0]  }
0x556: {  	v55 =	vadd.s32 v3, v26;
	v56 =	vadd.f32 v47, v4;
	[tilespmem:v45+s29+$0x0] =	vst.idx.msk $0xffff, v5;
	v5 =	vld [tilespmem:s6+$0x30]  }
0x557: {  	v58 =	vadd.s32 v3, v27;
	[tilespmem:v46+s29+$0x0] =	vst.idx.msk $0xffff, v51;
	v54 =	vadd.f32 v21, v4;
	v57 =	vld [tilespmem:s6+$0xFFFFFFB0]  }
0x558: {  	v60 =	vadd.s32 v3, v30;
	v59 =	vadd.f32 v18, v4;
	[tilespmem:v50+s29+$0x0] =	vst.idx.msk $0xffff, v56  }
0x559: {  	v62 =	vadd.s32 v3, v13;
	[tilespmem:v48+s29+$0x0] =	vst.idx.msk $0xffff, v54;
	v61 =	vadd.f32 v12, v4  }
0x55a: {  	[tilespmem:v52+s29+$0x0] =	vst.idx.msk $0xffff, v59;
	v63 =	vadd.f32 v53, v4  }
0x55b: {  	[tilespmem:v55+s29+$0x0] =	vst.idx.msk $0xffff, v61;
	v5 =	vadd.f32 v5, v4  }
0x55c: {  	v4 =	vadd.f32 v57, v4;
	[tilespmem:v58+s29+$0x0] =	vst.idx.msk $0xffff, v63  }
0x55d: {  	[tilespmem:v60+s29+$0x0] =	vst.idx.msk $0xffff, v5  }
0x55e: {  	[tilespmem:v62+s29+$0x0] =	vst.idx.msk $0xffff, v4  }
0x55f: {  	s16 =	simm.s32 $0xE600;
	s10 =	rddreg [dreg:$0x7]  }
0x560: {  	[hbm4b:s10+s3] =	stream.linear.scatter [tilespmem:s16], [sflag:$0x5], $0x80, $0x38;
	[tilespmem:$0x13A00] =	vst v63  }
0x561: {  	s17 =	simm.s32 $0xE688;
	s18 =	sadd.s32 $0x10, s10  }
0x562: {  	[hbm4b:s18+s3] =	stream.linear.scatter [tilespmem:s17], [sflag:$0x5], $0x80, $0x38;
	[tilespmem:$0x13A00] =	vst v63  }
0x563: {  	s25 =	simm.s32 $0xE710;
	s11 =	simm.s32 $0xE820;
	s30 =	sadd.s32 $0x20, s10  }
0x564: {  	[hbm4b:s30+s3] =	stream.linear.scatter [tilespmem:s25], [sflag:$0x5], $0x80, $0x38;
	[tilespmem:$0x13A00] =	vst v63  }
0x565: {  	s5 =	simm.s32 $0x440;
	s6 =	simm.s32 $0xE798;
	s9 =	sadd.s32 $0x30, s10  }
0x566: {  	[hbm4b:s9+s3] =	stream.linear.scatter [tilespmem:s6], [sflag:$0x5], $0x80, $0x38;
	[tilespmem:$0x13A00] =	vst v63  }
0x567: {  	s16 =	sadd.s32 $0x40, s10;
	s17 =	simm.s32 $0xE8A8;
	s18 =	sadd.s32 $0x50, s10  }
0x568: {  	[hbm4b:s16+s3] =	stream.linear.scatter [tilespmem:s11], [sflag:$0x5], $0x80, $0x38;
	[tilespmem:$0x13A00] =	vst v63  }
0x569: {  	s25 =	simm.s32 $0xE930;
	s30 =	sadd.s32 $0x60, s10;
	s9 =	simm.s32 $0x2200  }
0x56a: {  	[hbm4b:s18+s3] =	stream.linear.scatter [tilespmem:s17], [sflag:$0x5], $0x80, $0x38;
	[tilespmem:$0x13A00] =	vst v63  }
0x56b: {  	s6 =	sadd.s32 $0x1000, s10;
	s16 =	simm.s32 $0xE9B8;
	s17 =	sadd.s32 $0x70, s10  }
0x56c: {  	[hbm4b:s30+s3] =	stream.linear.scatter [tilespmem:s25], [sflag:$0x5], $0x80, $0x38;
	[tilespmem:$0x13A00] =	vst v63  }
.LBB2_42:
0x56d: {  	[hbm4b:s17+s3] =	stream.linear.scatter [tilespmem:s16], [sflag:$0x5], $0x80, $0x38;
	[tilespmem:$0x13A00] =	vst v63  }
0x56e: {  	s10 =	smov.u32 s5;
	s5 =	smov.u32 s9  }
0x56f: {  	s11 =	sadd.s32 $0x1100, s9;
	s5 =	sshra.s32 s5, $0x2;
	s16 =	sadd.s32 $0xE600, s10  }
0x570: {  	[hbm4b:s6+s3] =	stream.linear.scatter [tilespmem:s16], [sflag:$0x5], $0x80, $0x38;
	[tilespmem:$0x13A00] =	vst v63  }
0x571: {  	p0 =	sne.s32 s9, $0x7700;
	s9 =	sadd.s32 $0xE688, s10;
	s16 =	sadd.s32 $0x10, s6  }
0x572: {  	[hbm4b:s16+s3] =	stream.linear.scatter [tilespmem:s9], [sflag:$0x5], $0x80, $0x38;
	[tilespmem:$0x13A00] =	vst v63  }
0x573: {  	s9 =	sadd.s32 $0xE710, s10;
	s16 =	sadd.s32 $0x20, s6  }
0x574: {  	[hbm4b:s16+s3] =	stream.linear.scatter [tilespmem:s9], [sflag:$0x5], $0x80, $0x38;
	[tilespmem:$0x13A00] =	vst v63  }
0x575: {  	s9 =	sadd.s32 $0xE798, s10;
	s16 =	sadd.s32 $0x30, s6  }
0x576: {  	[hbm4b:s16+s3] =	stream.linear.scatter [tilespmem:s9], [sflag:$0x5], $0x80, $0x38;
	[tilespmem:$0x13A00] =	vst v63  }
0x577: {  	s9 =	sadd.s32 $0xE820, s10;
	s16 =	sadd.s32 $0x40, s6  }
0x578: {  	[hbm4b:s16+s3] =	stream.linear.scatter [tilespmem:s9], [sflag:$0x5], $0x80, $0x38;
	[tilespmem:$0x13A00] =	vst v63  }
.Ltmp20:
0x579: {  	s9 =	sadd.s32 $0xE8A8, s10;
	s16 =	sadd.s32 $0x50, s6;
	(pc) =	sbr.rel @p0 .LBB2_42-.Ltmp20, $4  }
0x57a: {  	[hbm4b:s16+s3] =	stream.linear.scatter [tilespmem:s9], [sflag:$0x5], $0x80, $0x38;
	[tilespmem:$0x13A00] =	vst v63  }
0x57b: {  	s17 =	sadd.s32 $0x70, s6;
	s9 =	sadd.s32 $0xE930, s10;
	s16 =	sadd.s32 $0x60, s6  }
0x57c: {  	[hbm4b:s16+s3] =	stream.linear.scatter [tilespmem:s9], [sflag:$0x5], $0x80, $0x38;
	[tilespmem:$0x13A00] =	vst v63  }
0x57d: {  	s6 =	sadd.s32 $0x1000, s6;
	s16 =	sadd.s32 $0xE9B8, s10;
	s9 =	smov.u32 s11  }
0x57e: {  	[hbm4b:s17+s3] =	stream.linear.scatter [tilespmem:s16], [sflag:$0x5], $0x80, $0x38;
	[tilespmem:$0x13A00] =	vst v63  }
0x57f: {  	s9 =	sadd.s32 $0xE600, s5  }
0x580: {  	[hbm4b:s6+s3] =	stream.linear.scatter [tilespmem:s9], [sflag:$0x5], $0x80, $0x38;
	[tilespmem:$0x13A00] =	vst v63  }
0x581: {  	s18 =	sadd.s32 $0xE688, s5;
	s10 =	sadd.s32 $0x10, s6  }
0x582: {  	[hbm4b:s10+s3] =	stream.linear.scatter [tilespmem:s18], [sflag:$0x5], $0x80, $0x38;
	[tilespmem:$0x13A00] =	vst v63  }
0x583: {  	s25 =	sadd.s32 $0xE710, s5;
	s30 =	sadd.s32 $0x20, s6  }
0x584: {  	[hbm4b:s30+s3] =	stream.linear.scatter [tilespmem:s25], [sflag:$0x5], $0x80, $0x38;
	[tilespmem:$0x13A00] =	vst v63  }
0x585: {  	s11 =	sadd.s32 $0xE798, s5;
	s16 =	sadd.s32 $0x30, s6  }
0x586: {  	[hbm4b:s16+s3] =	stream.linear.scatter [tilespmem:s11], [sflag:$0x5], $0x80, $0x38;
	[tilespmem:$0x13A00] =	vst v63  }
0x587: {  	s17 =	sadd.s32 $0xE820, s5;
	s18 =	sadd.s32 $0x40, s6  }
0x588: {  	[hbm4b:s18+s3] =	stream.linear.scatter [tilespmem:s17], [sflag:$0x5], $0x80, $0x38;
	[tilespmem:$0x13A00] =	vst v63  }
0x589: {  	s25 =	sadd.s32 $0xE8A8, s5;
	s30 =	sadd.s32 $0x50, s6  }
0x58a: {  	[hbm4b:s30+s3] =	stream.linear.scatter [tilespmem:s25], [sflag:$0x5], $0x80, $0x38;
	[tilespmem:$0x13A00] =	vst v63  }
0x58b: {  	s11 =	sadd.s32 $0xE930, s5;
	s16 =	sadd.s32 $0x60, s6  }
0x58c: {  	[hbm4b:s16+s3] =	stream.linear.scatter [tilespmem:s11], [sflag:$0x5], $0x80, $0x38;
	[tilespmem:$0x13A00] =	vst v63  }
0x58d: {  	s17 =	sadd.s32 $0xE9B8, s5;
	s18 =	sadd.s32 $0x70, s6  }
0x58e: {  	[hbm4b:s18+s3] =	stream.linear.scatter [tilespmem:s17], [sflag:$0x5], $0x80, $0x38;
	[tilespmem:$0x13A00] =	vst v63  }
0x58f: {  	s25 =	simm.s32 $0x6280  }
0x590: {  	[tilespmem:s26], [sflag:$0x3] =	stream.indirect.gather [hbm4b:s4+s19], $0x40, s25, s19, $0xb8;
	[tilespmem:$0x13A00] =	vst v63  }
0x591: {  	_ =	swait.ge [sflag:s28], $0x2000  }
0x592: {  	[sflag:s28] =	ssyncset.done $0x0  }
0x593: {  	[sflag:s28] =	ssyncadd.s32 $0xFFFFE000  }
0x594: {  	_ =	swait.ge [sflag:s0], $0x2000  }
0x595: {  	[sflag:s0] =	ssyncset.done $0x0  }
0x596: {  	[sflag:s0] =	ssyncadd.s32 $0xFFFFE000  }
0x597: {  	s9 =	simm.s32 $0x8480;
	s30 =	simm.s32 $0x3;
	v9 =	vld [tilespmem:$0x13900]  }
0x598: {  	v4 =	vmov s30;
	v7 =	vld [tilespmem:s9+$0x40]  }
0x599: {  	v13 =	vand.u32 $0x7F, v4  }
0x59a: {  	s6 =	simm.s32 $0x0;
	v8 =	vadd.s32 v0, v13;
	v6 =	vld [tilespmem:$0x13910]  }
0x59b: {  	s10 =	simm.s32 $0x1;
	v4 =	vmov s6;
	s11 =	simm.s32 $0x2;
	v10 =	vld [tilespmem:s9+$0xFFFFFF80]  }
0x59c: {  	v12 =	vand.u32 $0x7C, v4;
	v4 =	vmov s10;
	v14 =	vmov s11;
	v11 =	vld [tilespmem:s9+$0xFFFFFFC0]  }
0x59d: {  	v15 =	vadd.s32 v0, v12;
	v19 =	vand.u32 $0x7D, v4;
	v16 =	vld [tilespmem:s9+$0x0];
	v7 =	vadd.f32 v7, v9  }
0x59e: {  	v20 =	vand.u32 $0x7E, v14;
	v17 =	vadd.s32 v0, v19;
	v5 =	vld [tilespmem:$0x13920]  }
0x59f: {  	v14 =	vadd.s32 v0, v20;
	v4 =	vld [tilespmem:$0x13930];
	[tilespmem:v8+s24+$0x0] =	vst.idx.msk $0xffff, v7  }
0x5a0: {  	v7 =	vadd.f32 v10, v9;
	v8 =	vld [tilespmem:s9+$0x50]  }
0x5a1: {  	v10 =	vadd.f32 v11, v9  }
0x5a2: {  	v11 =	vadd.s32 v1, v13;
	[tilespmem:v15+s24+$0x0] =	vst.idx.msk $0xffff, v7;
	v7 =	vadd.f32 v16, v9  }
0x5a3: {  	[tilespmem:v17+s24+$0x0] =	vst.idx.msk $0xffff, v10;
	v15 =	vld [tilespmem:s9+$0xFFFFFF90]  }
0x5a4: {  	v10 =	vld [tilespmem:s9+$0xFFFFFFD0];
	[tilespmem:v14+s24+$0x0] =	vst.idx.msk $0xffff, v7  }
0x5a5: {  	v14 =	vld [tilespmem:s9+$0x10];
	v7 =	vadd.f32 v8, v6  }
0x5a6: {  	s5 =	simm.s32 $0x8580;
	s17 =	simm.s32 $0x7;
	v16 =	vadd.s32 v1, v19  }
0x5a7: {  	s16 =	simm.s32 $0x4;
	v26 =	vadd.s32 v2, v13;
	v18 =	vld [tilespmem:s5+$0x40];
	v17 =	vadd.s32 v1, v20;
	[tilespmem:v11+s24+$0x0] =	vst.idx.msk $0xffff, v7;
	v7 =	vmov s17  }
0x5a8: {  	v21 =	vadd.s32 v1, v12;
	v8 =	vmov s16;
	v7 =	vand.u32 $0x7F, v7;
	v22 =	vld [tilespmem:s9+$0x60]  }
0x5a9: {  	s18 =	simm.s32 $0x5;
	v23 =	vld [tilespmem:s5+$0xFFFFFF80];
	v8 =	vand.u32 $0x7C, v8;
	v10 =	vadd.f32 v10, v6;
	v24 =	vadd.s32 v0, v7  }
0x5aa: {  	s25 =	simm.s32 $0x6;
	v25 =	vld [tilespmem:s5+$0xFFFFFFC0];
	v15 =	vadd.f32 v15, v6;
	v11 =	vadd.f32 v14, v6;
	v14 =	vmov s18  }
0x5ab: {  	v27 =	vadd.s32 v0, v8;
	[tilespmem:v16+s24+$0x0] =	vst.idx.msk $0xffff, v10;
	v16 =	vmov s25;
	v10 =	vand.u32 $0x7D, v14;
	v14 =	vld [tilespmem:s5+$0x0]  }
0x5ac: {  	[tilespmem:v17+s24+$0x0] =	vst.idx.msk $0xffff, v11;
	v17 =	vadd.s32 v0, v10;
	v11 =	vand.u32 $0x7E, v16;
	v16 =	vadd.f32 v18, v9;
	v18 =	vld [tilespmem:s9+$0xFFFFFFE0]  }
0x5ad: {  	[tilespmem:v21+s24+$0x0] =	vst.idx.msk $0xffff, v15;
	v15 =	vadd.s32 v0, v11;
	v21 =	vld [tilespmem:s9+$0x20];
	v22 =	vadd.f32 v22, v5  }
0x5ae: {  	v23 =	vadd.f32 v23, v9;
	[tilespmem:v24+s24+$0x0] =	vst.idx.msk $0xffff, v16;
	v16 =	vld [tilespmem:s9+$0xFFFFFFA0];
	v24 =	vadd.s32 v2, v19  }
0x5af: {  	v29 =	vadd.s32 v2, v20;
	v25 =	vadd.f32 v25, v9;
	v28 =	vld [tilespmem:s5+$0x50];
	[tilespmem:v26+s24+$0x0] =	vst.idx.msk $0xffff, v22  }
0x5b0: {  	[tilespmem:v27+s24+$0x0] =	vst.idx.msk $0xffff, v23;
	v23 =	vadd.s32 v2, v12;
	v14 =	vadd.f32 v14, v9;
	v26 =	vld [tilespmem:s9+$0x70]  }
0x5b1: {  	v27 =	vld [tilespmem:s5+$0xFFFFFF90];
	[tilespmem:v17+s24+$0x0] =	vst.idx.msk $0xffff, v25;
	v25 =	vadd.s32 v1, v7;
	v18 =	vadd.f32 v18, v5  }
0x5b2: {  	v31 =	vadd.s32 v3, v13;
	v30 =	vld [tilespmem:s5+$0xFFFFFFD0];
	[tilespmem:v15+s24+$0x0] =	vst.idx.msk $0xffff, v14;
	v14 =	vadd.f32 v21, v5  }
0x5b3: {  	v22 =	vadd.s32 v1, v8;
	v17 =	vld [tilespmem:s5+$0x10];
	v13 =	vadd.f32 v16, v5;
	[tilespmem:v24+s24+$0x0] =	vst.idx.msk $0xffff, v18  }
0x5b4: {  	s16 =	simm.s32 $0x8;
	v21 =	vadd.s32 v1, v10;
	[tilespmem:v29+s24+$0x0] =	vst.idx.msk $0xffff, v14;
	v18 =	vadd.f32 v28, v6;
	v16 =	vld [tilespmem:s9+$0xFFFFFFF0]  }
0x5b5: {  	v24 =	vmov s16;
	v14 =	vadd.s32 v1, v11;
	v15 =	vld [tilespmem:s9+$0x30];
	[tilespmem:v23+s24+$0x0] =	vst.idx.msk $0xffff, v13;
	v63 =	vadd.f32 v26, v4  }
0x5b6: {  	s30 =	simm.s32 $0xB;
	s6 =	simm.s32 $0x8680;
	v19 =	vadd.s32 v3, v19;
	v13 =	vand.u32 $0x7C, v24;
	v24 =	vadd.f32 v27, v6;
	[tilespmem:v25+s24+$0x0] =	vst.idx.msk $0xffff, v18;
	v18 =	vld [tilespmem:s9+$0xFFFFFFB0]  }
0x5b7: {  	v20 =	vadd.s32 v3, v20;
	v26 =	vmov s30;
	v23 =	vld [tilespmem:s6+$0x40];
	s9 =	simm.s32 $0xC;
	v25 =	vadd.f32 v30, v6;
	[tilespmem:v31+s24+$0x0] =	vst.idx.msk $0xffff, v63  }
.LBB2_44:
0x5b8: {  	p0 =	slt.u32 s9, $0x7C;
	s10 =	sadd.s32 $0x1, s16;
	v26 =	vand.u32 $0x7F, v26;
	[tilespmem:v22+s24+$0x0] =	vst.idx.msk $0xffff, v24;
	v17 =	vadd.f32 v17, v6;
	v22 =	vld [tilespmem:s5+$0x60];
	v24 =	vadd.s32 v3, v12  }
0x5b9: {  	v30 =	vmovc v11;
	v27 =	vld [tilespmem:s6+$0xFFFFFF80];
	v28 =	vmov s10;
	s10 =	sadd.s32 $0x2, s16;
	v29 =	vadd.s32 v0, v26;
	[tilespmem:v21+s24+$0x0] =	vst.idx.msk $0xffff, v25;
	v16 =	vadd.f32 v16, v4;
	s16 =	smov.u32 s9  }
0x5ba: {  	v12 =	vmovc v8;
	v21 =	vld [tilespmem:s6+$0xFFFFFFC0];
	v11 =	vmov s10;
	[tilespmem:v14+s24+$0x0] =	vst.idx.msk $0xffff, v17;
	v14 =	vadd.s32 v2, v7;
	v15 =	vadd.f32 v15, v4  }
0x5bb: {  	v17 =	vadd.s32 v0, v13;
	v28 =	vand.u32 $0x7D, v28;
	v25 =	vld [tilespmem:s6+$0x0];
	v31 =	vadd.f32 v18, v4;
	[tilespmem:v19+s24+$0x0] =	vst.idx.msk $0xffff, v16  }
0x5bc: {  	v16 =	vadd.s32 v0, v28;
	v11 =	vand.u32 $0x7E, v11;
	v18 =	vadd.f32 v23, v9;
	v19 =	vld [tilespmem:s5+$0xFFFFFFE0];
	[tilespmem:v20+s24+$0x0] =	vst.idx.msk $0xffff, v15  }
0x5bd: {  	v8 =	vmov v13;
	v15 =	vadd.s32 v0, v11;
	v20 =	vld [tilespmem:s5+$0x20];
	v22 =	vadd.f32 v22, v5;
	[tilespmem:v24+s24+$0x0] =	vst.idx.msk $0xffff, v31  }
0x5be: {  	v23 =	vadd.s32 v2, v10;
	v13 =	vadd.f32 v27, v9;
	[tilespmem:v29+s24+$0x0] =	vst.idx.msk $0xffff, v18;
	v18 =	vld [tilespmem:s5+$0xFFFFFFA0]  }
0x5bf: {  	v27 =	vadd.s32 v2, v30;
	v21 =	vadd.f32 v21, v9;
	v24 =	vld [tilespmem:s6+$0x50];
	[tilespmem:v14+s24+$0x0] =	vst.idx.msk $0xffff, v22  }
0x5c0: {  	[tilespmem:v17+s24+$0x0] =	vst.idx.msk $0xffff, v13;
	v13 =	vadd.f32 v25, v9;
	v25 =	vadd.s32 v2, v12;
	v29 =	vld [tilespmem:s5+$0x70]  }
0x5c1: {  	v32 =	vadd.s32 v1, v26;
	v31 =	vld [tilespmem:s6+$0xFFFFFF90];
	[tilespmem:v16+s24+$0x0] =	vst.idx.msk $0xffff, v21;
	v14 =	vadd.f32 v19, v5  }
0x5c2: {  	v34 =	vadd.s32 v3, v7;
	v7 =	vmov v26;
	v33 =	vld [tilespmem:s6+$0xFFFFFFD0];
	[tilespmem:v15+s24+$0x0] =	vst.idx.msk $0xffff, v13;
	v13 =	vadd.f32 v20, v5  }
.Ltmp21:
0x5c3: {  	v22 =	vadd.s32 v1, v8;
	v17 =	vld [tilespmem:s6+$0x10];
	v15 =	vadd.f32 v18, v5;
	[tilespmem:v23+s24+$0x0] =	vst.idx.msk $0xffff, v14;
	(pc) =	sbr.rel @p0 .LBB2_44-.Ltmp21, $4  }
0x5c4: {  	v21 =	vadd.s32 v1, v28;
	v18 =	vadd.f32 v24, v6;
	v16 =	vld [tilespmem:s5+$0xFFFFFFF0];
	[tilespmem:v27+s24+$0x0] =	vst.idx.msk $0xffff, v13  }
0x5c5: {  	v14 =	vadd.s32 v1, v11;
	v13 =	vmov s9;
	[tilespmem:v25+s24+$0x0] =	vst.idx.msk $0xffff, v15;
	v15 =	vld [tilespmem:s5+$0x30];
	v27 =	vadd.f32 v29, v4  }
0x5c6: {  	s10 =	sadd.s32 $0x3, s9;
	v19 =	vadd.s32 v3, v10;
	v13 =	vand.u32 $0x7C, v13;
	v24 =	vadd.f32 v31, v6;
	[tilespmem:v32+s24+$0x0] =	vst.idx.msk $0xffff, v18;
	v18 =	vld [tilespmem:s5+$0xFFFFFFB0];
	s5 =	smov.u32 s6;
	s6 =	sadd.s32 $0x100, s6  }
0x5c7: {  	v26 =	vmov s10;
	v10 =	vmovc v28;
	v20 =	vadd.s32 v3, v30;
	s9 =	sadd.s32 $0x4, s9;
	v23 =	vld [tilespmem:s6+$0x40];
	v25 =	vadd.f32 v33, v6;
	[tilespmem:v34+s24+$0x0] =	vst.idx.msk $0xffff, v27  }
0x5c8: {  	s9 =	sadd.s32 $0x1, s16  }
0x5c9: {  	v26 =	vand.u32 $0x7F, v26;
	s11 =	sadd.s32 $0x2, s16;
	v28 =	vld [tilespmem:s6+$0xFFFFFFC0];
	v27 =	vmov s9  }
0x5ca: {  	v31 =	vld [tilespmem:s6+$0x0];
	v29 =	vadd.s32 v0, v26;
	v30 =	vmov s11;
	v27 =	vand.u32 $0x7D, v27  }
0x5cb: {  	v32 =	vld [tilespmem:s6+$0xFFFFFF80];
	v30 =	vand.u32 $0x7E, v30;
	v33 =	vadd.s32 v0, v27  }
0x5cc: {  	v34 =	vadd.s32 v0, v30  }
0x5cd: {  	[tilespmem:v22+s24+$0x0] =	vst.idx.msk $0xffff, v24;
	v44 =	vadd.s32 v0, v13;
	v23 =	vadd.f32 v23, v9  }
0x5ce: {  	[tilespmem:v21+s24+$0x0] =	vst.idx.msk $0xffff, v25;
	v45 =	vadd.f32 v28, v9  }
0x5cf: {  	v46 =	vadd.f32 v31, v9;
	[tilespmem:v29+s24+$0x0] =	vst.idx.msk $0xffff, v23  }
0x5d0: {  	v47 =	vadd.f32 v32, v9;
	v48 =	vld [tilespmem:s6+$0x50];
	[tilespmem:v33+s24+$0x0] =	vst.idx.msk $0xffff, v45  }
0x5d1: {  	v17 =	vadd.f32 v17, v6;
	v12 =	vadd.s32 v3, v12;
	[tilespmem:v34+s24+$0x0] =	vst.idx.msk $0xffff, v46;
	v21 =	vld [tilespmem:s6+$0xFFFFFFD0]  }
0x5d2: {  	v16 =	vadd.f32 v16, v4;
	v49 =	vadd.s32 v1, v26;
	[tilespmem:v44+s24+$0x0] =	vst.idx.msk $0xffff, v47;
	v50 =	vld [tilespmem:s6+$0x10]  }
0x5d3: {  	[tilespmem:v14+s24+$0x0] =	vst.idx.msk $0xffff, v17;
	v51 =	vadd.f32 v15, v4;
	v53 =	vadd.s32 v1, v27;
	v52 =	vld [tilespmem:s6+$0xFFFFFF90]  }
0x5d4: {  	v54 =	vld [tilespmem:s5+$0x60];
	v18 =	vadd.f32 v18, v4;
	[tilespmem:v19+s24+$0x0] =	vst.idx.msk $0xffff, v16;
	v55 =	vadd.s32 v1, v30  }
0x5d5: {  	v57 =	vadd.s32 v1, v13;
	v60 =	vld [tilespmem:s5+$0x20];
	[tilespmem:v20+s24+$0x0] =	vst.idx.msk $0xffff, v51;
	v58 =	vadd.f32 v48, v6  }
0x5d6: {  	v59 =	vadd.s32 v2, v7;
	v56 =	vld [tilespmem:s5+$0xFFFFFFE0];
	[tilespmem:v12+s24+$0x0] =	vst.idx.msk $0xffff, v18;
	v61 =	vadd.f32 v21, v6  }
0x5d7: {  	v62 =	vld [tilespmem:s5+$0xFFFFFFA0];
	v29 =	vadd.s32 v2, v11;
	[tilespmem:v49+s24+$0x0] =	vst.idx.msk $0xffff, v58;
	v28 =	vadd.f32 v50, v6  }
0x5d8: {  	v63 =	vadd.s32 v2, v10;
	v31 =	vadd.f32 v52, v6;
	v32 =	vld [tilespmem:s6+$0x60];
	[tilespmem:v53+s24+$0x0] =	vst.idx.msk $0xffff, v61  }
0x5d9: {  	v33 =	vadd.f32 v54, v5;
	v34 =	vadd.s32 v2, v8;
	[tilespmem:v55+s24+$0x0] =	vst.idx.msk $0xffff, v28;
	v35 =	vld [tilespmem:s6+$0xFFFFFFE0]  }
0x5da: {  	v37 =	vadd.s32 v2, v26;
	v39 =	vadd.f32 v60, v5;
	[tilespmem:v57+s24+$0x0] =	vst.idx.msk $0xffff, v31;
	v38 =	vld [tilespmem:s6+$0x20]  }
0x5db: {  	v41 =	vadd.s32 v2, v27;
	v36 =	vadd.f32 v56, v5;
	[tilespmem:v59+s24+$0x0] =	vst.idx.msk $0xffff, v33;
	v40 =	vld [tilespmem:s6+$0xFFFFFFA0]  }
0x5dc: {  	v43 =	vadd.s32 v2, v30;
	v18 =	vadd.f32 v62, v5;
	v42 =	vld [tilespmem:s5+$0x70];
	[tilespmem:v29+s24+$0x0] =	vst.idx.msk $0xffff, v39  }
0x5dd: {  	v45 =	vadd.s32 v2, v13;
	[tilespmem:v63+s24+$0x0] =	vst.idx.msk $0xffff, v36;
	v47 =	vld [tilespmem:s5+$0x30];
	v44 =	vadd.f32 v32, v5  }
0x5de: {  	v46 =	vadd.s32 v3, v7;
	[tilespmem:v34+s24+$0x0] =	vst.idx.msk $0xffff, v18;
	v21 =	vld [tilespmem:s5+$0xFFFFFFF0];
	v9 =	vadd.f32 v35, v5  }
0x5df: {  	v18 =	vld [tilespmem:s5+$0xFFFFFFB0];
	v50 =	vadd.s32 v3, v11;
	[tilespmem:v37+s24+$0x0] =	vst.idx.msk $0xffff, v44;
	v49 =	vadd.f32 v38, v5  }
0x5e0: {  	v48 =	vadd.s32 v3, v10;
	v5 =	vadd.f32 v40, v5;
	v12 =	vld [tilespmem:s6+$0x70];
	[tilespmem:v41+s24+$0x0] =	vst.idx.msk $0xffff, v9  }
0x5e1: {  	v52 =	vadd.s32 v3, v8;
	v51 =	vadd.f32 v42, v4;
	[tilespmem:v43+s24+$0x0] =	vst.idx.msk $0xffff, v49;
	v53 =	vld [tilespmem:s6+$0xFFFFFFF0]  }
0x5e2: {  	v55 =	vadd.s32 v3, v26;
	v56 =	vadd.f32 v47, v4;
	[tilespmem:v45+s24+$0x0] =	vst.idx.msk $0xffff, v5;
	v5 =	vld [tilespmem:s6+$0x30]  }
0x5e3: {  	v58 =	vadd.s32 v3, v27;
	[tilespmem:v46+s24+$0x0] =	vst.idx.msk $0xffff, v51;
	v54 =	vadd.f32 v21, v4;
	v57 =	vld [tilespmem:s6+$0xFFFFFFB0]  }
0x5e4: {  	v60 =	vadd.s32 v3, v30;
	v59 =	vadd.f32 v18, v4;
	[tilespmem:v50+s24+$0x0] =	vst.idx.msk $0xffff, v56  }
0x5e5: {  	v62 =	vadd.s32 v3, v13;
	[tilespmem:v48+s24+$0x0] =	vst.idx.msk $0xffff, v54;
	v61 =	vadd.f32 v12, v4  }
0x5e6: {  	[tilespmem:v52+s24+$0x0] =	vst.idx.msk $0xffff, v59;
	v63 =	vadd.f32 v53, v4  }
0x5e7: {  	[tilespmem:v55+s24+$0x0] =	vst.idx.msk $0xffff, v61;
	v5 =	vadd.f32 v5, v4  }
0x5e8: {  	v4 =	vadd.f32 v57, v4;
	[tilespmem:v58+s24+$0x0] =	vst.idx.msk $0xffff, v63  }
0x5e9: {  	[tilespmem:v60+s24+$0x0] =	vst.idx.msk $0xffff, v5  }
0x5ea: {  	s16 =	simm.s32 $0xC400;
	[tilespmem:v62+s24+$0x0] =	vst.idx.msk $0xffff, v4  }
0x5eb: {  	[hbm4b:s12+s3] =	stream.linear.scatter [tilespmem:s16], [sflag:$0x4], $0x80, $0x38;
	[tilespmem:$0x13A00] =	vst v63  }
0x5ec: {  	s17 =	simm.s32 $0xC488;
	s18 =	sadd.s32 $0x10, s12  }
0x5ed: {  	[hbm4b:s18+s3] =	stream.linear.scatter [tilespmem:s17], [sflag:$0x4], $0x80, $0x38;
	[tilespmem:$0x13A00] =	vst v63  }
0x5ee: {  	s25 =	simm.s32 $0xC510;
	s30 =	sadd.s32 $0x20, s12;
	s10 =	sadd.s32 $0x30, s12  }
0x5ef: {  	[hbm4b:s30+s3] =	stream.linear.scatter [tilespmem:s25], [sflag:$0x4], $0x80, $0x38;
	[tilespmem:$0x13A00] =	vst v63  }
0x5f0: {  	s9 =	simm.s32 $0xC598;
	s11 =	simm.s32 $0xC620;
	s5 =	simm.s32 $0x440  }
0x5f1: {  	[hbm4b:s10+s3] =	stream.linear.scatter [tilespmem:s9], [sflag:$0x4], $0x80, $0x38;
	[tilespmem:$0x13A00] =	vst v63  }
0x5f2: {  	s6 =	sadd.s32 $0x1000, s12;
	s16 =	sadd.s32 $0x40, s12;
	s17 =	simm.s32 $0xC6A8  }
0x5f3: {  	[hbm4b:s16+s3] =	stream.linear.scatter [tilespmem:s11], [sflag:$0x4], $0x80, $0x38;
	[tilespmem:$0x13A00] =	vst v63  }
0x5f4: {  	s18 =	sadd.s32 $0x50, s12;
	s25 =	simm.s32 $0xC730;
	s30 =	sadd.s32 $0x60, s12  }
0x5f5: {  	[hbm4b:s18+s3] =	stream.linear.scatter [tilespmem:s17], [sflag:$0x4], $0x80, $0x38;
	[tilespmem:$0x13A00] =	vst v63  }
0x5f6: {  	s9 =	simm.s32 $0x2200;
	s16 =	simm.s32 $0xC7B8;
	s17 =	sadd.s32 $0x70, s12  }
0x5f7: {  	[hbm4b:s30+s3] =	stream.linear.scatter [tilespmem:s25], [sflag:$0x4], $0x80, $0x38;
	[tilespmem:$0x13A00] =	vst v63  }
.LBB2_46:
0x5f8: {  	[hbm4b:s17+s3] =	stream.linear.scatter [tilespmem:s16], [sflag:$0x4], $0x80, $0x38;
	[tilespmem:$0x13A00] =	vst v63  }
0x5f9: {  	s10 =	smov.u32 s5;
	s5 =	smov.u32 s9  }
0x5fa: {  	s11 =	sadd.s32 $0x1100, s9;
	s5 =	sshra.s32 s5, $0x2;
	s16 =	sadd.s32 $0xC400, s10  }
0x5fb: {  	[hbm4b:s6+s3] =	stream.linear.scatter [tilespmem:s16], [sflag:$0x4], $0x80, $0x38;
	[tilespmem:$0x13A00] =	vst v63  }
0x5fc: {  	p0 =	sne.s32 s9, $0x7700;
	s9 =	sadd.s32 $0xC488, s10;
	s16 =	sadd.s32 $0x10, s6  }
0x5fd: {  	[hbm4b:s16+s3] =	stream.linear.scatter [tilespmem:s9], [sflag:$0x4], $0x80, $0x38;
	[tilespmem:$0x13A00] =	vst v63  }
0x5fe: {  	s9 =	sadd.s32 $0xC510, s10;
	s16 =	sadd.s32 $0x20, s6  }
0x5ff: {  	[hbm4b:s16+s3] =	stream.linear.scatter [tilespmem:s9], [sflag:$0x4], $0x80, $0x38;
	[tilespmem:$0x13A00] =	vst v63  }
0x600: {  	s9 =	sadd.s32 $0xC598, s10;
	s16 =	sadd.s32 $0x30, s6  }
0x601: {  	[hbm4b:s16+s3] =	stream.linear.scatter [tilespmem:s9], [sflag:$0x4], $0x80, $0x38;
	[tilespmem:$0x13A00] =	vst v63  }
0x602: {  	s9 =	sadd.s32 $0xC620, s10;
	s16 =	sadd.s32 $0x40, s6  }
0x603: {  	[hbm4b:s16+s3] =	stream.linear.scatter [tilespmem:s9], [sflag:$0x4], $0x80, $0x38;
	[tilespmem:$0x13A00] =	vst v63  }
.Ltmp22:
0x604: {  	s9 =	sadd.s32 $0xC6A8, s10;
	s16 =	sadd.s32 $0x50, s6;
	(pc) =	sbr.rel @p0 .LBB2_46-.Ltmp22, $4  }
0x605: {  	[hbm4b:s16+s3] =	stream.linear.scatter [tilespmem:s9], [sflag:$0x4], $0x80, $0x38;
	[tilespmem:$0x13A00] =	vst v63  }
0x606: {  	s17 =	sadd.s32 $0x70, s6;
	s9 =	sadd.s32 $0xC730, s10;
	s16 =	sadd.s32 $0x60, s6  }
0x607: {  	[hbm4b:s16+s3] =	stream.linear.scatter [tilespmem:s9], [sflag:$0x4], $0x80, $0x38;
	[tilespmem:$0x13A00] =	vst v63  }
0x608: {  	s6 =	sadd.s32 $0x1000, s6;
	s16 =	sadd.s32 $0xC7B8, s10;
	s9 =	smov.u32 s11  }
0x609: {  	[hbm4b:s17+s3] =	stream.linear.scatter [tilespmem:s16], [sflag:$0x4], $0x80, $0x38;
	[tilespmem:$0x13A00] =	vst v63  }
0x60a: {  	s9 =	sadd.s32 $0xC400, s5  }
0x60b: {  	[hbm4b:s6+s3] =	stream.linear.scatter [tilespmem:s9], [sflag:$0x4], $0x80, $0x38;
	[tilespmem:$0x13A00] =	vst v63  }
0x60c: {  	s18 =	sadd.s32 $0xC488, s5;
	s10 =	sadd.s32 $0x10, s6  }
0x60d: {  	[hbm4b:s10+s3] =	stream.linear.scatter [tilespmem:s18], [sflag:$0x4], $0x80, $0x38;
	[tilespmem:$0x13A00] =	vst v63  }
0x60e: {  	s25 =	sadd.s32 $0xC510, s5;
	s30 =	sadd.s32 $0x20, s6  }
0x60f: {  	[hbm4b:s30+s3] =	stream.linear.scatter [tilespmem:s25], [sflag:$0x4], $0x80, $0x38;
	[tilespmem:$0x13A00] =	vst v63  }
0x610: {  	s11 =	sadd.s32 $0xC598, s5;
	s16 =	sadd.s32 $0x30, s6  }
0x611: {  	[hbm4b:s16+s3] =	stream.linear.scatter [tilespmem:s11], [sflag:$0x4], $0x80, $0x38;
	[tilespmem:$0x13A00] =	vst v63  }
0x612: {  	s17 =	sadd.s32 $0xC620, s5;
	s18 =	sadd.s32 $0x40, s6  }
0x613: {  	[hbm4b:s18+s3] =	stream.linear.scatter [tilespmem:s17], [sflag:$0x4], $0x80, $0x38;
	[tilespmem:$0x13A00] =	vst v63  }
0x614: {  	s25 =	sadd.s32 $0xC6A8, s5;
	s30 =	sadd.s32 $0x50, s6  }
0x615: {  	[hbm4b:s30+s3] =	stream.linear.scatter [tilespmem:s25], [sflag:$0x4], $0x80, $0x38;
	[tilespmem:$0x13A00] =	vst v63  }
0x616: {  	s11 =	sadd.s32 $0xC730, s5;
	s16 =	sadd.s32 $0x60, s6  }
0x617: {  	[hbm4b:s16+s3] =	stream.linear.scatter [tilespmem:s11], [sflag:$0x4], $0x80, $0x38;
	[tilespmem:$0x13A00] =	vst v63  }
0x618: {  	s17 =	sadd.s32 $0xC7B8, s5;
	s18 =	sadd.s32 $0x70, s6  }
0x619: {  	[hbm4b:s18+s3] =	stream.linear.scatter [tilespmem:s17], [sflag:$0x4], $0x80, $0x38;
	[tilespmem:$0x13A00] =	vst v63  }
0x61a: {  	s25 =	simm.s32 $0x6300  }
0x61b: {  	[tilespmem:s21], [sflag:$0x1] =	stream.indirect.gather [hbm4b:s4+s19], $0x40, s25, s19, $0xb8;
	[tilespmem:$0x13A00] =	vst v63  }
0x61c: {  	_ =	swait.ge [sflag:s31], $0x2000  }
0x61d: {  	[sflag:s31] =	ssyncset.done $0x0  }
0x61e: {  	[sflag:s31] =	ssyncadd.s32 $0xFFFFE000  }
0x61f: {  	_ =	swait.ge [sflag:s1], $0x2000  }
0x620: {  	[sflag:s1] =	ssyncset.done $0x0  }
0x621: {  	[sflag:s1] =	ssyncadd.s32 $0xFFFFE000  }
0x622: {  	s9 =	simm.s32 $0xA480;
	s30 =	simm.s32 $0x3;
	v9 =	vld [tilespmem:$0x13940]  }
0x623: {  	v4 =	vmov s30;
	v7 =	vld [tilespmem:s9+$0x40]  }
0x624: {  	v13 =	vand.u32 $0x7F, v4  }
0x625: {  	s6 =	simm.s32 $0x0;
	v8 =	vadd.s32 v0, v13;
	v6 =	vld [tilespmem:$0x13950]  }
0x626: {  	s10 =	simm.s32 $0x1;
	v4 =	vmov s6;
	s11 =	simm.s32 $0x2;
	v10 =	vld [tilespmem:s9+$0xFFFFFF80]  }
0x627: {  	v12 =	vand.u32 $0x7C, v4;
	v4 =	vmov s10;
	v14 =	vmov s11;
	v11 =	vld [tilespmem:s9+$0xFFFFFFC0]  }
0x628: {  	v15 =	vadd.s32 v0, v12;
	v19 =	vand.u32 $0x7D, v4;
	v16 =	vld [tilespmem:s9+$0x0];
	v7 =	vadd.f32 v7, v9  }
0x629: {  	v20 =	vand.u32 $0x7E, v14;
	v17 =	vadd.s32 v0, v19;
	v5 =	vld [tilespmem:$0x13960]  }
0x62a: {  	v14 =	vadd.s32 v0, v20;
	v4 =	vld [tilespmem:$0x13970];
	[tilespmem:v8+s29+$0x0] =	vst.idx.msk $0xffff, v7  }
0x62b: {  	v7 =	vadd.f32 v10, v9;
	v8 =	vld [tilespmem:s9+$0x50]  }
0x62c: {  	v10 =	vadd.f32 v11, v9  }
0x62d: {  	v11 =	vadd.s32 v1, v13;
	[tilespmem:v15+s29+$0x0] =	vst.idx.msk $0xffff, v7;
	v7 =	vadd.f32 v16, v9  }
0x62e: {  	[tilespmem:v17+s29+$0x0] =	vst.idx.msk $0xffff, v10;
	v15 =	vld [tilespmem:s9+$0xFFFFFF90]  }
0x62f: {  	v10 =	vld [tilespmem:s9+$0xFFFFFFD0];
	[tilespmem:v14+s29+$0x0] =	vst.idx.msk $0xffff, v7  }
0x630: {  	v14 =	vld [tilespmem:s9+$0x10];
	v7 =	vadd.f32 v8, v6  }
0x631: {  	s5 =	simm.s32 $0xA580;
	s17 =	simm.s32 $0x7;
	v16 =	vadd.s32 v1, v19  }
0x632: {  	s16 =	simm.s32 $0x4;
	v26 =	vadd.s32 v2, v13;
	v18 =	vld [tilespmem:s5+$0x40];
	v17 =	vadd.s32 v1, v20;
	[tilespmem:v11+s29+$0x0] =	vst.idx.msk $0xffff, v7;
	v7 =	vmov s17  }
0x633: {  	v21 =	vadd.s32 v1, v12;
	v8 =	vmov s16;
	v7 =	vand.u32 $0x7F, v7;
	v22 =	vld [tilespmem:s9+$0x60]  }
0x634: {  	s18 =	simm.s32 $0x5;
	v23 =	vld [tilespmem:s5+$0xFFFFFF80];
	v8 =	vand.u32 $0x7C, v8;
	v10 =	vadd.f32 v10, v6;
	v24 =	vadd.s32 v0, v7  }
0x635: {  	s25 =	simm.s32 $0x6;
	v25 =	vld [tilespmem:s5+$0xFFFFFFC0];
	v15 =	vadd.f32 v15, v6;
	v11 =	vadd.f32 v14, v6;
	v14 =	vmov s18  }
0x636: {  	v27 =	vadd.s32 v0, v8;
	[tilespmem:v16+s29+$0x0] =	vst.idx.msk $0xffff, v10;
	v16 =	vmov s25;
	v10 =	vand.u32 $0x7D, v14;
	v14 =	vld [tilespmem:s5+$0x0]  }
0x637: {  	[tilespmem:v17+s29+$0x0] =	vst.idx.msk $0xffff, v11;
	v17 =	vadd.s32 v0, v10;
	v11 =	vand.u32 $0x7E, v16;
	v16 =	vadd.f32 v18, v9;
	v18 =	vld [tilespmem:s9+$0xFFFFFFE0]  }
0x638: {  	[tilespmem:v21+s29+$0x0] =	vst.idx.msk $0xffff, v15;
	v15 =	vadd.s32 v0, v11;
	v21 =	vld [tilespmem:s9+$0x20];
	v22 =	vadd.f32 v22, v5  }
0x639: {  	v23 =	vadd.f32 v23, v9;
	[tilespmem:v24+s29+$0x0] =	vst.idx.msk $0xffff, v16;
	v16 =	vld [tilespmem:s9+$0xFFFFFFA0];
	v24 =	vadd.s32 v2, v19  }
0x63a: {  	v29 =	vadd.s32 v2, v20;
	v25 =	vadd.f32 v25, v9;
	v28 =	vld [tilespmem:s5+$0x50];
	[tilespmem:v26+s29+$0x0] =	vst.idx.msk $0xffff, v22  }
0x63b: {  	[tilespmem:v27+s29+$0x0] =	vst.idx.msk $0xffff, v23;
	v23 =	vadd.s32 v2, v12;
	v14 =	vadd.f32 v14, v9;
	v26 =	vld [tilespmem:s9+$0x70]  }
0x63c: {  	v27 =	vld [tilespmem:s5+$0xFFFFFF90];
	[tilespmem:v17+s29+$0x0] =	vst.idx.msk $0xffff, v25;
	v25 =	vadd.s32 v1, v7;
	v18 =	vadd.f32 v18, v5  }
0x63d: {  	v31 =	vadd.s32 v3, v13;
	v30 =	vld [tilespmem:s5+$0xFFFFFFD0];
	[tilespmem:v15+s29+$0x0] =	vst.idx.msk $0xffff, v14;
	v14 =	vadd.f32 v21, v5  }
0x63e: {  	v22 =	vadd.s32 v1, v8;
	v17 =	vld [tilespmem:s5+$0x10];
	v13 =	vadd.f32 v16, v5;
	[tilespmem:v24+s29+$0x0] =	vst.idx.msk $0xffff, v18  }
0x63f: {  	s16 =	simm.s32 $0x8;
	v21 =	vadd.s32 v1, v10;
	[tilespmem:v29+s29+$0x0] =	vst.idx.msk $0xffff, v14;
	v18 =	vadd.f32 v28, v6;
	v16 =	vld [tilespmem:s9+$0xFFFFFFF0]  }
0x640: {  	v24 =	vmov s16;
	v14 =	vadd.s32 v1, v11;
	v15 =	vld [tilespmem:s9+$0x30];
	[tilespmem:v23+s29+$0x0] =	vst.idx.msk $0xffff, v13;
	v63 =	vadd.f32 v26, v4  }
0x641: {  	s30 =	simm.s32 $0xB;
	s6 =	simm.s32 $0xA680;
	v19 =	vadd.s32 v3, v19;
	v13 =	vand.u32 $0x7C, v24;
	v24 =	vadd.f32 v27, v6;
	[tilespmem:v25+s29+$0x0] =	vst.idx.msk $0xffff, v18;
	v18 =	vld [tilespmem:s9+$0xFFFFFFB0]  }
0x642: {  	v20 =	vadd.s32 v3, v20;
	v26 =	vmov s30;
	v23 =	vld [tilespmem:s6+$0x40];
	s9 =	simm.s32 $0xC;
	v25 =	vadd.f32 v30, v6;
	[tilespmem:v31+s29+$0x0] =	vst.idx.msk $0xffff, v63  }
.LBB2_48:
0x643: {  	p0 =	slt.u32 s9, $0x7C;
	s10 =	sadd.s32 $0x1, s16;
	v26 =	vand.u32 $0x7F, v26;
	[tilespmem:v22+s29+$0x0] =	vst.idx.msk $0xffff, v24;
	v17 =	vadd.f32 v17, v6;
	v22 =	vld [tilespmem:s5+$0x60];
	v24 =	vadd.s32 v3, v12  }
0x644: {  	v30 =	vmovc v11;
	v27 =	vld [tilespmem:s6+$0xFFFFFF80];
	v28 =	vmov s10;
	s10 =	sadd.s32 $0x2, s16;
	v29 =	vadd.s32 v0, v26;
	[tilespmem:v21+s29+$0x0] =	vst.idx.msk $0xffff, v25;
	v16 =	vadd.f32 v16, v4;
	s16 =	smov.u32 s9  }
0x645: {  	v12 =	vmovc v8;
	v21 =	vld [tilespmem:s6+$0xFFFFFFC0];
	v11 =	vmov s10;
	[tilespmem:v14+s29+$0x0] =	vst.idx.msk $0xffff, v17;
	v14 =	vadd.s32 v2, v7;
	v15 =	vadd.f32 v15, v4  }
0x646: {  	v17 =	vadd.s32 v0, v13;
	v28 =	vand.u32 $0x7D, v28;
	v25 =	vld [tilespmem:s6+$0x0];
	v31 =	vadd.f32 v18, v4;
	[tilespmem:v19+s29+$0x0] =	vst.idx.msk $0xffff, v16  }
0x647: {  	v16 =	vadd.s32 v0, v28;
	v11 =	vand.u32 $0x7E, v11;
	v18 =	vadd.f32 v23, v9;
	v19 =	vld [tilespmem:s5+$0xFFFFFFE0];
	[tilespmem:v20+s29+$0x0] =	vst.idx.msk $0xffff, v15  }
0x648: {  	v8 =	vmov v13;
	v15 =	vadd.s32 v0, v11;
	v20 =	vld [tilespmem:s5+$0x20];
	v22 =	vadd.f32 v22, v5;
	[tilespmem:v24+s29+$0x0] =	vst.idx.msk $0xffff, v31  }
0x649: {  	v23 =	vadd.s32 v2, v10;
	v13 =	vadd.f32 v27, v9;
	[tilespmem:v29+s29+$0x0] =	vst.idx.msk $0xffff, v18;
	v18 =	vld [tilespmem:s5+$0xFFFFFFA0]  }
0x64a: {  	v27 =	vadd.s32 v2, v30;
	v21 =	vadd.f32 v21, v9;
	v24 =	vld [tilespmem:s6+$0x50];
	[tilespmem:v14+s29+$0x0] =	vst.idx.msk $0xffff, v22  }
0x64b: {  	[tilespmem:v17+s29+$0x0] =	vst.idx.msk $0xffff, v13;
	v13 =	vadd.f32 v25, v9;
	v25 =	vadd.s32 v2, v12;
	v29 =	vld [tilespmem:s5+$0x70]  }
0x64c: {  	v32 =	vadd.s32 v1, v26;
	v31 =	vld [tilespmem:s6+$0xFFFFFF90];
	[tilespmem:v16+s29+$0x0] =	vst.idx.msk $0xffff, v21;
	v14 =	vadd.f32 v19, v5  }
0x64d: {  	v34 =	vadd.s32 v3, v7;
	v7 =	vmov v26;
	v33 =	vld [tilespmem:s6+$0xFFFFFFD0];
	[tilespmem:v15+s29+$0x0] =	vst.idx.msk $0xffff, v13;
	v13 =	vadd.f32 v20, v5  }
.Ltmp23:
0x64e: {  	v22 =	vadd.s32 v1, v8;
	v17 =	vld [tilespmem:s6+$0x10];
	v15 =	vadd.f32 v18, v5;
	[tilespmem:v23+s29+$0x0] =	vst.idx.msk $0xffff, v14;
	(pc) =	sbr.rel @p0 .LBB2_48-.Ltmp23, $4  }
0x64f: {  	v21 =	vadd.s32 v1, v28;
	v18 =	vadd.f32 v24, v6;
	v16 =	vld [tilespmem:s5+$0xFFFFFFF0];
	[tilespmem:v27+s29+$0x0] =	vst.idx.msk $0xffff, v13  }
0x650: {  	v14 =	vadd.s32 v1, v11;
	v13 =	vmov s9;
	[tilespmem:v25+s29+$0x0] =	vst.idx.msk $0xffff, v15;
	v15 =	vld [tilespmem:s5+$0x30];
	v27 =	vadd.f32 v29, v4  }
0x651: {  	s10 =	sadd.s32 $0x3, s9;
	v19 =	vadd.s32 v3, v10;
	v13 =	vand.u32 $0x7C, v13;
	v24 =	vadd.f32 v31, v6;
	[tilespmem:v32+s29+$0x0] =	vst.idx.msk $0xffff, v18;
	v18 =	vld [tilespmem:s5+$0xFFFFFFB0];
	s5 =	smov.u32 s6;
	s6 =	sadd.s32 $0x100, s6  }
0x652: {  	v26 =	vmov s10;
	v10 =	vmovc v28;
	v20 =	vadd.s32 v3, v30;
	s9 =	sadd.s32 $0x4, s9;
	v23 =	vld [tilespmem:s6+$0x40];
	v25 =	vadd.f32 v33, v6;
	[tilespmem:v34+s29+$0x0] =	vst.idx.msk $0xffff, v27  }
0x653: {  	s9 =	sadd.s32 $0x1, s16  }
0x654: {  	v26 =	vand.u32 $0x7F, v26;
	s11 =	sadd.s32 $0x2, s16;
	v28 =	vld [tilespmem:s6+$0xFFFFFFC0];
	v27 =	vmov s9  }
0x655: {  	v31 =	vld [tilespmem:s6+$0x0];
	v29 =	vadd.s32 v0, v26;
	v30 =	vmov s11;
	v27 =	vand.u32 $0x7D, v27  }
0x656: {  	v32 =	vld [tilespmem:s6+$0xFFFFFF80];
	v30 =	vand.u32 $0x7E, v30;
	v33 =	vadd.s32 v0, v27  }
0x657: {  	v34 =	vadd.s32 v0, v30  }
0x658: {  	[tilespmem:v22+s29+$0x0] =	vst.idx.msk $0xffff, v24;
	v44 =	vadd.s32 v0, v13;
	v23 =	vadd.f32 v23, v9  }
0x659: {  	[tilespmem:v21+s29+$0x0] =	vst.idx.msk $0xffff, v25;
	v45 =	vadd.f32 v28, v9  }
0x65a: {  	v46 =	vadd.f32 v31, v9;
	[tilespmem:v29+s29+$0x0] =	vst.idx.msk $0xffff, v23  }
0x65b: {  	v47 =	vadd.f32 v32, v9;
	v48 =	vld [tilespmem:s6+$0x50];
	[tilespmem:v33+s29+$0x0] =	vst.idx.msk $0xffff, v45  }
0x65c: {  	v17 =	vadd.f32 v17, v6;
	v12 =	vadd.s32 v3, v12;
	[tilespmem:v34+s29+$0x0] =	vst.idx.msk $0xffff, v46;
	v21 =	vld [tilespmem:s6+$0xFFFFFFD0]  }
0x65d: {  	v16 =	vadd.f32 v16, v4;
	v49 =	vadd.s32 v1, v26;
	[tilespmem:v44+s29+$0x0] =	vst.idx.msk $0xffff, v47;
	v50 =	vld [tilespmem:s6+$0x10]  }
0x65e: {  	[tilespmem:v14+s29+$0x0] =	vst.idx.msk $0xffff, v17;
	v51 =	vadd.f32 v15, v4;
	v53 =	vadd.s32 v1, v27;
	v52 =	vld [tilespmem:s6+$0xFFFFFF90]  }
0x65f: {  	v54 =	vld [tilespmem:s5+$0x60];
	v18 =	vadd.f32 v18, v4;
	[tilespmem:v19+s29+$0x0] =	vst.idx.msk $0xffff, v16;
	v55 =	vadd.s32 v1, v30  }
0x660: {  	v57 =	vadd.s32 v1, v13;
	v60 =	vld [tilespmem:s5+$0x20];
	[tilespmem:v20+s29+$0x0] =	vst.idx.msk $0xffff, v51;
	v58 =	vadd.f32 v48, v6  }
0x661: {  	v59 =	vadd.s32 v2, v7;
	v56 =	vld [tilespmem:s5+$0xFFFFFFE0];
	[tilespmem:v12+s29+$0x0] =	vst.idx.msk $0xffff, v18;
	v61 =	vadd.f32 v21, v6  }
0x662: {  	v62 =	vld [tilespmem:s5+$0xFFFFFFA0];
	v29 =	vadd.s32 v2, v11;
	[tilespmem:v49+s29+$0x0] =	vst.idx.msk $0xffff, v58;
	v28 =	vadd.f32 v50, v6  }
0x663: {  	v63 =	vadd.s32 v2, v10;
	v31 =	vadd.f32 v52, v6;
	v32 =	vld [tilespmem:s6+$0x60];
	[tilespmem:v53+s29+$0x0] =	vst.idx.msk $0xffff, v61  }
0x664: {  	v33 =	vadd.f32 v54, v5;
	v34 =	vadd.s32 v2, v8;
	[tilespmem:v55+s29+$0x0] =	vst.idx.msk $0xffff, v28;
	v35 =	vld [tilespmem:s6+$0xFFFFFFE0]  }
0x665: {  	v37 =	vadd.s32 v2, v26;
	v39 =	vadd.f32 v60, v5;
	[tilespmem:v57+s29+$0x0] =	vst.idx.msk $0xffff, v31;
	v38 =	vld [tilespmem:s6+$0x20]  }
0x666: {  	v41 =	vadd.s32 v2, v27;
	v36 =	vadd.f32 v56, v5;
	[tilespmem:v59+s29+$0x0] =	vst.idx.msk $0xffff, v33;
	v40 =	vld [tilespmem:s6+$0xFFFFFFA0]  }
0x667: {  	v43 =	vadd.s32 v2, v30;
	v18 =	vadd.f32 v62, v5;
	v42 =	vld [tilespmem:s5+$0x70];
	[tilespmem:v29+s29+$0x0] =	vst.idx.msk $0xffff, v39  }
0x668: {  	v45 =	vadd.s32 v2, v13;
	[tilespmem:v63+s29+$0x0] =	vst.idx.msk $0xffff, v36;
	v47 =	vld [tilespmem:s5+$0x30];
	v44 =	vadd.f32 v32, v5  }
0x669: {  	v46 =	vadd.s32 v3, v7;
	[tilespmem:v34+s29+$0x0] =	vst.idx.msk $0xffff, v18;
	v21 =	vld [tilespmem:s5+$0xFFFFFFF0];
	v9 =	vadd.f32 v35, v5  }
0x66a: {  	v18 =	vld [tilespmem:s5+$0xFFFFFFB0];
	v50 =	vadd.s32 v3, v11;
	[tilespmem:v37+s29+$0x0] =	vst.idx.msk $0xffff, v44;
	v49 =	vadd.f32 v38, v5  }
0x66b: {  	v48 =	vadd.s32 v3, v10;
	v5 =	vadd.f32 v40, v5;
	v12 =	vld [tilespmem:s6+$0x70];
	[tilespmem:v41+s29+$0x0] =	vst.idx.msk $0xffff, v9  }
0x66c: {  	v52 =	vadd.s32 v3, v8;
	v51 =	vadd.f32 v42, v4;
	[tilespmem:v43+s29+$0x0] =	vst.idx.msk $0xffff, v49;
	v53 =	vld [tilespmem:s6+$0xFFFFFFF0]  }
0x66d: {  	v55 =	vadd.s32 v3, v26;
	v56 =	vadd.f32 v47, v4;
	[tilespmem:v45+s29+$0x0] =	vst.idx.msk $0xffff, v5;
	v5 =	vld [tilespmem:s6+$0x30]  }
0x66e: {  	v58 =	vadd.s32 v3, v27;
	[tilespmem:v46+s29+$0x0] =	vst.idx.msk $0xffff, v51;
	v54 =	vadd.f32 v21, v4;
	v57 =	vld [tilespmem:s6+$0xFFFFFFB0]  }
0x66f: {  	v60 =	vadd.s32 v3, v30;
	v59 =	vadd.f32 v18, v4;
	[tilespmem:v50+s29+$0x0] =	vst.idx.msk $0xffff, v56  }
0x670: {  	v62 =	vadd.s32 v3, v13;
	[tilespmem:v48+s29+$0x0] =	vst.idx.msk $0xffff, v54;
	v61 =	vadd.f32 v12, v4  }
0x671: {  	[tilespmem:v52+s29+$0x0] =	vst.idx.msk $0xffff, v59;
	v63 =	vadd.f32 v53, v4  }
0x672: {  	[tilespmem:v55+s29+$0x0] =	vst.idx.msk $0xffff, v61;
	v5 =	vadd.f32 v5, v4  }
0x673: {  	v4 =	vadd.f32 v57, v4;
	[tilespmem:v58+s29+$0x0] =	vst.idx.msk $0xffff, v63  }
0x674: {  	[tilespmem:v60+s29+$0x0] =	vst.idx.msk $0xffff, v5  }
0x675: {  	s16 =	simm.s32 $0xE600;
	[tilespmem:v62+s29+$0x0] =	vst.idx.msk $0xffff, v4  }
0x676: {  	[hbm4b:s13+s3] =	stream.linear.scatter [tilespmem:s16], [sflag:$0x5], $0x80, $0x38;
	[tilespmem:$0x13A00] =	vst v63  }
0x677: {  	s17 =	simm.s32 $0xE688;
	s18 =	sadd.s32 $0x10, s13  }
0x678: {  	[hbm4b:s18+s3] =	stream.linear.scatter [tilespmem:s17], [sflag:$0x5], $0x80, $0x38;
	[tilespmem:$0x13A00] =	vst v63  }
0x679: {  	s25 =	simm.s32 $0xE710;
	s30 =	sadd.s32 $0x20, s13;
	s10 =	sadd.s32 $0x30, s13  }
0x67a: {  	[hbm4b:s30+s3] =	stream.linear.scatter [tilespmem:s25], [sflag:$0x5], $0x80, $0x38;
	[tilespmem:$0x13A00] =	vst v63  }
0x67b: {  	s9 =	simm.s32 $0xE798;
	s11 =	simm.s32 $0xE820;
	s5 =	simm.s32 $0x440  }
0x67c: {  	[hbm4b:s10+s3] =	stream.linear.scatter [tilespmem:s9], [sflag:$0x5], $0x80, $0x38;
	[tilespmem:$0x13A00] =	vst v63  }
0x67d: {  	s6 =	sadd.s32 $0x1000, s13;
	s16 =	sadd.s32 $0x40, s13;
	s17 =	simm.s32 $0xE8A8  }
0x67e: {  	[hbm4b:s16+s3] =	stream.linear.scatter [tilespmem:s11], [sflag:$0x5], $0x80, $0x38;
	[tilespmem:$0x13A00] =	vst v63  }
0x67f: {  	s18 =	sadd.s32 $0x50, s13;
	s25 =	simm.s32 $0xE930;
	s30 =	sadd.s32 $0x60, s13  }
0x680: {  	[hbm4b:s18+s3] =	stream.linear.scatter [tilespmem:s17], [sflag:$0x5], $0x80, $0x38;
	[tilespmem:$0x13A00] =	vst v63  }
0x681: {  	s9 =	simm.s32 $0x2200;
	s16 =	simm.s32 $0xE9B8;
	s17 =	sadd.s32 $0x70, s13  }
0x682: {  	[hbm4b:s30+s3] =	stream.linear.scatter [tilespmem:s25], [sflag:$0x5], $0x80, $0x38;
	[tilespmem:$0x13A00] =	vst v63  }
.LBB2_50:
0x683: {  	[hbm4b:s17+s3] =	stream.linear.scatter [tilespmem:s16], [sflag:$0x5], $0x80, $0x38;
	[tilespmem:$0x13A00] =	vst v63  }
0x684: {  	s10 =	smov.u32 s5;
	s5 =	smov.u32 s9  }
0x685: {  	s11 =	sadd.s32 $0x1100, s9;
	s5 =	sshra.s32 s5, $0x2;
	s16 =	sadd.s32 $0xE600, s10  }
0x686: {  	[hbm4b:s6+s3] =	stream.linear.scatter [tilespmem:s16], [sflag:$0x5], $0x80, $0x38;
	[tilespmem:$0x13A00] =	vst v63  }
0x687: {  	p0 =	sne.s32 s9, $0x7700;
	s9 =	sadd.s32 $0xE688, s10;
	s16 =	sadd.s32 $0x10, s6  }
0x688: {  	[hbm4b:s16+s3] =	stream.linear.scatter [tilespmem:s9], [sflag:$0x5], $0x80, $0x38;
	[tilespmem:$0x13A00] =	vst v63  }
0x689: {  	s9 =	sadd.s32 $0xE710, s10;
	s16 =	sadd.s32 $0x20, s6  }
0x68a: {  	[hbm4b:s16+s3] =	stream.linear.scatter [tilespmem:s9], [sflag:$0x5], $0x80, $0x38;
	[tilespmem:$0x13A00] =	vst v63  }
0x68b: {  	s9 =	sadd.s32 $0xE798, s10;
	s16 =	sadd.s32 $0x30, s6  }
0x68c: {  	[hbm4b:s16+s3] =	stream.linear.scatter [tilespmem:s9], [sflag:$0x5], $0x80, $0x38;
	[tilespmem:$0x13A00] =	vst v63  }
0x68d: {  	s9 =	sadd.s32 $0xE820, s10;
	s16 =	sadd.s32 $0x40, s6  }
0x68e: {  	[hbm4b:s16+s3] =	stream.linear.scatter [tilespmem:s9], [sflag:$0x5], $0x80, $0x38;
	[tilespmem:$0x13A00] =	vst v63  }
.Ltmp24:
0x68f: {  	s9 =	sadd.s32 $0xE8A8, s10;
	s16 =	sadd.s32 $0x50, s6;
	(pc) =	sbr.rel @p0 .LBB2_50-.Ltmp24, $4  }
0x690: {  	[hbm4b:s16+s3] =	stream.linear.scatter [tilespmem:s9], [sflag:$0x5], $0x80, $0x38;
	[tilespmem:$0x13A00] =	vst v63  }
0x691: {  	s17 =	sadd.s32 $0x70, s6;
	s9 =	sadd.s32 $0xE930, s10;
	s16 =	sadd.s32 $0x60, s6  }
0x692: {  	[hbm4b:s16+s3] =	stream.linear.scatter [tilespmem:s9], [sflag:$0x5], $0x80, $0x38;
	[tilespmem:$0x13A00] =	vst v63  }
0x693: {  	s6 =	sadd.s32 $0x1000, s6;
	s16 =	sadd.s32 $0xE9B8, s10;
	s9 =	smov.u32 s11  }
0x694: {  	[hbm4b:s17+s3] =	stream.linear.scatter [tilespmem:s16], [sflag:$0x5], $0x80, $0x38;
	[tilespmem:$0x13A00] =	vst v63  }
0x695: {  	s9 =	sadd.s32 $0xE600, s5  }
0x696: {  	[hbm4b:s6+s3] =	stream.linear.scatter [tilespmem:s9], [sflag:$0x5], $0x80, $0x38;
	[tilespmem:$0x13A00] =	vst v63  }
0x697: {  	s18 =	sadd.s32 $0xE688, s5;
	s10 =	sadd.s32 $0x10, s6  }
0x698: {  	[hbm4b:s10+s3] =	stream.linear.scatter [tilespmem:s18], [sflag:$0x5], $0x80, $0x38;
	[tilespmem:$0x13A00] =	vst v63  }
0x699: {  	s25 =	sadd.s32 $0xE710, s5;
	s30 =	sadd.s32 $0x20, s6  }
0x69a: {  	[hbm4b:s30+s3] =	stream.linear.scatter [tilespmem:s25], [sflag:$0x5], $0x80, $0x38;
	[tilespmem:$0x13A00] =	vst v63  }
0x69b: {  	s11 =	sadd.s32 $0xE798, s5;
	s16 =	sadd.s32 $0x30, s6  }
0x69c: {  	[hbm4b:s16+s3] =	stream.linear.scatter [tilespmem:s11], [sflag:$0x5], $0x80, $0x38;
	[tilespmem:$0x13A00] =	vst v63  }
0x69d: {  	s17 =	sadd.s32 $0xE820, s5;
	s18 =	sadd.s32 $0x40, s6  }
0x69e: {  	[hbm4b:s18+s3] =	stream.linear.scatter [tilespmem:s17], [sflag:$0x5], $0x80, $0x38;
	[tilespmem:$0x13A00] =	vst v63  }
0x69f: {  	s25 =	sadd.s32 $0xE8A8, s5;
	s30 =	sadd.s32 $0x50, s6  }
0x6a0: {  	[hbm4b:s30+s3] =	stream.linear.scatter [tilespmem:s25], [sflag:$0x5], $0x80, $0x38;
	[tilespmem:$0x13A00] =	vst v63  }
0x6a1: {  	s11 =	sadd.s32 $0xE930, s5;
	s16 =	sadd.s32 $0x60, s6  }
0x6a2: {  	[hbm4b:s16+s3] =	stream.linear.scatter [tilespmem:s11], [sflag:$0x5], $0x80, $0x38;
	[tilespmem:$0x13A00] =	vst v63  }
0x6a3: {  	s17 =	sadd.s32 $0xE9B8, s5;
	s18 =	sadd.s32 $0x70, s6  }
0x6a4: {  	[hbm4b:s18+s3] =	stream.linear.scatter [tilespmem:s17], [sflag:$0x5], $0x80, $0x38;
	[tilespmem:$0x13A00] =	vst v63  }
0x6a5: {  	s25 =	simm.s32 $0x6380  }
0x6a6: {  	[tilespmem:s22], [sflag:$0x2] =	stream.indirect.gather [hbm4b:s4+s19], $0x40, s25, s19, $0xb8;
	[tilespmem:$0x13A00] =	vst v63  }
0x6a7: {  	_ =	swait.ge [sflag:s23], $0x2000  }
0x6a8: {  	[sflag:s23] =	ssyncset.done $0x0  }
0x6a9: {  	[sflag:s23] =	ssyncadd.s32 $0xFFFFE000  }
0x6aa: {  	_ =	swait.ge [sflag:s0], $0x2000  }
0x6ab: {  	[sflag:s0] =	ssyncset.done $0x0  }
0x6ac: {  	[sflag:s0] =	ssyncadd.s32 $0xFFFFE000  }
0x6ad: {  	s9 =	simm.s32 $0x6480;
	s30 =	simm.s32 $0x3;
	v9 =	vld [tilespmem:$0x13980]  }
0x6ae: {  	v4 =	vmov s30;
	v7 =	vld [tilespmem:s9+$0x40]  }
0x6af: {  	v13 =	vand.u32 $0x7F, v4  }
0x6b0: {  	s6 =	simm.s32 $0x0;
	v8 =	vadd.s32 v0, v13;
	v6 =	vld [tilespmem:$0x13990]  }
0x6b1: {  	s10 =	simm.s32 $0x1;
	v4 =	vmov s6;
	s11 =	simm.s32 $0x2;
	v10 =	vld [tilespmem:s9+$0xFFFFFF80]  }
0x6b2: {  	v12 =	vand.u32 $0x7C, v4;
	v4 =	vmov s10;
	v14 =	vmov s11;
	v11 =	vld [tilespmem:s9+$0xFFFFFFC0]  }
0x6b3: {  	v15 =	vadd.s32 v0, v12;
	v19 =	vand.u32 $0x7D, v4;
	v16 =	vld [tilespmem:s9+$0x0];
	v7 =	vadd.f32 v7, v9  }
0x6b4: {  	v20 =	vand.u32 $0x7E, v14;
	v17 =	vadd.s32 v0, v19;
	v5 =	vld [tilespmem:$0x139A0]  }
0x6b5: {  	v14 =	vadd.s32 v0, v20;
	v4 =	vld [tilespmem:$0x139B0];
	[tilespmem:v8+s24+$0x0] =	vst.idx.msk $0xffff, v7  }
0x6b6: {  	v7 =	vadd.f32 v10, v9;
	v8 =	vld [tilespmem:s9+$0x50]  }
0x6b7: {  	v10 =	vadd.f32 v11, v9  }
0x6b8: {  	v11 =	vadd.s32 v1, v13;
	[tilespmem:v15+s24+$0x0] =	vst.idx.msk $0xffff, v7;
	v7 =	vadd.f32 v16, v9  }
0x6b9: {  	[tilespmem:v17+s24+$0x0] =	vst.idx.msk $0xffff, v10;
	v15 =	vld [tilespmem:s9+$0xFFFFFF90]  }
0x6ba: {  	v10 =	vld [tilespmem:s9+$0xFFFFFFD0];
	[tilespmem:v14+s24+$0x0] =	vst.idx.msk $0xffff, v7  }
0x6bb: {  	v14 =	vld [tilespmem:s9+$0x10];
	v7 =	vadd.f32 v8, v6  }
0x6bc: {  	s5 =	simm.s32 $0x6580;
	s17 =	simm.s32 $0x7;
	v16 =	vadd.s32 v1, v19  }
0x6bd: {  	s16 =	simm.s32 $0x4;
	v26 =	vadd.s32 v2, v13;
	v18 =	vld [tilespmem:s5+$0x40];
	v17 =	vadd.s32 v1, v20;
	[tilespmem:v11+s24+$0x0] =	vst.idx.msk $0xffff, v7;
	v7 =	vmov s17  }
0x6be: {  	v21 =	vadd.s32 v1, v12;
	v8 =	vmov s16;
	v7 =	vand.u32 $0x7F, v7;
	v22 =	vld [tilespmem:s9+$0x60]  }
0x6bf: {  	s18 =	simm.s32 $0x5;
	v23 =	vld [tilespmem:s5+$0xFFFFFF80];
	v8 =	vand.u32 $0x7C, v8;
	v10 =	vadd.f32 v10, v6;
	v24 =	vadd.s32 v0, v7  }
0x6c0: {  	s25 =	simm.s32 $0x6;
	v25 =	vld [tilespmem:s5+$0xFFFFFFC0];
	v15 =	vadd.f32 v15, v6;
	v11 =	vadd.f32 v14, v6;
	v14 =	vmov s18  }
0x6c1: {  	v27 =	vadd.s32 v0, v8;
	[tilespmem:v16+s24+$0x0] =	vst.idx.msk $0xffff, v10;
	v16 =	vmov s25;
	v10 =	vand.u32 $0x7D, v14;
	v14 =	vld [tilespmem:s5+$0x0]  }
0x6c2: {  	[tilespmem:v17+s24+$0x0] =	vst.idx.msk $0xffff, v11;
	v17 =	vadd.s32 v0, v10;
	v11 =	vand.u32 $0x7E, v16;
	v16 =	vadd.f32 v18, v9;
	v18 =	vld [tilespmem:s9+$0xFFFFFFE0]  }
0x6c3: {  	[tilespmem:v21+s24+$0x0] =	vst.idx.msk $0xffff, v15;
	v15 =	vadd.s32 v0, v11;
	v21 =	vld [tilespmem:s9+$0x20];
	v22 =	vadd.f32 v22, v5  }
0x6c4: {  	v23 =	vadd.f32 v23, v9;
	[tilespmem:v24+s24+$0x0] =	vst.idx.msk $0xffff, v16;
	v16 =	vld [tilespmem:s9+$0xFFFFFFA0];
	v24 =	vadd.s32 v2, v19  }
0x6c5: {  	v29 =	vadd.s32 v2, v20;
	v25 =	vadd.f32 v25, v9;
	v28 =	vld [tilespmem:s5+$0x50];
	[tilespmem:v26+s24+$0x0] =	vst.idx.msk $0xffff, v22  }
0x6c6: {  	[tilespmem:v27+s24+$0x0] =	vst.idx.msk $0xffff, v23;
	v23 =	vadd.s32 v2, v12;
	v14 =	vadd.f32 v14, v9;
	v26 =	vld [tilespmem:s9+$0x70]  }
0x6c7: {  	v27 =	vld [tilespmem:s5+$0xFFFFFF90];
	[tilespmem:v17+s24+$0x0] =	vst.idx.msk $0xffff, v25;
	v25 =	vadd.s32 v1, v7;
	v18 =	vadd.f32 v18, v5  }
0x6c8: {  	v31 =	vadd.s32 v3, v13;
	v30 =	vld [tilespmem:s5+$0xFFFFFFD0];
	[tilespmem:v15+s24+$0x0] =	vst.idx.msk $0xffff, v14;
	v14 =	vadd.f32 v21, v5  }
0x6c9: {  	v22 =	vadd.s32 v1, v8;
	v17 =	vld [tilespmem:s5+$0x10];
	v13 =	vadd.f32 v16, v5;
	[tilespmem:v24+s24+$0x0] =	vst.idx.msk $0xffff, v18  }
0x6ca: {  	s16 =	simm.s32 $0x8;
	v21 =	vadd.s32 v1, v10;
	[tilespmem:v29+s24+$0x0] =	vst.idx.msk $0xffff, v14;
	v18 =	vadd.f32 v28, v6;
	v16 =	vld [tilespmem:s9+$0xFFFFFFF0]  }
0x6cb: {  	v24 =	vmov s16;
	v14 =	vadd.s32 v1, v11;
	v15 =	vld [tilespmem:s9+$0x30];
	[tilespmem:v23+s24+$0x0] =	vst.idx.msk $0xffff, v13;
	v63 =	vadd.f32 v26, v4  }
0x6cc: {  	s30 =	simm.s32 $0xB;
	s6 =	simm.s32 $0x6680;
	v19 =	vadd.s32 v3, v19;
	v13 =	vand.u32 $0x7C, v24;
	v24 =	vadd.f32 v27, v6;
	[tilespmem:v25+s24+$0x0] =	vst.idx.msk $0xffff, v18;
	v18 =	vld [tilespmem:s9+$0xFFFFFFB0]  }
0x6cd: {  	v20 =	vadd.s32 v3, v20;
	v26 =	vmov s30;
	v23 =	vld [tilespmem:s6+$0x40];
	s9 =	simm.s32 $0xC;
	v25 =	vadd.f32 v30, v6;
	[tilespmem:v31+s24+$0x0] =	vst.idx.msk $0xffff, v63  }
.LBB2_52:
0x6ce: {  	p0 =	slt.u32 s9, $0x7C;
	s10 =	sadd.s32 $0x1, s16;
	v26 =	vand.u32 $0x7F, v26;
	[tilespmem:v22+s24+$0x0] =	vst.idx.msk $0xffff, v24;
	v17 =	vadd.f32 v17, v6;
	v22 =	vld [tilespmem:s5+$0x60];
	v24 =	vadd.s32 v3, v12  }
0x6cf: {  	v30 =	vmovc v11;
	v27 =	vld [tilespmem:s6+$0xFFFFFF80];
	v28 =	vmov s10;
	s10 =	sadd.s32 $0x2, s16;
	v29 =	vadd.s32 v0, v26;
	[tilespmem:v21+s24+$0x0] =	vst.idx.msk $0xffff, v25;
	v16 =	vadd.f32 v16, v4;
	s16 =	smov.u32 s9  }
0x6d0: {  	v12 =	vmovc v8;
	v21 =	vld [tilespmem:s6+$0xFFFFFFC0];
	v11 =	vmov s10;
	[tilespmem:v14+s24+$0x0] =	vst.idx.msk $0xffff, v17;
	v14 =	vadd.s32 v2, v7;
	v15 =	vadd.f32 v15, v4  }
0x6d1: {  	v17 =	vadd.s32 v0, v13;
	v28 =	vand.u32 $0x7D, v28;
	v25 =	vld [tilespmem:s6+$0x0];
	v31 =	vadd.f32 v18, v4;
	[tilespmem:v19+s24+$0x0] =	vst.idx.msk $0xffff, v16  }
0x6d2: {  	v16 =	vadd.s32 v0, v28;
	v11 =	vand.u32 $0x7E, v11;
	v18 =	vadd.f32 v23, v9;
	v19 =	vld [tilespmem:s5+$0xFFFFFFE0];
	[tilespmem:v20+s24+$0x0] =	vst.idx.msk $0xffff, v15  }
0x6d3: {  	v8 =	vmov v13;
	v15 =	vadd.s32 v0, v11;
	v20 =	vld [tilespmem:s5+$0x20];
	v22 =	vadd.f32 v22, v5;
	[tilespmem:v24+s24+$0x0] =	vst.idx.msk $0xffff, v31  }
0x6d4: {  	v23 =	vadd.s32 v2, v10;
	v13 =	vadd.f32 v27, v9;
	[tilespmem:v29+s24+$0x0] =	vst.idx.msk $0xffff, v18;
	v18 =	vld [tilespmem:s5+$0xFFFFFFA0]  }
0x6d5: {  	v27 =	vadd.s32 v2, v30;
	v21 =	vadd.f32 v21, v9;
	v24 =	vld [tilespmem:s6+$0x50];
	[tilespmem:v14+s24+$0x0] =	vst.idx.msk $0xffff, v22  }
0x6d6: {  	[tilespmem:v17+s24+$0x0] =	vst.idx.msk $0xffff, v13;
	v13 =	vadd.f32 v25, v9;
	v25 =	vadd.s32 v2, v12;
	v29 =	vld [tilespmem:s5+$0x70]  }
0x6d7: {  	v32 =	vadd.s32 v1, v26;
	v31 =	vld [tilespmem:s6+$0xFFFFFF90];
	[tilespmem:v16+s24+$0x0] =	vst.idx.msk $0xffff, v21;
	v14 =	vadd.f32 v19, v5  }
0x6d8: {  	v34 =	vadd.s32 v3, v7;
	v7 =	vmov v26;
	v33 =	vld [tilespmem:s6+$0xFFFFFFD0];
	[tilespmem:v15+s24+$0x0] =	vst.idx.msk $0xffff, v13;
	v13 =	vadd.f32 v20, v5  }
.Ltmp25:
0x6d9: {  	v22 =	vadd.s32 v1, v8;
	v17 =	vld [tilespmem:s6+$0x10];
	v15 =	vadd.f32 v18, v5;
	[tilespmem:v23+s24+$0x0] =	vst.idx.msk $0xffff, v14;
	(pc) =	sbr.rel @p0 .LBB2_52-.Ltmp25, $4  }
0x6da: {  	v21 =	vadd.s32 v1, v28;
	v18 =	vadd.f32 v24, v6;
	v16 =	vld [tilespmem:s5+$0xFFFFFFF0];
	[tilespmem:v27+s24+$0x0] =	vst.idx.msk $0xffff, v13  }
0x6db: {  	v14 =	vadd.s32 v1, v11;
	v13 =	vmov s9;
	[tilespmem:v25+s24+$0x0] =	vst.idx.msk $0xffff, v15;
	v15 =	vld [tilespmem:s5+$0x30];
	v27 =	vadd.f32 v29, v4  }
0x6dc: {  	s10 =	sadd.s32 $0x3, s9;
	v19 =	vadd.s32 v3, v10;
	v13 =	vand.u32 $0x7C, v13;
	v24 =	vadd.f32 v31, v6;
	[tilespmem:v32+s24+$0x0] =	vst.idx.msk $0xffff, v18;
	v18 =	vld [tilespmem:s5+$0xFFFFFFB0];
	s5 =	smov.u32 s6;
	s6 =	sadd.s32 $0x100, s6  }
0x6dd: {  	v26 =	vmov s10;
	v10 =	vmovc v28;
	v20 =	vadd.s32 v3, v30;
	s9 =	sadd.s32 $0x4, s9;
	v23 =	vld [tilespmem:s6+$0x40];
	v25 =	vadd.f32 v33, v6;
	[tilespmem:v34+s24+$0x0] =	vst.idx.msk $0xffff, v27  }
0x6de: {  	s9 =	sadd.s32 $0x1, s16  }
0x6df: {  	v26 =	vand.u32 $0x7F, v26;
	s11 =	sadd.s32 $0x2, s16;
	v28 =	vld [tilespmem:s6+$0xFFFFFFC0];
	v27 =	vmov s9  }
0x6e0: {  	v31 =	vld [tilespmem:s6+$0x0];
	v29 =	vadd.s32 v0, v26;
	v30 =	vmov s11;
	v27 =	vand.u32 $0x7D, v27  }
0x6e1: {  	v32 =	vld [tilespmem:s6+$0xFFFFFF80];
	v30 =	vand.u32 $0x7E, v30;
	v33 =	vadd.s32 v0, v27  }
0x6e2: {  	v34 =	vadd.s32 v0, v30  }
0x6e3: {  	[tilespmem:v22+s24+$0x0] =	vst.idx.msk $0xffff, v24;
	v44 =	vadd.s32 v0, v13;
	v23 =	vadd.f32 v23, v9  }
0x6e4: {  	[tilespmem:v21+s24+$0x0] =	vst.idx.msk $0xffff, v25;
	v45 =	vadd.f32 v28, v9  }
0x6e5: {  	v46 =	vadd.f32 v31, v9;
	[tilespmem:v29+s24+$0x0] =	vst.idx.msk $0xffff, v23  }
0x6e6: {  	v47 =	vadd.f32 v32, v9;
	v48 =	vld [tilespmem:s6+$0x50];
	[tilespmem:v33+s24+$0x0] =	vst.idx.msk $0xffff, v45  }
0x6e7: {  	v17 =	vadd.f32 v17, v6;
	v12 =	vadd.s32 v3, v12;
	[tilespmem:v34+s24+$0x0] =	vst.idx.msk $0xffff, v46;
	v21 =	vld [tilespmem:s6+$0xFFFFFFD0]  }
0x6e8: {  	v16 =	vadd.f32 v16, v4;
	v49 =	vadd.s32 v1, v26;
	[tilespmem:v44+s24+$0x0] =	vst.idx.msk $0xffff, v47;
	v50 =	vld [tilespmem:s6+$0x10]  }
0x6e9: {  	[tilespmem:v14+s24+$0x0] =	vst.idx.msk $0xffff, v17;
	v51 =	vadd.f32 v15, v4;
	v53 =	vadd.s32 v1, v27;
	v52 =	vld [tilespmem:s6+$0xFFFFFF90]  }
0x6ea: {  	v54 =	vld [tilespmem:s5+$0x60];
	v18 =	vadd.f32 v18, v4;
	[tilespmem:v19+s24+$0x0] =	vst.idx.msk $0xffff, v16;
	v55 =	vadd.s32 v1, v30  }
0x6eb: {  	v57 =	vadd.s32 v1, v13;
	v60 =	vld [tilespmem:s5+$0x20];
	[tilespmem:v20+s24+$0x0] =	vst.idx.msk $0xffff, v51;
	v58 =	vadd.f32 v48, v6  }
0x6ec: {  	v59 =	vadd.s32 v2, v7;
	v56 =	vld [tilespmem:s5+$0xFFFFFFE0];
	[tilespmem:v12+s24+$0x0] =	vst.idx.msk $0xffff, v18;
	v61 =	vadd.f32 v21, v6  }
0x6ed: {  	v62 =	vld [tilespmem:s5+$0xFFFFFFA0];
	v29 =	vadd.s32 v2, v11;
	[tilespmem:v49+s24+$0x0] =	vst.idx.msk $0xffff, v58;
	v28 =	vadd.f32 v50, v6  }
0x6ee: {  	v63 =	vadd.s32 v2, v10;
	v31 =	vadd.f32 v52, v6;
	v32 =	vld [tilespmem:s6+$0x60];
	[tilespmem:v53+s24+$0x0] =	vst.idx.msk $0xffff, v61  }
0x6ef: {  	v33 =	vadd.f32 v54, v5;
	v34 =	vadd.s32 v2, v8;
	[tilespmem:v55+s24+$0x0] =	vst.idx.msk $0xffff, v28;
	v35 =	vld [tilespmem:s6+$0xFFFFFFE0]  }
0x6f0: {  	v37 =	vadd.s32 v2, v26;
	v39 =	vadd.f32 v60, v5;
	[tilespmem:v57+s24+$0x0] =	vst.idx.msk $0xffff, v31;
	v38 =	vld [tilespmem:s6+$0x20]  }
0x6f1: {  	v41 =	vadd.s32 v2, v27;
	v36 =	vadd.f32 v56, v5;
	[tilespmem:v59+s24+$0x0] =	vst.idx.msk $0xffff, v33;
	v40 =	vld [tilespmem:s6+$0xFFFFFFA0]  }
0x6f2: {  	v43 =	vadd.s32 v2, v30;
	v18 =	vadd.f32 v62, v5;
	v42 =	vld [tilespmem:s5+$0x70];
	[tilespmem:v29+s24+$0x0] =	vst.idx.msk $0xffff, v39  }
0x6f3: {  	v45 =	vadd.s32 v2, v13;
	[tilespmem:v63+s24+$0x0] =	vst.idx.msk $0xffff, v36;
	v47 =	vld [tilespmem:s5+$0x30];
	v44 =	vadd.f32 v32, v5  }
0x6f4: {  	v46 =	vadd.s32 v3, v7;
	[tilespmem:v34+s24+$0x0] =	vst.idx.msk $0xffff, v18;
	v21 =	vld [tilespmem:s5+$0xFFFFFFF0];
	v9 =	vadd.f32 v35, v5  }
0x6f5: {  	v18 =	vld [tilespmem:s5+$0xFFFFFFB0];
	v50 =	vadd.s32 v3, v11;
	[tilespmem:v37+s24+$0x0] =	vst.idx.msk $0xffff, v44;
	v49 =	vadd.f32 v38, v5  }
0x6f6: {  	v48 =	vadd.s32 v3, v10;
	v5 =	vadd.f32 v40, v5;
	v12 =	vld [tilespmem:s6+$0x70];
	[tilespmem:v41+s24+$0x0] =	vst.idx.msk $0xffff, v9  }
0x6f7: {  	v52 =	vadd.s32 v3, v8;
	v51 =	vadd.f32 v42, v4;
	[tilespmem:v43+s24+$0x0] =	vst.idx.msk $0xffff, v49;
	v53 =	vld [tilespmem:s6+$0xFFFFFFF0]  }
0x6f8: {  	v55 =	vadd.s32 v3, v26;
	v56 =	vadd.f32 v47, v4;
	[tilespmem:v45+s24+$0x0] =	vst.idx.msk $0xffff, v5;
	v5 =	vld [tilespmem:s6+$0x30]  }
0x6f9: {  	v58 =	vadd.s32 v3, v27;
	[tilespmem:v46+s24+$0x0] =	vst.idx.msk $0xffff, v51;
	v54 =	vadd.f32 v21, v4;
	v57 =	vld [tilespmem:s6+$0xFFFFFFB0]  }
0x6fa: {  	v60 =	vadd.s32 v3, v30;
	v59 =	vadd.f32 v18, v4;
	[tilespmem:v50+s24+$0x0] =	vst.idx.msk $0xffff, v56  }
0x6fb: {  	v62 =	vadd.s32 v3, v13;
	[tilespmem:v48+s24+$0x0] =	vst.idx.msk $0xffff, v54;
	v61 =	vadd.f32 v12, v4  }
0x6fc: {  	[tilespmem:v52+s24+$0x0] =	vst.idx.msk $0xffff, v59;
	v63 =	vadd.f32 v53, v4  }
0x6fd: {  	[tilespmem:v55+s24+$0x0] =	vst.idx.msk $0xffff, v61;
	v5 =	vadd.f32 v5, v4  }
0x6fe: {  	v4 =	vadd.f32 v57, v4;
	[tilespmem:v58+s24+$0x0] =	vst.idx.msk $0xffff, v63  }
0x6ff: {  	[tilespmem:v60+s24+$0x0] =	vst.idx.msk $0xffff, v5  }
0x700: {  	s16 =	simm.s32 $0xC400;
	[tilespmem:v62+s24+$0x0] =	vst.idx.msk $0xffff, v4  }
0x701: {  	[hbm4b:s14+s3] =	stream.linear.scatter [tilespmem:s16], [sflag:$0x4], $0x80, $0x38;
	[tilespmem:$0x13A00] =	vst v63  }
0x702: {  	s17 =	simm.s32 $0xC488;
	s18 =	sadd.s32 $0x10, s14  }
0x703: {  	[hbm4b:s18+s3] =	stream.linear.scatter [tilespmem:s17], [sflag:$0x4], $0x80, $0x38;
	[tilespmem:$0x13A00] =	vst v63  }
0x704: {  	s25 =	simm.s32 $0xC510;
	s30 =	sadd.s32 $0x20, s14;
	s10 =	sadd.s32 $0x30, s14  }
0x705: {  	[hbm4b:s30+s3] =	stream.linear.scatter [tilespmem:s25], [sflag:$0x4], $0x80, $0x38;
	[tilespmem:$0x13A00] =	vst v63  }
0x706: {  	s9 =	simm.s32 $0xC598;
	s11 =	simm.s32 $0xC620;
	s5 =	simm.s32 $0x440  }
0x707: {  	[hbm4b:s10+s3] =	stream.linear.scatter [tilespmem:s9], [sflag:$0x4], $0x80, $0x38;
	[tilespmem:$0x13A00] =	vst v63  }
0x708: {  	s6 =	sadd.s32 $0x1000, s14;
	s16 =	sadd.s32 $0x40, s14;
	s17 =	simm.s32 $0xC6A8  }
0x709: {  	[hbm4b:s16+s3] =	stream.linear.scatter [tilespmem:s11], [sflag:$0x4], $0x80, $0x38;
	[tilespmem:$0x13A00] =	vst v63  }
0x70a: {  	s18 =	sadd.s32 $0x50, s14;
	s25 =	simm.s32 $0xC730;
	s30 =	sadd.s32 $0x60, s14  }
0x70b: {  	[hbm4b:s18+s3] =	stream.linear.scatter [tilespmem:s17], [sflag:$0x4], $0x80, $0x38;
	[tilespmem:$0x13A00] =	vst v63  }
0x70c: {  	s9 =	simm.s32 $0x2200;
	s16 =	simm.s32 $0xC7B8;
	s17 =	sadd.s32 $0x70, s14  }
0x70d: {  	[hbm4b:s30+s3] =	stream.linear.scatter [tilespmem:s25], [sflag:$0x4], $0x80, $0x38;
	[tilespmem:$0x13A00] =	vst v63  }
.LBB2_54:
0x70e: {  	[hbm4b:s17+s3] =	stream.linear.scatter [tilespmem:s16], [sflag:$0x4], $0x80, $0x38;
	[tilespmem:$0x13A00] =	vst v63  }
0x70f: {  	s10 =	smov.u32 s5;
	s5 =	smov.u32 s9  }
0x710: {  	s11 =	sadd.s32 $0x1100, s9;
	s5 =	sshra.s32 s5, $0x2;
	s16 =	sadd.s32 $0xC400, s10  }
0x711: {  	[hbm4b:s6+s3] =	stream.linear.scatter [tilespmem:s16], [sflag:$0x4], $0x80, $0x38;
	[tilespmem:$0x13A00] =	vst v63  }
0x712: {  	p0 =	sne.s32 s9, $0x7700;
	s9 =	sadd.s32 $0xC488, s10;
	s16 =	sadd.s32 $0x10, s6  }
0x713: {  	[hbm4b:s16+s3] =	stream.linear.scatter [tilespmem:s9], [sflag:$0x4], $0x80, $0x38;
	[tilespmem:$0x13A00] =	vst v63  }
0x714: {  	s9 =	sadd.s32 $0xC510, s10;
	s16 =	sadd.s32 $0x20, s6  }
0x715: {  	[hbm4b:s16+s3] =	stream.linear.scatter [tilespmem:s9], [sflag:$0x4], $0x80, $0x38;
	[tilespmem:$0x13A00] =	vst v63  }
0x716: {  	s9 =	sadd.s32 $0xC598, s10;
	s16 =	sadd.s32 $0x30, s6  }
0x717: {  	[hbm4b:s16+s3] =	stream.linear.scatter [tilespmem:s9], [sflag:$0x4], $0x80, $0x38;
	[tilespmem:$0x13A00] =	vst v63  }
0x718: {  	s9 =	sadd.s32 $0xC620, s10;
	s16 =	sadd.s32 $0x40, s6  }
0x719: {  	[hbm4b:s16+s3] =	stream.linear.scatter [tilespmem:s9], [sflag:$0x4], $0x80, $0x38;
	[tilespmem:$0x13A00] =	vst v63  }
.Ltmp26:
0x71a: {  	s9 =	sadd.s32 $0xC6A8, s10;
	s16 =	sadd.s32 $0x50, s6;
	(pc) =	sbr.rel @p0 .LBB2_54-.Ltmp26, $4  }
0x71b: {  	[hbm4b:s16+s3] =	stream.linear.scatter [tilespmem:s9], [sflag:$0x4], $0x80, $0x38;
	[tilespmem:$0x13A00] =	vst v63  }
0x71c: {  	s17 =	sadd.s32 $0x70, s6;
	s9 =	sadd.s32 $0xC730, s10;
	s16 =	sadd.s32 $0x60, s6  }
0x71d: {  	[hbm4b:s16+s3] =	stream.linear.scatter [tilespmem:s9], [sflag:$0x4], $0x80, $0x38;
	[tilespmem:$0x13A00] =	vst v63  }
0x71e: {  	s6 =	sadd.s32 $0x1000, s6;
	s16 =	sadd.s32 $0xC7B8, s10;
	s9 =	smov.u32 s11  }
0x71f: {  	[hbm4b:s17+s3] =	stream.linear.scatter [tilespmem:s16], [sflag:$0x4], $0x80, $0x38;
	[tilespmem:$0x13A00] =	vst v63  }
0x720: {  	s9 =	sadd.s32 $0xC400, s5  }
0x721: {  	[hbm4b:s6+s3] =	stream.linear.scatter [tilespmem:s9], [sflag:$0x4], $0x80, $0x38;
	[tilespmem:$0x13A00] =	vst v63  }
0x722: {  	s30 =	sadd.s32 $0xC488, s5;
	s10 =	sadd.s32 $0x10, s6  }
0x723: {  	[hbm4b:s10+s3] =	stream.linear.scatter [tilespmem:s30], [sflag:$0x4], $0x80, $0x38;
	[tilespmem:$0x13A00] =	vst v63  }
0x724: {  	s11 =	sadd.s32 $0xC510, s5;
	s16 =	sadd.s32 $0x20, s6  }
0x725: {  	[hbm4b:s16+s3] =	stream.linear.scatter [tilespmem:s11], [sflag:$0x4], $0x80, $0x38;
	[tilespmem:$0x13A00] =	vst v63  }
0x726: {  	s17 =	sadd.s32 $0xC598, s5;
	s18 =	sadd.s32 $0x30, s6  }
0x727: {  	[hbm4b:s18+s3] =	stream.linear.scatter [tilespmem:s17], [sflag:$0x4], $0x80, $0x38;
	[tilespmem:$0x13A00] =	vst v63  }
0x728: {  	s25 =	sadd.s32 $0xC620, s5;
	s30 =	sadd.s32 $0x40, s6  }
0x729: {  	[hbm4b:s30+s3] =	stream.linear.scatter [tilespmem:s25], [sflag:$0x4], $0x80, $0x38;
	[tilespmem:$0x13A00] =	vst v63  }
0x72a: {  	s10 =	sadd.s32 $0xC6A8, s5;
	s11 =	sadd.s32 $0x50, s6  }
0x72b: {  	[hbm4b:s11+s3] =	stream.linear.scatter [tilespmem:s10], [sflag:$0x4], $0x80, $0x38;
	[tilespmem:$0x13A00] =	vst v63  }
0x72c: {  	s16 =	sadd.s32 $0xC730, s5;
	s17 =	sadd.s32 $0x60, s6  }
0x72d: {  	[hbm4b:s17+s3] =	stream.linear.scatter [tilespmem:s16], [sflag:$0x4], $0x80, $0x38;
	[tilespmem:$0x13A00] =	vst v63  }
0x72e: {  	s18 =	sadd.s32 $0xC7B8, s5;
	s25 =	sadd.s32 $0x70, s6  }
0x72f: {  	[hbm4b:s25+s3] =	stream.linear.scatter [tilespmem:s18], [sflag:$0x4], $0x80, $0x38;
	[tilespmem:$0x13A00] =	vst v63  }
0x730: {  	_ =	swait.ge [sflag:s28], $0x2000  }
0x731: {  	[sflag:s28] =	ssyncset.done $0x0  }
0x732: {  	[sflag:s28] =	ssyncadd.s32 $0xFFFFE000  }
0x733: {  	_ =	swait.ge [sflag:s1], $0x2000  }
0x734: {  	[sflag:s1] =	ssyncset.done $0x0  }
0x735: {  	[sflag:s1] =	ssyncadd.s32 $0xFFFFE000  }
0x736: {  	s9 =	simm.s32 $0x8480;
	s30 =	simm.s32 $0x3;
	v9 =	vld [tilespmem:$0x139C0]  }
0x737: {  	v4 =	vmov s30;
	v7 =	vld [tilespmem:s9+$0x40]  }
0x738: {  	v13 =	vand.u32 $0x7F, v4  }
0x739: {  	s6 =	simm.s32 $0x0;
	v8 =	vadd.s32 v0, v13;
	v6 =	vld [tilespmem:$0x139D0]  }
0x73a: {  	v4 =	vmov s6;
	s10 =	simm.s32 $0x1;
	s11 =	simm.s32 $0x2;
	v10 =	vld [tilespmem:s9+$0xFFFFFF80]  }
0x73b: {  	v12 =	vand.u32 $0x7C, v4;
	v4 =	vmov s10;
	v14 =	vmov s11;
	v11 =	vld [tilespmem:s9+$0xFFFFFFC0]  }
0x73c: {  	v15 =	vadd.s32 v0, v12;
	v19 =	vand.u32 $0x7D, v4;
	v16 =	vld [tilespmem:s9+$0x0];
	v7 =	vadd.f32 v7, v9  }
0x73d: {  	v20 =	vand.u32 $0x7E, v14;
	v17 =	vadd.s32 v0, v19;
	v5 =	vld [tilespmem:$0x139E0]  }
0x73e: {  	v14 =	vadd.s32 v0, v20;
	v4 =	vld [tilespmem:$0x139F0];
	[tilespmem:v8+s29+$0x0] =	vst.idx.msk $0xffff, v7  }
0x73f: {  	v7 =	vadd.f32 v10, v9;
	v8 =	vld [tilespmem:s9+$0x50]  }
0x740: {  	v10 =	vadd.f32 v11, v9  }
0x741: {  	v11 =	vadd.s32 v1, v13;
	[tilespmem:v15+s29+$0x0] =	vst.idx.msk $0xffff, v7;
	v7 =	vadd.f32 v16, v9  }
0x742: {  	[tilespmem:v17+s29+$0x0] =	vst.idx.msk $0xffff, v10;
	v15 =	vld [tilespmem:s9+$0xFFFFFF90]  }
0x743: {  	v10 =	vld [tilespmem:s9+$0xFFFFFFD0];
	[tilespmem:v14+s29+$0x0] =	vst.idx.msk $0xffff, v7  }
0x744: {  	v14 =	vld [tilespmem:s9+$0x10];
	v7 =	vadd.f32 v8, v6  }
0x745: {  	s5 =	simm.s32 $0x8580;
	s17 =	simm.s32 $0x7;
	v16 =	vadd.s32 v1, v19  }
0x746: {  	v26 =	vadd.s32 v2, v13;
	s16 =	simm.s32 $0x4;
	v18 =	vld [tilespmem:s5+$0x40];
	v17 =	vadd.s32 v1, v20;
	[tilespmem:v11+s29+$0x0] =	vst.idx.msk $0xffff, v7;
	v7 =	vmov s17  }
0x747: {  	v21 =	vadd.s32 v1, v12;
	v8 =	vmov s16;
	v7 =	vand.u32 $0x7F, v7;
	v22 =	vld [tilespmem:s9+$0x60]  }
0x748: {  	s18 =	simm.s32 $0x5;
	v23 =	vld [tilespmem:s5+$0xFFFFFF80];
	v8 =	vand.u32 $0x7C, v8;
	v10 =	vadd.f32 v10, v6;
	v24 =	vadd.s32 v0, v7  }
0x749: {  	s25 =	simm.s32 $0x6;
	v25 =	vld [tilespmem:s5+$0xFFFFFFC0];
	v15 =	vadd.f32 v15, v6;
	v11 =	vadd.f32 v14, v6;
	v14 =	vmov s18  }
0x74a: {  	v27 =	vadd.s32 v0, v8;
	[tilespmem:v16+s29+$0x0] =	vst.idx.msk $0xffff, v10;
	v16 =	vmov s25;
	v10 =	vand.u32 $0x7D, v14;
	v14 =	vld [tilespmem:s5+$0x0]  }
0x74b: {  	[tilespmem:v17+s29+$0x0] =	vst.idx.msk $0xffff, v11;
	v17 =	vadd.s32 v0, v10;
	v11 =	vand.u32 $0x7E, v16;
	v16 =	vadd.f32 v18, v9;
	v18 =	vld [tilespmem:s9+$0xFFFFFFE0]  }
0x74c: {  	[tilespmem:v21+s29+$0x0] =	vst.idx.msk $0xffff, v15;
	v15 =	vadd.s32 v0, v11;
	v21 =	vld [tilespmem:s9+$0x20];
	v22 =	vadd.f32 v22, v5  }
0x74d: {  	v23 =	vadd.f32 v23, v9;
	[tilespmem:v24+s29+$0x0] =	vst.idx.msk $0xffff, v16;
	v16 =	vld [tilespmem:s9+$0xFFFFFFA0];
	v24 =	vadd.s32 v2, v19  }
0x74e: {  	v29 =	vadd.s32 v2, v20;
	v25 =	vadd.f32 v25, v9;
	v28 =	vld [tilespmem:s5+$0x50];
	[tilespmem:v26+s29+$0x0] =	vst.idx.msk $0xffff, v22  }
0x74f: {  	[tilespmem:v27+s29+$0x0] =	vst.idx.msk $0xffff, v23;
	v23 =	vadd.s32 v2, v12;
	v14 =	vadd.f32 v14, v9;
	v26 =	vld [tilespmem:s9+$0x70]  }
0x750: {  	v27 =	vld [tilespmem:s5+$0xFFFFFF90];
	[tilespmem:v17+s29+$0x0] =	vst.idx.msk $0xffff, v25;
	v25 =	vadd.s32 v1, v7;
	v18 =	vadd.f32 v18, v5  }
0x751: {  	v31 =	vadd.s32 v3, v13;
	v30 =	vld [tilespmem:s5+$0xFFFFFFD0];
	[tilespmem:v15+s29+$0x0] =	vst.idx.msk $0xffff, v14;
	v14 =	vadd.f32 v21, v5  }
0x752: {  	v22 =	vadd.s32 v1, v8;
	v17 =	vld [tilespmem:s5+$0x10];
	v13 =	vadd.f32 v16, v5;
	[tilespmem:v24+s29+$0x0] =	vst.idx.msk $0xffff, v18  }
0x753: {  	s16 =	simm.s32 $0x8;
	v21 =	vadd.s32 v1, v10;
	[tilespmem:v29+s29+$0x0] =	vst.idx.msk $0xffff, v14;
	v18 =	vadd.f32 v28, v6;
	v16 =	vld [tilespmem:s9+$0xFFFFFFF0]  }
0x754: {  	v24 =	vmov s16;
	v14 =	vadd.s32 v1, v11;
	v15 =	vld [tilespmem:s9+$0x30];
	[tilespmem:v23+s29+$0x0] =	vst.idx.msk $0xffff, v13;
	v63 =	vadd.f32 v26, v4  }
0x755: {  	s30 =	simm.s32 $0xB;
	s6 =	simm.s32 $0x8680;
	v19 =	vadd.s32 v3, v19;
	v13 =	vand.u32 $0x7C, v24;
	v24 =	vadd.f32 v27, v6;
	[tilespmem:v25+s29+$0x0] =	vst.idx.msk $0xffff, v18;
	v18 =	vld [tilespmem:s9+$0xFFFFFFB0]  }
0x756: {  	v20 =	vadd.s32 v3, v20;
	v26 =	vmov s30;
	v23 =	vld [tilespmem:s6+$0x40];
	s9 =	simm.s32 $0xC;
	v25 =	vadd.f32 v30, v6;
	[tilespmem:v31+s29+$0x0] =	vst.idx.msk $0xffff, v63  }
.LBB2_56:
0x757: {  	p0 =	slt.u32 s9, $0x7C;
	s10 =	sadd.s32 $0x1, s16;
	v26 =	vand.u32 $0x7F, v26;
	[tilespmem:v22+s29+$0x0] =	vst.idx.msk $0xffff, v24;
	v17 =	vadd.f32 v17, v6;
	v22 =	vld [tilespmem:s5+$0x60];
	v24 =	vadd.s32 v3, v12  }
0x758: {  	v30 =	vmovc v11;
	v27 =	vld [tilespmem:s6+$0xFFFFFF80];
	v28 =	vmov s10;
	s10 =	sadd.s32 $0x2, s16;
	v29 =	vadd.s32 v0, v26;
	[tilespmem:v21+s29+$0x0] =	vst.idx.msk $0xffff, v25;
	v16 =	vadd.f32 v16, v4;
	s16 =	smov.u32 s9  }
0x759: {  	v12 =	vmovc v8;
	v21 =	vld [tilespmem:s6+$0xFFFFFFC0];
	v11 =	vmov s10;
	[tilespmem:v14+s29+$0x0] =	vst.idx.msk $0xffff, v17;
	v14 =	vadd.s32 v2, v7;
	v15 =	vadd.f32 v15, v4  }
0x75a: {  	v17 =	vadd.s32 v0, v13;
	v28 =	vand.u32 $0x7D, v28;
	v25 =	vld [tilespmem:s6+$0x0];
	v31 =	vadd.f32 v18, v4;
	[tilespmem:v19+s29+$0x0] =	vst.idx.msk $0xffff, v16  }
0x75b: {  	v16 =	vadd.s32 v0, v28;
	v11 =	vand.u32 $0x7E, v11;
	v18 =	vadd.f32 v23, v9;
	v19 =	vld [tilespmem:s5+$0xFFFFFFE0];
	[tilespmem:v20+s29+$0x0] =	vst.idx.msk $0xffff, v15  }
0x75c: {  	v8 =	vmov v13;
	v15 =	vadd.s32 v0, v11;
	v20 =	vld [tilespmem:s5+$0x20];
	v22 =	vadd.f32 v22, v5;
	[tilespmem:v24+s29+$0x0] =	vst.idx.msk $0xffff, v31  }
0x75d: {  	v23 =	vadd.s32 v2, v10;
	v13 =	vadd.f32 v27, v9;
	[tilespmem:v29+s29+$0x0] =	vst.idx.msk $0xffff, v18;
	v18 =	vld [tilespmem:s5+$0xFFFFFFA0]  }
0x75e: {  	v27 =	vadd.s32 v2, v30;
	v21 =	vadd.f32 v21, v9;
	v24 =	vld [tilespmem:s6+$0x50];
	[tilespmem:v14+s29+$0x0] =	vst.idx.msk $0xffff, v22  }
0x75f: {  	[tilespmem:v17+s29+$0x0] =	vst.idx.msk $0xffff, v13;
	v13 =	vadd.f32 v25, v9;
	v25 =	vadd.s32 v2, v12;
	v29 =	vld [tilespmem:s5+$0x70]  }
0x760: {  	v32 =	vadd.s32 v1, v26;
	v31 =	vld [tilespmem:s6+$0xFFFFFF90];
	[tilespmem:v16+s29+$0x0] =	vst.idx.msk $0xffff, v21;
	v14 =	vadd.f32 v19, v5  }
0x761: {  	v34 =	vadd.s32 v3, v7;
	v7 =	vmov v26;
	v33 =	vld [tilespmem:s6+$0xFFFFFFD0];
	[tilespmem:v15+s29+$0x0] =	vst.idx.msk $0xffff, v13;
	v13 =	vadd.f32 v20, v5  }
.Ltmp27:
0x762: {  	v22 =	vadd.s32 v1, v8;
	v17 =	vld [tilespmem:s6+$0x10];
	v15 =	vadd.f32 v18, v5;
	[tilespmem:v23+s29+$0x0] =	vst.idx.msk $0xffff, v14;
	(pc) =	sbr.rel @p0 .LBB2_56-.Ltmp27, $4  }
0x763: {  	v21 =	vadd.s32 v1, v28;
	v18 =	vadd.f32 v24, v6;
	v16 =	vld [tilespmem:s5+$0xFFFFFFF0];
	[tilespmem:v27+s29+$0x0] =	vst.idx.msk $0xffff, v13  }
0x764: {  	v14 =	vadd.s32 v1, v11;
	v13 =	vmov s9;
	[tilespmem:v25+s29+$0x0] =	vst.idx.msk $0xffff, v15;
	v15 =	vld [tilespmem:s5+$0x30];
	v27 =	vadd.f32 v29, v4  }
0x765: {  	s10 =	sadd.s32 $0x3, s9;
	v19 =	vadd.s32 v3, v10;
	v13 =	vand.u32 $0x7C, v13;
	v24 =	vadd.f32 v31, v6;
	[tilespmem:v32+s29+$0x0] =	vst.idx.msk $0xffff, v18;
	v18 =	vld [tilespmem:s5+$0xFFFFFFB0];
	s5 =	smov.u32 s6;
	s6 =	sadd.s32 $0x100, s6  }
0x766: {  	v26 =	vmov s10;
	v10 =	vmovc v28;
	v20 =	vadd.s32 v3, v30;
	s9 =	sadd.s32 $0x4, s9;
	v23 =	vld [tilespmem:s6+$0x40];
	v25 =	vadd.f32 v33, v6;
	[tilespmem:v34+s29+$0x0] =	vst.idx.msk $0xffff, v27  }
0x767: {  	s9 =	sadd.s32 $0x1, s16  }
0x768: {  	v26 =	vand.u32 $0x7F, v26;
	s11 =	sadd.s32 $0x2, s16;
	v28 =	vld [tilespmem:s6+$0xFFFFFFC0];
	v27 =	vmov s9  }
0x769: {  	v31 =	vld [tilespmem:s6+$0x0];
	v29 =	vadd.s32 v0, v26;
	v30 =	vmov s11;
	v27 =	vand.u32 $0x7D, v27  }
0x76a: {  	v32 =	vld [tilespmem:s6+$0xFFFFFF80];
	v30 =	vand.u32 $0x7E, v30;
	v33 =	vadd.s32 v0, v27  }
0x76b: {  	v34 =	vadd.s32 v0, v30  }
0x76c: {  	[tilespmem:v22+s29+$0x0] =	vst.idx.msk $0xffff, v24;
	v44 =	vadd.s32 v0, v13;
	v23 =	vadd.f32 v23, v9  }
0x76d: {  	[tilespmem:v21+s29+$0x0] =	vst.idx.msk $0xffff, v25;
	v45 =	vadd.f32 v28, v9  }
0x76e: {  	v46 =	vadd.f32 v31, v9;
	[tilespmem:v29+s29+$0x0] =	vst.idx.msk $0xffff, v23  }
0x76f: {  	v47 =	vadd.f32 v32, v9;
	v48 =	vld [tilespmem:s6+$0x50];
	[tilespmem:v33+s29+$0x0] =	vst.idx.msk $0xffff, v45  }
0x770: {  	v17 =	vadd.f32 v17, v6;
	v12 =	vadd.s32 v3, v12;
	[tilespmem:v34+s29+$0x0] =	vst.idx.msk $0xffff, v46;
	v21 =	vld [tilespmem:s6+$0xFFFFFFD0]  }
0x771: {  	v16 =	vadd.f32 v16, v4;
	v49 =	vadd.s32 v1, v26;
	[tilespmem:v44+s29+$0x0] =	vst.idx.msk $0xffff, v47;
	v50 =	vld [tilespmem:s6+$0x10]  }
0x772: {  	[tilespmem:v14+s29+$0x0] =	vst.idx.msk $0xffff, v17;
	v51 =	vadd.f32 v15, v4;
	v53 =	vadd.s32 v1, v27;
	v52 =	vld [tilespmem:s6+$0xFFFFFF90]  }
0x773: {  	v54 =	vld [tilespmem:s5+$0x60];
	v18 =	vadd.f32 v18, v4;
	[tilespmem:v19+s29+$0x0] =	vst.idx.msk $0xffff, v16;
	v55 =	vadd.s32 v1, v30  }
0x774: {  	v57 =	vadd.s32 v1, v13;
	v60 =	vld [tilespmem:s5+$0x20];
	[tilespmem:v20+s29+$0x0] =	vst.idx.msk $0xffff, v51;
	v58 =	vadd.f32 v48, v6  }
0x775: {  	v59 =	vadd.s32 v2, v7;
	v56 =	vld [tilespmem:s5+$0xFFFFFFE0];
	[tilespmem:v12+s29+$0x0] =	vst.idx.msk $0xffff, v18;
	v61 =	vadd.f32 v21, v6  }
0x776: {  	v62 =	vld [tilespmem:s5+$0xFFFFFFA0];
	v29 =	vadd.s32 v2, v11;
	[tilespmem:v49+s29+$0x0] =	vst.idx.msk $0xffff, v58;
	v28 =	vadd.f32 v50, v6  }
0x777: {  	v63 =	vadd.s32 v2, v10;
	v31 =	vadd.f32 v52, v6;
	v32 =	vld [tilespmem:s6+$0x60];
	[tilespmem:v53+s29+$0x0] =	vst.idx.msk $0xffff, v61  }
0x778: {  	v33 =	vadd.f32 v54, v5;
	v34 =	vadd.s32 v2, v8;
	[tilespmem:v55+s29+$0x0] =	vst.idx.msk $0xffff, v28;
	v35 =	vld [tilespmem:s6+$0xFFFFFFE0]  }
0x779: {  	v37 =	vadd.s32 v2, v26;
	v39 =	vadd.f32 v60, v5;
	[tilespmem:v57+s29+$0x0] =	vst.idx.msk $0xffff, v31;
	v38 =	vld [tilespmem:s6+$0x20]  }
0x77a: {  	v41 =	vadd.s32 v2, v27;
	v36 =	vadd.f32 v56, v5;
	[tilespmem:v59+s29+$0x0] =	vst.idx.msk $0xffff, v33;
	v40 =	vld [tilespmem:s6+$0xFFFFFFA0]  }
0x77b: {  	v43 =	vadd.s32 v2, v30;
	v18 =	vadd.f32 v62, v5;
	v42 =	vld [tilespmem:s5+$0x70];
	[tilespmem:v29+s29+$0x0] =	vst.idx.msk $0xffff, v39  }
0x77c: {  	v45 =	vadd.s32 v2, v13;
	[tilespmem:v63+s29+$0x0] =	vst.idx.msk $0xffff, v36;
	v47 =	vld [tilespmem:s5+$0x30];
	v44 =	vadd.f32 v32, v5  }
0x77d: {  	v46 =	vadd.s32 v3, v7;
	[tilespmem:v34+s29+$0x0] =	vst.idx.msk $0xffff, v18;
	v21 =	vld [tilespmem:s5+$0xFFFFFFF0];
	v9 =	vadd.f32 v35, v5  }
0x77e: {  	v18 =	vld [tilespmem:s5+$0xFFFFFFB0];
	v50 =	vadd.s32 v3, v11;
	[tilespmem:v37+s29+$0x0] =	vst.idx.msk $0xffff, v44;
	v49 =	vadd.f32 v38, v5  }
0x77f: {  	v48 =	vadd.s32 v3, v10;
	v5 =	vadd.f32 v40, v5;
	v12 =	vld [tilespmem:s6+$0x70];
	[tilespmem:v41+s29+$0x0] =	vst.idx.msk $0xffff, v9  }
0x780: {  	v52 =	vadd.s32 v3, v8;
	v51 =	vadd.f32 v42, v4;
	[tilespmem:v43+s29+$0x0] =	vst.idx.msk $0xffff, v49;
	v53 =	vld [tilespmem:s6+$0xFFFFFFF0]  }
0x781: {  	v55 =	vadd.s32 v3, v26;
	v56 =	vadd.f32 v47, v4;
	[tilespmem:v45+s29+$0x0] =	vst.idx.msk $0xffff, v5;
	v5 =	vld [tilespmem:s6+$0x30]  }
0x782: {  	v58 =	vadd.s32 v3, v27;
	[tilespmem:v46+s29+$0x0] =	vst.idx.msk $0xffff, v51;
	v54 =	vadd.f32 v21, v4;
	v57 =	vld [tilespmem:s6+$0xFFFFFFB0]  }
0x783: {  	v60 =	vadd.s32 v3, v30;
	v59 =	vadd.f32 v18, v4;
	[tilespmem:v50+s29+$0x0] =	vst.idx.msk $0xffff, v56  }
0x784: {  	v62 =	vadd.s32 v3, v13;
	[tilespmem:v48+s29+$0x0] =	vst.idx.msk $0xffff, v54;
	v61 =	vadd.f32 v12, v4  }
0x785: {  	[tilespmem:v52+s29+$0x0] =	vst.idx.msk $0xffff, v59;
	v63 =	vadd.f32 v53, v4  }
0x786: {  	[tilespmem:v55+s29+$0x0] =	vst.idx.msk $0xffff, v61;
	v5 =	vadd.f32 v5, v4  }
0x787: {  	v4 =	vadd.f32 v57, v4;
	[tilespmem:v58+s29+$0x0] =	vst.idx.msk $0xffff, v63  }
0x788: {  	[tilespmem:v60+s29+$0x0] =	vst.idx.msk $0xffff, v5  }
0x789: {  	s16 =	simm.s32 $0xE600;
	[tilespmem:v62+s29+$0x0] =	vst.idx.msk $0xffff, v4  }
0x78a: {  	[hbm4b:s15+s3] =	stream.linear.scatter [tilespmem:s16], [sflag:$0x5], $0x80, $0x38;
	[tilespmem:$0x13A00] =	vst v63  }
0x78b: {  	s17 =	simm.s32 $0xE688;
	s18 =	sadd.s32 $0x10, s15  }
0x78c: {  	[hbm4b:s18+s3] =	stream.linear.scatter [tilespmem:s17], [sflag:$0x5], $0x80, $0x38;
	[tilespmem:$0x13A00] =	vst v63  }
0x78d: {  	s25 =	simm.s32 $0xE710;
	s30 =	sadd.s32 $0x20, s15;
	s10 =	sadd.s32 $0x30, s15  }
0x78e: {  	[hbm4b:s30+s3] =	stream.linear.scatter [tilespmem:s25], [sflag:$0x5], $0x80, $0x38;
	[tilespmem:$0x13A00] =	vst v63  }
0x78f: {  	s9 =	simm.s32 $0xE798;
	s11 =	simm.s32 $0xE820;
	s5 =	simm.s32 $0x440  }
0x790: {  	[hbm4b:s10+s3] =	stream.linear.scatter [tilespmem:s9], [sflag:$0x5], $0x80, $0x38;
	[tilespmem:$0x13A00] =	vst v63  }
0x791: {  	s6 =	sadd.s32 $0x1000, s15;
	s16 =	sadd.s32 $0x40, s15;
	s17 =	simm.s32 $0xE8A8  }
0x792: {  	[hbm4b:s16+s3] =	stream.linear.scatter [tilespmem:s11], [sflag:$0x5], $0x80, $0x38;
	[tilespmem:$0x13A00] =	vst v63  }
0x793: {  	s18 =	sadd.s32 $0x50, s15;
	s25 =	simm.s32 $0xE930;
	s30 =	sadd.s32 $0x60, s15  }
0x794: {  	[hbm4b:s18+s3] =	stream.linear.scatter [tilespmem:s17], [sflag:$0x5], $0x80, $0x38;
	[tilespmem:$0x13A00] =	vst v63  }
0x795: {  	s9 =	simm.s32 $0x2200;
	s16 =	simm.s32 $0xE9B8;
	s17 =	sadd.s32 $0x70, s15  }
0x796: {  	[hbm4b:s30+s3] =	stream.linear.scatter [tilespmem:s25], [sflag:$0x5], $0x80, $0x38;
	[tilespmem:$0x13A00] =	vst v63  }
.LBB2_58:
0x797: {  	[hbm4b:s17+s3] =	stream.linear.scatter [tilespmem:s16], [sflag:$0x5], $0x80, $0x38;
	[tilespmem:$0x13A00] =	vst v63  }
0x798: {  	s10 =	smov.u32 s5;
	s5 =	smov.u32 s9  }
0x799: {  	s11 =	sadd.s32 $0x1100, s9;
	s5 =	sshra.s32 s5, $0x2;
	s16 =	sadd.s32 $0xE600, s10  }
0x79a: {  	[hbm4b:s6+s3] =	stream.linear.scatter [tilespmem:s16], [sflag:$0x5], $0x80, $0x38;
	[tilespmem:$0x13A00] =	vst v63  }
0x79b: {  	p0 =	sne.s32 s9, $0x7700;
	s9 =	sadd.s32 $0xE688, s10;
	s16 =	sadd.s32 $0x10, s6  }
0x79c: {  	[hbm4b:s16+s3] =	stream.linear.scatter [tilespmem:s9], [sflag:$0x5], $0x80, $0x38;
	[tilespmem:$0x13A00] =	vst v63  }
0x79d: {  	s9 =	sadd.s32 $0xE710, s10;
	s16 =	sadd.s32 $0x20, s6  }
0x79e: {  	[hbm4b:s16+s3] =	stream.linear.scatter [tilespmem:s9], [sflag:$0x5], $0x80, $0x38;
	[tilespmem:$0x13A00] =	vst v63  }
0x79f: {  	s9 =	sadd.s32 $0xE798, s10;
	s16 =	sadd.s32 $0x30, s6  }
0x7a0: {  	[hbm4b:s16+s3] =	stream.linear.scatter [tilespmem:s9], [sflag:$0x5], $0x80, $0x38;
	[tilespmem:$0x13A00] =	vst v63  }
0x7a1: {  	s9 =	sadd.s32 $0xE820, s10;
	s16 =	sadd.s32 $0x40, s6  }
0x7a2: {  	[hbm4b:s16+s3] =	stream.linear.scatter [tilespmem:s9], [sflag:$0x5], $0x80, $0x38;
	[tilespmem:$0x13A00] =	vst v63  }
.Ltmp28:
0x7a3: {  	s9 =	sadd.s32 $0xE8A8, s10;
	s16 =	sadd.s32 $0x50, s6;
	(pc) =	sbr.rel @p0 .LBB2_58-.Ltmp28, $4  }
0x7a4: {  	[hbm4b:s16+s3] =	stream.linear.scatter [tilespmem:s9], [sflag:$0x5], $0x80, $0x38;
	[tilespmem:$0x13A00] =	vst v63  }
0x7a5: {  	s17 =	sadd.s32 $0x70, s6;
	s9 =	sadd.s32 $0xE930, s10;
	s16 =	sadd.s32 $0x60, s6  }
0x7a6: {  	[hbm4b:s16+s3] =	stream.linear.scatter [tilespmem:s9], [sflag:$0x5], $0x80, $0x38;
	[tilespmem:$0x13A00] =	vst v63  }
0x7a7: {  	s6 =	sadd.s32 $0x1000, s6;
	s16 =	sadd.s32 $0xE9B8, s10;
	s9 =	smov.u32 s11  }
0x7a8: {  	[hbm4b:s17+s3] =	stream.linear.scatter [tilespmem:s16], [sflag:$0x5], $0x80, $0x38;
	[tilespmem:$0x13A00] =	vst v63  }
0x7a9: {  	s9 =	sadd.s32 $0xE600, s5  }
0x7aa: {  	[hbm4b:s6+s3] =	stream.linear.scatter [tilespmem:s9], [sflag:$0x5], $0x80, $0x38;
	[tilespmem:$0x13A00] =	vst v63  }
0x7ab: {  	s18 =	sadd.s32 $0xE688, s5;
	s10 =	sadd.s32 $0x10, s6  }
0x7ac: {  	[hbm4b:s10+s3] =	stream.linear.scatter [tilespmem:s18], [sflag:$0x5], $0x80, $0x38;
	[tilespmem:$0x13A00] =	vst v63  }
0x7ad: {  	s25 =	sadd.s32 $0xE710, s5;
	s30 =	sadd.s32 $0x20, s6  }
0x7ae: {  	[hbm4b:s30+s3] =	stream.linear.scatter [tilespmem:s25], [sflag:$0x5], $0x80, $0x38;
	[tilespmem:$0x13A00] =	vst v63  }
0x7af: {  	s11 =	sadd.s32 $0xE798, s5;
	s16 =	sadd.s32 $0x30, s6  }
0x7b0: {  	[hbm4b:s16+s3] =	stream.linear.scatter [tilespmem:s11], [sflag:$0x5], $0x80, $0x38;
	[tilespmem:$0x13A00] =	vst v63  }
0x7b1: {  	s17 =	sadd.s32 $0xE820, s5;
	s18 =	sadd.s32 $0x40, s6  }
0x7b2: {  	[hbm4b:s18+s3] =	stream.linear.scatter [tilespmem:s17], [sflag:$0x5], $0x80, $0x38;
	[tilespmem:$0x13A00] =	vst v63  }
0x7b3: {  	s25 =	sadd.s32 $0xE8A8, s5;
	s30 =	sadd.s32 $0x50, s6  }
0x7b4: {  	[hbm4b:s30+s3] =	stream.linear.scatter [tilespmem:s25], [sflag:$0x5], $0x80, $0x38;
	[tilespmem:$0x13A00] =	vst v63  }
0x7b5: {  	s11 =	sadd.s32 $0xE930, s5;
	s16 =	sadd.s32 $0x60, s6  }
0x7b6: {  	[hbm4b:s16+s3] =	stream.linear.scatter [tilespmem:s11], [sflag:$0x5], $0x80, $0x38;
	[tilespmem:$0x13A00] =	vst v63  }
0x7b7: {  	s17 =	sadd.s32 $0xE9B8, s5;
	s18 =	sadd.s32 $0x70, s6  }
0x7b8: {  	[hbm4b:s18+s3] =	stream.linear.scatter [tilespmem:s17], [sflag:$0x5], $0x80, $0x38;
	[tilespmem:$0x13A00] =	vst v63  }
0x7b9: {  	_ =	swait.ge [sflag:s0], $0x2000  }
0x7ba: {  	[sflag:s0] =	ssyncset.done $0x0  }
0x7bb: {  	[sflag:s0] =	ssyncadd.s32 $0xFFFFE000  }
0x7bc: {  	_ =	swait.ge [sflag:s1], $0x2000  }
0x7bd: {  	s25 =	rddreg [dreg:$0x9]  }
0x7be: {  	s30 =	rddreg [dreg:$0x8];
	s6 =	sadd.s32 $0x1, s25  }
0x7bf: {  	p0 =	sne.s32 s6, s30  }
.Ltmp29:
0x7c0: {  	_ = 	snop;
	(pc) =	sbr.rel @p0 .LBB2_1-.Ltmp29, $3  }
0x7c1: {  	_ =	sdelay $0x1  }
0x7c2: {  	[sflag:s1] =	ssyncset.done $0x0  }
0x7c3: {  	[sflag:s1] =	ssyncadd.s32 $0xFFFFE000  }
0x7c4: {  	_ =	sfence.sel $0x180000  }
0x7c5: {  	[bflag:$0x0] =	sbarrier.arrive $0xFFFF  }
0x7c6: {  	_ =	strace $0x90000047  }
0x7c7: {  	s0 =	stileid.u32;
	[bflag:$0x2] =	sbarrier.arrive $0xFFFF  }
0x7c8: {  	p0 =	sne.s32 s0, $0x0;
	s0 =	rddreg [dreg:$0x2]  }
0x7c9: {  	s0 =	sadd.s32 @!p0 $0x100000, s0  }
0x7ca: {  	[sflag:s0] =	ssyncadd.tile.s32 @!p0 $0x1;
	_ =	shalt  }
.Lfunc_end2:
_tile_overlayer_lowered:
.L_overlay_start_2:
0x7cb: {  	(tag) =	ssettag $0x2  }
0x7cc: {  	s0 =	rddreg [dreg:$0x0];
	s2 =	stileid.u32  }
0x7cd: {  	s1 =	rddreg [dreg:$0x1];
	p0 =	sne.s32 s2, $0x0  }
0x7ce: {  	s3 =	rddreg [dreg:$0x2];
	[bflag:$0x3] =	sbarrier.arrive $0xFFFF;
	s2 =	simm.s32 @!p0 $0x1C06  }
0x7cf: {  	[timem:s3], [sflag:s2] =	dma.local @!p0 [hbm:s0], s1  }
0x7d0: {  	s0 =	simm.s32 @!p0 $0x6  }
0x7d1: {  	_ =	swait.ge @!p0 [sflag:s0], s1  }
0x7d2: {  	s1 =	ssub.s32 @!p0 $0x0, s1;
	[sflag:s0] =	ssyncset.done @!p0 $0x0  }
0x7d3: {  	[sflag:s0] =	ssyncadd.s32 @!p0 s1  }
0x7d4: {  	[bflag:$0x3] =	sbarrier.arrive $0xFFFF  }
0x7d5: {  	_ =	shalt  }

</sc_bundles>
